<compile_context>
chip_gen: v7x
topology: tpu7x:2x2x1
jax: 0.10.2.dev20260603
libtpu: 0.0.44.dev20260713+nightly
codegen_flags: <defaults>
</compile_context>

<pallas_src>
import functools

import jax
import jax.numpy as jnp
from jax import lax
from jax.experimental import pallas as pl
from jax.experimental.pallas import tpu as pltpu
from jax.experimental.pallas import tpu_sc as plsc

_B = 16384
_NF = 5
_ED = 8
_Q = _NF * _ED
_NW = 32
_BPW = _B // _NW
_HPW = _BPW // 128
_RPW = _HPW * _Q

_TC_BS = 16384
_TC_RB = _TC_BS // 128 * _Q


def _sc_gather(idxs, tabT, offs):
    mesh = plsc.VectorSubcoreMesh(core_axis_name="c", subcore_axis_name="s")

    @functools.partial(
        pl.kernel,
        mesh=mesh,
        out_type=jax.ShapeDtypeStruct((_B // 128 * _Q * 128,), jnp.float32),
        scratch_types=[
            pltpu.VMEM((_NF * _BPW,), jnp.int32),
            pltpu.VMEM((_ED, 40), jnp.float32),
            pltpu.VMEM((_RPW * 128,), jnp.float32),
            pltpu.SemaphoreType.DMA,
        ],
        compiler_params=pltpu.CompilerParams(
            use_tc_tiling_on_sc=False, needs_layout_passes=False),
    )
    def k(i0, i1, i2, i3, i4, tT, out_hbm, idx_v, tab_v, buf_v, sem):
        wid = lax.axis_index("s") * 2 + lax.axis_index("c")
        base = wid * _BPW
        stage = [
            pltpu.async_copy(ih.at[pl.ds(base, _BPW)],
                             idx_v.at[pl.ds(f * _BPW, _BPW)], sem)
            for f, ih in enumerate((i0, i1, i2, i3, i4))
        ] + [pltpu.async_copy(tT, tab_v, sem)]
        for cp in stage:
            cp.wait()

        cvecs = [jnp.full((16,), c, jnp.int32) for c in range(_ED)]

        for f in range(_NF):
            for hi in range(_HPW):

                def body(p, _, f=f, hi=hi):
                    rows = idx_v[pl.ds(f * _BPW + hi * 128 + p * 16, 16)]
                    rows = rows + offs[f]
                    for c in range(_ED):
                        vals = plsc.load_gather(tab_v, [cvecs[c], rows])
                        buf_v[pl.ds(
                            (hi * _Q + f * _ED + c) * 128 + p * 16, 16
                        )] = vals
                    return _

                lax.fori_loop(0, 8, body, None)

        pltpu.async_copy(
            buf_v, out_hbm.at[pl.ds(wid * _RPW * 128, _RPW * 128)],
            sem).wait()

    return k(*idxs, tabT)


def _tc_mlp(xq, W1, b1, ln_g, ln_b, W2, b2):
    nb = _B // _TC_BS
    dn = (((0,), (0,)), ((), ()))

    def body(x_ref, w1_ref, b1_ref, g_ref, be_ref, w2_ref, b2_ref, o_ref):
        xq2 = x_ref[...].reshape(_TC_RB, 128)
        hs = [
            lax.dot_general(xq2[k * _Q:(k + 1) * _Q, :], w1_ref[...], dn,
                            preferred_element_type=jnp.float32)
            for k in range(_TC_BS // 128)
        ]
        h = jnp.concatenate(hs, axis=0)
        h = h + b1_ref[...]
        mu = jnp.mean(h, axis=1, keepdims=True)
        var = jnp.mean((h - mu) ** 2, axis=1, keepdims=True)
        h = (h - mu) * lax.rsqrt(var + 1e-5) * g_ref[...] + be_ref[...]
        h = jnp.maximum(h, 0.0)
        o_ref[...] = (
            jnp.dot(h, w2_ref[...], preferred_element_type=jnp.float32)
            + b2_ref[...]
        )

    return pl.pallas_call(
        body,
        grid=(nb,),
        in_specs=[
            pl.BlockSpec((_TC_RB * 128,), lambda i: (i,)),
            pl.BlockSpec((_Q, 128), lambda i: (0, 0)),
            pl.BlockSpec((128,), lambda i: (0,)),
            pl.BlockSpec((128,), lambda i: (0,)),
            pl.BlockSpec((128,), lambda i: (0,)),
            pl.BlockSpec((128, 64), lambda i: (0, 0)),
            pl.BlockSpec((64,), lambda i: (0,)),
        ],
        out_specs=pl.BlockSpec((_TC_BS, 64), lambda i: (i, 0)),
        out_shape=jax.ShapeDtypeStruct((_B, 64), jnp.float32),
    )(xq, W1, b1, ln_g, ln_b, W2, b2)


def kernel(admission_type, admission_location, drg_type, drg_severity,
           drg_mortality, emb_admission_type, emb_admission_location,
           emb_drg_type, emb_drg_severity, emb_drg_mortality,
           W1, b1, ln_g, ln_b, W2, b2):
    idxs = [admission_type.astype(jnp.int32),
            admission_location.astype(jnp.int32),
            drg_type.astype(jnp.int32),
            drg_severity.astype(jnp.int32),
            drg_mortality.astype(jnp.int32)]
    tabs = [emb_admission_type, emb_admission_location, emb_drg_type,
            emb_drg_severity, emb_drg_mortality]
    sizes = [t.shape[0] for t in tabs]
    offs = [sum(sizes[:f]) for f in range(_NF)]
    tabT = jnp.concatenate(tabs, axis=0)
    tabT = jnp.pad(tabT, ((0, 40 - tabT.shape[0]), (0, 0))).T

    xq = _sc_gather(idxs, tabT, offs)
    return _tc_mlp(xq, W1, b1, ln_g, ln_b, W2, b2)

# --- scband reference (transcript-rebuilt; emitter-appended) ---
"""Pipeline reference for scband-admission-static-encoder-33294586478722 (READ-ONLY COPY).

The authoritative reference and input builder live on the scoring server;
editing this copy changes nothing except your own understanding.
"""

import jax, jax.numpy as jnp
import numpy as np

VOCAB = {'admission_type': 9, 'admission_location': 11, 'drg_type': 2, 'drg_severity': 4, 'drg_mortality': 4}
B = 16384
EMBED_DIM = 8
TOTAL_DIM = len(VOCAB) * EMBED_DIM


def setup_inputs(seed: int = 0) -> dict:
    key = jax.random.key(seed)
    ks = jax.random.split(key, 16)
    inp = {}
    i = 0
    for f, v in VOCAB.items():
        inp[f] = jax.random.randint(ks[i], (B,), 0, v + 1)
        i += 1
    for f, v in VOCAB.items():
        t = jax.random.normal(ks[i], (v + 1, EMBED_DIM), dtype=jnp.float32)
        i += 1
        t = t.at[0].set(0.0)  # padding_idx=0
        inp['emb_' + f] = t
    inp['W1'] = jax.random.normal(ks[i], (TOTAL_DIM, 128), dtype=jnp.float32) * 0.05; i += 1
    inp['b1'] = jnp.zeros((128,), jnp.float32)
    inp['ln_g'] = jnp.ones((128,), jnp.float32)
    inp['ln_b'] = jnp.zeros((128,), jnp.float32)
    inp['W2'] = jax.random.normal(ks[i], (128, 64), dtype=jnp.float32) * 0.05; i += 1
    inp['b2'] = jnp.zeros((64,), jnp.float32)
    return inp


def reference(admission_type, admission_location, drg_type, drg_severity, drg_mortality,
              emb_admission_type, emb_admission_location, emb_drg_type, emb_drg_severity, emb_drg_mortality,
              W1, b1, ln_g, ln_b, W2, b2):
    embedded = [
        jnp.take(emb_admission_type, admission_type, axis=0),
        jnp.take(emb_admission_location, admission_location, axis=0),
        jnp.take(emb_drg_type, drg_type, axis=0),
        jnp.take(emb_drg_severity, drg_severity, axis=0),
        jnp.take(emb_drg_mortality, drg_mortality, axis=0),
    ]
    x = jnp.concatenate(embedded, axis=-1)
    h = x @ W1 + b1
    mu = jnp.mean(h, axis=-1, keepdims=True)
    var = jnp.var(h, axis=-1, keepdims=True)
    h = (h - mu) / jnp.sqrt(var + 1e-5) * ln_g + ln_b
    h = jax.nn.relu(h)  # dropout is identity in eval mode
    return h @ W2 + b2

if __name__ == "__main__":
    import jax
    _d = setup_inputs()
    print(jax.jit(kernel)(*tuple(_d.values())))

</pallas_src>

<mosaic_0001>
#map = affine_map<(d0, d1) -> (0)>
#map1 = affine_map<(d0, d1) -> (0, 0)>
module attributes {stable_mosaic.version = 14 : i64} {
  func.func @k(%arg0: i32, %arg1: i32, %arg2: memref<16384xi32, #tpu.memory_space<hbm>>, %arg3: memref<16384xi32, #tpu.memory_space<hbm>>, %arg4: memref<16384xi32, #tpu.memory_space<hbm>>, %arg5: memref<16384xi32, #tpu.memory_space<hbm>>, %arg6: memref<16384xi32, #tpu.memory_space<hbm>>, %arg7: memref<8x40xf32, #tpu.memory_space<hbm>>, %arg8: memref<655360xf32, #tpu.memory_space<hbm>>, %arg9: memref<2560xi32, #tpu.memory_space<vmem>>, %arg10: memref<8x40xf32, #tpu.memory_space<vmem>>, %arg11: memref<20480xf32, #tpu.memory_space<vmem>>, %arg12: memref<!tpu.dma_semaphore, #tpu.memory_space<semaphore_mem>>) attributes {dimension_semantics = [#tpu.dimension_semantics<core_parallel>, #tpu.dimension_semantics<subcore_parallel>], iteration_bounds = array<i64: 2, 16>, scalar_prefetch = 0 : i64, scratch_operands = 4 : i64, tpu.core_type = #tpu.core_type<sc_vector_subcore>, window_params = [{transform_indices = #map}, {transform_indices = #map}, {transform_indices = #map}, {transform_indices = #map}, {transform_indices = #map}, {transform_indices = #map1}, {transform_indices = #map}]} {
    %mul3A = arith.constant 2 : i32
    %mul3A_0 = arith.muli %arg1, %mul3A : i32
    %add3A = arith.addi %mul3A_0, %arg0 : i32
    %mul3A_1 = arith.constant 512 : i32
    %mul3A_2 = arith.muli %add3A, %mul3A_1 : i32
    %dma_start3A = arith.constant 0 : i32
    %dma_start3A_3 = tpu.memref_slice %arg9[%dma_start3A] : memref<2560xi32, #tpu.memory_space<vmem>> -> memref<512xi32, #tpu.memory_space<vmem>>
    %dma_start3A_4 = tpu.memref_slice %arg2[%mul3A_2] : memref<16384xi32, #tpu.memory_space<hbm>> -> memref<512xi32, #tpu.memory_space<hbm>>
    %dma_start3A_5 = arith.constant 0 : i32
    %dma_start3A_6 = tpu.memref_slice %arg9[%dma_start3A_5] : memref<2560xi32, #tpu.memory_space<vmem>> -> memref<512xi32, #tpu.memory_space<vmem>>
    %dma_start3A_7 = tpu.memref_slice %arg2[%mul3A_2] : memref<16384xi32, #tpu.memory_space<hbm>> -> memref<512xi32, #tpu.memory_space<hbm>>
    tpu.enqueue_dma source(%dma_start3A_7 : memref<512xi32, #tpu.memory_space<hbm>>) target(%dma_start3A_6 : memref<512xi32, #tpu.memory_space<vmem>>) target_semaphore(%arg12 : memref<!tpu.dma_semaphore, #tpu.memory_space<semaphore_mem>>)
    %dma_start3A_8 = arith.constant 512 : i32
    %dma_start3A_9 = tpu.memref_slice %arg9[%dma_start3A_8] : memref<2560xi32, #tpu.memory_space<vmem>> -> memref<512xi32, #tpu.memory_space<vmem>>
    %dma_start3A_10 = tpu.memref_slice %arg3[%mul3A_2] : memref<16384xi32, #tpu.memory_space<hbm>> -> memref<512xi32, #tpu.memory_space<hbm>>
    %dma_start3A_11 = arith.constant 512 : i32
    %dma_start3A_12 = tpu.memref_slice %arg9[%dma_start3A_11] : memref<2560xi32, #tpu.memory_space<vmem>> -> memref<512xi32, #tpu.memory_space<vmem>>
    %dma_start3A_13 = tpu.memref_slice %arg3[%mul3A_2] : memref<16384xi32, #tpu.memory_space<hbm>> -> memref<512xi32, #tpu.memory_space<hbm>>
    tpu.enqueue_dma source(%dma_start3A_13 : memref<512xi32, #tpu.memory_space<hbm>>) target(%dma_start3A_12 : memref<512xi32, #tpu.memory_space<vmem>>) target_semaphore(%arg12 : memref<!tpu.dma_semaphore, #tpu.memory_space<semaphore_mem>>)
    %dma_start3A_14 = arith.constant 1024 : i32
    %dma_start3A_15 = tpu.memref_slice %arg9[%dma_start3A_14] : memref<2560xi32, #tpu.memory_space<vmem>> -> memref<512xi32, #tpu.memory_space<vmem>>
    %dma_start3A_16 = tpu.memref_slice %arg4[%mul3A_2] : memref<16384xi32, #tpu.memory_space<hbm>> -> memref<512xi32, #tpu.memory_space<hbm>>
    %dma_start3A_17 = arith.constant 1024 : i32
    %dma_start3A_18 = tpu.memref_slice %arg9[%dma_start3A_17] : memref<2560xi32, #tpu.memory_space<vmem>> -> memref<512xi32, #tpu.memory_space<vmem>>
    %dma_start3A_19 = tpu.memref_slice %arg4[%mul3A_2] : memref<16384xi32, #tpu.memory_space<hbm>> -> memref<512xi32, #tpu.memory_space<hbm>>
    tpu.enqueue_dma source(%dma_start3A_19 : memref<512xi32, #tpu.memory_space<hbm>>) target(%dma_start3A_18 : memref<512xi32, #tpu.memory_space<vmem>>) target_semaphore(%arg12 : memref<!tpu.dma_semaphore, #tpu.memory_space<semaphore_mem>>)
    %dma_start3A_20 = arith.constant 1536 : i32
    %dma_start3A_21 = tpu.memref_slice %arg9[%dma_start3A_20] : memref<2560xi32, #tpu.memory_space<vmem>> -> memref<512xi32, #tpu.memory_space<vmem>>
    %dma_start3A_22 = tpu.memref_slice %arg5[%mul3A_2] : memref<16384xi32, #tpu.memory_space<hbm>> -> memref<512xi32, #tpu.memory_space<hbm>>
    %dma_start3A_23 = arith.constant 1536 : i32
    %dma_start3A_24 = tpu.memref_slice %arg9[%dma_start3A_23] : memref<2560xi32, #tpu.memory_space<vmem>> -> memref<512xi32, #tpu.memory_space<vmem>>
    %dma_start3A_25 = tpu.memref_slice %arg5[%mul3A_2] : memref<16384xi32, #tpu.memory_space<hbm>> -> memref<512xi32, #tpu.memory_space<hbm>>
    tpu.enqueue_dma source(%dma_start3A_25 : memref<512xi32, #tpu.memory_space<hbm>>) target(%dma_start3A_24 : memref<512xi32, #tpu.memory_space<vmem>>) target_semaphore(%arg12 : memref<!tpu.dma_semaphore, #tpu.memory_space<semaphore_mem>>)
    %dma_start3A_26 = arith.constant 2048 : i32
    %dma_start3A_27 = tpu.memref_slice %arg9[%dma_start3A_26] : memref<2560xi32, #tpu.memory_space<vmem>> -> memref<512xi32, #tpu.memory_space<vmem>>
    %dma_start3A_28 = tpu.memref_slice %arg6[%mul3A_2] : memref<16384xi32, #tpu.memory_space<hbm>> -> memref<512xi32, #tpu.memory_space<hbm>>
    %dma_start3A_29 = arith.constant 2048 : i32
    %dma_start3A_30 = tpu.memref_slice %arg9[%dma_start3A_29] : memref<2560xi32, #tpu.memory_space<vmem>> -> memref<512xi32, #tpu.memory_space<vmem>>
    %dma_start3A_31 = tpu.memref_slice %arg6[%mul3A_2] : memref<16384xi32, #tpu.memory_space<hbm>> -> memref<512xi32, #tpu.memory_space<hbm>>
    tpu.enqueue_dma source(%dma_start3A_31 : memref<512xi32, #tpu.memory_space<hbm>>) target(%dma_start3A_30 : memref<512xi32, #tpu.memory_space<vmem>>) target_semaphore(%arg12 : memref<!tpu.dma_semaphore, #tpu.memory_space<semaphore_mem>>)
    tpu.enqueue_dma source(%arg7 : memref<8x40xf32, #tpu.memory_space<hbm>>) target(%arg10 : memref<8x40xf32, #tpu.memory_space<vmem>>) target_semaphore(%arg12 : memref<!tpu.dma_semaphore, #tpu.memory_space<semaphore_mem>>)
    %dma_wait3A = arith.constant 0 : i32
    %dma_wait3A_32 = tpu.memref_slice %arg9[%dma_wait3A] : memref<2560xi32, #tpu.memory_space<vmem>> -> memref<512xi32, #tpu.memory_space<vmem>>
    %dma_wait3A_33 = tpu.memref_slice %arg2[%mul3A_2] : memref<16384xi32, #tpu.memory_space<hbm>> -> memref<512xi32, #tpu.memory_space<hbm>>
    %dma_wait3A_34 = arith.constant 0 : i32
    %dma_wait3A_35 = tpu.memref_slice %arg9[%dma_wait3A_34] : memref<2560xi32, #tpu.memory_space<vmem>> -> memref<512xi32, #tpu.memory_space<vmem>>
    %dma_wait3A_36 = tpu.memref_slice %arg2[%mul3A_2] : memref<16384xi32, #tpu.memory_space<hbm>> -> memref<512xi32, #tpu.memory_space<hbm>>
    tpu.wait_dma2 semaphore(%arg12 : memref<!tpu.dma_semaphore, #tpu.memory_space<semaphore_mem>>) src(%dma_wait3A_36 : memref<512xi32, #tpu.memory_space<hbm>>) dst(%dma_wait3A_35 : memref<512xi32, #tpu.memory_space<vmem>>)
    %dma_wait3A_37 = arith.constant 512 : i32
    %dma_wait3A_38 = tpu.memref_slice %arg9[%dma_wait3A_37] : memref<2560xi32, #tpu.memory_space<vmem>> -> memref<512xi32, #tpu.memory_space<vmem>>
    %dma_wait3A_39 = tpu.memref_slice %arg3[%mul3A_2] : memref<16384xi32, #tpu.memory_space<hbm>> -> memref<512xi32, #tpu.memory_space<hbm>>
    %dma_wait3A_40 = arith.constant 512 : i32
    %dma_wait3A_41 = tpu.memref_slice %arg9[%dma_wait3A_40] : memref<2560xi32, #tpu.memory_space<vmem>> -> memref<512xi32, #tpu.memory_space<vmem>>
    %dma_wait3A_42 = tpu.memref_slice %arg3[%mul3A_2] : memref<16384xi32, #tpu.memory_space<hbm>> -> memref<512xi32, #tpu.memory_space<hbm>>
    tpu.wait_dma2 semaphore(%arg12 : memref<!tpu.dma_semaphore, #tpu.memory_space<semaphore_mem>>) src(%dma_wait3A_42 : memref<512xi32, #tpu.memory_space<hbm>>) dst(%dma_wait3A_41 : memref<512xi32, #tpu.memory_space<vmem>>)
    %dma_wait3A_43 = arith.constant 1024 : i32
    %dma_wait3A_44 = tpu.memref_slice %arg9[%dma_wait3A_43] : memref<2560xi32, #tpu.memory_space<vmem>> -> memref<512xi32, #tpu.memory_space<vmem>>
    %dma_wait3A_45 = tpu.memref_slice %arg4[%mul3A_2] : memref<16384xi32, #tpu.memory_space<hbm>> -> memref<512xi32, #tpu.memory_space<hbm>>
    %dma_wait3A_46 = arith.constant 1024 : i32
    %dma_wait3A_47 = tpu.memref_slice %arg9[%dma_wait3A_46] : memref<2560xi32, #tpu.memory_space<vmem>> -> memref<512xi32, #tpu.memory_space<vmem>>
    %dma_wait3A_48 = tpu.memref_slice %arg4[%mul3A_2] : memref<16384xi32, #tpu.memory_space<hbm>> -> memref<512xi32, #tpu.memory_space<hbm>>
    tpu.wait_dma2 semaphore(%arg12 : memref<!tpu.dma_semaphore, #tpu.memory_space<semaphore_mem>>) src(%dma_wait3A_48 : memref<512xi32, #tpu.memory_space<hbm>>) dst(%dma_wait3A_47 : memref<512xi32, #tpu.memory_space<vmem>>)
    %dma_wait3A_49 = arith.constant 1536 : i32
    %dma_wait3A_50 = tpu.memref_slice %arg9[%dma_wait3A_49] : memref<2560xi32, #tpu.memory_space<vmem>> -> memref<512xi32, #tpu.memory_space<vmem>>
    %dma_wait3A_51 = tpu.memref_slice %arg5[%mul3A_2] : memref<16384xi32, #tpu.memory_space<hbm>> -> memref<512xi32, #tpu.memory_space<hbm>>
    %dma_wait3A_52 = arith.constant 1536 : i32
    %dma_wait3A_53 = tpu.memref_slice %arg9[%dma_wait3A_52] : memref<2560xi32, #tpu.memory_space<vmem>> -> memref<512xi32, #tpu.memory_space<vmem>>
    %dma_wait3A_54 = tpu.memref_slice %arg5[%mul3A_2] : memref<16384xi32, #tpu.memory_space<hbm>> -> memref<512xi32, #tpu.memory_space<hbm>>
    tpu.wait_dma2 semaphore(%arg12 : memref<!tpu.dma_semaphore, #tpu.memory_space<semaphore_mem>>) src(%dma_wait3A_54 : memref<512xi32, #tpu.memory_space<hbm>>) dst(%dma_wait3A_53 : memref<512xi32, #tpu.memory_space<vmem>>)
    %dma_wait3A_55 = arith.constant 2048 : i32
    %dma_wait3A_56 = tpu.memref_slice %arg9[%dma_wait3A_55] : memref<2560xi32, #tpu.memory_space<vmem>> -> memref<512xi32, #tpu.memory_space<vmem>>
    %dma_wait3A_57 = tpu.memref_slice %arg6[%mul3A_2] : memref<16384xi32, #tpu.memory_space<hbm>> -> memref<512xi32, #tpu.memory_space<hbm>>
    %dma_wait3A_58 = arith.constant 2048 : i32
    %dma_wait3A_59 = tpu.memref_slice %arg9[%dma_wait3A_58] : memref<2560xi32, #tpu.memory_space<vmem>> -> memref<512xi32, #tpu.memory_space<vmem>>
    %dma_wait3A_60 = tpu.memref_slice %arg6[%mul3A_2] : memref<16384xi32, #tpu.memory_space<hbm>> -> memref<512xi32, #tpu.memory_space<hbm>>
    tpu.wait_dma2 semaphore(%arg12 : memref<!tpu.dma_semaphore, #tpu.memory_space<semaphore_mem>>) src(%dma_wait3A_60 : memref<512xi32, #tpu.memory_space<hbm>>) dst(%dma_wait3A_59 : memref<512xi32, #tpu.memory_space<vmem>>)
    tpu.wait_dma2 semaphore(%arg12 : memref<!tpu.dma_semaphore, #tpu.memory_space<semaphore_mem>>) src(%arg7 : memref<8x40xf32, #tpu.memory_space<hbm>>) dst(%arg10 : memref<8x40xf32, #tpu.memory_space<vmem>>)
    %broadcast_in_dim3A = arith.constant 0 : i32
    %broadcast_in_dim3A_61 = vector.broadcast %broadcast_in_dim3A : i32 to vector<16xi32>
    %broadcast_in_dim3A_62 = arith.constant 1 : i32
    %broadcast_in_dim3A_63 = vector.broadcast %broadcast_in_dim3A_62 : i32 to vector<16xi32>
    %broadcast_in_dim3A_64 = arith.constant 2 : i32
    %broadcast_in_dim3A_65 = vector.broadcast %broadcast_in_dim3A_64 : i32 to vector<16xi32>
    %broadcast_in_dim3A_66 = arith.constant 3 : i32
    %broadcast_in_dim3A_67 = vector.broadcast %broadcast_in_dim3A_66 : i32 to vector<16xi32>
    %broadcast_in_dim3A_68 = arith.constant 4 : i32
    %broadcast_in_dim3A_69 = vector.broadcast %broadcast_in_dim3A_68 : i32 to vector<16xi32>
    %broadcast_in_dim3A_70 = arith.constant 5 : i32
    %broadcast_in_dim3A_71 = vector.broadcast %broadcast_in_dim3A_70 : i32 to vector<16xi32>
    %broadcast_in_dim3A_72 = arith.constant 6 : i32
    %broadcast_in_dim3A_73 = vector.broadcast %broadcast_in_dim3A_72 : i32 to vector<16xi32>
    %broadcast_in_dim3A_74 = arith.constant 7 : i32
    %broadcast_in_dim3A_75 = vector.broadcast %broadcast_in_dim3A_74 : i32 to vector<16xi32>
    %scan3A = arith.constant 0 : i32
    %scan3A_76 = arith.constant 8 : i32
    %scan3A_77 = arith.addi %scan3A, %scan3A_76 : i32
    %scan3A_78 = arith.constant 1 : i32
    scf.for %scan3A_183 = %scan3A to %scan3A_77 step %scan3A_78  : i32 {
      %mul3A_184 = arith.constant 16 : i32
      %mul3A_185 = arith.muli %scan3A_183, %mul3A_184 : i32
      %add3A_186 = arith.constant 0 : i32
      %add3A_187 = arith.addi %add3A_186, %mul3A_185 : i32
      %get3A = arith.index_cast %add3A_187 : i32 to index
      %get3A_188 = tpu.vector_load %arg9[%get3A] {strides = array<i32>} : memref<2560xi32, #tpu.memory_space<vmem>>, vector<16xi32>,
      %add3A_189 = arith.constant 0 : i32
      %add3A_190 = vector.broadcast %add3A_189 : i32 to vector<16xi32>
      %add3A_191 = arith.addi %get3A_188, %add3A_190 : vector<16xi32>
      %gather3A = tpu.vector_load_idx %arg10[%broadcast_in_dim3A_61, %add3A_191] : memref<8x40xf32, #tpu.memory_space<vmem>>[vector<16xi32>, vector<16xi32>], vector<16xf32>,
      %mul3A_192 = arith.constant 16 : i32
      %mul3A_193 = arith.muli %scan3A_183, %mul3A_192 : i32
      %add3A_194 = arith.constant 0 : i32
      %add3A_195 = arith.addi %add3A_194, %mul3A_193 : i32
      %swap3A = arith.index_cast %add3A_195 : i32 to index
      %swap3A_196 = tpu.vector_load %arg11[%swap3A] {strides = array<i32>} : memref<20480xf32, #tpu.memory_space<vmem>>, vector<16xf32>,
      tpu.vector_store %arg11[%swap3A], %gather3A {strides = array<i32>} : memref<20480xf32, #tpu.memory_space<vmem>>, vector<16xf32>,
      %gather3A_197 = tpu.vector_load_idx %arg10[%broadcast_in_dim3A_63, %add3A_191] : memref<8x40xf32, #tpu.memory_space<vmem>>[vector<16xi32>, vector<16xi32>], vector<16xf32>,
      %mul3A_198 = arith.constant 16 : i32
      %mul3A_199 = arith.muli %scan3A_183, %mul3A_198 : i32
      %add3A_200 = arith.constant 128 : i32
      %add3A_201 = arith.addi %add3A_200, %mul3A_199 : i32
      %swap3A_202 = arith.index_cast %add3A_201 : i32 to index
      %swap3A_203 = tpu.vector_load %arg11[%swap3A_202] {strides = array<i32>} : memref<20480xf32, #tpu.memory_space<vmem>>, vector<16xf32>,
      tpu.vector_store %arg11[%swap3A_202], %gather3A_197 {strides = array<i32>} : memref<20480xf32, #tpu.memory_space<vmem>>, vector<16xf32>,
      %gather3A_204 = tpu.vector_load_idx %arg10[%broadcast_in_dim3A_65, %add3A_191] : memref<8x40xf32, #tpu.memory_space<vmem>>[vector<16xi32>, vector<16xi32>], vector<16xf32>,
      %mul3A_205 = arith.constant 16 : i32
      %mul3A_206 = arith.muli %scan3A_183, %mul3A_205 : i32
      %add3A_207 = arith.constant 256 : i32
      %add3A_208 = arith.addi %add3A_207, %mul3A_206 : i32
      %swap3A_209 = arith.index_cast %add3A_208 : i32 to index
      %swap3A_210 = tpu.vector_load %arg11[%swap3A_209] {strides = array<i32>} : memref<20480xf32, #tpu.memory_space<vmem>>, vector<16xf32>,
      tpu.vector_store %arg11[%swap3A_209], %gather3A_204 {strides = array<i32>} : memref<20480xf32, #tpu.memory_space<vmem>>, vector<16xf32>,
      %gather3A_211 = tpu.vector_load_idx %arg10[%broadcast_in_dim3A_67, %add3A_191] : memref<8x40xf32, #tpu.memory_space<vmem>>[vector<16xi32>, vector<16xi32>], vector<16xf32>,
      %mul3A_212 = arith.constant 16 : i32
      %mul3A_213 = arith.muli %scan3A_183, %mul3A_212 : i32
      %add3A_214 = arith.constant 384 : i32
      %add3A_215 = arith.addi %add3A_214, %mul3A_213 : i32
      %swap3A_216 = arith.index_cast %add3A_215 : i32 to index
      %swap3A_217 = tpu.vector_load %arg11[%swap3A_216] {strides = array<i32>} : memref<20480xf32, #tpu.memory_space<vmem>>, vector<16xf32>,
      tpu.vector_store %arg11[%swap3A_216], %gather3A_211 {strides = array<i32>} : memref<20480xf32, #tpu.memory_space<vmem>>, vector<16xf32>,
      %gather3A_218 = tpu.vector_load_idx %arg10[%broadcast_in_dim3A_69, %add3A_191] : memref<8x40xf32, #tpu.memory_space<vmem>>[vector<16xi32>, vector<16xi32>], vector<16xf32>,
      %mul3A_219 = arith.constant 16 : i32
      %mul3A_220 = arith.muli %scan3A_183, %mul3A_219 : i32
      %add3A_221 = arith.constant 512 : i32
      %add3A_222 = arith.addi %add3A_221, %mul3A_220 : i32
      %swap3A_223 = arith.index_cast %add3A_222 : i32 to index
      %swap3A_224 = tpu.vector_load %arg11[%swap3A_223] {strides = array<i32>} : memref<20480xf32, #tpu.memory_space<vmem>>, vector<16xf32>,
      tpu.vector_store %arg11[%swap3A_223], %gather3A_218 {strides = array<i32>} : memref<20480xf32, #tpu.memory_space<vmem>>, vector<16xf32>,
      %gather3A_225 = tpu.vector_load_idx %arg10[%broadcast_in_dim3A_71, %add3A_191] : memref<8x40xf32, #tpu.memory_space<vmem>>[vector<16xi32>, vector<16xi32>], vector<16xf32>,
      %mul3A_226 = arith.constant 16 : i32
      %mul3A_227 = arith.muli %scan3A_183, %mul3A_226 : i32
      %add3A_228 = arith.constant 640 : i32
      %add3A_229 = arith.addi %add3A_228, %mul3A_227 : i32
      %swap3A_230 = arith.index_cast %add3A_229 : i32 to index
      %swap3A_231 = tpu.vector_load %arg11[%swap3A_230] {strides = array<i32>} : memref<20480xf32, #tpu.memory_space<vmem>>, vector<16xf32>,
      tpu.vector_store %arg11[%swap3A_230], %gather3A_225 {strides = array<i32>} : memref<20480xf32, #tpu.memory_space<vmem>>, vector<16xf32>,
      %gather3A_232 = tpu.vector_load_idx %arg10[%broadcast_in_dim3A_73, %add3A_191] : memref<8x40xf32, #tpu.memory_space<vmem>>[vector<16xi32>, vector<16xi32>], vector<16xf32>,
      %mul3A_233 = arith.constant 16 : i32
      %mul3A_234 = arith.muli %scan3A_183, %mul3A_233 : i32
      %add3A_235 = arith.constant 768 : i32
      %add3A_236 = arith.addi %add3A_235, %mul3A_234 : i32
      %swap3A_237 = arith.index_cast %add3A_236 : i32 to index
      %swap3A_238 = tpu.vector_load %arg11[%swap3A_237] {strides = array<i32>} : memref<20480xf32, #tpu.memory_space<vmem>>, vector<16xf32>,
      tpu.vector_store %arg11[%swap3A_237], %gather3A_232 {strides = array<i32>} : memref<20480xf32, #tpu.memory_space<vmem>>, vector<16xf32>,
      %gather3A_239 = tpu.vector_load_idx %arg10[%broadcast_in_dim3A_75, %add3A_191] : memref<8x40xf32, #tpu.memory_space<vmem>>[vector<16xi32>, vector<16xi32>], vector<16xf32>,
      %mul3A_240 = arith.constant 16 : i32
      %mul3A_241 = arith.muli %scan3A_183, %mul3A_240 : i32
      %add3A_242 = arith.constant 896 : i32
      %add3A_243 = arith.addi %add3A_242, %mul3A_241 : i32
      %swap3A_244 = arith.index_cast %add3A_243 : i32 to index
      %swap3A_245 = tpu.vector_load %arg11[%swap3A_244] {strides = array<i32>} : memref<20480xf32, #tpu.memory_space<vmem>>, vector<16xf32>,
      tpu.vector_store %arg11[%swap3A_244], %gather3A_239 {strides = array<i32>} : memref<20480xf32, #tpu.memory_space<vmem>>, vector<16xf32>,
    }
    %scan3A_79 = arith.constant 8 : i32
    %scan3A_80 = arith.constant 0 : i32
    %scan3A_81 = arith.constant 8 : i32
    %scan3A_82 = arith.addi %scan3A_80, %scan3A_81 : i32
    %scan3A_83 = arith.constant 1 : i32
    scf.for %scan3A_183 = %scan3A_80 to %scan3A_82 step %scan3A_83  : i32 {
      %mul3A_184 = arith.constant 16 : i32
      %mul3A_185 = arith.muli %scan3A_183, %mul3A_184 : i32
      %add3A_186 = arith.constant 128 : i32
      %add3A_187 = arith.addi %add3A_186, %mul3A_185 : i32
      %get3A = arith.index_cast %add3A_187 : i32 to index
      %get3A_188 = tpu.vector_load %arg9[%get3A] {strides = array<i32>} : memref<2560xi32, #tpu.memory_space<vmem>>, vector<16xi32>,
      %add3A_189 = arith.constant 0 : i32
      %add3A_190 = vector.broadcast %add3A_189 : i32 to vector<16xi32>
      %add3A_191 = arith.addi %get3A_188, %add3A_190 : vector<16xi32>
      %gather3A = tpu.vector_load_idx %arg10[%broadcast_in_dim3A_61, %add3A_191] : memref<8x40xf32, #tpu.memory_space<vmem>>[vector<16xi32>, vector<16xi32>], vector<16xf32>,
      %mul3A_192 = arith.constant 16 : i32
      %mul3A_193 = arith.muli %scan3A_183, %mul3A_192 : i32
      %add3A_194 = arith.constant 5120 : i32
      %add3A_195 = arith.addi %add3A_194, %mul3A_193 : i32
      %swap3A = arith.index_cast %add3A_195 : i32 to index
      %swap3A_196 = tpu.vector_load %arg11[%swap3A] {strides = array<i32>} : memref<20480xf32, #tpu.memory_space<vmem>>, vector<16xf32>,
      tpu.vector_store %arg11[%swap3A], %gather3A {strides = array<i32>} : memref<20480xf32, #tpu.memory_space<vmem>>, vector<16xf32>,
      %gather3A_197 = tpu.vector_load_idx %arg10[%broadcast_in_dim3A_63, %add3A_191] : memref<8x40xf32, #tpu.memory_space<vmem>>[vector<16xi32>, vector<16xi32>], vector<16xf32>,
      %mul3A_198 = arith.constant 16 : i32
      %mul3A_199 = arith.muli %scan3A_183, %mul3A_198 : i32
      %add3A_200 = arith.constant 5248 : i32
      %add3A_201 = arith.addi %add3A_200, %mul3A_199 : i32
      %swap3A_202 = arith.index_cast %add3A_201 : i32 to index
      %swap3A_203 = tpu.vector_load %arg11[%swap3A_202] {strides = array<i32>} : memref<20480xf32, #tpu.memory_space<vmem>>, vector<16xf32>,
      tpu.vector_store %arg11[%swap3A_202], %gather3A_197 {strides = array<i32>} : memref<20480xf32, #tpu.memory_space<vmem>>, vector<16xf32>,
      %gather3A_204 = tpu.vector_load_idx %arg10[%broadcast_in_dim3A_65, %add3A_191] : memref<8x40xf32, #tpu.memory_space<vmem>>[vector<16xi32>, vector<16xi32>], vector<16xf32>,
      %mul3A_205 = arith.constant 16 : i32
      %mul3A_206 = arith.muli %scan3A_183, %mul3A_205 : i32
      %add3A_207 = arith.constant 5376 : i32
      %add3A_208 = arith.addi %add3A_207, %mul3A_206 : i32
      %swap3A_209 = arith.index_cast %add3A_208 : i32 to index
      %swap3A_210 = tpu.vector_load %arg11[%swap3A_209] {strides = array<i32>} : memref<20480xf32, #tpu.memory_space<vmem>>, vector<16xf32>,
      tpu.vector_store %arg11[%swap3A_209], %gather3A_204 {strides = array<i32>} : memref<20480xf32, #tpu.memory_space<vmem>>, vector<16xf32>,
      %gather3A_211 = tpu.vector_load_idx %arg10[%broadcast_in_dim3A_67, %add3A_191] : memref<8x40xf32, #tpu.memory_space<vmem>>[vector<16xi32>, vector<16xi32>], vector<16xf32>,
      %mul3A_212 = arith.constant 16 : i32
      %mul3A_213 = arith.muli %scan3A_183, %mul3A_212 : i32
      %add3A_214 = arith.constant 5504 : i32
      %add3A_215 = arith.addi %add3A_214, %mul3A_213 : i32
      %swap3A_216 = arith.index_cast %add3A_215 : i32 to index
      %swap3A_217 = tpu.vector_load %arg11[%swap3A_216] {strides = array<i32>} : memref<20480xf32, #tpu.memory_space<vmem>>, vector<16xf32>,
      tpu.vector_store %arg11[%swap3A_216], %gather3A_211 {strides = array<i32>} : memref<20480xf32, #tpu.memory_space<vmem>>, vector<16xf32>,
      %gather3A_218 = tpu.vector_load_idx %arg10[%broadcast_in_dim3A_69, %add3A_191] : memref<8x40xf32, #tpu.memory_space<vmem>>[vector<16xi32>, vector<16xi32>], vector<16xf32>,
      %mul3A_219 = arith.constant 16 : i32
      %mul3A_220 = arith.muli %scan3A_183, %mul3A_219 : i32
      %add3A_221 = arith.constant 5632 : i32
      %add3A_222 = arith.addi %add3A_221, %mul3A_220 : i32
      %swap3A_223 = arith.index_cast %add3A_222 : i32 to index
      %swap3A_224 = tpu.vector_load %arg11[%swap3A_223] {strides = array<i32>} : memref<20480xf32, #tpu.memory_space<vmem>>, vector<16xf32>,
      tpu.vector_store %arg11[%swap3A_223], %gather3A_218 {strides = array<i32>} : memref<20480xf32, #tpu.memory_space<vmem>>, vector<16xf32>,
      %gather3A_225 = tpu.vector_load_idx %arg10[%broadcast_in_dim3A_71, %add3A_191] : memref<8x40xf32, #tpu.memory_space<vmem>>[vector<16xi32>, vector<16xi32>], vector<16xf32>,
      %mul3A_226 = arith.constant 16 : i32
      %mul3A_227 = arith.muli %scan3A_183, %mul3A_226 : i32
      %add3A_228 = arith.constant 5760 : i32
      %add3A_229 = arith.addi %add3A_228, %mul3A_227 : i32
      %swap3A_230 = arith.index_cast %add3A_229 : i32 to index
      %swap3A_231 = tpu.vector_load %arg11[%swap3A_230] {strides = array<i32>} : memref<20480xf32, #tpu.memory_space<vmem>>, vector<16xf32>,
      tpu.vector_store %arg11[%swap3A_230], %gather3A_225 {strides = array<i32>} : memref<20480xf32, #tpu.memory_space<vmem>>, vector<16xf32>,
      %gather3A_232 = tpu.vector_load_idx %arg10[%broadcast_in_dim3A_73, %add3A_191] : memref<8x40xf32, #tpu.memory_space<vmem>>[vector<16xi32>, vector<16xi32>], vector<16xf32>,
      %mul3A_233 = arith.constant 16 : i32
      %mul3A_234 = arith.muli %scan3A_183, %mul3A_233 : i32
      %add3A_235 = arith.constant 5888 : i32
      %add3A_236 = arith.addi %add3A_235, %mul3A_234 : i32
      %swap3A_237 = arith.index_cast %add3A_236 : i32 to index
      %swap3A_238 = tpu.vector_load %arg11[%swap3A_237] {strides = array<i32>} : memref<20480xf32, #tpu.memory_space<vmem>>, vector<16xf32>,
      tpu.vector_store %arg11[%swap3A_237], %gather3A_232 {strides = array<i32>} : memref<20480xf32, #tpu.memory_space<vmem>>, vector<16xf32>,
      %gather3A_239 = tpu.vector_load_idx %arg10[%broadcast_in_dim3A_75, %add3A_191] : memref<8x40xf32, #tpu.memory_space<vmem>>[vector<16xi32>, vector<16xi32>], vector<16xf32>,
      %mul3A_240 = arith.constant 16 : i32
      %mul3A_241 = arith.muli %scan3A_183, %mul3A_240 : i32
      %add3A_242 = arith.constant 6016 : i32
      %add3A_243 = arith.addi %add3A_242, %mul3A_241 : i32
      %swap3A_244 = arith.index_cast %add3A_243 : i32 to index
      %swap3A_245 = tpu.vector_load %arg11[%swap3A_244] {strides = array<i32>} : memref<20480xf32, #tpu.memory_space<vmem>>, vector<16xf32>,
      tpu.vector_store %arg11[%swap3A_244], %gather3A_239 {strides = array<i32>} : memref<20480xf32, #tpu.memory_space<vmem>>, vector<16xf32>,
    }
    %scan3A_84 = arith.constant 8 : i32
    %scan3A_85 = arith.constant 0 : i32
    %scan3A_86 = arith.constant 8 : i32
    %scan3A_87 = arith.addi %scan3A_85, %scan3A_86 : i32
    %scan3A_88 = arith.constant 1 : i32
    scf.for %scan3A_183 = %scan3A_85 to %scan3A_87 step %scan3A_88  : i32 {
      %mul3A_184 = arith.constant 16 : i32
      %mul3A_185 = arith.muli %scan3A_183, %mul3A_184 : i32
      %add3A_186 = arith.constant 256 : i32
      %add3A_187 = arith.addi %add3A_186, %mul3A_185 : i32
      %get3A = arith.index_cast %add3A_187 : i32 to index
      %get3A_188 = tpu.vector_load %arg9[%get3A] {strides = array<i32>} : memref<2560xi32, #tpu.memory_space<vmem>>, vector<16xi32>,
      %add3A_189 = arith.constant 0 : i32
      %add3A_190 = vector.broadcast %add3A_189 : i32 to vector<16xi32>
      %add3A_191 = arith.addi %get3A_188, %add3A_190 : vector<16xi32>
      %gather3A = tpu.vector_load_idx %arg10[%broadcast_in_dim3A_61, %add3A_191] : memref<8x40xf32, #tpu.memory_space<vmem>>[vector<16xi32>, vector<16xi32>], vector<16xf32>,
      %mul3A_192 = arith.constant 16 : i32
      %mul3A_193 = arith.muli %scan3A_183, %mul3A_192 : i32
      %add3A_194 = arith.constant 10240 : i32
      %add3A_195 = arith.addi %add3A_194, %mul3A_193 : i32
      %swap3A = arith.index_cast %add3A_195 : i32 to index
      %swap3A_196 = tpu.vector_load %arg11[%swap3A] {strides = array<i32>} : memref<20480xf32, #tpu.memory_space<vmem>>, vector<16xf32>,
      tpu.vector_store %arg11[%swap3A], %gather3A {strides = array<i32>} : memref<20480xf32, #tpu.memory_space<vmem>>, vector<16xf32>,
      %gather3A_197 = tpu.vector_load_idx %arg10[%broadcast_in_dim3A_63, %add3A_191] : memref<8x40xf32, #tpu.memory_space<vmem>>[vector<16xi32>, vector<16xi32>], vector<16xf32>,
      %mul3A_198 = arith.constant 16 : i32
      %mul3A_199 = arith.muli %scan3A_183, %mul3A_198 : i32
      %add3A_200 = arith.constant 10368 : i32
      %add3A_201 = arith.addi %add3A_200, %mul3A_199 : i32
      %swap3A_202 = arith.index_cast %add3A_201 : i32 to index
      %swap3A_203 = tpu.vector_load %arg11[%swap3A_202] {strides = array<i32>} : memref<20480xf32, #tpu.memory_space<vmem>>, vector<16xf32>,
      tpu.vector_store %arg11[%swap3A_202], %gather3A_197 {strides = array<i32>} : memref<20480xf32, #tpu.memory_space<vmem>>, vector<16xf32>,
      %gather3A_204 = tpu.vector_load_idx %arg10[%broadcast_in_dim3A_65, %add3A_191] : memref<8x40xf32, #tpu.memory_space<vmem>>[vector<16xi32>, vector<16xi32>], vector<16xf32>,
      %mul3A_205 = arith.constant 16 : i32
      %mul3A_206 = arith.muli %scan3A_183, %mul3A_205 : i32
      %add3A_207 = arith.constant 10496 : i32
      %add3A_208 = arith.addi %add3A_207, %mul3A_206 : i32
      %swap3A_209 = arith.index_cast %add3A_208 : i32 to index
      %swap3A_210 = tpu.vector_load %arg11[%swap3A_209] {strides = array<i32>} : memref<20480xf32, #tpu.memory_space<vmem>>, vector<16xf32>,
      tpu.vector_store %arg11[%swap3A_209], %gather3A_204 {strides = array<i32>} : memref<20480xf32, #tpu.memory_space<vmem>>, vector<16xf32>,
      %gather3A_211 = tpu.vector_load_idx %arg10[%broadcast_in_dim3A_67, %add3A_191] : memref<8x40xf32, #tpu.memory_space<vmem>>[vector<16xi32>, vector<16xi32>], vector<16xf32>,
      %mul3A_212 = arith.constant 16 : i32
      %mul3A_213 = arith.muli %scan3A_183, %mul3A_212 : i32
      %add3A_214 = arith.constant 10624 : i32
      %add3A_215 = arith.addi %add3A_214, %mul3A_213 : i32
      %swap3A_216 = arith.index_cast %add3A_215 : i32 to index
      %swap3A_217 = tpu.vector_load %arg11[%swap3A_216] {strides = array<i32>} : memref<20480xf32, #tpu.memory_space<vmem>>, vector<16xf32>,
      tpu.vector_store %arg11[%swap3A_216], %gather3A_211 {strides = array<i32>} : memref<20480xf32, #tpu.memory_space<vmem>>, vector<16xf32>,
      %gather3A_218 = tpu.vector_load_idx %arg10[%broadcast_in_dim3A_69, %add3A_191] : memref<8x40xf32, #tpu.memory_space<vmem>>[vector<16xi32>, vector<16xi32>], vector<16xf32>,
      %mul3A_219 = arith.constant 16 : i32
      %mul3A_220 = arith.muli %scan3A_183, %mul3A_219 : i32
      %add3A_221 = arith.constant 10752 : i32
      %add3A_222 = arith.addi %add3A_221, %mul3A_220 : i32
      %swap3A_223 = arith.index_cast %add3A_222 : i32 to index
      %swap3A_224 = tpu.vector_load %arg11[%swap3A_223] {strides = array<i32>} : memref<20480xf32, #tpu.memory_space<vmem>>, vector<16xf32>,
      tpu.vector_store %arg11[%swap3A_223], %gather3A_218 {strides = array<i32>} : memref<20480xf32, #tpu.memory_space<vmem>>, vector<16xf32>,
      %gather3A_225 = tpu.vector_load_idx %arg10[%broadcast_in_dim3A_71, %add3A_191] : memref<8x40xf32, #tpu.memory_space<vmem>>[vector<16xi32>, vector<16xi32>], vector<16xf32>,
      %mul3A_226 = arith.constant 16 : i32
      %mul3A_227 = arith.muli %scan3A_183, %mul3A_226 : i32
      %add3A_228 = arith.constant 10880 : i32
      %add3A_229 = arith.addi %add3A_228, %mul3A_227 : i32
      %swap3A_230 = arith.index_cast %add3A_229 : i32 to index
      %swap3A_231 = tpu.vector_load %arg11[%swap3A_230] {strides = array<i32>} : memref<20480xf32, #tpu.memory_space<vmem>>, vector<16xf32>,
      tpu.vector_store %arg11[%swap3A_230], %gather3A_225 {strides = array<i32>} : memref<20480xf32, #tpu.memory_space<vmem>>, vector<16xf32>,
      %gather3A_232 = tpu.vector_load_idx %arg10[%broadcast_in_dim3A_73, %add3A_191] : memref<8x40xf32, #tpu.memory_space<vmem>>[vector<16xi32>, vector<16xi32>], vector<16xf32>,
      %mul3A_233 = arith.constant 16 : i32
      %mul3A_234 = arith.muli %scan3A_183, %mul3A_233 : i32
      %add3A_235 = arith.constant 11008 : i32
      %add3A_236 = arith.addi %add3A_235, %mul3A_234 : i32
      %swap3A_237 = arith.index_cast %add3A_236 : i32 to index
      %swap3A_238 = tpu.vector_load %arg11[%swap3A_237] {strides = array<i32>} : memref<20480xf32, #tpu.memory_space<vmem>>, vector<16xf32>,
      tpu.vector_store %arg11[%swap3A_237], %gather3A_232 {strides = array<i32>} : memref<20480xf32, #tpu.memory_space<vmem>>, vector<16xf32>,
      %gather3A_239 = tpu.vector_load_idx %arg10[%broadcast_in_dim3A_75, %add3A_191] : memref<8x40xf32, #tpu.memory_space<vmem>>[vector<16xi32>, vector<16xi32>], vector<16xf32>,
      %mul3A_240 = arith.constant 16 : i32
      %mul3A_241 = arith.muli %scan3A_183, %mul3A_240 : i32
      %add3A_242 = arith.constant 11136 : i32
      %add3A_243 = arith.addi %add3A_242, %mul3A_241 : i32
      %swap3A_244 = arith.index_cast %add3A_243 : i32 to index
      %swap3A_245 = tpu.vector_load %arg11[%swap3A_244] {strides = array<i32>} : memref<20480xf32, #tpu.memory_space<vmem>>, vector<16xf32>,
      tpu.vector_store %arg11[%swap3A_244], %gather3A_239 {strides = array<i32>} : memref<20480xf32, #tpu.memory_space<vmem>>, vector<16xf32>,
    }
    %scan3A_89 = arith.constant 8 : i32
    %scan3A_90 = arith.constant 0 : i32
    %scan3A_91 = arith.constant 8 : i32
    %scan3A_92 = arith.addi %scan3A_90, %scan3A_91 : i32
    %scan3A_93 = arith.constant 1 : i32
    scf.for %scan3A_183 = %scan3A_90 to %scan3A_92 step %scan3A_93  : i32 {
      %mul3A_184 = arith.constant 16 : i32
      %mul3A_185 = arith.muli %scan3A_183, %mul3A_184 : i32
      %add3A_186 = arith.constant 384 : i32
      %add3A_187 = arith.addi %add3A_186, %mul3A_185 : i32
      %get3A = arith.index_cast %add3A_187 : i32 to index
      %get3A_188 = tpu.vector_load %arg9[%get3A] {strides = array<i32>} : memref<2560xi32, #tpu.memory_space<vmem>>, vector<16xi32>,
      %add3A_189 = arith.constant 0 : i32
      %add3A_190 = vector.broadcast %add3A_189 : i32 to vector<16xi32>
      %add3A_191 = arith.addi %get3A_188, %add3A_190 : vector<16xi32>
      %gather3A = tpu.vector_load_idx %arg10[%broadcast_in_dim3A_61, %add3A_191] : memref<8x40xf32, #tpu.memory_space<vmem>>[vector<16xi32>, vector<16xi32>], vector<16xf32>,
      %mul3A_192 = arith.constant 16 : i32
      %mul3A_193 = arith.muli %scan3A_183, %mul3A_192 : i32
      %add3A_194 = arith.constant 15360 : i32
      %add3A_195 = arith.addi %add3A_194, %mul3A_193 : i32
      %swap3A = arith.index_cast %add3A_195 : i32 to index
      %swap3A_196 = tpu.vector_load %arg11[%swap3A] {strides = array<i32>} : memref<20480xf32, #tpu.memory_space<vmem>>, vector<16xf32>,
      tpu.vector_store %arg11[%swap3A], %gather3A {strides = array<i32>} : memref<20480xf32, #tpu.memory_space<vmem>>, vector<16xf32>,
      %gather3A_197 = tpu.vector_load_idx %arg10[%broadcast_in_dim3A_63, %add3A_191] : memref<8x40xf32, #tpu.memory_space<vmem>>[vector<16xi32>, vector<16xi32>], vector<16xf32>,
      %mul3A_198 = arith.constant 16 : i32
      %mul3A_199 = arith.muli %scan3A_183, %mul3A_198 : i32
      %add3A_200 = arith.constant 15488 : i32
      %add3A_201 = arith.addi %add3A_200, %mul3A_199 : i32
      %swap3A_202 = arith.index_cast %add3A_201 : i32 to index
      %swap3A_203 = tpu.vector_load %arg11[%swap3A_202] {strides = array<i32>} : memref<20480xf32, #tpu.memory_space<vmem>>, vector<16xf32>,
      tpu.vector_store %arg11[%swap3A_202], %gather3A_197 {strides = array<i32>} : memref<20480xf32, #tpu.memory_space<vmem>>, vector<16xf32>,
      %gather3A_204 = tpu.vector_load_idx %arg10[%broadcast_in_dim3A_65, %add3A_191] : memref<8x40xf32, #tpu.memory_space<vmem>>[vector<16xi32>, vector<16xi32>], vector<16xf32>,
      %mul3A_205 = arith.constant 16 : i32
      %mul3A_206 = arith.muli %scan3A_183, %mul3A_205 : i32
      %add3A_207 = arith.constant 15616 : i32
      %add3A_208 = arith.addi %add3A_207, %mul3A_206 : i32
      %swap3A_209 = arith.index_cast %add3A_208 : i32 to index
      %swap3A_210 = tpu.vector_load %arg11[%swap3A_209] {strides = array<i32>} : memref<20480xf32, #tpu.memory_space<vmem>>, vector<16xf32>,
      tpu.vector_store %arg11[%swap3A_209], %gather3A_204 {strides = array<i32>} : memref<20480xf32, #tpu.memory_space<vmem>>, vector<16xf32>,
      %gather3A_211 = tpu.vector_load_idx %arg10[%broadcast_in_dim3A_67, %add3A_191] : memref<8x40xf32, #tpu.memory_space<vmem>>[vector<16xi32>, vector<16xi32>], vector<16xf32>,
      %mul3A_212 = arith.constant 16 : i32
      %mul3A_213 = arith.muli %scan3A_183, %mul3A_212 : i32
      %add3A_214 = arith.constant 15744 : i32
      %add3A_215 = arith.addi %add3A_214, %mul3A_213 : i32
      %swap3A_216 = arith.index_cast %add3A_215 : i32 to index
      %swap3A_217 = tpu.vector_load %arg11[%swap3A_216] {strides = array<i32>} : memref<20480xf32, #tpu.memory_space<vmem>>, vector<16xf32>,
      tpu.vector_store %arg11[%swap3A_216], %gather3A_211 {strides = array<i32>} : memref<20480xf32, #tpu.memory_space<vmem>>, vector<16xf32>,
      %gather3A_218 = tpu.vector_load_idx %arg10[%broadcast_in_dim3A_69, %add3A_191] : memref<8x40xf32, #tpu.memory_space<vmem>>[vector<16xi32>, vector<16xi32>], vector<16xf32>,
      %mul3A_219 = arith.constant 16 : i32
      %mul3A_220 = arith.muli %scan3A_183, %mul3A_219 : i32
      %add3A_221 = arith.constant 15872 : i32
      %add3A_222 = arith.addi %add3A_221, %mul3A_220 : i32
      %swap3A_223 = arith.index_cast %add3A_222 : i32 to index
      %swap3A_224 = tpu.vector_load %arg11[%swap3A_223] {strides = array<i32>} : memref<20480xf32, #tpu.memory_space<vmem>>, vector<16xf32>,
      tpu.vector_store %arg11[%swap3A_223], %gather3A_218 {strides = array<i32>} : memref<20480xf32, #tpu.memory_space<vmem>>, vector<16xf32>,
      %gather3A_225 = tpu.vector_load_idx %arg10[%broadcast_in_dim3A_71, %add3A_191] : memref<8x40xf32, #tpu.memory_space<vmem>>[vector<16xi32>, vector<16xi32>], vector<16xf32>,
      %mul3A_226 = arith.constant 16 : i32
      %mul3A_227 = arith.muli %scan3A_183, %mul3A_226 : i32
      %add3A_228 = arith.constant 16000 : i32
      %add3A_229 = arith.addi %add3A_228, %mul3A_227 : i32
      %swap3A_230 = arith.index_cast %add3A_229 : i32 to index
      %swap3A_231 = tpu.vector_load %arg11[%swap3A_230] {strides = array<i32>} : memref<20480xf32, #tpu.memory_space<vmem>>, vector<16xf32>,
      tpu.vector_store %arg11[%swap3A_230], %gather3A_225 {strides = array<i32>} : memref<20480xf32, #tpu.memory_space<vmem>>, vector<16xf32>,
      %gather3A_232 = tpu.vector_load_idx %arg10[%broadcast_in_dim3A_73, %add3A_191] : memref<8x40xf32, #tpu.memory_space<vmem>>[vector<16xi32>, vector<16xi32>], vector<16xf32>,
      %mul3A_233 = arith.constant 16 : i32
      %mul3A_234 = arith.muli %scan3A_183, %mul3A_233 : i32
      %add3A_235 = arith.constant 16128 : i32
      %add3A_236 = arith.addi %add3A_235, %mul3A_234 : i32
      %swap3A_237 = arith.index_cast %add3A_236 : i32 to index
      %swap3A_238 = tpu.vector_load %arg11[%swap3A_237] {strides = array<i32>} : memref<20480xf32, #tpu.memory_space<vmem>>, vector<16xf32>,
      tpu.vector_store %arg11[%swap3A_237], %gather3A_232 {strides = array<i32>} : memref<20480xf32, #tpu.memory_space<vmem>>, vector<16xf32>,
      %gather3A_239 = tpu.vector_load_idx %arg10[%broadcast_in_dim3A_75, %add3A_191] : memref<8x40xf32, #tpu.memory_space<vmem>>[vector<16xi32>, vector<16xi32>], vector<16xf32>,
      %mul3A_240 = arith.constant 16 : i32
      %mul3A_241 = arith.muli %scan3A_183, %mul3A_240 : i32
      %add3A_242 = arith.constant 16256 : i32
      %add3A_243 = arith.addi %add3A_242, %mul3A_241 : i32
      %swap3A_244 = arith.index_cast %add3A_243 : i32 to index
      %swap3A_245 = tpu.vector_load %arg11[%swap3A_244] {strides = array<i32>} : memref<20480xf32, #tpu.memory_space<vmem>>, vector<16xf32>,
      tpu.vector_store %arg11[%swap3A_244], %gather3A_239 {strides = array<i32>} : memref<20480xf32, #tpu.memory_space<vmem>>, vector<16xf32>,
    }
    %scan3A_94 = arith.constant 8 : i32
    %scan3A_95 = arith.constant 0 : i32
    %scan3A_96 = arith.constant 8 : i32
    %scan3A_97 = arith.addi %scan3A_95, %scan3A_96 : i32
    %scan3A_98 = arith.constant 1 : i32
    scf.for %scan3A_183 = %scan3A_95 to %scan3A_97 step %scan3A_98  : i32 {
      %mul3A_184 = arith.constant 16 : i32
      %mul3A_185 = arith.muli %scan3A_183, %mul3A_184 : i32
      %add3A_186 = arith.constant 512 : i32
      %add3A_187 = arith.addi %add3A_186, %mul3A_185 : i32
      %get3A = arith.index_cast %add3A_187 : i32 to index
      %get3A_188 = tpu.vector_load %arg9[%get3A] {strides = array<i32>} : memref<2560xi32, #tpu.memory_space<vmem>>, vector<16xi32>,
      %add3A_189 = arith.constant 10 : i32
      %add3A_190 = vector.broadcast %add3A_189 : i32 to vector<16xi32>
      %add3A_191 = arith.addi %get3A_188, %add3A_190 : vector<16xi32>
      %gather3A = tpu.vector_load_idx %arg10[%broadcast_in_dim3A_61, %add3A_191] : memref<8x40xf32, #tpu.memory_space<vmem>>[vector<16xi32>, vector<16xi32>], vector<16xf32>,
      %mul3A_192 = arith.constant 16 : i32
      %mul3A_193 = arith.muli %scan3A_183, %mul3A_192 : i32
      %add3A_194 = arith.constant 1024 : i32
      %add3A_195 = arith.addi %add3A_194, %mul3A_193 : i32
      %swap3A = arith.index_cast %add3A_195 : i32 to index
      %swap3A_196 = tpu.vector_load %arg11[%swap3A] {strides = array<i32>} : memref<20480xf32, #tpu.memory_space<vmem>>, vector<16xf32>,
      tpu.vector_store %arg11[%swap3A], %gather3A {strides = array<i32>} : memref<20480xf32, #tpu.memory_space<vmem>>, vector<16xf32>,
      %gather3A_197 = tpu.vector_load_idx %arg10[%broadcast_in_dim3A_63, %add3A_191] : memref<8x40xf32, #tpu.memory_space<vmem>>[vector<16xi32>, vector<16xi32>], vector<16xf32>,
      %mul3A_198 = arith.constant 16 : i32
      %mul3A_199 = arith.muli %scan3A_183, %mul3A_198 : i32
      %add3A_200 = arith.constant 1152 : i32
      %add3A_201 = arith.addi %add3A_200, %mul3A_199 : i32
      %swap3A_202 = arith.index_cast %add3A_201 : i32 to index
      %swap3A_203 = tpu.vector_load %arg11[%swap3A_202] {strides = array<i32>} : memref<20480xf32, #tpu.memory_space<vmem>>, vector<16xf32>,
      tpu.vector_store %arg11[%swap3A_202], %gather3A_197 {strides = array<i32>} : memref<20480xf32, #tpu.memory_space<vmem>>, vector<16xf32>,
      %gather3A_204 = tpu.vector_load_idx %arg10[%broadcast_in_dim3A_65, %add3A_191] : memref<8x40xf32, #tpu.memory_space<vmem>>[vector<16xi32>, vector<16xi32>], vector<16xf32>,
      %mul3A_205 = arith.constant 16 : i32
      %mul3A_206 = arith.muli %scan3A_183, %mul3A_205 : i32
      %add3A_207 = arith.constant 1280 : i32
      %add3A_208 = arith.addi %add3A_207, %mul3A_206 : i32
      %swap3A_209 = arith.index_cast %add3A_208 : i32 to index
      %swap3A_210 = tpu.vector_load %arg11[%swap3A_209] {strides = array<i32>} : memref<20480xf32, #tpu.memory_space<vmem>>, vector<16xf32>,
      tpu.vector_store %arg11[%swap3A_209], %gather3A_204 {strides = array<i32>} : memref<20480xf32, #tpu.memory_space<vmem>>, vector<16xf32>,
      %gather3A_211 = tpu.vector_load_idx %arg10[%broadcast_in_dim3A_67, %add3A_191] : memref<8x40xf32, #tpu.memory_space<vmem>>[vector<16xi32>, vector<16xi32>], vector<16xf32>,
      %mul3A_212 = arith.constant 16 : i32
      %mul3A_213 = arith.muli %scan3A_183, %mul3A_212 : i32
      %add3A_214 = arith.constant 1408 : i32
      %add3A_215 = arith.addi %add3A_214, %mul3A_213 : i32
      %swap3A_216 = arith.index_cast %add3A_215 : i32 to index
      %swap3A_217 = tpu.vector_load %arg11[%swap3A_216] {strides = array<i32>} : memref<20480xf32, #tpu.memory_space<vmem>>, vector<16xf32>,
      tpu.vector_store %arg11[%swap3A_216], %gather3A_211 {strides = array<i32>} : memref<20480xf32, #tpu.memory_space<vmem>>, vector<16xf32>,
      %gather3A_218 = tpu.vector_load_idx %arg10[%broadcast_in_dim3A_69, %add3A_191] : memref<8x40xf32, #tpu.memory_space<vmem>>[vector<16xi32>, vector<16xi32>], vector<16xf32>,
      %mul3A_219 = arith.constant 16 : i32
      %mul3A_220 = arith.muli %scan3A_183, %mul3A_219 : i32
      %add3A_221 = arith.constant 1536 : i32
      %add3A_222 = arith.addi %add3A_221, %mul3A_220 : i32
      %swap3A_223 = arith.index_cast %add3A_222 : i32 to index
      %swap3A_224 = tpu.vector_load %arg11[%swap3A_223] {strides = array<i32>} : memref<20480xf32, #tpu.memory_space<vmem>>, vector<16xf32>,
      tpu.vector_store %arg11[%swap3A_223], %gather3A_218 {strides = array<i32>} : memref<20480xf32, #tpu.memory_space<vmem>>, vector<16xf32>,
      %gather3A_225 = tpu.vector_load_idx %arg10[%broadcast_in_dim3A_71, %add3A_191] : memref<8x40xf32, #tpu.memory_space<vmem>>[vector<16xi32>, vector<16xi32>], vector<16xf32>,
      %mul3A_226 = arith.constant 16 : i32
      %mul3A_227 = arith.muli %scan3A_183, %mul3A_226 : i32
      %add3A_228 = arith.constant 1664 : i32
      %add3A_229 = arith.addi %add3A_228, %mul3A_227 : i32
      %swap3A_230 = arith.index_cast %add3A_229 : i32 to index
      %swap3A_231 = tpu.vector_load %arg11[%swap3A_230] {strides = array<i32>} : memref<20480xf32, #tpu.memory_space<vmem>>, vector<16xf32>,
      tpu.vector_store %arg11[%swap3A_230], %gather3A_225 {strides = array<i32>} : memref<20480xf32, #tpu.memory_space<vmem>>, vector<16xf32>,
      %gather3A_232 = tpu.vector_load_idx %arg10[%broadcast_in_dim3A_73, %add3A_191] : memref<8x40xf32, #tpu.memory_space<vmem>>[vector<16xi32>, vector<16xi32>], vector<16xf32>,
      %mul3A_233 = arith.constant 16 : i32
      %mul3A_234 = arith.muli %scan3A_183, %mul3A_233 : i32
      %add3A_235 = arith.constant 1792 : i32
      %add3A_236 = arith.addi %add3A_235, %mul3A_234 : i32
      %swap3A_237 = arith.index_cast %add3A_236 : i32 to index
      %swap3A_238 = tpu.vector_load %arg11[%swap3A_237] {strides = array<i32>} : memref<20480xf32, #tpu.memory_space<vmem>>, vector<16xf32>,
      tpu.vector_store %arg11[%swap3A_237], %gather3A_232 {strides = array<i32>} : memref<20480xf32, #tpu.memory_space<vmem>>, vector<16xf32>,
      %gather3A_239 = tpu.vector_load_idx %arg10[%broadcast_in_dim3A_75, %add3A_191] : memref<8x40xf32, #tpu.memory_space<vmem>>[vector<16xi32>, vector<16xi32>], vector<16xf32>,
      %mul3A_240 = arith.constant 16 : i32
      %mul3A_241 = arith.muli %scan3A_183, %mul3A_240 : i32
      %add3A_242 = arith.constant 1920 : i32
      %add3A_243 = arith.addi %add3A_242, %mul3A_241 : i32
      %swap3A_244 = arith.index_cast %add3A_243 : i32 to index
      %swap3A_245 = tpu.vector_load %arg11[%swap3A_244] {strides = array<i32>} : memref<20480xf32, #tpu.memory_space<vmem>>, vector<16xf32>,
      tpu.vector_store %arg11[%swap3A_244], %gather3A_239 {strides = array<i32>} : memref<20480xf32, #tpu.memory_space<vmem>>, vector<16xf32>,
    }
    %scan3A_99 = arith.constant 8 : i32
    %scan3A_100 = arith.constant 0 : i32
    %scan3A_101 = arith.constant 8 : i32
    %scan3A_102 = arith.addi %scan3A_100, %scan3A_101 : i32
    %scan3A_103 = arith.constant 1 : i32
    scf.for %scan3A_183 = %scan3A_100 to %scan3A_102 step %scan3A_103  : i32 {
      %mul3A_184 = arith.constant 16 : i32
      %mul3A_185 = arith.muli %scan3A_183, %mul3A_184 : i32
      %add3A_186 = arith.constant 640 : i32
      %add3A_187 = arith.addi %add3A_186, %mul3A_185 : i32
      %get3A = arith.index_cast %add3A_187 : i32 to index
      %get3A_188 = tpu.vector_load %arg9[%get3A] {strides = array<i32>} : memref<2560xi32, #tpu.memory_space<vmem>>, vector<16xi32>,
      %add3A_189 = arith.constant 10 : i32
      %add3A_190 = vector.broadcast %add3A_189 : i32 to vector<16xi32>
      %add3A_191 = arith.addi %get3A_188, %add3A_190 : vector<16xi32>
      %gather3A = tpu.vector_load_idx %arg10[%broadcast_in_dim3A_61, %add3A_191] : memref<8x40xf32, #tpu.memory_space<vmem>>[vector<16xi32>, vector<16xi32>], vector<16xf32>,
      %mul3A_192 = arith.constant 16 : i32
      %mul3A_193 = arith.muli %scan3A_183, %mul3A_192 : i32
      %add3A_194 = arith.constant 6144 : i32
      %add3A_195 = arith.addi %add3A_194, %mul3A_193 : i32
      %swap3A = arith.index_cast %add3A_195 : i32 to index
      %swap3A_196 = tpu.vector_load %arg11[%swap3A] {strides = array<i32>} : memref<20480xf32, #tpu.memory_space<vmem>>, vector<16xf32>,
      tpu.vector_store %arg11[%swap3A], %gather3A {strides = array<i32>} : memref<20480xf32, #tpu.memory_space<vmem>>, vector<16xf32>,
      %gather3A_197 = tpu.vector_load_idx %arg10[%broadcast_in_dim3A_63, %add3A_191] : memref<8x40xf32, #tpu.memory_space<vmem>>[vector<16xi32>, vector<16xi32>], vector<16xf32>,
      %mul3A_198 = arith.constant 16 : i32
      %mul3A_199 = arith.muli %scan3A_183, %mul3A_198 : i32
      %add3A_200 = arith.constant 6272 : i32
      %add3A_201 = arith.addi %add3A_200, %mul3A_199 : i32
      %swap3A_202 = arith.index_cast %add3A_201 : i32 to index
      %swap3A_203 = tpu.vector_load %arg11[%swap3A_202] {strides = array<i32>} : memref<20480xf32, #tpu.memory_space<vmem>>, vector<16xf32>,
      tpu.vector_store %arg11[%swap3A_202], %gather3A_197 {strides = array<i32>} : memref<20480xf32, #tpu.memory_space<vmem>>, vector<16xf32>,
      %gather3A_204 = tpu.vector_load_idx %arg10[%broadcast_in_dim3A_65, %add3A_191] : memref<8x40xf32, #tpu.memory_space<vmem>>[vector<16xi32>, vector<16xi32>], vector<16xf32>,
      %mul3A_205 = arith.constant 16 : i32
      %mul3A_206 = arith.muli %scan3A_183, %mul3A_205 : i32
      %add3A_207 = arith.constant 6400 : i32
      %add3A_208 = arith.addi %add3A_207, %mul3A_206 : i32
      %swap3A_209 = arith.index_cast %add3A_208 : i32 to index
      %swap3A_210 = tpu.vector_load %arg11[%swap3A_209] {strides = array<i32>} : memref<20480xf32, #tpu.memory_space<vmem>>, vector<16xf32>,
      tpu.vector_store %arg11[%swap3A_209], %gather3A_204 {strides = array<i32>} : memref<20480xf32, #tpu.memory_space<vmem>>, vector<16xf32>,
      %gather3A_211 = tpu.vector_load_idx %arg10[%broadcast_in_dim3A_67, %add3A_191] : memref<8x40xf32, #tpu.memory_space<vmem>>[vector<16xi32>, vector<16xi32>], vector<16xf32>,
      %mul3A_212 = arith.constant 16 : i32
      %mul3A_213 = arith.muli %scan3A_183, %mul3A_212 : i32
      %add3A_214 = arith.constant 6528 : i32
      %add3A_215 = arith.addi %add3A_214, %mul3A_213 : i32
      %swap3A_216 = arith.index_cast %add3A_215 : i32 to index
      %swap3A_217 = tpu.vector_load %arg11[%swap3A_216] {strides = array<i32>} : memref<20480xf32, #tpu.memory_space<vmem>>, vector<16xf32>,
      tpu.vector_store %arg11[%swap3A_216], %gather3A_211 {strides = array<i32>} : memref<20480xf32, #tpu.memory_space<vmem>>, vector<16xf32>,
      %gather3A_218 = tpu.vector_load_idx %arg10[%broadcast_in_dim3A_69, %add3A_191] : memref<8x40xf32, #tpu.memory_space<vmem>>[vector<16xi32>, vector<16xi32>], vector<16xf32>,
      %mul3A_219 = arith.constant 16 : i32
      %mul3A_220 = arith.muli %scan3A_183, %mul3A_219 : i32
      %add3A_221 = arith.constant 6656 : i32
      %add3A_222 = arith.addi %add3A_221, %mul3A_220 : i32
      %swap3A_223 = arith.index_cast %add3A_222 : i32 to index
      %swap3A_224 = tpu.vector_load %arg11[%swap3A_223] {strides = array<i32>} : memref<20480xf32, #tpu.memory_space<vmem>>, vector<16xf32>,
      tpu.vector_store %arg11[%swap3A_223], %gather3A_218 {strides = array<i32>} : memref<20480xf32, #tpu.memory_space<vmem>>, vector<16xf32>,
      %gather3A_225 = tpu.vector_load_idx %arg10[%broadcast_in_dim3A_71, %add3A_191] : memref<8x40xf32, #tpu.memory_space<vmem>>[vector<16xi32>, vector<16xi32>], vector<16xf32>,
      %mul3A_226 = arith.constant 16 : i32
      %mul3A_227 = arith.muli %scan3A_183, %mul3A_226 : i32
      %add3A_228 = arith.constant 6784 : i32
      %add3A_229 = arith.addi %add3A_228, %mul3A_227 : i32
      %swap3A_230 = arith.index_cast %add3A_229 : i32 to index
      %swap3A_231 = tpu.vector_load %arg11[%swap3A_230] {strides = array<i32>} : memref<20480xf32, #tpu.memory_space<vmem>>, vector<16xf32>,
      tpu.vector_store %arg11[%swap3A_230], %gather3A_225 {strides = array<i32>} : memref<20480xf32, #tpu.memory_space<vmem>>, vector<16xf32>,
      %gather3A_232 = tpu.vector_load_idx %arg10[%broadcast_in_dim3A_73, %add3A_191] : memref<8x40xf32, #tpu.memory_space<vmem>>[vector<16xi32>, vector<16xi32>], vector<16xf32>,
      %mul3A_233 = arith.constant 16 : i32
      %mul3A_234 = arith.muli %scan3A_183, %mul3A_233 : i32
      %add3A_235 = arith.constant 6912 : i32
      %add3A_236 = arith.addi %add3A_235, %mul3A_234 : i32
      %swap3A_237 = arith.index_cast %add3A_236 : i32 to index
      %swap3A_238 = tpu.vector_load %arg11[%swap3A_237] {strides = array<i32>} : memref<20480xf32, #tpu.memory_space<vmem>>, vector<16xf32>,
      tpu.vector_store %arg11[%swap3A_237], %gather3A_232 {strides = array<i32>} : memref<20480xf32, #tpu.memory_space<vmem>>, vector<16xf32>,
      %gather3A_239 = tpu.vector_load_idx %arg10[%broadcast_in_dim3A_75, %add3A_191] : memref<8x40xf32, #tpu.memory_space<vmem>>[vector<16xi32>, vector<16xi32>], vector<16xf32>,
      %mul3A_240 = arith.constant 16 : i32
      %mul3A_241 = arith.muli %scan3A_183, %mul3A_240 : i32
      %add3A_242 = arith.constant 7040 : i32
      %add3A_243 = arith.addi %add3A_242, %mul3A_241 : i32
      %swap3A_244 = arith.index_cast %add3A_243 : i32 to index
      %swap3A_245 = tpu.vector_load %arg11[%swap3A_244] {strides = array<i32>} : memref<20480xf32, #tpu.memory_space<vmem>>, vector<16xf32>,
      tpu.vector_store %arg11[%swap3A_244], %gather3A_239 {strides = array<i32>} : memref<20480xf32, #tpu.memory_space<vmem>>, vector<16xf32>,
    }
    %scan3A_104 = arith.constant 8 : i32
    %scan3A_105 = arith.constant 0 : i32
    %scan3A_106 = arith.constant 8 : i32
    %scan3A_107 = arith.addi %scan3A_105, %scan3A_106 : i32
    %scan3A_108 = arith.constant 1 : i32
    scf.for %scan3A_183 = %scan3A_105 to %scan3A_107 step %scan3A_108  : i32 {
      %mul3A_184 = arith.constant 16 : i32
      %mul3A_185 = arith.muli %scan3A_183, %mul3A_184 : i32
      %add3A_186 = arith.constant 768 : i32
      %add3A_187 = arith.addi %add3A_186, %mul3A_185 : i32
      %get3A = arith.index_cast %add3A_187 : i32 to index
      %get3A_188 = tpu.vector_load %arg9[%get3A] {strides = array<i32>} : memref<2560xi32, #tpu.memory_space<vmem>>, vector<16xi32>,
      %add3A_189 = arith.constant 10 : i32
      %add3A_190 = vector.broadcast %add3A_189 : i32 to vector<16xi32>
      %add3A_191 = arith.addi %get3A_188, %add3A_190 : vector<16xi32>
      %gather3A = tpu.vector_load_idx %arg10[%broadcast_in_dim3A_61, %add3A_191] : memref<8x40xf32, #tpu.memory_space<vmem>>[vector<16xi32>, vector<16xi32>], vector<16xf32>,
      %mul3A_192 = arith.constant 16 : i32
      %mul3A_193 = arith.muli %scan3A_183, %mul3A_192 : i32
      %add3A_194 = arith.constant 11264 : i32
      %add3A_195 = arith.addi %add3A_194, %mul3A_193 : i32
      %swap3A = arith.index_cast %add3A_195 : i32 to index
      %swap3A_196 = tpu.vector_load %arg11[%swap3A] {strides = array<i32>} : memref<20480xf32, #tpu.memory_space<vmem>>, vector<16xf32>,
      tpu.vector_store %arg11[%swap3A], %gather3A {strides = array<i32>} : memref<20480xf32, #tpu.memory_space<vmem>>, vector<16xf32>,
      %gather3A_197 = tpu.vector_load_idx %arg10[%broadcast_in_dim3A_63, %add3A_191] : memref<8x40xf32, #tpu.memory_space<vmem>>[vector<16xi32>, vector<16xi32>], vector<16xf32>,
      %mul3A_198 = arith.constant 16 : i32
      %mul3A_199 = arith.muli %scan3A_183, %mul3A_198 : i32
      %add3A_200 = arith.constant 11392 : i32
      %add3A_201 = arith.addi %add3A_200, %mul3A_199 : i32
      %swap3A_202 = arith.index_cast %add3A_201 : i32 to index
      %swap3A_203 = tpu.vector_load %arg11[%swap3A_202] {strides = array<i32>} : memref<20480xf32, #tpu.memory_space<vmem>>, vector<16xf32>,
      tpu.vector_store %arg11[%swap3A_202], %gather3A_197 {strides = array<i32>} : memref<20480xf32, #tpu.memory_space<vmem>>, vector<16xf32>,
      %gather3A_204 = tpu.vector_load_idx %arg10[%broadcast_in_dim3A_65, %add3A_191] : memref<8x40xf32, #tpu.memory_space<vmem>>[vector<16xi32>, vector<16xi32>], vector<16xf32>,
      %mul3A_205 = arith.constant 16 : i32
      %mul3A_206 = arith.muli %scan3A_183, %mul3A_205 : i32
      %add3A_207 = arith.constant 11520 : i32
      %add3A_208 = arith.addi %add3A_207, %mul3A_206 : i32
      %swap3A_209 = arith.index_cast %add3A_208 : i32 to index
      %swap3A_210 = tpu.vector_load %arg11[%swap3A_209] {strides = array<i32>} : memref<20480xf32, #tpu.memory_space<vmem>>, vector<16xf32>,
      tpu.vector_store %arg11[%swap3A_209], %gather3A_204 {strides = array<i32>} : memref<20480xf32, #tpu.memory_space<vmem>>, vector<16xf32>,
      %gather3A_211 = tpu.vector_load_idx %arg10[%broadcast_in_dim3A_67, %add3A_191] : memref<8x40xf32, #tpu.memory_space<vmem>>[vector<16xi32>, vector<16xi32>], vector<16xf32>,
      %mul3A_212 = arith.constant 16 : i32
      %mul3A_213 = arith.muli %scan3A_183, %mul3A_212 : i32
      %add3A_214 = arith.constant 11648 : i32
      %add3A_215 = arith.addi %add3A_214, %mul3A_213 : i32
      %swap3A_216 = arith.index_cast %add3A_215 : i32 to index
      %swap3A_217 = tpu.vector_load %arg11[%swap3A_216] {strides = array<i32>} : memref<20480xf32, #tpu.memory_space<vmem>>, vector<16xf32>,
      tpu.vector_store %arg11[%swap3A_216], %gather3A_211 {strides = array<i32>} : memref<20480xf32, #tpu.memory_space<vmem>>, vector<16xf32>,
      %gather3A_218 = tpu.vector_load_idx %arg10[%broadcast_in_dim3A_69, %add3A_191] : memref<8x40xf32, #tpu.memory_space<vmem>>[vector<16xi32>, vector<16xi32>], vector<16xf32>,
      %mul3A_219 = arith.constant 16 : i32
      %mul3A_220 = arith.muli %scan3A_183, %mul3A_219 : i32
      %add3A_221 = arith.constant 11776 : i32
      %add3A_222 = arith.addi %add3A_221, %mul3A_220 : i32
      %swap3A_223 = arith.index_cast %add3A_222 : i32 to index
      %swap3A_224 = tpu.vector_load %arg11[%swap3A_223] {strides = array<i32>} : memref<20480xf32, #tpu.memory_space<vmem>>, vector<16xf32>,
      tpu.vector_store %arg11[%swap3A_223], %gather3A_218 {strides = array<i32>} : memref<20480xf32, #tpu.memory_space<vmem>>, vector<16xf32>,
      %gather3A_225 = tpu.vector_load_idx %arg10[%broadcast_in_dim3A_71, %add3A_191] : memref<8x40xf32, #tpu.memory_space<vmem>>[vector<16xi32>, vector<16xi32>], vector<16xf32>,
      %mul3A_226 = arith.constant 16 : i32
      %mul3A_227 = arith.muli %scan3A_183, %mul3A_226 : i32
      %add3A_228 = arith.constant 11904 : i32
      %add3A_229 = arith.addi %add3A_228, %mul3A_227 : i32
      %swap3A_230 = arith.index_cast %add3A_229 : i32 to index
      %swap3A_231 = tpu.vector_load %arg11[%swap3A_230] {strides = array<i32>} : memref<20480xf32, #tpu.memory_space<vmem>>, vector<16xf32>,
      tpu.vector_store %arg11[%swap3A_230], %gather3A_225 {strides = array<i32>} : memref<20480xf32, #tpu.memory_space<vmem>>, vector<16xf32>,
      %gather3A_232 = tpu.vector_load_idx %arg10[%broadcast_in_dim3A_73, %add3A_191] : memref<8x40xf32, #tpu.memory_space<vmem>>[vector<16xi32>, vector<16xi32>], vector<16xf32>,
      %mul3A_233 = arith.constant 16 : i32
      %mul3A_234 = arith.muli %scan3A_183, %mul3A_233 : i32
      %add3A_235 = arith.constant 12032 : i32
      %add3A_236 = arith.addi %add3A_235, %mul3A_234 : i32
      %swap3A_237 = arith.index_cast %add3A_236 : i32 to index
      %swap3A_238 = tpu.vector_load %arg11[%swap3A_237] {strides = array<i32>} : memref<20480xf32, #tpu.memory_space<vmem>>, vector<16xf32>,
      tpu.vector_store %arg11[%swap3A_237], %gather3A_232 {strides = array<i32>} : memref<20480xf32, #tpu.memory_space<vmem>>, vector<16xf32>,
      %gather3A_239 = tpu.vector_load_idx %arg10[%broadcast_in_dim3A_75, %add3A_191] : memref<8x40xf32, #tpu.memory_space<vmem>>[vector<16xi32>, vector<16xi32>], vector<16xf32>,
      %mul3A_240 = arith.constant 16 : i32
      %mul3A_241 = arith.muli %scan3A_183, %mul3A_240 : i32
      %add3A_242 = arith.constant 12160 : i32
      %add3A_243 = arith.addi %add3A_242, %mul3A_241 : i32
      %swap3A_244 = arith.index_cast %add3A_243 : i32 to index
      %swap3A_245 = tpu.vector_load %arg11[%swap3A_244] {strides = array<i32>} : memref<20480xf32, #tpu.memory_space<vmem>>, vector<16xf32>,
      tpu.vector_store %arg11[%swap3A_244], %gather3A_239 {strides = array<i32>} : memref<20480xf32, #tpu.memory_space<vmem>>, vector<16xf32>,
    }
    %scan3A_109 = arith.constant 8 : i32
    %scan3A_110 = arith.constant 0 : i32
    %scan3A_111 = arith.constant 8 : i32
    %scan3A_112 = arith.addi %scan3A_110, %scan3A_111 : i32
    %scan3A_113 = arith.constant 1 : i32
    scf.for %scan3A_183 = %scan3A_110 to %scan3A_112 step %scan3A_113  : i32 {
      %mul3A_184 = arith.constant 16 : i32
      %mul3A_185 = arith.muli %scan3A_183, %mul3A_184 : i32
      %add3A_186 = arith.constant 896 : i32
      %add3A_187 = arith.addi %add3A_186, %mul3A_185 : i32
      %get3A = arith.index_cast %add3A_187 : i32 to index
      %get3A_188 = tpu.vector_load %arg9[%get3A] {strides = array<i32>} : memref<2560xi32, #tpu.memory_space<vmem>>, vector<16xi32>,
      %add3A_189 = arith.constant 10 : i32
      %add3A_190 = vector.broadcast %add3A_189 : i32 to vector<16xi32>
      %add3A_191 = arith.addi %get3A_188, %add3A_190 : vector<16xi32>
      %gather3A = tpu.vector_load_idx %arg10[%broadcast_in_dim3A_61, %add3A_191] : memref<8x40xf32, #tpu.memory_space<vmem>>[vector<16xi32>, vector<16xi32>], vector<16xf32>,
      %mul3A_192 = arith.constant 16 : i32
      %mul3A_193 = arith.muli %scan3A_183, %mul3A_192 : i32
      %add3A_194 = arith.constant 16384 : i32
      %add3A_195 = arith.addi %add3A_194, %mul3A_193 : i32
      %swap3A = arith.index_cast %add3A_195 : i32 to index
      %swap3A_196 = tpu.vector_load %arg11[%swap3A] {strides = array<i32>} : memref<20480xf32, #tpu.memory_space<vmem>>, vector<16xf32>,
      tpu.vector_store %arg11[%swap3A], %gather3A {strides = array<i32>} : memref<20480xf32, #tpu.memory_space<vmem>>, vector<16xf32>,
      %gather3A_197 = tpu.vector_load_idx %arg10[%broadcast_in_dim3A_63, %add3A_191] : memref<8x40xf32, #tpu.memory_space<vmem>>[vector<16xi32>, vector<16xi32>], vector<16xf32>,
      %mul3A_198 = arith.constant 16 : i32
      %mul3A_199 = arith.muli %scan3A_183, %mul3A_198 : i32
      %add3A_200 = arith.constant 16512 : i32
      %add3A_201 = arith.addi %add3A_200, %mul3A_199 : i32
      %swap3A_202 = arith.index_cast %add3A_201 : i32 to index
      %swap3A_203 = tpu.vector_load %arg11[%swap3A_202] {strides = array<i32>} : memref<20480xf32, #tpu.memory_space<vmem>>, vector<16xf32>,
      tpu.vector_store %arg11[%swap3A_202], %gather3A_197 {strides = array<i32>} : memref<20480xf32, #tpu.memory_space<vmem>>, vector<16xf32>,
      %gather3A_204 = tpu.vector_load_idx %arg10[%broadcast_in_dim3A_65, %add3A_191] : memref<8x40xf32, #tpu.memory_space<vmem>>[vector<16xi32>, vector<16xi32>], vector<16xf32>,
      %mul3A_205 = arith.constant 16 : i32
      %mul3A_206 = arith.muli %scan3A_183, %mul3A_205 : i32
      %add3A_207 = arith.constant 16640 : i32
      %add3A_208 = arith.addi %add3A_207, %mul3A_206 : i32
      %swap3A_209 = arith.index_cast %add3A_208 : i32 to index
      %swap3A_210 = tpu.vector_load %arg11[%swap3A_209] {strides = array<i32>} : memref<20480xf32, #tpu.memory_space<vmem>>, vector<16xf32>,
      tpu.vector_store %arg11[%swap3A_209], %gather3A_204 {strides = array<i32>} : memref<20480xf32, #tpu.memory_space<vmem>>, vector<16xf32>,
      %gather3A_211 = tpu.vector_load_idx %arg10[%broadcast_in_dim3A_67, %add3A_191] : memref<8x40xf32, #tpu.memory_space<vmem>>[vector<16xi32>, vector<16xi32>], vector<16xf32>,
      %mul3A_212 = arith.constant 16 : i32
      %mul3A_213 = arith.muli %scan3A_183, %mul3A_212 : i32
      %add3A_214 = arith.constant 16768 : i32
      %add3A_215 = arith.addi %add3A_214, %mul3A_213 : i32
      %swap3A_216 = arith.index_cast %add3A_215 : i32 to index
      %swap3A_217 = tpu.vector_load %arg11[%swap3A_216] {strides = array<i32>} : memref<20480xf32, #tpu.memory_space<vmem>>, vector<16xf32>,
      tpu.vector_store %arg11[%swap3A_216], %gather3A_211 {strides = array<i32>} : memref<20480xf32, #tpu.memory_space<vmem>>, vector<16xf32>,
      %gather3A_218 = tpu.vector_load_idx %arg10[%broadcast_in_dim3A_69, %add3A_191] : memref<8x40xf32, #tpu.memory_space<vmem>>[vector<16xi32>, vector<16xi32>], vector<16xf32>,
      %mul3A_219 = arith.constant 16 : i32
      %mul3A_220 = arith.muli %scan3A_183, %mul3A_219 : i32
      %add3A_221 = arith.constant 16896 : i32
      %add3A_222 = arith.addi %add3A_221, %mul3A_220 : i32
      %swap3A_223 = arith.index_cast %add3A_222 : i32 to index
      %swap3A_224 = tpu.vector_load %arg11[%swap3A_223] {strides = array<i32>} : memref<20480xf32, #tpu.memory_space<vmem>>, vector<16xf32>,
      tpu.vector_store %arg11[%swap3A_223], %gather3A_218 {strides = array<i32>} : memref<20480xf32, #tpu.memory_space<vmem>>, vector<16xf32>,
      %gather3A_225 = tpu.vector_load_idx %arg10[%broadcast_in_dim3A_71, %add3A_191] : memref<8x40xf32, #tpu.memory_space<vmem>>[vector<16xi32>, vector<16xi32>], vector<16xf32>,
      %mul3A_226 = arith.constant 16 : i32
      %mul3A_227 = arith.muli %scan3A_183, %mul3A_226 : i32
      %add3A_228 = arith.constant 17024 : i32
      %add3A_229 = arith.addi %add3A_228, %mul3A_227 : i32
      %swap3A_230 = arith.index_cast %add3A_229 : i32 to index
      %swap3A_231 = tpu.vector_load %arg11[%swap3A_230] {strides = array<i32>} : memref<20480xf32, #tpu.memory_space<vmem>>, vector<16xf32>,
      tpu.vector_store %arg11[%swap3A_230], %gather3A_225 {strides = array<i32>} : memref<20480xf32, #tpu.memory_space<vmem>>, vector<16xf32>,
      %gather3A_232 = tpu.vector_load_idx %arg10[%broadcast_in_dim3A_73, %add3A_191] : memref<8x40xf32, #tpu.memory_space<vmem>>[vector<16xi32>, vector<16xi32>], vector<16xf32>,
      %mul3A_233 = arith.constant 16 : i32
      %mul3A_234 = arith.muli %scan3A_183, %mul3A_233 : i32
      %add3A_235 = arith.constant 17152 : i32
      %add3A_236 = arith.addi %add3A_235, %mul3A_234 : i32
      %swap3A_237 = arith.index_cast %add3A_236 : i32 to index
      %swap3A_238 = tpu.vector_load %arg11[%swap3A_237] {strides = array<i32>} : memref<20480xf32, #tpu.memory_space<vmem>>, vector<16xf32>,
      tpu.vector_store %arg11[%swap3A_237], %gather3A_232 {strides = array<i32>} : memref<20480xf32, #tpu.memory_space<vmem>>, vector<16xf32>,
      %gather3A_239 = tpu.vector_load_idx %arg10[%broadcast_in_dim3A_75, %add3A_191] : memref<8x40xf32, #tpu.memory_space<vmem>>[vector<16xi32>, vector<16xi32>], vector<16xf32>,
      %mul3A_240 = arith.constant 16 : i32
      %mul3A_241 = arith.muli %scan3A_183, %mul3A_240 : i32
      %add3A_242 = arith.constant 17280 : i32
      %add3A_243 = arith.addi %add3A_242, %mul3A_241 : i32
      %swap3A_244 = arith.index_cast %add3A_243 : i32 to index
      %swap3A_245 = tpu.vector_load %arg11[%swap3A_244] {strides = array<i32>} : memref<20480xf32, #tpu.memory_space<vmem>>, vector<16xf32>,
      tpu.vector_store %arg11[%swap3A_244], %gather3A_239 {strides = array<i32>} : memref<20480xf32, #tpu.memory_space<vmem>>, vector<16xf32>,
    }
    %scan3A_114 = arith.constant 8 : i32
    %scan3A_115 = arith.constant 0 : i32
    %scan3A_116 = arith.constant 8 : i32
    %scan3A_117 = arith.addi %scan3A_115, %scan3A_116 : i32
    %scan3A_118 = arith.constant 1 : i32
    scf.for %scan3A_183 = %scan3A_115 to %scan3A_117 step %scan3A_118  : i32 {
      %mul3A_184 = arith.constant 16 : i32
      %mul3A_185 = arith.muli %scan3A_183, %mul3A_184 : i32
      %add3A_186 = arith.constant 1024 : i32
      %add3A_187 = arith.addi %add3A_186, %mul3A_185 : i32
      %get3A = arith.index_cast %add3A_187 : i32 to index
      %get3A_188 = tpu.vector_load %arg9[%get3A] {strides = array<i32>} : memref<2560xi32, #tpu.memory_space<vmem>>, vector<16xi32>,
      %add3A_189 = arith.constant 22 : i32
      %add3A_190 = vector.broadcast %add3A_189 : i32 to vector<16xi32>
      %add3A_191 = arith.addi %get3A_188, %add3A_190 : vector<16xi32>
      %gather3A = tpu.vector_load_idx %arg10[%broadcast_in_dim3A_61, %add3A_191] : memref<8x40xf32, #tpu.memory_space<vmem>>[vector<16xi32>, vector<16xi32>], vector<16xf32>,
      %mul3A_192 = arith.constant 16 : i32
      %mul3A_193 = arith.muli %scan3A_183, %mul3A_192 : i32
      %add3A_194 = arith.constant 2048 : i32
      %add3A_195 = arith.addi %add3A_194, %mul3A_193 : i32
      %swap3A = arith.index_cast %add3A_195 : i32 to index
      %swap3A_196 = tpu.vector_load %arg11[%swap3A] {strides = array<i32>} : memref<20480xf32, #tpu.memory_space<vmem>>, vector<16xf32>,
      tpu.vector_store %arg11[%swap3A], %gather3A {strides = array<i32>} : memref<20480xf32, #tpu.memory_space<vmem>>, vector<16xf32>,
      %gather3A_197 = tpu.vector_load_idx %arg10[%broadcast_in_dim3A_63, %add3A_191] : memref<8x40xf32, #tpu.memory_space<vmem>>[vector<16xi32>, vector<16xi32>], vector<16xf32>,
      %mul3A_198 = arith.constant 16 : i32
      %mul3A_199 = arith.muli %scan3A_183, %mul3A_198 : i32
      %add3A_200 = arith.constant 2176 : i32
      %add3A_201 = arith.addi %add3A_200, %mul3A_199 : i32
      %swap3A_202 = arith.index_cast %add3A_201 : i32 to index
      %swap3A_203 = tpu.vector_load %arg11[%swap3A_202] {strides = array<i32>} : memref<20480xf32, #tpu.memory_space<vmem>>, vector<16xf32>,
      tpu.vector_store %arg11[%swap3A_202], %gather3A_197 {strides = array<i32>} : memref<20480xf32, #tpu.memory_space<vmem>>, vector<16xf32>,
      %gather3A_204 = tpu.vector_load_idx %arg10[%broadcast_in_dim3A_65, %add3A_191] : memref<8x40xf32, #tpu.memory_space<vmem>>[vector<16xi32>, vector<16xi32>], vector<16xf32>,
      %mul3A_205 = arith.constant 16 : i32
      %mul3A_206 = arith.muli %scan3A_183, %mul3A_205 : i32
      %add3A_207 = arith.constant 2304 : i32
      %add3A_208 = arith.addi %add3A_207, %mul3A_206 : i32
      %swap3A_209 = arith.index_cast %add3A_208 : i32 to index
      %swap3A_210 = tpu.vector_load %arg11[%swap3A_209] {strides = array<i32>} : memref<20480xf32, #tpu.memory_space<vmem>>, vector<16xf32>,
      tpu.vector_store %arg11[%swap3A_209], %gather3A_204 {strides = array<i32>} : memref<20480xf32, #tpu.memory_space<vmem>>, vector<16xf32>,
      %gather3A_211 = tpu.vector_load_idx %arg10[%broadcast_in_dim3A_67, %add3A_191] : memref<8x40xf32, #tpu.memory_space<vmem>>[vector<16xi32>, vector<16xi32>], vector<16xf32>,
      %mul3A_212 = arith.constant 16 : i32
      %mul3A_213 = arith.muli %scan3A_183, %mul3A_212 : i32
      %add3A_214 = arith.constant 2432 : i32
      %add3A_215 = arith.addi %add3A_214, %mul3A_213 : i32
      %swap3A_216 = arith.index_cast %add3A_215 : i32 to index
      %swap3A_217 = tpu.vector_load %arg11[%swap3A_216] {strides = array<i32>} : memref<20480xf32, #tpu.memory_space<vmem>>, vector<16xf32>,
      tpu.vector_store %arg11[%swap3A_216], %gather3A_211 {strides = array<i32>} : memref<20480xf32, #tpu.memory_space<vmem>>, vector<16xf32>,
      %gather3A_218 = tpu.vector_load_idx %arg10[%broadcast_in_dim3A_69, %add3A_191] : memref<8x40xf32, #tpu.memory_space<vmem>>[vector<16xi32>, vector<16xi32>], vector<16xf32>,
      %mul3A_219 = arith.constant 16 : i32
      %mul3A_220 = arith.muli %scan3A_183, %mul3A_219 : i32
      %add3A_221 = arith.constant 2560 : i32
      %add3A_222 = arith.addi %add3A_221, %mul3A_220 : i32
      %swap3A_223 = arith.index_cast %add3A_222 : i32 to index
      %swap3A_224 = tpu.vector_load %arg11[%swap3A_223] {strides = array<i32>} : memref<20480xf32, #tpu.memory_space<vmem>>, vector<16xf32>,
      tpu.vector_store %arg11[%swap3A_223], %gather3A_218 {strides = array<i32>} : memref<20480xf32, #tpu.memory_space<vmem>>, vector<16xf32>,
      %gather3A_225 = tpu.vector_load_idx %arg10[%broadcast_in_dim3A_71, %add3A_191] : memref<8x40xf32, #tpu.memory_space<vmem>>[vector<16xi32>, vector<16xi32>], vector<16xf32>,
      %mul3A_226 = arith.constant 16 : i32
      %mul3A_227 = arith.muli %scan3A_183, %mul3A_226 : i32
      %add3A_228 = arith.constant 2688 : i32
      %add3A_229 = arith.addi %add3A_228, %mul3A_227 : i32
      %swap3A_230 = arith.index_cast %add3A_229 : i32 to index
      %swap3A_231 = tpu.vector_load %arg11[%swap3A_230] {strides = array<i32>} : memref<20480xf32, #tpu.memory_space<vmem>>, vector<16xf32>,
      tpu.vector_store %arg11[%swap3A_230], %gather3A_225 {strides = array<i32>} : memref<20480xf32, #tpu.memory_space<vmem>>, vector<16xf32>,
      %gather3A_232 = tpu.vector_load_idx %arg10[%broadcast_in_dim3A_73, %add3A_191] : memref<8x40xf32, #tpu.memory_space<vmem>>[vector<16xi32>, vector<16xi32>], vector<16xf32>,
      %mul3A_233 = arith.constant 16 : i32
      %mul3A_234 = arith.muli %scan3A_183, %mul3A_233 : i32
      %add3A_235 = arith.constant 2816 : i32
      %add3A_236 = arith.addi %add3A_235, %mul3A_234 : i32
      %swap3A_237 = arith.index_cast %add3A_236 : i32 to index
      %swap3A_238 = tpu.vector_load %arg11[%swap3A_237] {strides = array<i32>} : memref<20480xf32, #tpu.memory_space<vmem>>, vector<16xf32>,
      tpu.vector_store %arg11[%swap3A_237], %gather3A_232 {strides = array<i32>} : memref<20480xf32, #tpu.memory_space<vmem>>, vector<16xf32>,
      %gather3A_239 = tpu.vector_load_idx %arg10[%broadcast_in_dim3A_75, %add3A_191] : memref<8x40xf32, #tpu.memory_space<vmem>>[vector<16xi32>, vector<16xi32>], vector<16xf32>,
      %mul3A_240 = arith.constant 16 : i32
      %mul3A_241 = arith.muli %scan3A_183, %mul3A_240 : i32
      %add3A_242 = arith.constant 2944 : i32
      %add3A_243 = arith.addi %add3A_242, %mul3A_241 : i32
      %swap3A_244 = arith.index_cast %add3A_243 : i32 to index
      %swap3A_245 = tpu.vector_load %arg11[%swap3A_244] {strides = array<i32>} : memref<20480xf32, #tpu.memory_space<vmem>>, vector<16xf32>,
      tpu.vector_store %arg11[%swap3A_244], %gather3A_239 {strides = array<i32>} : memref<20480xf32, #tpu.memory_space<vmem>>, vector<16xf32>,
    }
    %scan3A_119 = arith.constant 8 : i32
    %scan3A_120 = arith.constant 0 : i32
    %scan3A_121 = arith.constant 8 : i32
    %scan3A_122 = arith.addi %scan3A_120, %scan3A_121 : i32
    %scan3A_123 = arith.constant 1 : i32
    scf.for %scan3A_183 = %scan3A_120 to %scan3A_122 step %scan3A_123  : i32 {
      %mul3A_184 = arith.constant 16 : i32
      %mul3A_185 = arith.muli %scan3A_183, %mul3A_184 : i32
      %add3A_186 = arith.constant 1152 : i32
      %add3A_187 = arith.addi %add3A_186, %mul3A_185 : i32
      %get3A = arith.index_cast %add3A_187 : i32 to index
      %get3A_188 = tpu.vector_load %arg9[%get3A] {strides = array<i32>} : memref<2560xi32, #tpu.memory_space<vmem>>, vector<16xi32>,
      %add3A_189 = arith.constant 22 : i32
      %add3A_190 = vector.broadcast %add3A_189 : i32 to vector<16xi32>
      %add3A_191 = arith.addi %get3A_188, %add3A_190 : vector<16xi32>
      %gather3A = tpu.vector_load_idx %arg10[%broadcast_in_dim3A_61, %add3A_191] : memref<8x40xf32, #tpu.memory_space<vmem>>[vector<16xi32>, vector<16xi32>], vector<16xf32>,
      %mul3A_192 = arith.constant 16 : i32
      %mul3A_193 = arith.muli %scan3A_183, %mul3A_192 : i32
      %add3A_194 = arith.constant 7168 : i32
      %add3A_195 = arith.addi %add3A_194, %mul3A_193 : i32
      %swap3A = arith.index_cast %add3A_195 : i32 to index
      %swap3A_196 = tpu.vector_load %arg11[%swap3A] {strides = array<i32>} : memref<20480xf32, #tpu.memory_space<vmem>>, vector<16xf32>,
      tpu.vector_store %arg11[%swap3A], %gather3A {strides = array<i32>} : memref<20480xf32, #tpu.memory_space<vmem>>, vector<16xf32>,
      %gather3A_197 = tpu.vector_load_idx %arg10[%broadcast_in_dim3A_63, %add3A_191] : memref<8x40xf32, #tpu.memory_space<vmem>>[vector<16xi32>, vector<16xi32>], vector<16xf32>,
      %mul3A_198 = arith.constant 16 : i32
      %mul3A_199 = arith.muli %scan3A_183, %mul3A_198 : i32
      %add3A_200 = arith.constant 7296 : i32
      %add3A_201 = arith.addi %add3A_200, %mul3A_199 : i32
      %swap3A_202 = arith.index_cast %add3A_201 : i32 to index
      %swap3A_203 = tpu.vector_load %arg11[%swap3A_202] {strides = array<i32>} : memref<20480xf32, #tpu.memory_space<vmem>>, vector<16xf32>,
      tpu.vector_store %arg11[%swap3A_202], %gather3A_197 {strides = array<i32>} : memref<20480xf32, #tpu.memory_space<vmem>>, vector<16xf32>,
      %gather3A_204 = tpu.vector_load_idx %arg10[%broadcast_in_dim3A_65, %add3A_191] : memref<8x40xf32, #tpu.memory_space<vmem>>[vector<16xi32>, vector<16xi32>], vector<16xf32>,
      %mul3A_205 = arith.constant 16 : i32
      %mul3A_206 = arith.muli %scan3A_183, %mul3A_205 : i32
      %add3A_207 = arith.constant 7424 : i32
      %add3A_208 = arith.addi %add3A_207, %mul3A_206 : i32
      %swap3A_209 = arith.index_cast %add3A_208 : i32 to index
      %swap3A_210 = tpu.vector_load %arg11[%swap3A_209] {strides = array<i32>} : memref<20480xf32, #tpu.memory_space<vmem>>, vector<16xf32>,
      tpu.vector_store %arg11[%swap3A_209], %gather3A_204 {strides = array<i32>} : memref<20480xf32, #tpu.memory_space<vmem>>, vector<16xf32>,
      %gather3A_211 = tpu.vector_load_idx %arg10[%broadcast_in_dim3A_67, %add3A_191] : memref<8x40xf32, #tpu.memory_space<vmem>>[vector<16xi32>, vector<16xi32>], vector<16xf32>,
      %mul3A_212 = arith.constant 16 : i32
      %mul3A_213 = arith.muli %scan3A_183, %mul3A_212 : i32
      %add3A_214 = arith.constant 7552 : i32
      %add3A_215 = arith.addi %add3A_214, %mul3A_213 : i32
      %swap3A_216 = arith.index_cast %add3A_215 : i32 to index
      %swap3A_217 = tpu.vector_load %arg11[%swap3A_216] {strides = array<i32>} : memref<20480xf32, #tpu.memory_space<vmem>>, vector<16xf32>,
      tpu.vector_store %arg11[%swap3A_216], %gather3A_211 {strides = array<i32>} : memref<20480xf32, #tpu.memory_space<vmem>>, vector<16xf32>,
      %gather3A_218 = tpu.vector_load_idx %arg10[%broadcast_in_dim3A_69, %add3A_191] : memref<8x40xf32, #tpu.memory_space<vmem>>[vector<16xi32>, vector<16xi32>], vector<16xf32>,
      %mul3A_219 = arith.constant 16 : i32
      %mul3A_220 = arith.muli %scan3A_183, %mul3A_219 : i32
      %add3A_221 = arith.constant 7680 : i32
      %add3A_222 = arith.addi %add3A_221, %mul3A_220 : i32
      %swap3A_223 = arith.index_cast %add3A_222 : i32 to index
      %swap3A_224 = tpu.vector_load %arg11[%swap3A_223] {strides = array<i32>} : memref<20480xf32, #tpu.memory_space<vmem>>, vector<16xf32>,
      tpu.vector_store %arg11[%swap3A_223], %gather3A_218 {strides = array<i32>} : memref<20480xf32, #tpu.memory_space<vmem>>, vector<16xf32>,
      %gather3A_225 = tpu.vector_load_idx %arg10[%broadcast_in_dim3A_71, %add3A_191] : memref<8x40xf32, #tpu.memory_space<vmem>>[vector<16xi32>, vector<16xi32>], vector<16xf32>,
      %mul3A_226 = arith.constant 16 : i32
      %mul3A_227 = arith.muli %scan3A_183, %mul3A_226 : i32
      %add3A_228 = arith.constant 7808 : i32
      %add3A_229 = arith.addi %add3A_228, %mul3A_227 : i32
      %swap3A_230 = arith.index_cast %add3A_229 : i32 to index
      %swap3A_231 = tpu.vector_load %arg11[%swap3A_230] {strides = array<i32>} : memref<20480xf32, #tpu.memory_space<vmem>>, vector<16xf32>,
      tpu.vector_store %arg11[%swap3A_230], %gather3A_225 {strides = array<i32>} : memref<20480xf32, #tpu.memory_space<vmem>>, vector<16xf32>,
      %gather3A_232 = tpu.vector_load_idx %arg10[%broadcast_in_dim3A_73, %add3A_191] : memref<8x40xf32, #tpu.memory_space<vmem>>[vector<16xi32>, vector<16xi32>], vector<16xf32>,
      %mul3A_233 = arith.constant 16 : i32
      %mul3A_234 = arith.muli %scan3A_183, %mul3A_233 : i32
      %add3A_235 = arith.constant 7936 : i32
      %add3A_236 = arith.addi %add3A_235, %mul3A_234 : i32
      %swap3A_237 = arith.index_cast %add3A_236 : i32 to index
      %swap3A_238 = tpu.vector_load %arg11[%swap3A_237] {strides = array<i32>} : memref<20480xf32, #tpu.memory_space<vmem>>, vector<16xf32>,
      tpu.vector_store %arg11[%swap3A_237], %gather3A_232 {strides = array<i32>} : memref<20480xf32, #tpu.memory_space<vmem>>, vector<16xf32>,
      %gather3A_239 = tpu.vector_load_idx %arg10[%broadcast_in_dim3A_75, %add3A_191] : memref<8x40xf32, #tpu.memory_space<vmem>>[vector<16xi32>, vector<16xi32>], vector<16xf32>,
      %mul3A_240 = arith.constant 16 : i32
      %mul3A_241 = arith.muli %scan3A_183, %mul3A_240 : i32
      %add3A_242 = arith.constant 8064 : i32
      %add3A_243 = arith.addi %add3A_242, %mul3A_241 : i32
      %swap3A_244 = arith.index_cast %add3A_243 : i32 to index
      %swap3A_245 = tpu.vector_load %arg11[%swap3A_244] {strides = array<i32>} : memref<20480xf32, #tpu.memory_space<vmem>>, vector<16xf32>,
      tpu.vector_store %arg11[%swap3A_244], %gather3A_239 {strides = array<i32>} : memref<20480xf32, #tpu.memory_space<vmem>>, vector<16xf32>,
    }
    %scan3A_124 = arith.constant 8 : i32
    %scan3A_125 = arith.constant 0 : i32
    %scan3A_126 = arith.constant 8 : i32
    %scan3A_127 = arith.addi %scan3A_125, %scan3A_126 : i32
    %scan3A_128 = arith.constant 1 : i32
    scf.for %scan3A_183 = %scan3A_125 to %scan3A_127 step %scan3A_128  : i32 {
      %mul3A_184 = arith.constant 16 : i32
      %mul3A_185 = arith.muli %scan3A_183, %mul3A_184 : i32
      %add3A_186 = arith.constant 1280 : i32
      %add3A_187 = arith.addi %add3A_186, %mul3A_185 : i32
      %get3A = arith.index_cast %add3A_187 : i32 to index
      %get3A_188 = tpu.vector_load %arg9[%get3A] {strides = array<i32>} : memref<2560xi32, #tpu.memory_space<vmem>>, vector<16xi32>,
      %add3A_189 = arith.constant 22 : i32
      %add3A_190 = vector.broadcast %add3A_189 : i32 to vector<16xi32>
      %add3A_191 = arith.addi %get3A_188, %add3A_190 : vector<16xi32>
      %gather3A = tpu.vector_load_idx %arg10[%broadcast_in_dim3A_61, %add3A_191] : memref<8x40xf32, #tpu.memory_space<vmem>>[vector<16xi32>, vector<16xi32>], vector<16xf32>,
      %mul3A_192 = arith.constant 16 : i32
      %mul3A_193 = arith.muli %scan3A_183, %mul3A_192 : i32
      %add3A_194 = arith.constant 12288 : i32
      %add3A_195 = arith.addi %add3A_194, %mul3A_193 : i32
      %swap3A = arith.index_cast %add3A_195 : i32 to index
      %swap3A_196 = tpu.vector_load %arg11[%swap3A] {strides = array<i32>} : memref<20480xf32, #tpu.memory_space<vmem>>, vector<16xf32>,
      tpu.vector_store %arg11[%swap3A], %gather3A {strides = array<i32>} : memref<20480xf32, #tpu.memory_space<vmem>>, vector<16xf32>,
      %gather3A_197 = tpu.vector_load_idx %arg10[%broadcast_in_dim3A_63, %add3A_191] : memref<8x40xf32, #tpu.memory_space<vmem>>[vector<16xi32>, vector<16xi32>], vector<16xf32>,
      %mul3A_198 = arith.constant 16 : i32
      %mul3A_199 = arith.muli %scan3A_183, %mul3A_198 : i32
      %add3A_200 = arith.constant 12416 : i32
      %add3A_201 = arith.addi %add3A_200, %mul3A_199 : i32
      %swap3A_202 = arith.index_cast %add3A_201 : i32 to index
      %swap3A_203 = tpu.vector_load %arg11[%swap3A_202] {strides = array<i32>} : memref<20480xf32, #tpu.memory_space<vmem>>, vector<16xf32>,
      tpu.vector_store %arg11[%swap3A_202], %gather3A_197 {strides = array<i32>} : memref<20480xf32, #tpu.memory_space<vmem>>, vector<16xf32>,
      %gather3A_204 = tpu.vector_load_idx %arg10[%broadcast_in_dim3A_65, %add3A_191] : memref<8x40xf32, #tpu.memory_space<vmem>>[vector<16xi32>, vector<16xi32>], vector<16xf32>,
      %mul3A_205 = arith.constant 16 : i32
      %mul3A_206 = arith.muli %scan3A_183, %mul3A_205 : i32
      %add3A_207 = arith.constant 12544 : i32
      %add3A_208 = arith.addi %add3A_207, %mul3A_206 : i32
      %swap3A_209 = arith.index_cast %add3A_208 : i32 to index
      %swap3A_210 = tpu.vector_load %arg11[%swap3A_209] {strides = array<i32>} : memref<20480xf32, #tpu.memory_space<vmem>>, vector<16xf32>,
      tpu.vector_store %arg11[%swap3A_209], %gather3A_204 {strides = array<i32>} : memref<20480xf32, #tpu.memory_space<vmem>>, vector<16xf32>,
      %gather3A_211 = tpu.vector_load_idx %arg10[%broadcast_in_dim3A_67, %add3A_191] : memref<8x40xf32, #tpu.memory_space<vmem>>[vector<16xi32>, vector<16xi32>], vector<16xf32>,
      %mul3A_212 = arith.constant 16 : i32
      %mul3A_213 = arith.muli %scan3A_183, %mul3A_212 : i32
      %add3A_214 = arith.constant 12672 : i32
      %add3A_215 = arith.addi %add3A_214, %mul3A_213 : i32
      %swap3A_216 = arith.index_cast %add3A_215 : i32 to index
      %swap3A_217 = tpu.vector_load %arg11[%swap3A_216] {strides = array<i32>} : memref<20480xf32, #tpu.memory_space<vmem>>, vector<16xf32>,
      tpu.vector_store %arg11[%swap3A_216], %gather3A_211 {strides = array<i32>} : memref<20480xf32, #tpu.memory_space<vmem>>, vector<16xf32>,
      %gather3A_218 = tpu.vector_load_idx %arg10[%broadcast_in_dim3A_69, %add3A_191] : memref<8x40xf32, #tpu.memory_space<vmem>>[vector<16xi32>, vector<16xi32>], vector<16xf32>,
      %mul3A_219 = arith.constant 16 : i32
      %mul3A_220 = arith.muli %scan3A_183, %mul3A_219 : i32
      %add3A_221 = arith.constant 12800 : i32
      %add3A_222 = arith.addi %add3A_221, %mul3A_220 : i32
      %swap3A_223 = arith.index_cast %add3A_222 : i32 to index
      %swap3A_224 = tpu.vector_load %arg11[%swap3A_223] {strides = array<i32>} : memref<20480xf32, #tpu.memory_space<vmem>>, vector<16xf32>,
      tpu.vector_store %arg11[%swap3A_223], %gather3A_218 {strides = array<i32>} : memref<20480xf32, #tpu.memory_space<vmem>>, vector<16xf32>,
      %gather3A_225 = tpu.vector_load_idx %arg10[%broadcast_in_dim3A_71, %add3A_191] : memref<8x40xf32, #tpu.memory_space<vmem>>[vector<16xi32>, vector<16xi32>], vector<16xf32>,
      %mul3A_226 = arith.constant 16 : i32
      %mul3A_227 = arith.muli %scan3A_183, %mul3A_226 : i32
      %add3A_228 = arith.constant 12928 : i32
      %add3A_229 = arith.addi %add3A_228, %mul3A_227 : i32
      %swap3A_230 = arith.index_cast %add3A_229 : i32 to index
      %swap3A_231 = tpu.vector_load %arg11[%swap3A_230] {strides = array<i32>} : memref<20480xf32, #tpu.memory_space<vmem>>, vector<16xf32>,
      tpu.vector_store %arg11[%swap3A_230], %gather3A_225 {strides = array<i32>} : memref<20480xf32, #tpu.memory_space<vmem>>, vector<16xf32>,
      %gather3A_232 = tpu.vector_load_idx %arg10[%broadcast_in_dim3A_73, %add3A_191] : memref<8x40xf32, #tpu.memory_space<vmem>>[vector<16xi32>, vector<16xi32>], vector<16xf32>,
      %mul3A_233 = arith.constant 16 : i32
      %mul3A_234 = arith.muli %scan3A_183, %mul3A_233 : i32
      %add3A_235 = arith.constant 13056 : i32
      %add3A_236 = arith.addi %add3A_235, %mul3A_234 : i32
      %swap3A_237 = arith.index_cast %add3A_236 : i32 to index
      %swap3A_238 = tpu.vector_load %arg11[%swap3A_237] {strides = array<i32>} : memref<20480xf32, #tpu.memory_space<vmem>>, vector<16xf32>,
      tpu.vector_store %arg11[%swap3A_237], %gather3A_232 {strides = array<i32>} : memref<20480xf32, #tpu.memory_space<vmem>>, vector<16xf32>,
      %gather3A_239 = tpu.vector_load_idx %arg10[%broadcast_in_dim3A_75, %add3A_191] : memref<8x40xf32, #tpu.memory_space<vmem>>[vector<16xi32>, vector<16xi32>], vector<16xf32>,
      %mul3A_240 = arith.constant 16 : i32
      %mul3A_241 = arith.muli %scan3A_183, %mul3A_240 : i32
      %add3A_242 = arith.constant 13184 : i32
      %add3A_243 = arith.addi %add3A_242, %mul3A_241 : i32
      %swap3A_244 = arith.index_cast %add3A_243 : i32 to index
      %swap3A_245 = tpu.vector_load %arg11[%swap3A_244] {strides = array<i32>} : memref<20480xf32, #tpu.memory_space<vmem>>, vector<16xf32>,
      tpu.vector_store %arg11[%swap3A_244], %gather3A_239 {strides = array<i32>} : memref<20480xf32, #tpu.memory_space<vmem>>, vector<16xf32>,
    }
    %scan3A_129 = arith.constant 8 : i32
    %scan3A_130 = arith.constant 0 : i32
    %scan3A_131 = arith.constant 8 : i32
    %scan3A_132 = arith.addi %scan3A_130, %scan3A_131 : i32
    %scan3A_133 = arith.constant 1 : i32
    scf.for %scan3A_183 = %scan3A_130 to %scan3A_132 step %scan3A_133  : i32 {
      %mul3A_184 = arith.constant 16 : i32
      %mul3A_185 = arith.muli %scan3A_183, %mul3A_184 : i32
      %add3A_186 = arith.constant 1408 : i32
      %add3A_187 = arith.addi %add3A_186, %mul3A_185 : i32
      %get3A = arith.index_cast %add3A_187 : i32 to index
      %get3A_188 = tpu.vector_load %arg9[%get3A] {strides = array<i32>} : memref<2560xi32, #tpu.memory_space<vmem>>, vector<16xi32>,
      %add3A_189 = arith.constant 22 : i32
      %add3A_190 = vector.broadcast %add3A_189 : i32 to vector<16xi32>
      %add3A_191 = arith.addi %get3A_188, %add3A_190 : vector<16xi32>
      %gather3A = tpu.vector_load_idx %arg10[%broadcast_in_dim3A_61, %add3A_191] : memref<8x40xf32, #tpu.memory_space<vmem>>[vector<16xi32>, vector<16xi32>], vector<16xf32>,
      %mul3A_192 = arith.constant 16 : i32
      %mul3A_193 = arith.muli %scan3A_183, %mul3A_192 : i32
      %add3A_194 = arith.constant 17408 : i32
      %add3A_195 = arith.addi %add3A_194, %mul3A_193 : i32
      %swap3A = arith.index_cast %add3A_195 : i32 to index
      %swap3A_196 = tpu.vector_load %arg11[%swap3A] {strides = array<i32>} : memref<20480xf32, #tpu.memory_space<vmem>>, vector<16xf32>,
      tpu.vector_store %arg11[%swap3A], %gather3A {strides = array<i32>} : memref<20480xf32, #tpu.memory_space<vmem>>, vector<16xf32>,
      %gather3A_197 = tpu.vector_load_idx %arg10[%broadcast_in_dim3A_63, %add3A_191] : memref<8x40xf32, #tpu.memory_space<vmem>>[vector<16xi32>, vector<16xi32>], vector<16xf32>,
      %mul3A_198 = arith.constant 16 : i32
      %mul3A_199 = arith.muli %scan3A_183, %mul3A_198 : i32
      %add3A_200 = arith.constant 17536 : i32
      %add3A_201 = arith.addi %add3A_200, %mul3A_199 : i32
      %swap3A_202 = arith.index_cast %add3A_201 : i32 to index
      %swap3A_203 = tpu.vector_load %arg11[%swap3A_202] {strides = array<i32>} : memref<20480xf32, #tpu.memory_space<vmem>>, vector<16xf32>,
      tpu.vector_store %arg11[%swap3A_202], %gather3A_197 {strides = array<i32>} : memref<20480xf32, #tpu.memory_space<vmem>>, vector<16xf32>,
      %gather3A_204 = tpu.vector_load_idx %arg10[%broadcast_in_dim3A_65, %add3A_191] : memref<8x40xf32, #tpu.memory_space<vmem>>[vector<16xi32>, vector<16xi32>], vector<16xf32>,
      %mul3A_205 = arith.constant 16 : i32
      %mul3A_206 = arith.muli %scan3A_183, %mul3A_205 : i32
      %add3A_207 = arith.constant 17664 : i32
      %add3A_208 = arith.addi %add3A_207, %mul3A_206 : i32
      %swap3A_209 = arith.index_cast %add3A_208 : i32 to index
      %swap3A_210 = tpu.vector_load %arg11[%swap3A_209] {strides = array<i32>} : memref<20480xf32, #tpu.memory_space<vmem>>, vector<16xf32>,
      tpu.vector_store %arg11[%swap3A_209], %gather3A_204 {strides = array<i32>} : memref<20480xf32, #tpu.memory_space<vmem>>, vector<16xf32>,
      %gather3A_211 = tpu.vector_load_idx %arg10[%broadcast_in_dim3A_67, %add3A_191] : memref<8x40xf32, #tpu.memory_space<vmem>>[vector<16xi32>, vector<16xi32>], vector<16xf32>,
      %mul3A_212 = arith.constant 16 : i32
      %mul3A_213 = arith.muli %scan3A_183, %mul3A_212 : i32
      %add3A_214 = arith.constant 17792 : i32
      %add3A_215 = arith.addi %add3A_214, %mul3A_213 : i32
      %swap3A_216 = arith.index_cast %add3A_215 : i32 to index
      %swap3A_217 = tpu.vector_load %arg11[%swap3A_216] {strides = array<i32>} : memref<20480xf32, #tpu.memory_space<vmem>>, vector<16xf32>,
      tpu.vector_store %arg11[%swap3A_216], %gather3A_211 {strides = array<i32>} : memref<20480xf32, #tpu.memory_space<vmem>>, vector<16xf32>,
      %gather3A_218 = tpu.vector_load_idx %arg10[%broadcast_in_dim3A_69, %add3A_191] : memref<8x40xf32, #tpu.memory_space<vmem>>[vector<16xi32>, vector<16xi32>], vector<16xf32>,
      %mul3A_219 = arith.constant 16 : i32
      %mul3A_220 = arith.muli %scan3A_183, %mul3A_219 : i32
      %add3A_221 = arith.constant 17920 : i32
      %add3A_222 = arith.addi %add3A_221, %mul3A_220 : i32
      %swap3A_223 = arith.index_cast %add3A_222 : i32 to index
      %swap3A_224 = tpu.vector_load %arg11[%swap3A_223] {strides = array<i32>} : memref<20480xf32, #tpu.memory_space<vmem>>, vector<16xf32>,
      tpu.vector_store %arg11[%swap3A_223], %gather3A_218 {strides = array<i32>} : memref<20480xf32, #tpu.memory_space<vmem>>, vector<16xf32>,
      %gather3A_225 = tpu.vector_load_idx %arg10[%broadcast_in_dim3A_71, %add3A_191] : memref<8x40xf32, #tpu.memory_space<vmem>>[vector<16xi32>, vector<16xi32>], vector<16xf32>,
      %mul3A_226 = arith.constant 16 : i32
      %mul3A_227 = arith.muli %scan3A_183, %mul3A_226 : i32
      %add3A_228 = arith.constant 18048 : i32
      %add3A_229 = arith.addi %add3A_228, %mul3A_227 : i32
      %swap3A_230 = arith.index_cast %add3A_229 : i32 to index
      %swap3A_231 = tpu.vector_load %arg11[%swap3A_230] {strides = array<i32>} : memref<20480xf32, #tpu.memory_space<vmem>>, vector<16xf32>,
      tpu.vector_store %arg11[%swap3A_230], %gather3A_225 {strides = array<i32>} : memref<20480xf32, #tpu.memory_space<vmem>>, vector<16xf32>,
      %gather3A_232 = tpu.vector_load_idx %arg10[%broadcast_in_dim3A_73, %add3A_191] : memref<8x40xf32, #tpu.memory_space<vmem>>[vector<16xi32>, vector<16xi32>], vector<16xf32>,
      %mul3A_233 = arith.constant 16 : i32
      %mul3A_234 = arith.muli %scan3A_183, %mul3A_233 : i32
      %add3A_235 = arith.constant 18176 : i32
      %add3A_236 = arith.addi %add3A_235, %mul3A_234 : i32
      %swap3A_237 = arith.index_cast %add3A_236 : i32 to index
      %swap3A_238 = tpu.vector_load %arg11[%swap3A_237] {strides = array<i32>} : memref<20480xf32, #tpu.memory_space<vmem>>, vector<16xf32>,
      tpu.vector_store %arg11[%swap3A_237], %gather3A_232 {strides = array<i32>} : memref<20480xf32, #tpu.memory_space<vmem>>, vector<16xf32>,
      %gather3A_239 = tpu.vector_load_idx %arg10[%broadcast_in_dim3A_75, %add3A_191] : memref<8x40xf32, #tpu.memory_space<vmem>>[vector<16xi32>, vector<16xi32>], vector<16xf32>,
      %mul3A_240 = arith.constant 16 : i32
      %mul3A_241 = arith.muli %scan3A_183, %mul3A_240 : i32
      %add3A_242 = arith.constant 18304 : i32
      %add3A_243 = arith.addi %add3A_242, %mul3A_241 : i32
      %swap3A_244 = arith.index_cast %add3A_243 : i32 to index
      %swap3A_245 = tpu.vector_load %arg11[%swap3A_244] {strides = array<i32>} : memref<20480xf32, #tpu.memory_space<vmem>>, vector<16xf32>,
      tpu.vector_store %arg11[%swap3A_244], %gather3A_239 {strides = array<i32>} : memref<20480xf32, #tpu.memory_space<vmem>>, vector<16xf32>,
    }
    %scan3A_134 = arith.constant 8 : i32
    %scan3A_135 = arith.constant 0 : i32
    %scan3A_136 = arith.constant 8 : i32
    %scan3A_137 = arith.addi %scan3A_135, %scan3A_136 : i32
    %scan3A_138 = arith.constant 1 : i32
    scf.for %scan3A_183 = %scan3A_135 to %scan3A_137 step %scan3A_138  : i32 {
      %mul3A_184 = arith.constant 16 : i32
      %mul3A_185 = arith.muli %scan3A_183, %mul3A_184 : i32
      %add3A_186 = arith.constant 1536 : i32
      %add3A_187 = arith.addi %add3A_186, %mul3A_185 : i32
      %get3A = arith.index_cast %add3A_187 : i32 to index
      %get3A_188 = tpu.vector_load %arg9[%get3A] {strides = array<i32>} : memref<2560xi32, #tpu.memory_space<vmem>>, vector<16xi32>,
      %add3A_189 = arith.constant 25 : i32
      %add3A_190 = vector.broadcast %add3A_189 : i32 to vector<16xi32>
      %add3A_191 = arith.addi %get3A_188, %add3A_190 : vector<16xi32>
      %gather3A = tpu.vector_load_idx %arg10[%broadcast_in_dim3A_61, %add3A_191] : memref<8x40xf32, #tpu.memory_space<vmem>>[vector<16xi32>, vector<16xi32>], vector<16xf32>,
      %mul3A_192 = arith.constant 16 : i32
      %mul3A_193 = arith.muli %scan3A_183, %mul3A_192 : i32
      %add3A_194 = arith.constant 3072 : i32
      %add3A_195 = arith.addi %add3A_194, %mul3A_193 : i32
      %swap3A = arith.index_cast %add3A_195 : i32 to index
      %swap3A_196 = tpu.vector_load %arg11[%swap3A] {strides = array<i32>} : memref<20480xf32, #tpu.memory_space<vmem>>, vector<16xf32>,
      tpu.vector_store %arg11[%swap3A], %gather3A {strides = array<i32>} : memref<20480xf32, #tpu.memory_space<vmem>>, vector<16xf32>,
      %gather3A_197 = tpu.vector_load_idx %arg10[%broadcast_in_dim3A_63, %add3A_191] : memref<8x40xf32, #tpu.memory_space<vmem>>[vector<16xi32>, vector<16xi32>], vector<16xf32>,
      %mul3A_198 = arith.constant 16 : i32
      %mul3A_199 = arith.muli %scan3A_183, %mul3A_198 : i32
      %add3A_200 = arith.constant 3200 : i32
      %add3A_201 = arith.addi %add3A_200, %mul3A_199 : i32
      %swap3A_202 = arith.index_cast %add3A_201 : i32 to index
      %swap3A_203 = tpu.vector_load %arg11[%swap3A_202] {strides = array<i32>} : memref<20480xf32, #tpu.memory_space<vmem>>, vector<16xf32>,
      tpu.vector_store %arg11[%swap3A_202], %gather3A_197 {strides = array<i32>} : memref<20480xf32, #tpu.memory_space<vmem>>, vector<16xf32>,
      %gather3A_204 = tpu.vector_load_idx %arg10[%broadcast_in_dim3A_65, %add3A_191] : memref<8x40xf32, #tpu.memory_space<vmem>>[vector<16xi32>, vector<16xi32>], vector<16xf32>,
      %mul3A_205 = arith.constant 16 : i32
      %mul3A_206 = arith.muli %scan3A_183, %mul3A_205 : i32
      %add3A_207 = arith.constant 3328 : i32
      %add3A_208 = arith.addi %add3A_207, %mul3A_206 : i32
      %swap3A_209 = arith.index_cast %add3A_208 : i32 to index
      %swap3A_210 = tpu.vector_load %arg11[%swap3A_209] {strides = array<i32>} : memref<20480xf32, #tpu.memory_space<vmem>>, vector<16xf32>,
      tpu.vector_store %arg11[%swap3A_209], %gather3A_204 {strides = array<i32>} : memref<20480xf32, #tpu.memory_space<vmem>>, vector<16xf32>,
      %gather3A_211 = tpu.vector_load_idx %arg10[%broadcast_in_dim3A_67, %add3A_191] : memref<8x40xf32, #tpu.memory_space<vmem>>[vector<16xi32>, vector<16xi32>], vector<16xf32>,
      %mul3A_212 = arith.constant 16 : i32
      %mul3A_213 = arith.muli %scan3A_183, %mul3A_212 : i32
      %add3A_214 = arith.constant 3456 : i32
      %add3A_215 = arith.addi %add3A_214, %mul3A_213 : i32
      %swap3A_216 = arith.index_cast %add3A_215 : i32 to index
      %swap3A_217 = tpu.vector_load %arg11[%swap3A_216] {strides = array<i32>} : memref<20480xf32, #tpu.memory_space<vmem>>, vector<16xf32>,
      tpu.vector_store %arg11[%swap3A_216], %gather3A_211 {strides = array<i32>} : memref<20480xf32, #tpu.memory_space<vmem>>, vector<16xf32>,
      %gather3A_218 = tpu.vector_load_idx %arg10[%broadcast_in_dim3A_69, %add3A_191] : memref<8x40xf32, #tpu.memory_space<vmem>>[vector<16xi32>, vector<16xi32>], vector<16xf32>,
      %mul3A_219 = arith.constant 16 : i32
      %mul3A_220 = arith.muli %scan3A_183, %mul3A_219 : i32
      %add3A_221 = arith.constant 3584 : i32
      %add3A_222 = arith.addi %add3A_221, %mul3A_220 : i32
      %swap3A_223 = arith.index_cast %add3A_222 : i32 to index
      %swap3A_224 = tpu.vector_load %arg11[%swap3A_223] {strides = array<i32>} : memref<20480xf32, #tpu.memory_space<vmem>>, vector<16xf32>,
      tpu.vector_store %arg11[%swap3A_223], %gather3A_218 {strides = array<i32>} : memref<20480xf32, #tpu.memory_space<vmem>>, vector<16xf32>,
      %gather3A_225 = tpu.vector_load_idx %arg10[%broadcast_in_dim3A_71, %add3A_191] : memref<8x40xf32, #tpu.memory_space<vmem>>[vector<16xi32>, vector<16xi32>], vector<16xf32>,
      %mul3A_226 = arith.constant 16 : i32
      %mul3A_227 = arith.muli %scan3A_183, %mul3A_226 : i32
      %add3A_228 = arith.constant 3712 : i32
      %add3A_229 = arith.addi %add3A_228, %mul3A_227 : i32
      %swap3A_230 = arith.index_cast %add3A_229 : i32 to index
      %swap3A_231 = tpu.vector_load %arg11[%swap3A_230] {strides = array<i32>} : memref<20480xf32, #tpu.memory_space<vmem>>, vector<16xf32>,
      tpu.vector_store %arg11[%swap3A_230], %gather3A_225 {strides = array<i32>} : memref<20480xf32, #tpu.memory_space<vmem>>, vector<16xf32>,
      %gather3A_232 = tpu.vector_load_idx %arg10[%broadcast_in_dim3A_73, %add3A_191] : memref<8x40xf32, #tpu.memory_space<vmem>>[vector<16xi32>, vector<16xi32>], vector<16xf32>,
      %mul3A_233 = arith.constant 16 : i32
      %mul3A_234 = arith.muli %scan3A_183, %mul3A_233 : i32
      %add3A_235 = arith.constant 3840 : i32
      %add3A_236 = arith.addi %add3A_235, %mul3A_234 : i32
      %swap3A_237 = arith.index_cast %add3A_236 : i32 to index
      %swap3A_238 = tpu.vector_load %arg11[%swap3A_237] {strides = array<i32>} : memref<20480xf32, #tpu.memory_space<vmem>>, vector<16xf32>,
      tpu.vector_store %arg11[%swap3A_237], %gather3A_232 {strides = array<i32>} : memref<20480xf32, #tpu.memory_space<vmem>>, vector<16xf32>,
      %gather3A_239 = tpu.vector_load_idx %arg10[%broadcast_in_dim3A_75, %add3A_191] : memref<8x40xf32, #tpu.memory_space<vmem>>[vector<16xi32>, vector<16xi32>], vector<16xf32>,
      %mul3A_240 = arith.constant 16 : i32
      %mul3A_241 = arith.muli %scan3A_183, %mul3A_240 : i32
      %add3A_242 = arith.constant 3968 : i32
      %add3A_243 = arith.addi %add3A_242, %mul3A_241 : i32
      %swap3A_244 = arith.index_cast %add3A_243 : i32 to index
      %swap3A_245 = tpu.vector_load %arg11[%swap3A_244] {strides = array<i32>} : memref<20480xf32, #tpu.memory_space<vmem>>, vector<16xf32>,
      tpu.vector_store %arg11[%swap3A_244], %gather3A_239 {strides = array<i32>} : memref<20480xf32, #tpu.memory_space<vmem>>, vector<16xf32>,
    }
    %scan3A_139 = arith.constant 8 : i32
    %scan3A_140 = arith.constant 0 : i32
    %scan3A_141 = arith.constant 8 : i32
    %scan3A_142 = arith.addi %scan3A_140, %scan3A_141 : i32
    %scan3A_143 = arith.constant 1 : i32
    scf.for %scan3A_183 = %scan3A_140 to %scan3A_142 step %scan3A_143  : i32 {
      %mul3A_184 = arith.constant 16 : i32
      %mul3A_185 = arith.muli %scan3A_183, %mul3A_184 : i32
      %add3A_186 = arith.constant 1664 : i32
      %add3A_187 = arith.addi %add3A_186, %mul3A_185 : i32
      %get3A = arith.index_cast %add3A_187 : i32 to index
      %get3A_188 = tpu.vector_load %arg9[%get3A] {strides = array<i32>} : memref<2560xi32, #tpu.memory_space<vmem>>, vector<16xi32>,
      %add3A_189 = arith.constant 25 : i32
      %add3A_190 = vector.broadcast %add3A_189 : i32 to vector<16xi32>
      %add3A_191 = arith.addi %get3A_188, %add3A_190 : vector<16xi32>
      %gather3A = tpu.vector_load_idx %arg10[%broadcast_in_dim3A_61, %add3A_191] : memref<8x40xf32, #tpu.memory_space<vmem>>[vector<16xi32>, vector<16xi32>], vector<16xf32>,
      %mul3A_192 = arith.constant 16 : i32
      %mul3A_193 = arith.muli %scan3A_183, %mul3A_192 : i32
      %add3A_194 = arith.constant 8192 : i32
      %add3A_195 = arith.addi %add3A_194, %mul3A_193 : i32
      %swap3A = arith.index_cast %add3A_195 : i32 to index
      %swap3A_196 = tpu.vector_load %arg11[%swap3A] {strides = array<i32>} : memref<20480xf32, #tpu.memory_space<vmem>>, vector<16xf32>,
      tpu.vector_store %arg11[%swap3A], %gather3A {strides = array<i32>} : memref<20480xf32, #tpu.memory_space<vmem>>, vector<16xf32>,
      %gather3A_197 = tpu.vector_load_idx %arg10[%broadcast_in_dim3A_63, %add3A_191] : memref<8x40xf32, #tpu.memory_space<vmem>>[vector<16xi32>, vector<16xi32>], vector<16xf32>,
      %mul3A_198 = arith.constant 16 : i32
      %mul3A_199 = arith.muli %scan3A_183, %mul3A_198 : i32
      %add3A_200 = arith.constant 8320 : i32
      %add3A_201 = arith.addi %add3A_200, %mul3A_199 : i32
      %swap3A_202 = arith.index_cast %add3A_201 : i32 to index
      %swap3A_203 = tpu.vector_load %arg11[%swap3A_202] {strides = array<i32>} : memref<20480xf32, #tpu.memory_space<vmem>>, vector<16xf32>,
      tpu.vector_store %arg11[%swap3A_202], %gather3A_197 {strides = array<i32>} : memref<20480xf32, #tpu.memory_space<vmem>>, vector<16xf32>,
      %gather3A_204 = tpu.vector_load_idx %arg10[%broadcast_in_dim3A_65, %add3A_191] : memref<8x40xf32, #tpu.memory_space<vmem>>[vector<16xi32>, vector<16xi32>], vector<16xf32>,
      %mul3A_205 = arith.constant 16 : i32
      %mul3A_206 = arith.muli %scan3A_183, %mul3A_205 : i32
      %add3A_207 = arith.constant 8448 : i32
      %add3A_208 = arith.addi %add3A_207, %mul3A_206 : i32
      %swap3A_209 = arith.index_cast %add3A_208 : i32 to index
      %swap3A_210 = tpu.vector_load %arg11[%swap3A_209] {strides = array<i32>} : memref<20480xf32, #tpu.memory_space<vmem>>, vector<16xf32>,
      tpu.vector_store %arg11[%swap3A_209], %gather3A_204 {strides = array<i32>} : memref<20480xf32, #tpu.memory_space<vmem>>, vector<16xf32>,
      %gather3A_211 = tpu.vector_load_idx %arg10[%broadcast_in_dim3A_67, %add3A_191] : memref<8x40xf32, #tpu.memory_space<vmem>>[vector<16xi32>, vector<16xi32>], vector<16xf32>,
      %mul3A_212 = arith.constant 16 : i32
      %mul3A_213 = arith.muli %scan3A_183, %mul3A_212 : i32
      %add3A_214 = arith.constant 8576 : i32
      %add3A_215 = arith.addi %add3A_214, %mul3A_213 : i32
      %swap3A_216 = arith.index_cast %add3A_215 : i32 to index
      %swap3A_217 = tpu.vector_load %arg11[%swap3A_216] {strides = array<i32>} : memref<20480xf32, #tpu.memory_space<vmem>>, vector<16xf32>,
      tpu.vector_store %arg11[%swap3A_216], %gather3A_211 {strides = array<i32>} : memref<20480xf32, #tpu.memory_space<vmem>>, vector<16xf32>,
      %gather3A_218 = tpu.vector_load_idx %arg10[%broadcast_in_dim3A_69, %add3A_191] : memref<8x40xf32, #tpu.memory_space<vmem>>[vector<16xi32>, vector<16xi32>], vector<16xf32>,
      %mul3A_219 = arith.constant 16 : i32
      %mul3A_220 = arith.muli %scan3A_183, %mul3A_219 : i32
      %add3A_221 = arith.constant 8704 : i32
      %add3A_222 = arith.addi %add3A_221, %mul3A_220 : i32
      %swap3A_223 = arith.index_cast %add3A_222 : i32 to index
      %swap3A_224 = tpu.vector_load %arg11[%swap3A_223] {strides = array<i32>} : memref<20480xf32, #tpu.memory_space<vmem>>, vector<16xf32>,
      tpu.vector_store %arg11[%swap3A_223], %gather3A_218 {strides = array<i32>} : memref<20480xf32, #tpu.memory_space<vmem>>, vector<16xf32>,
      %gather3A_225 = tpu.vector_load_idx %arg10[%broadcast_in_dim3A_71, %add3A_191] : memref<8x40xf32, #tpu.memory_space<vmem>>[vector<16xi32>, vector<16xi32>], vector<16xf32>,
      %mul3A_226 = arith.constant 16 : i32
      %mul3A_227 = arith.muli %scan3A_183, %mul3A_226 : i32
      %add3A_228 = arith.constant 8832 : i32
      %add3A_229 = arith.addi %add3A_228, %mul3A_227 : i32
      %swap3A_230 = arith.index_cast %add3A_229 : i32 to index
      %swap3A_231 = tpu.vector_load %arg11[%swap3A_230] {strides = array<i32>} : memref<20480xf32, #tpu.memory_space<vmem>>, vector<16xf32>,
      tpu.vector_store %arg11[%swap3A_230], %gather3A_225 {strides = array<i32>} : memref<20480xf32, #tpu.memory_space<vmem>>, vector<16xf32>,
      %gather3A_232 = tpu.vector_load_idx %arg10[%broadcast_in_dim3A_73, %add3A_191] : memref<8x40xf32, #tpu.memory_space<vmem>>[vector<16xi32>, vector<16xi32>], vector<16xf32>,
      %mul3A_233 = arith.constant 16 : i32
      %mul3A_234 = arith.muli %scan3A_183, %mul3A_233 : i32
      %add3A_235 = arith.constant 8960 : i32
      %add3A_236 = arith.addi %add3A_235, %mul3A_234 : i32
      %swap3A_237 = arith.index_cast %add3A_236 : i32 to index
      %swap3A_238 = tpu.vector_load %arg11[%swap3A_237] {strides = array<i32>} : memref<20480xf32, #tpu.memory_space<vmem>>, vector<16xf32>,
      tpu.vector_store %arg11[%swap3A_237], %gather3A_232 {strides = array<i32>} : memref<20480xf32, #tpu.memory_space<vmem>>, vector<16xf32>,
      %gather3A_239 = tpu.vector_load_idx %arg10[%broadcast_in_dim3A_75, %add3A_191] : memref<8x40xf32, #tpu.memory_space<vmem>>[vector<16xi32>, vector<16xi32>], vector<16xf32>,
      %mul3A_240 = arith.constant 16 : i32
      %mul3A_241 = arith.muli %scan3A_183, %mul3A_240 : i32
      %add3A_242 = arith.constant 9088 : i32
      %add3A_243 = arith.addi %add3A_242, %mul3A_241 : i32
      %swap3A_244 = arith.index_cast %add3A_243 : i32 to index
      %swap3A_245 = tpu.vector_load %arg11[%swap3A_244] {strides = array<i32>} : memref<20480xf32, #tpu.memory_space<vmem>>, vector<16xf32>,
      tpu.vector_store %arg11[%swap3A_244], %gather3A_239 {strides = array<i32>} : memref<20480xf32, #tpu.memory_space<vmem>>, vector<16xf32>,
    }
    %scan3A_144 = arith.constant 8 : i32
    %scan3A_145 = arith.constant 0 : i32
    %scan3A_146 = arith.constant 8 : i32
    %scan3A_147 = arith.addi %scan3A_145, %scan3A_146 : i32
    %scan3A_148 = arith.constant 1 : i32
    scf.for %scan3A_183 = %scan3A_145 to %scan3A_147 step %scan3A_148  : i32 {
      %mul3A_184 = arith.constant 16 : i32
      %mul3A_185 = arith.muli %scan3A_183, %mul3A_184 : i32
      %add3A_186 = arith.constant 1792 : i32
      %add3A_187 = arith.addi %add3A_186, %mul3A_185 : i32
      %get3A = arith.index_cast %add3A_187 : i32 to index
      %get3A_188 = tpu.vector_load %arg9[%get3A] {strides = array<i32>} : memref<2560xi32, #tpu.memory_space<vmem>>, vector<16xi32>,
      %add3A_189 = arith.constant 25 : i32
      %add3A_190 = vector.broadcast %add3A_189 : i32 to vector<16xi32>
      %add3A_191 = arith.addi %get3A_188, %add3A_190 : vector<16xi32>
      %gather3A = tpu.vector_load_idx %arg10[%broadcast_in_dim3A_61, %add3A_191] : memref<8x40xf32, #tpu.memory_space<vmem>>[vector<16xi32>, vector<16xi32>], vector<16xf32>,
      %mul3A_192 = arith.constant 16 : i32
      %mul3A_193 = arith.muli %scan3A_183, %mul3A_192 : i32
      %add3A_194 = arith.constant 13312 : i32
      %add3A_195 = arith.addi %add3A_194, %mul3A_193 : i32
      %swap3A = arith.index_cast %add3A_195 : i32 to index
      %swap3A_196 = tpu.vector_load %arg11[%swap3A] {strides = array<i32>} : memref<20480xf32, #tpu.memory_space<vmem>>, vector<16xf32>,
      tpu.vector_store %arg11[%swap3A], %gather3A {strides = array<i32>} : memref<20480xf32, #tpu.memory_space<vmem>>, vector<16xf32>,
      %gather3A_197 = tpu.vector_load_idx %arg10[%broadcast_in_dim3A_63, %add3A_191] : memref<8x40xf32, #tpu.memory_space<vmem>>[vector<16xi32>, vector<16xi32>], vector<16xf32>,
      %mul3A_198 = arith.constant 16 : i32
      %mul3A_199 = arith.muli %scan3A_183, %mul3A_198 : i32
      %add3A_200 = arith.constant 13440 : i32
      %add3A_201 = arith.addi %add3A_200, %mul3A_199 : i32
      %swap3A_202 = arith.index_cast %add3A_201 : i32 to index
      %swap3A_203 = tpu.vector_load %arg11[%swap3A_202] {strides = array<i32>} : memref<20480xf32, #tpu.memory_space<vmem>>, vector<16xf32>,
      tpu.vector_store %arg11[%swap3A_202], %gather3A_197 {strides = array<i32>} : memref<20480xf32, #tpu.memory_space<vmem>>, vector<16xf32>,
      %gather3A_204 = tpu.vector_load_idx %arg10[%broadcast_in_dim3A_65, %add3A_191] : memref<8x40xf32, #tpu.memory_space<vmem>>[vector<16xi32>, vector<16xi32>], vector<16xf32>,
      %mul3A_205 = arith.constant 16 : i32
      %mul3A_206 = arith.muli %scan3A_183, %mul3A_205 : i32
      %add3A_207 = arith.constant 13568 : i32
      %add3A_208 = arith.addi %add3A_207, %mul3A_206 : i32
      %swap3A_209 = arith.index_cast %add3A_208 : i32 to index
      %swap3A_210 = tpu.vector_load %arg11[%swap3A_209] {strides = array<i32>} : memref<20480xf32, #tpu.memory_space<vmem>>, vector<16xf32>,
      tpu.vector_store %arg11[%swap3A_209], %gather3A_204 {strides = array<i32>} : memref<20480xf32, #tpu.memory_space<vmem>>, vector<16xf32>,
      %gather3A_211 = tpu.vector_load_idx %arg10[%broadcast_in_dim3A_67, %add3A_191] : memref<8x40xf32, #tpu.memory_space<vmem>>[vector<16xi32>, vector<16xi32>], vector<16xf32>,
      %mul3A_212 = arith.constant 16 : i32
      %mul3A_213 = arith.muli %scan3A_183, %mul3A_212 : i32
      %add3A_214 = arith.constant 13696 : i32
      %add3A_215 = arith.addi %add3A_214, %mul3A_213 : i32
      %swap3A_216 = arith.index_cast %add3A_215 : i32 to index
      %swap3A_217 = tpu.vector_load %arg11[%swap3A_216] {strides = array<i32>} : memref<20480xf32, #tpu.memory_space<vmem>>, vector<16xf32>,
      tpu.vector_store %arg11[%swap3A_216], %gather3A_211 {strides = array<i32>} : memref<20480xf32, #tpu.memory_space<vmem>>, vector<16xf32>,
      %gather3A_218 = tpu.vector_load_idx %arg10[%broadcast_in_dim3A_69, %add3A_191] : memref<8x40xf32, #tpu.memory_space<vmem>>[vector<16xi32>, vector<16xi32>], vector<16xf32>,
      %mul3A_219 = arith.constant 16 : i32
      %mul3A_220 = arith.muli %scan3A_183, %mul3A_219 : i32
      %add3A_221 = arith.constant 13824 : i32
      %add3A_222 = arith.addi %add3A_221, %mul3A_220 : i32
      %swap3A_223 = arith.index_cast %add3A_222 : i32 to index
      %swap3A_224 = tpu.vector_load %arg11[%swap3A_223] {strides = array<i32>} : memref<20480xf32, #tpu.memory_space<vmem>>, vector<16xf32>,
      tpu.vector_store %arg11[%swap3A_223], %gather3A_218 {strides = array<i32>} : memref<20480xf32, #tpu.memory_space<vmem>>, vector<16xf32>,
      %gather3A_225 = tpu.vector_load_idx %arg10[%broadcast_in_dim3A_71, %add3A_191] : memref<8x40xf32, #tpu.memory_space<vmem>>[vector<16xi32>, vector<16xi32>], vector<16xf32>,
      %mul3A_226 = arith.constant 16 : i32
      %mul3A_227 = arith.muli %scan3A_183, %mul3A_226 : i32
      %add3A_228 = arith.constant 13952 : i32
      %add3A_229 = arith.addi %add3A_228, %mul3A_227 : i32
      %swap3A_230 = arith.index_cast %add3A_229 : i32 to index
      %swap3A_231 = tpu.vector_load %arg11[%swap3A_230] {strides = array<i32>} : memref<20480xf32, #tpu.memory_space<vmem>>, vector<16xf32>,
      tpu.vector_store %arg11[%swap3A_230], %gather3A_225 {strides = array<i32>} : memref<20480xf32, #tpu.memory_space<vmem>>, vector<16xf32>,
      %gather3A_232 = tpu.vector_load_idx %arg10[%broadcast_in_dim3A_73, %add3A_191] : memref<8x40xf32, #tpu.memory_space<vmem>>[vector<16xi32>, vector<16xi32>], vector<16xf32>,
      %mul3A_233 = arith.constant 16 : i32
      %mul3A_234 = arith.muli %scan3A_183, %mul3A_233 : i32
      %add3A_235 = arith.constant 14080 : i32
      %add3A_236 = arith.addi %add3A_235, %mul3A_234 : i32
      %swap3A_237 = arith.index_cast %add3A_236 : i32 to index
      %swap3A_238 = tpu.vector_load %arg11[%swap3A_237] {strides = array<i32>} : memref<20480xf32, #tpu.memory_space<vmem>>, vector<16xf32>,
      tpu.vector_store %arg11[%swap3A_237], %gather3A_232 {strides = array<i32>} : memref<20480xf32, #tpu.memory_space<vmem>>, vector<16xf32>,
      %gather3A_239 = tpu.vector_load_idx %arg10[%broadcast_in_dim3A_75, %add3A_191] : memref<8x40xf32, #tpu.memory_space<vmem>>[vector<16xi32>, vector<16xi32>], vector<16xf32>,
      %mul3A_240 = arith.constant 16 : i32
      %mul3A_241 = arith.muli %scan3A_183, %mul3A_240 : i32
      %add3A_242 = arith.constant 14208 : i32
      %add3A_243 = arith.addi %add3A_242, %mul3A_241 : i32
      %swap3A_244 = arith.index_cast %add3A_243 : i32 to index
      %swap3A_245 = tpu.vector_load %arg11[%swap3A_244] {strides = array<i32>} : memref<20480xf32, #tpu.memory_space<vmem>>, vector<16xf32>,
      tpu.vector_store %arg11[%swap3A_244], %gather3A_239 {strides = array<i32>} : memref<20480xf32, #tpu.memory_space<vmem>>, vector<16xf32>,
    }
    %scan3A_149 = arith.constant 8 : i32
    %scan3A_150 = arith.constant 0 : i32
    %scan3A_151 = arith.constant 8 : i32
    %scan3A_152 = arith.addi %scan3A_150, %scan3A_151 : i32
    %scan3A_153 = arith.constant 1 : i32
    scf.for %scan3A_183 = %scan3A_150 to %scan3A_152 step %scan3A_153  : i32 {
      %mul3A_184 = arith.constant 16 : i32
      %mul3A_185 = arith.muli %scan3A_183, %mul3A_184 : i32
      %add3A_186 = arith.constant 1920 : i32
      %add3A_187 = arith.addi %add3A_186, %mul3A_185 : i32
      %get3A = arith.index_cast %add3A_187 : i32 to index
      %get3A_188 = tpu.vector_load %arg9[%get3A] {strides = array<i32>} : memref<2560xi32, #tpu.memory_space<vmem>>, vector<16xi32>,
      %add3A_189 = arith.constant 25 : i32
      %add3A_190 = vector.broadcast %add3A_189 : i32 to vector<16xi32>
      %add3A_191 = arith.addi %get3A_188, %add3A_190 : vector<16xi32>
      %gather3A = tpu.vector_load_idx %arg10[%broadcast_in_dim3A_61, %add3A_191] : memref<8x40xf32, #tpu.memory_space<vmem>>[vector<16xi32>, vector<16xi32>], vector<16xf32>,
      %mul3A_192 = arith.constant 16 : i32
      %mul3A_193 = arith.muli %scan3A_183, %mul3A_192 : i32
      %add3A_194 = arith.constant 18432 : i32
      %add3A_195 = arith.addi %add3A_194, %mul3A_193 : i32
      %swap3A = arith.index_cast %add3A_195 : i32 to index
      %swap3A_196 = tpu.vector_load %arg11[%swap3A] {strides = array<i32>} : memref<20480xf32, #tpu.memory_space<vmem>>, vector<16xf32>,
      tpu.vector_store %arg11[%swap3A], %gather3A {strides = array<i32>} : memref<20480xf32, #tpu.memory_space<vmem>>, vector<16xf32>,
      %gather3A_197 = tpu.vector_load_idx %arg10[%broadcast_in_dim3A_63, %add3A_191] : memref<8x40xf32, #tpu.memory_space<vmem>>[vector<16xi32>, vector<16xi32>], vector<16xf32>,
      %mul3A_198 = arith.constant 16 : i32
      %mul3A_199 = arith.muli %scan3A_183, %mul3A_198 : i32
      %add3A_200 = arith.constant 18560 : i32
      %add3A_201 = arith.addi %add3A_200, %mul3A_199 : i32
      %swap3A_202 = arith.index_cast %add3A_201 : i32 to index
      %swap3A_203 = tpu.vector_load %arg11[%swap3A_202] {strides = array<i32>} : memref<20480xf32, #tpu.memory_space<vmem>>, vector<16xf32>,
      tpu.vector_store %arg11[%swap3A_202], %gather3A_197 {strides = array<i32>} : memref<20480xf32, #tpu.memory_space<vmem>>, vector<16xf32>,
      %gather3A_204 = tpu.vector_load_idx %arg10[%broadcast_in_dim3A_65, %add3A_191] : memref<8x40xf32, #tpu.memory_space<vmem>>[vector<16xi32>, vector<16xi32>], vector<16xf32>,
      %mul3A_205 = arith.constant 16 : i32
      %mul3A_206 = arith.muli %scan3A_183, %mul3A_205 : i32
      %add3A_207 = arith.constant 18688 : i32
      %add3A_208 = arith.addi %add3A_207, %mul3A_206 : i32
      %swap3A_209 = arith.index_cast %add3A_208 : i32 to index
      %swap3A_210 = tpu.vector_load %arg11[%swap3A_209] {strides = array<i32>} : memref<20480xf32, #tpu.memory_space<vmem>>, vector<16xf32>,
      tpu.vector_store %arg11[%swap3A_209], %gather3A_204 {strides = array<i32>} : memref<20480xf32, #tpu.memory_space<vmem>>, vector<16xf32>,
      %gather3A_211 = tpu.vector_load_idx %arg10[%broadcast_in_dim3A_67, %add3A_191] : memref<8x40xf32, #tpu.memory_space<vmem>>[vector<16xi32>, vector<16xi32>], vector<16xf32>,
      %mul3A_212 = arith.constant 16 : i32
      %mul3A_213 = arith.muli %scan3A_183, %mul3A_212 : i32
      %add3A_214 = arith.constant 18816 : i32
      %add3A_215 = arith.addi %add3A_214, %mul3A_213 : i32
      %swap3A_216 = arith.index_cast %add3A_215 : i32 to index
      %swap3A_217 = tpu.vector_load %arg11[%swap3A_216] {strides = array<i32>} : memref<20480xf32, #tpu.memory_space<vmem>>, vector<16xf32>,
      tpu.vector_store %arg11[%swap3A_216], %gather3A_211 {strides = array<i32>} : memref<20480xf32, #tpu.memory_space<vmem>>, vector<16xf32>,
      %gather3A_218 = tpu.vector_load_idx %arg10[%broadcast_in_dim3A_69, %add3A_191] : memref<8x40xf32, #tpu.memory_space<vmem>>[vector<16xi32>, vector<16xi32>], vector<16xf32>,
      %mul3A_219 = arith.constant 16 : i32
      %mul3A_220 = arith.muli %scan3A_183, %mul3A_219 : i32
      %add3A_221 = arith.constant 18944 : i32
      %add3A_222 = arith.addi %add3A_221, %mul3A_220 : i32
      %swap3A_223 = arith.index_cast %add3A_222 : i32 to index
      %swap3A_224 = tpu.vector_load %arg11[%swap3A_223] {strides = array<i32>} : memref<20480xf32, #tpu.memory_space<vmem>>, vector<16xf32>,
      tpu.vector_store %arg11[%swap3A_223], %gather3A_218 {strides = array<i32>} : memref<20480xf32, #tpu.memory_space<vmem>>, vector<16xf32>,
      %gather3A_225 = tpu.vector_load_idx %arg10[%broadcast_in_dim3A_71, %add3A_191] : memref<8x40xf32, #tpu.memory_space<vmem>>[vector<16xi32>, vector<16xi32>], vector<16xf32>,
      %mul3A_226 = arith.constant 16 : i32
      %mul3A_227 = arith.muli %scan3A_183, %mul3A_226 : i32
      %add3A_228 = arith.constant 19072 : i32
      %add3A_229 = arith.addi %add3A_228, %mul3A_227 : i32
      %swap3A_230 = arith.index_cast %add3A_229 : i32 to index
      %swap3A_231 = tpu.vector_load %arg11[%swap3A_230] {strides = array<i32>} : memref<20480xf32, #tpu.memory_space<vmem>>, vector<16xf32>,
      tpu.vector_store %arg11[%swap3A_230], %gather3A_225 {strides = array<i32>} : memref<20480xf32, #tpu.memory_space<vmem>>, vector<16xf32>,
      %gather3A_232 = tpu.vector_load_idx %arg10[%broadcast_in_dim3A_73, %add3A_191] : memref<8x40xf32, #tpu.memory_space<vmem>>[vector<16xi32>, vector<16xi32>], vector<16xf32>,
      %mul3A_233 = arith.constant 16 : i32
      %mul3A_234 = arith.muli %scan3A_183, %mul3A_233 : i32
      %add3A_235 = arith.constant 19200 : i32
      %add3A_236 = arith.addi %add3A_235, %mul3A_234 : i32
      %swap3A_237 = arith.index_cast %add3A_236 : i32 to index
      %swap3A_238 = tpu.vector_load %arg11[%swap3A_237] {strides = array<i32>} : memref<20480xf32, #tpu.memory_space<vmem>>, vector<16xf32>,
      tpu.vector_store %arg11[%swap3A_237], %gather3A_232 {strides = array<i32>} : memref<20480xf32, #tpu.memory_space<vmem>>, vector<16xf32>,
      %gather3A_239 = tpu.vector_load_idx %arg10[%broadcast_in_dim3A_75, %add3A_191] : memref<8x40xf32, #tpu.memory_space<vmem>>[vector<16xi32>, vector<16xi32>], vector<16xf32>,
      %mul3A_240 = arith.constant 16 : i32
      %mul3A_241 = arith.muli %scan3A_183, %mul3A_240 : i32
      %add3A_242 = arith.constant 19328 : i32
      %add3A_243 = arith.addi %add3A_242, %mul3A_241 : i32
      %swap3A_244 = arith.index_cast %add3A_243 : i32 to index
      %swap3A_245 = tpu.vector_load %arg11[%swap3A_244] {strides = array<i32>} : memref<20480xf32, #tpu.memory_space<vmem>>, vector<16xf32>,
      tpu.vector_store %arg11[%swap3A_244], %gather3A_239 {strides = array<i32>} : memref<20480xf32, #tpu.memory_space<vmem>>, vector<16xf32>,
    }
    %scan3A_154 = arith.constant 8 : i32
    %scan3A_155 = arith.constant 0 : i32
    %scan3A_156 = arith.constant 8 : i32
    %scan3A_157 = arith.addi %scan3A_155, %scan3A_156 : i32
    %scan3A_158 = arith.constant 1 : i32
    scf.for %scan3A_183 = %scan3A_155 to %scan3A_157 step %scan3A_158  : i32 {
      %mul3A_184 = arith.constant 16 : i32
      %mul3A_185 = arith.muli %scan3A_183, %mul3A_184 : i32
      %add3A_186 = arith.constant 2048 : i32
      %add3A_187 = arith.addi %add3A_186, %mul3A_185 : i32
      %get3A = arith.index_cast %add3A_187 : i32 to index
      %get3A_188 = tpu.vector_load %arg9[%get3A] {strides = array<i32>} : memref<2560xi32, #tpu.memory_space<vmem>>, vector<16xi32>,
      %add3A_189 = arith.constant 30 : i32
      %add3A_190 = vector.broadcast %add3A_189 : i32 to vector<16xi32>
      %add3A_191 = arith.addi %get3A_188, %add3A_190 : vector<16xi32>
      %gather3A = tpu.vector_load_idx %arg10[%broadcast_in_dim3A_61, %add3A_191] : memref<8x40xf32, #tpu.memory_space<vmem>>[vector<16xi32>, vector<16xi32>], vector<16xf32>,
      %mul3A_192 = arith.constant 16 : i32
      %mul3A_193 = arith.muli %scan3A_183, %mul3A_192 : i32
      %add3A_194 = arith.constant 4096 : i32
      %add3A_195 = arith.addi %add3A_194, %mul3A_193 : i32
      %swap3A = arith.index_cast %add3A_195 : i32 to index
      %swap3A_196 = tpu.vector_load %arg11[%swap3A] {strides = array<i32>} : memref<20480xf32, #tpu.memory_space<vmem>>, vector<16xf32>,
      tpu.vector_store %arg11[%swap3A], %gather3A {strides = array<i32>} : memref<20480xf32, #tpu.memory_space<vmem>>, vector<16xf32>,
      %gather3A_197 = tpu.vector_load_idx %arg10[%broadcast_in_dim3A_63, %add3A_191] : memref<8x40xf32, #tpu.memory_space<vmem>>[vector<16xi32>, vector<16xi32>], vector<16xf32>,
      %mul3A_198 = arith.constant 16 : i32
      %mul3A_199 = arith.muli %scan3A_183, %mul3A_198 : i32
      %add3A_200 = arith.constant 4224 : i32
      %add3A_201 = arith.addi %add3A_200, %mul3A_199 : i32
      %swap3A_202 = arith.index_cast %add3A_201 : i32 to index
      %swap3A_203 = tpu.vector_load %arg11[%swap3A_202] {strides = array<i32>} : memref<20480xf32, #tpu.memory_space<vmem>>, vector<16xf32>,
      tpu.vector_store %arg11[%swap3A_202], %gather3A_197 {strides = array<i32>} : memref<20480xf32, #tpu.memory_space<vmem>>, vector<16xf32>,
      %gather3A_204 = tpu.vector_load_idx %arg10[%broadcast_in_dim3A_65, %add3A_191] : memref<8x40xf32, #tpu.memory_space<vmem>>[vector<16xi32>, vector<16xi32>], vector<16xf32>,
      %mul3A_205 = arith.constant 16 : i32
      %mul3A_206 = arith.muli %scan3A_183, %mul3A_205 : i32
      %add3A_207 = arith.constant 4352 : i32
      %add3A_208 = arith.addi %add3A_207, %mul3A_206 : i32
      %swap3A_209 = arith.index_cast %add3A_208 : i32 to index
      %swap3A_210 = tpu.vector_load %arg11[%swap3A_209] {strides = array<i32>} : memref<20480xf32, #tpu.memory_space<vmem>>, vector<16xf32>,
      tpu.vector_store %arg11[%swap3A_209], %gather3A_204 {strides = array<i32>} : memref<20480xf32, #tpu.memory_space<vmem>>, vector<16xf32>,
      %gather3A_211 = tpu.vector_load_idx %arg10[%broadcast_in_dim3A_67, %add3A_191] : memref<8x40xf32, #tpu.memory_space<vmem>>[vector<16xi32>, vector<16xi32>], vector<16xf32>,
      %mul3A_212 = arith.constant 16 : i32
      %mul3A_213 = arith.muli %scan3A_183, %mul3A_212 : i32
      %add3A_214 = arith.constant 4480 : i32
      %add3A_215 = arith.addi %add3A_214, %mul3A_213 : i32
      %swap3A_216 = arith.index_cast %add3A_215 : i32 to index
      %swap3A_217 = tpu.vector_load %arg11[%swap3A_216] {strides = array<i32>} : memref<20480xf32, #tpu.memory_space<vmem>>, vector<16xf32>,
      tpu.vector_store %arg11[%swap3A_216], %gather3A_211 {strides = array<i32>} : memref<20480xf32, #tpu.memory_space<vmem>>, vector<16xf32>,
      %gather3A_218 = tpu.vector_load_idx %arg10[%broadcast_in_dim3A_69, %add3A_191] : memref<8x40xf32, #tpu.memory_space<vmem>>[vector<16xi32>, vector<16xi32>], vector<16xf32>,
      %mul3A_219 = arith.constant 16 : i32
      %mul3A_220 = arith.muli %scan3A_183, %mul3A_219 : i32
      %add3A_221 = arith.constant 4608 : i32
      %add3A_222 = arith.addi %add3A_221, %mul3A_220 : i32
      %swap3A_223 = arith.index_cast %add3A_222 : i32 to index
      %swap3A_224 = tpu.vector_load %arg11[%swap3A_223] {strides = array<i32>} : memref<20480xf32, #tpu.memory_space<vmem>>, vector<16xf32>,
      tpu.vector_store %arg11[%swap3A_223], %gather3A_218 {strides = array<i32>} : memref<20480xf32, #tpu.memory_space<vmem>>, vector<16xf32>,
      %gather3A_225 = tpu.vector_load_idx %arg10[%broadcast_in_dim3A_71, %add3A_191] : memref<8x40xf32, #tpu.memory_space<vmem>>[vector<16xi32>, vector<16xi32>], vector<16xf32>,
      %mul3A_226 = arith.constant 16 : i32
      %mul3A_227 = arith.muli %scan3A_183, %mul3A_226 : i32
      %add3A_228 = arith.constant 4736 : i32
      %add3A_229 = arith.addi %add3A_228, %mul3A_227 : i32
      %swap3A_230 = arith.index_cast %add3A_229 : i32 to index
      %swap3A_231 = tpu.vector_load %arg11[%swap3A_230] {strides = array<i32>} : memref<20480xf32, #tpu.memory_space<vmem>>, vector<16xf32>,
      tpu.vector_store %arg11[%swap3A_230], %gather3A_225 {strides = array<i32>} : memref<20480xf32, #tpu.memory_space<vmem>>, vector<16xf32>,
      %gather3A_232 = tpu.vector_load_idx %arg10[%broadcast_in_dim3A_73, %add3A_191] : memref<8x40xf32, #tpu.memory_space<vmem>>[vector<16xi32>, vector<16xi32>], vector<16xf32>,
      %mul3A_233 = arith.constant 16 : i32
      %mul3A_234 = arith.muli %scan3A_183, %mul3A_233 : i32
      %add3A_235 = arith.constant 4864 : i32
      %add3A_236 = arith.addi %add3A_235, %mul3A_234 : i32
      %swap3A_237 = arith.index_cast %add3A_236 : i32 to index
      %swap3A_238 = tpu.vector_load %arg11[%swap3A_237] {strides = array<i32>} : memref<20480xf32, #tpu.memory_space<vmem>>, vector<16xf32>,
      tpu.vector_store %arg11[%swap3A_237], %gather3A_232 {strides = array<i32>} : memref<20480xf32, #tpu.memory_space<vmem>>, vector<16xf32>,
      %gather3A_239 = tpu.vector_load_idx %arg10[%broadcast_in_dim3A_75, %add3A_191] : memref<8x40xf32, #tpu.memory_space<vmem>>[vector<16xi32>, vector<16xi32>], vector<16xf32>,
      %mul3A_240 = arith.constant 16 : i32
      %mul3A_241 = arith.muli %scan3A_183, %mul3A_240 : i32
      %add3A_242 = arith.constant 4992 : i32
      %add3A_243 = arith.addi %add3A_242, %mul3A_241 : i32
      %swap3A_244 = arith.index_cast %add3A_243 : i32 to index
      %swap3A_245 = tpu.vector_load %arg11[%swap3A_244] {strides = array<i32>} : memref<20480xf32, #tpu.memory_space<vmem>>, vector<16xf32>,
      tpu.vector_store %arg11[%swap3A_244], %gather3A_239 {strides = array<i32>} : memref<20480xf32, #tpu.memory_space<vmem>>, vector<16xf32>,
    }
    %scan3A_159 = arith.constant 8 : i32
    %scan3A_160 = arith.constant 0 : i32
    %scan3A_161 = arith.constant 8 : i32
    %scan3A_162 = arith.addi %scan3A_160, %scan3A_161 : i32
    %scan3A_163 = arith.constant 1 : i32
    scf.for %scan3A_183 = %scan3A_160 to %scan3A_162 step %scan3A_163  : i32 {
      %mul3A_184 = arith.constant 16 : i32
      %mul3A_185 = arith.muli %scan3A_183, %mul3A_184 : i32
      %add3A_186 = arith.constant 2176 : i32
      %add3A_187 = arith.addi %add3A_186, %mul3A_185 : i32
      %get3A = arith.index_cast %add3A_187 : i32 to index
      %get3A_188 = tpu.vector_load %arg9[%get3A] {strides = array<i32>} : memref<2560xi32, #tpu.memory_space<vmem>>, vector<16xi32>,
      %add3A_189 = arith.constant 30 : i32
      %add3A_190 = vector.broadcast %add3A_189 : i32 to vector<16xi32>
      %add3A_191 = arith.addi %get3A_188, %add3A_190 : vector<16xi32>
      %gather3A = tpu.vector_load_idx %arg10[%broadcast_in_dim3A_61, %add3A_191] : memref<8x40xf32, #tpu.memory_space<vmem>>[vector<16xi32>, vector<16xi32>], vector<16xf32>,
      %mul3A_192 = arith.constant 16 : i32
      %mul3A_193 = arith.muli %scan3A_183, %mul3A_192 : i32
      %add3A_194 = arith.constant 9216 : i32
      %add3A_195 = arith.addi %add3A_194, %mul3A_193 : i32
      %swap3A = arith.index_cast %add3A_195 : i32 to index
      %swap3A_196 = tpu.vector_load %arg11[%swap3A] {strides = array<i32>} : memref<20480xf32, #tpu.memory_space<vmem>>, vector<16xf32>,
      tpu.vector_store %arg11[%swap3A], %gather3A {strides = array<i32>} : memref<20480xf32, #tpu.memory_space<vmem>>, vector<16xf32>,
      %gather3A_197 = tpu.vector_load_idx %arg10[%broadcast_in_dim3A_63, %add3A_191] : memref<8x40xf32, #tpu.memory_space<vmem>>[vector<16xi32>, vector<16xi32>], vector<16xf32>,
      %mul3A_198 = arith.constant 16 : i32
      %mul3A_199 = arith.muli %scan3A_183, %mul3A_198 : i32
      %add3A_200 = arith.constant 9344 : i32
      %add3A_201 = arith.addi %add3A_200, %mul3A_199 : i32
      %swap3A_202 = arith.index_cast %add3A_201 : i32 to index
      %swap3A_203 = tpu.vector_load %arg11[%swap3A_202] {strides = array<i32>} : memref<20480xf32, #tpu.memory_space<vmem>>, vector<16xf32>,
      tpu.vector_store %arg11[%swap3A_202], %gather3A_197 {strides = array<i32>} : memref<20480xf32, #tpu.memory_space<vmem>>, vector<16xf32>,
      %gather3A_204 = tpu.vector_load_idx %arg10[%broadcast_in_dim3A_65, %add3A_191] : memref<8x40xf32, #tpu.memory_space<vmem>>[vector<16xi32>, vector<16xi32>], vector<16xf32>,
      %mul3A_205 = arith.constant 16 : i32
      %mul3A_206 = arith.muli %scan3A_183, %mul3A_205 : i32
      %add3A_207 = arith.constant 9472 : i32
      %add3A_208 = arith.addi %add3A_207, %mul3A_206 : i32
      %swap3A_209 = arith.index_cast %add3A_208 : i32 to index
      %swap3A_210 = tpu.vector_load %arg11[%swap3A_209] {strides = array<i32>} : memref<20480xf32, #tpu.memory_space<vmem>>, vector<16xf32>,
      tpu.vector_store %arg11[%swap3A_209], %gather3A_204 {strides = array<i32>} : memref<20480xf32, #tpu.memory_space<vmem>>, vector<16xf32>,
      %gather3A_211 = tpu.vector_load_idx %arg10[%broadcast_in_dim3A_67, %add3A_191] : memref<8x40xf32, #tpu.memory_space<vmem>>[vector<16xi32>, vector<16xi32>], vector<16xf32>,
      %mul3A_212 = arith.constant 16 : i32
      %mul3A_213 = arith.muli %scan3A_183, %mul3A_212 : i32
      %add3A_214 = arith.constant 9600 : i32
      %add3A_215 = arith.addi %add3A_214, %mul3A_213 : i32
      %swap3A_216 = arith.index_cast %add3A_215 : i32 to index
      %swap3A_217 = tpu.vector_load %arg11[%swap3A_216] {strides = array<i32>} : memref<20480xf32, #tpu.memory_space<vmem>>, vector<16xf32>,
      tpu.vector_store %arg11[%swap3A_216], %gather3A_211 {strides = array<i32>} : memref<20480xf32, #tpu.memory_space<vmem>>, vector<16xf32>,
      %gather3A_218 = tpu.vector_load_idx %arg10[%broadcast_in_dim3A_69, %add3A_191] : memref<8x40xf32, #tpu.memory_space<vmem>>[vector<16xi32>, vector<16xi32>], vector<16xf32>,
      %mul3A_219 = arith.constant 16 : i32
      %mul3A_220 = arith.muli %scan3A_183, %mul3A_219 : i32
      %add3A_221 = arith.constant 9728 : i32
      %add3A_222 = arith.addi %add3A_221, %mul3A_220 : i32
      %swap3A_223 = arith.index_cast %add3A_222 : i32 to index
      %swap3A_224 = tpu.vector_load %arg11[%swap3A_223] {strides = array<i32>} : memref<20480xf32, #tpu.memory_space<vmem>>, vector<16xf32>,
      tpu.vector_store %arg11[%swap3A_223], %gather3A_218 {strides = array<i32>} : memref<20480xf32, #tpu.memory_space<vmem>>, vector<16xf32>,
      %gather3A_225 = tpu.vector_load_idx %arg10[%broadcast_in_dim3A_71, %add3A_191] : memref<8x40xf32, #tpu.memory_space<vmem>>[vector<16xi32>, vector<16xi32>], vector<16xf32>,
      %mul3A_226 = arith.constant 16 : i32
      %mul3A_227 = arith.muli %scan3A_183, %mul3A_226 : i32
      %add3A_228 = arith.constant 9856 : i32
      %add3A_229 = arith.addi %add3A_228, %mul3A_227 : i32
      %swap3A_230 = arith.index_cast %add3A_229 : i32 to index
      %swap3A_231 = tpu.vector_load %arg11[%swap3A_230] {strides = array<i32>} : memref<20480xf32, #tpu.memory_space<vmem>>, vector<16xf32>,
      tpu.vector_store %arg11[%swap3A_230], %gather3A_225 {strides = array<i32>} : memref<20480xf32, #tpu.memory_space<vmem>>, vector<16xf32>,
      %gather3A_232 = tpu.vector_load_idx %arg10[%broadcast_in_dim3A_73, %add3A_191] : memref<8x40xf32, #tpu.memory_space<vmem>>[vector<16xi32>, vector<16xi32>], vector<16xf32>,
      %mul3A_233 = arith.constant 16 : i32
      %mul3A_234 = arith.muli %scan3A_183, %mul3A_233 : i32
      %add3A_235 = arith.constant 9984 : i32
      %add3A_236 = arith.addi %add3A_235, %mul3A_234 : i32
      %swap3A_237 = arith.index_cast %add3A_236 : i32 to index
      %swap3A_238 = tpu.vector_load %arg11[%swap3A_237] {strides = array<i32>} : memref<20480xf32, #tpu.memory_space<vmem>>, vector<16xf32>,
      tpu.vector_store %arg11[%swap3A_237], %gather3A_232 {strides = array<i32>} : memref<20480xf32, #tpu.memory_space<vmem>>, vector<16xf32>,
      %gather3A_239 = tpu.vector_load_idx %arg10[%broadcast_in_dim3A_75, %add3A_191] : memref<8x40xf32, #tpu.memory_space<vmem>>[vector<16xi32>, vector<16xi32>], vector<16xf32>,
      %mul3A_240 = arith.constant 16 : i32
      %mul3A_241 = arith.muli %scan3A_183, %mul3A_240 : i32
      %add3A_242 = arith.constant 10112 : i32
      %add3A_243 = arith.addi %add3A_242, %mul3A_241 : i32
      %swap3A_244 = arith.index_cast %add3A_243 : i32 to index
      %swap3A_245 = tpu.vector_load %arg11[%swap3A_244] {strides = array<i32>} : memref<20480xf32, #tpu.memory_space<vmem>>, vector<16xf32>,
      tpu.vector_store %arg11[%swap3A_244], %gather3A_239 {strides = array<i32>} : memref<20480xf32, #tpu.memory_space<vmem>>, vector<16xf32>,
    }
    %scan3A_164 = arith.constant 8 : i32
    %scan3A_165 = arith.constant 0 : i32
    %scan3A_166 = arith.constant 8 : i32
    %scan3A_167 = arith.addi %scan3A_165, %scan3A_166 : i32
    %scan3A_168 = arith.constant 1 : i32
    scf.for %scan3A_183 = %scan3A_165 to %scan3A_167 step %scan3A_168  : i32 {
      %mul3A_184 = arith.constant 16 : i32
      %mul3A_185 = arith.muli %scan3A_183, %mul3A_184 : i32
      %add3A_186 = arith.constant 2304 : i32
      %add3A_187 = arith.addi %add3A_186, %mul3A_185 : i32
      %get3A = arith.index_cast %add3A_187 : i32 to index
      %get3A_188 = tpu.vector_load %arg9[%get3A] {strides = array<i32>} : memref<2560xi32, #tpu.memory_space<vmem>>, vector<16xi32>,
      %add3A_189 = arith.constant 30 : i32
      %add3A_190 = vector.broadcast %add3A_189 : i32 to vector<16xi32>
      %add3A_191 = arith.addi %get3A_188, %add3A_190 : vector<16xi32>
      %gather3A = tpu.vector_load_idx %arg10[%broadcast_in_dim3A_61, %add3A_191] : memref<8x40xf32, #tpu.memory_space<vmem>>[vector<16xi32>, vector<16xi32>], vector<16xf32>,
      %mul3A_192 = arith.constant 16 : i32
      %mul3A_193 = arith.muli %scan3A_183, %mul3A_192 : i32
      %add3A_194 = arith.constant 14336 : i32
      %add3A_195 = arith.addi %add3A_194, %mul3A_193 : i32
      %swap3A = arith.index_cast %add3A_195 : i32 to index
      %swap3A_196 = tpu.vector_load %arg11[%swap3A] {strides = array<i32>} : memref<20480xf32, #tpu.memory_space<vmem>>, vector<16xf32>,
      tpu.vector_store %arg11[%swap3A], %gather3A {strides = array<i32>} : memref<20480xf32, #tpu.memory_space<vmem>>, vector<16xf32>,
      %gather3A_197 = tpu.vector_load_idx %arg10[%broadcast_in_dim3A_63, %add3A_191] : memref<8x40xf32, #tpu.memory_space<vmem>>[vector<16xi32>, vector<16xi32>], vector<16xf32>,
      %mul3A_198 = arith.constant 16 : i32
      %mul3A_199 = arith.muli %scan3A_183, %mul3A_198 : i32
      %add3A_200 = arith.constant 14464 : i32
      %add3A_201 = arith.addi %add3A_200, %mul3A_199 : i32
      %swap3A_202 = arith.index_cast %add3A_201 : i32 to index
      %swap3A_203 = tpu.vector_load %arg11[%swap3A_202] {strides = array<i32>} : memref<20480xf32, #tpu.memory_space<vmem>>, vector<16xf32>,
      tpu.vector_store %arg11[%swap3A_202], %gather3A_197 {strides = array<i32>} : memref<20480xf32, #tpu.memory_space<vmem>>, vector<16xf32>,
      %gather3A_204 = tpu.vector_load_idx %arg10[%broadcast_in_dim3A_65, %add3A_191] : memref<8x40xf32, #tpu.memory_space<vmem>>[vector<16xi32>, vector<16xi32>], vector<16xf32>,
      %mul3A_205 = arith.constant 16 : i32
      %mul3A_206 = arith.muli %scan3A_183, %mul3A_205 : i32
      %add3A_207 = arith.constant 14592 : i32
      %add3A_208 = arith.addi %add3A_207, %mul3A_206 : i32
      %swap3A_209 = arith.index_cast %add3A_208 : i32 to index
      %swap3A_210 = tpu.vector_load %arg11[%swap3A_209] {strides = array<i32>} : memref<20480xf32, #tpu.memory_space<vmem>>, vector<16xf32>,
      tpu.vector_store %arg11[%swap3A_209], %gather3A_204 {strides = array<i32>} : memref<20480xf32, #tpu.memory_space<vmem>>, vector<16xf32>,
      %gather3A_211 = tpu.vector_load_idx %arg10[%broadcast_in_dim3A_67, %add3A_191] : memref<8x40xf32, #tpu.memory_space<vmem>>[vector<16xi32>, vector<16xi32>], vector<16xf32>,
      %mul3A_212 = arith.constant 16 : i32
      %mul3A_213 = arith.muli %scan3A_183, %mul3A_212 : i32
      %add3A_214 = arith.constant 14720 : i32
      %add3A_215 = arith.addi %add3A_214, %mul3A_213 : i32
      %swap3A_216 = arith.index_cast %add3A_215 : i32 to index
      %swap3A_217 = tpu.vector_load %arg11[%swap3A_216] {strides = array<i32>} : memref<20480xf32, #tpu.memory_space<vmem>>, vector<16xf32>,
      tpu.vector_store %arg11[%swap3A_216], %gather3A_211 {strides = array<i32>} : memref<20480xf32, #tpu.memory_space<vmem>>, vector<16xf32>,
      %gather3A_218 = tpu.vector_load_idx %arg10[%broadcast_in_dim3A_69, %add3A_191] : memref<8x40xf32, #tpu.memory_space<vmem>>[vector<16xi32>, vector<16xi32>], vector<16xf32>,
      %mul3A_219 = arith.constant 16 : i32
      %mul3A_220 = arith.muli %scan3A_183, %mul3A_219 : i32
      %add3A_221 = arith.constant 14848 : i32
      %add3A_222 = arith.addi %add3A_221, %mul3A_220 : i32
      %swap3A_223 = arith.index_cast %add3A_222 : i32 to index
      %swap3A_224 = tpu.vector_load %arg11[%swap3A_223] {strides = array<i32>} : memref<20480xf32, #tpu.memory_space<vmem>>, vector<16xf32>,
      tpu.vector_store %arg11[%swap3A_223], %gather3A_218 {strides = array<i32>} : memref<20480xf32, #tpu.memory_space<vmem>>, vector<16xf32>,
      %gather3A_225 = tpu.vector_load_idx %arg10[%broadcast_in_dim3A_71, %add3A_191] : memref<8x40xf32, #tpu.memory_space<vmem>>[vector<16xi32>, vector<16xi32>], vector<16xf32>,
      %mul3A_226 = arith.constant 16 : i32
      %mul3A_227 = arith.muli %scan3A_183, %mul3A_226 : i32
      %add3A_228 = arith.constant 14976 : i32
      %add3A_229 = arith.addi %add3A_228, %mul3A_227 : i32
      %swap3A_230 = arith.index_cast %add3A_229 : i32 to index
      %swap3A_231 = tpu.vector_load %arg11[%swap3A_230] {strides = array<i32>} : memref<20480xf32, #tpu.memory_space<vmem>>, vector<16xf32>,
      tpu.vector_store %arg11[%swap3A_230], %gather3A_225 {strides = array<i32>} : memref<20480xf32, #tpu.memory_space<vmem>>, vector<16xf32>,
      %gather3A_232 = tpu.vector_load_idx %arg10[%broadcast_in_dim3A_73, %add3A_191] : memref<8x40xf32, #tpu.memory_space<vmem>>[vector<16xi32>, vector<16xi32>], vector<16xf32>,
      %mul3A_233 = arith.constant 16 : i32
      %mul3A_234 = arith.muli %scan3A_183, %mul3A_233 : i32
      %add3A_235 = arith.constant 15104 : i32
      %add3A_236 = arith.addi %add3A_235, %mul3A_234 : i32
      %swap3A_237 = arith.index_cast %add3A_236 : i32 to index
      %swap3A_238 = tpu.vector_load %arg11[%swap3A_237] {strides = array<i32>} : memref<20480xf32, #tpu.memory_space<vmem>>, vector<16xf32>,
      tpu.vector_store %arg11[%swap3A_237], %gather3A_232 {strides = array<i32>} : memref<20480xf32, #tpu.memory_space<vmem>>, vector<16xf32>,
      %gather3A_239 = tpu.vector_load_idx %arg10[%broadcast_in_dim3A_75, %add3A_191] : memref<8x40xf32, #tpu.memory_space<vmem>>[vector<16xi32>, vector<16xi32>], vector<16xf32>,
      %mul3A_240 = arith.constant 16 : i32
      %mul3A_241 = arith.muli %scan3A_183, %mul3A_240 : i32
      %add3A_242 = arith.constant 15232 : i32
      %add3A_243 = arith.addi %add3A_242, %mul3A_241 : i32
      %swap3A_244 = arith.index_cast %add3A_243 : i32 to index
      %swap3A_245 = tpu.vector_load %arg11[%swap3A_244] {strides = array<i32>} : memref<20480xf32, #tpu.memory_space<vmem>>, vector<16xf32>,
      tpu.vector_store %arg11[%swap3A_244], %gather3A_239 {strides = array<i32>} : memref<20480xf32, #tpu.memory_space<vmem>>, vector<16xf32>,
    }
    %scan3A_169 = arith.constant 8 : i32
    %scan3A_170 = arith.constant 0 : i32
    %scan3A_171 = arith.constant 8 : i32
    %scan3A_172 = arith.addi %scan3A_170, %scan3A_171 : i32
    %scan3A_173 = arith.constant 1 : i32
    scf.for %scan3A_183 = %scan3A_170 to %scan3A_172 step %scan3A_173  : i32 {
      %mul3A_184 = arith.constant 16 : i32
      %mul3A_185 = arith.muli %scan3A_183, %mul3A_184 : i32
      %add3A_186 = arith.constant 2432 : i32
      %add3A_187 = arith.addi %add3A_186, %mul3A_185 : i32
      %get3A = arith.index_cast %add3A_187 : i32 to index
      %get3A_188 = tpu.vector_load %arg9[%get3A] {strides = array<i32>} : memref<2560xi32, #tpu.memory_space<vmem>>, vector<16xi32>,
      %add3A_189 = arith.constant 30 : i32
      %add3A_190 = vector.broadcast %add3A_189 : i32 to vector<16xi32>
      %add3A_191 = arith.addi %get3A_188, %add3A_190 : vector<16xi32>
      %gather3A = tpu.vector_load_idx %arg10[%broadcast_in_dim3A_61, %add3A_191] : memref<8x40xf32, #tpu.memory_space<vmem>>[vector<16xi32>, vector<16xi32>], vector<16xf32>,
      %mul3A_192 = arith.constant 16 : i32
      %mul3A_193 = arith.muli %scan3A_183, %mul3A_192 : i32
      %add3A_194 = arith.constant 19456 : i32
      %add3A_195 = arith.addi %add3A_194, %mul3A_193 : i32
      %swap3A = arith.index_cast %add3A_195 : i32 to index
      %swap3A_196 = tpu.vector_load %arg11[%swap3A] {strides = array<i32>} : memref<20480xf32, #tpu.memory_space<vmem>>, vector<16xf32>,
      tpu.vector_store %arg11[%swap3A], %gather3A {strides = array<i32>} : memref<20480xf32, #tpu.memory_space<vmem>>, vector<16xf32>,
      %gather3A_197 = tpu.vector_load_idx %arg10[%broadcast_in_dim3A_63, %add3A_191] : memref<8x40xf32, #tpu.memory_space<vmem>>[vector<16xi32>, vector<16xi32>], vector<16xf32>,
      %mul3A_198 = arith.constant 16 : i32
      %mul3A_199 = arith.muli %scan3A_183, %mul3A_198 : i32
      %add3A_200 = arith.constant 19584 : i32
      %add3A_201 = arith.addi %add3A_200, %mul3A_199 : i32
      %swap3A_202 = arith.index_cast %add3A_201 : i32 to index
      %swap3A_203 = tpu.vector_load %arg11[%swap3A_202] {strides = array<i32>} : memref<20480xf32, #tpu.memory_space<vmem>>, vector<16xf32>,
      tpu.vector_store %arg11[%swap3A_202], %gather3A_197 {strides = array<i32>} : memref<20480xf32, #tpu.memory_space<vmem>>, vector<16xf32>,
      %gather3A_204 = tpu.vector_load_idx %arg10[%broadcast_in_dim3A_65, %add3A_191] : memref<8x40xf32, #tpu.memory_space<vmem>>[vector<16xi32>, vector<16xi32>], vector<16xf32>,
      %mul3A_205 = arith.constant 16 : i32
      %mul3A_206 = arith.muli %scan3A_183, %mul3A_205 : i32
      %add3A_207 = arith.constant 19712 : i32
      %add3A_208 = arith.addi %add3A_207, %mul3A_206 : i32
      %swap3A_209 = arith.index_cast %add3A_208 : i32 to index
      %swap3A_210 = tpu.vector_load %arg11[%swap3A_209] {strides = array<i32>} : memref<20480xf32, #tpu.memory_space<vmem>>, vector<16xf32>,
      tpu.vector_store %arg11[%swap3A_209], %gather3A_204 {strides = array<i32>} : memref<20480xf32, #tpu.memory_space<vmem>>, vector<16xf32>,
      %gather3A_211 = tpu.vector_load_idx %arg10[%broadcast_in_dim3A_67, %add3A_191] : memref<8x40xf32, #tpu.memory_space<vmem>>[vector<16xi32>, vector<16xi32>], vector<16xf32>,
      %mul3A_212 = arith.constant 16 : i32
      %mul3A_213 = arith.muli %scan3A_183, %mul3A_212 : i32
      %add3A_214 = arith.constant 19840 : i32
      %add3A_215 = arith.addi %add3A_214, %mul3A_213 : i32
      %swap3A_216 = arith.index_cast %add3A_215 : i32 to index
      %swap3A_217 = tpu.vector_load %arg11[%swap3A_216] {strides = array<i32>} : memref<20480xf32, #tpu.memory_space<vmem>>, vector<16xf32>,
      tpu.vector_store %arg11[%swap3A_216], %gather3A_211 {strides = array<i32>} : memref<20480xf32, #tpu.memory_space<vmem>>, vector<16xf32>,
      %gather3A_218 = tpu.vector_load_idx %arg10[%broadcast_in_dim3A_69, %add3A_191] : memref<8x40xf32, #tpu.memory_space<vmem>>[vector<16xi32>, vector<16xi32>], vector<16xf32>,
      %mul3A_219 = arith.constant 16 : i32
      %mul3A_220 = arith.muli %scan3A_183, %mul3A_219 : i32
      %add3A_221 = arith.constant 19968 : i32
      %add3A_222 = arith.addi %add3A_221, %mul3A_220 : i32
      %swap3A_223 = arith.index_cast %add3A_222 : i32 to index
      %swap3A_224 = tpu.vector_load %arg11[%swap3A_223] {strides = array<i32>} : memref<20480xf32, #tpu.memory_space<vmem>>, vector<16xf32>,
      tpu.vector_store %arg11[%swap3A_223], %gather3A_218 {strides = array<i32>} : memref<20480xf32, #tpu.memory_space<vmem>>, vector<16xf32>,
      %gather3A_225 = tpu.vector_load_idx %arg10[%broadcast_in_dim3A_71, %add3A_191] : memref<8x40xf32, #tpu.memory_space<vmem>>[vector<16xi32>, vector<16xi32>], vector<16xf32>,
      %mul3A_226 = arith.constant 16 : i32
      %mul3A_227 = arith.muli %scan3A_183, %mul3A_226 : i32
      %add3A_228 = arith.constant 20096 : i32
      %add3A_229 = arith.addi %add3A_228, %mul3A_227 : i32
      %swap3A_230 = arith.index_cast %add3A_229 : i32 to index
      %swap3A_231 = tpu.vector_load %arg11[%swap3A_230] {strides = array<i32>} : memref<20480xf32, #tpu.memory_space<vmem>>, vector<16xf32>,
      tpu.vector_store %arg11[%swap3A_230], %gather3A_225 {strides = array<i32>} : memref<20480xf32, #tpu.memory_space<vmem>>, vector<16xf32>,
      %gather3A_232 = tpu.vector_load_idx %arg10[%broadcast_in_dim3A_73, %add3A_191] : memref<8x40xf32, #tpu.memory_space<vmem>>[vector<16xi32>, vector<16xi32>], vector<16xf32>,
      %mul3A_233 = arith.constant 16 : i32
      %mul3A_234 = arith.muli %scan3A_183, %mul3A_233 : i32
      %add3A_235 = arith.constant 20224 : i32
      %add3A_236 = arith.addi %add3A_235, %mul3A_234 : i32
      %swap3A_237 = arith.index_cast %add3A_236 : i32 to index
      %swap3A_238 = tpu.vector_load %arg11[%swap3A_237] {strides = array<i32>} : memref<20480xf32, #tpu.memory_space<vmem>>, vector<16xf32>,
      tpu.vector_store %arg11[%swap3A_237], %gather3A_232 {strides = array<i32>} : memref<20480xf32, #tpu.memory_space<vmem>>, vector<16xf32>,
      %gather3A_239 = tpu.vector_load_idx %arg10[%broadcast_in_dim3A_75, %add3A_191] : memref<8x40xf32, #tpu.memory_space<vmem>>[vector<16xi32>, vector<16xi32>], vector<16xf32>,
      %mul3A_240 = arith.constant 16 : i32
      %mul3A_241 = arith.muli %scan3A_183, %mul3A_240 : i32
      %add3A_242 = arith.constant 20352 : i32
      %add3A_243 = arith.addi %add3A_242, %mul3A_241 : i32
      %swap3A_244 = arith.index_cast %add3A_243 : i32 to index
      %swap3A_245 = tpu.vector_load %arg11[%swap3A_244] {strides = array<i32>} : memref<20480xf32, #tpu.memory_space<vmem>>, vector<16xf32>,
      tpu.vector_store %arg11[%swap3A_244], %gather3A_239 {strides = array<i32>} : memref<20480xf32, #tpu.memory_space<vmem>>, vector<16xf32>,
    }
    %scan3A_174 = arith.constant 8 : i32
    %mul3A_175 = arith.constant 160 : i32
    %mul3A_176 = arith.muli %add3A, %mul3A_175 : i32
    %mul3A_177 = arith.constant 128 : i32
    %mul3A_178 = arith.muli %mul3A_176, %mul3A_177 : i32
    %dma_start3A_179 = tpu.memref_slice %arg8[%mul3A_178] : memref<655360xf32, #tpu.memory_space<hbm>> -> memref<20480xf32, #tpu.memory_space<hbm>>
    %dma_start3A_180 = tpu.memref_slice %arg8[%mul3A_178] : memref<655360xf32, #tpu.memory_space<hbm>> -> memref<20480xf32, #tpu.memory_space<hbm>>
    tpu.enqueue_dma source(%arg11 : memref<20480xf32, #tpu.memory_space<vmem>>) target(%dma_start3A_180 : memref<20480xf32, #tpu.memory_space<hbm>>) target_semaphore(%arg12 : memref<!tpu.dma_semaphore, #tpu.memory_space<semaphore_mem>>)
    %dma_wait3A_181 = tpu.memref_slice %arg8[%mul3A_178] : memref<655360xf32, #tpu.memory_space<hbm>> -> memref<20480xf32, #tpu.memory_space<hbm>>
    %dma_wait3A_182 = tpu.memref_slice %arg8[%mul3A_178] : memref<655360xf32, #tpu.memory_space<hbm>> -> memref<20480xf32, #tpu.memory_space<hbm>>
    tpu.wait_dma2 semaphore(%arg12 : memref<!tpu.dma_semaphore, #tpu.memory_space<semaphore_mem>>) src(%arg11 : memref<20480xf32, #tpu.memory_space<vmem>>) dst(%dma_wait3A_182 : memref<20480xf32, #tpu.memory_space<hbm>>)
    return
  }
}

module attributes {stable_mosaic.version = 14 : i64} {
  func.func @body(%arg0: i32, %arg1: memref<655360xf32, #tpu.memory_space<vmem>>, %arg2: memref<40x128xf32, #tpu.memory_space<vmem>>, %arg3: memref<128xf32, #tpu.memory_space<vmem>>, %arg4: memref<128xf32, #tpu.memory_space<vmem>>, %arg5: memref<128xf32, #tpu.memory_space<vmem>>, %arg6: memref<128x64xf32, #tpu.memory_space<vmem>>, %arg7: memref<64xf32, #tpu.memory_space<vmem>>, %arg8: memref<16384x64xf32, #tpu.memory_space<vmem>>) attributes {dimension_semantics = [#tpu.dimension_semantics<arbitrary>], iteration_bounds = array<i64: 1>, scalar_prefetch = 0 : i64, scratch_operands = 0 : i64, tpu.core_type = #tpu.core_type<tc>, window_params = [{transform_indices = @transform_0, window_bounds = array<i64: 655360>}, {pipeline_mode = #tpu.pipeline_mode<synchronous>, transform_indices = @transform_1, window_bounds = array<i64: 40, 128>}, {pipeline_mode = #tpu.pipeline_mode<synchronous>, transform_indices = @transform_2, window_bounds = array<i64: 128>}, {pipeline_mode = #tpu.pipeline_mode<synchronous>, transform_indices = @transform_3, window_bounds = array<i64: 128>}, {pipeline_mode = #tpu.pipeline_mode<synchronous>, transform_indices = @transform_4, window_bounds = array<i64: 128>}, {pipeline_mode = #tpu.pipeline_mode<synchronous>, transform_indices = @transform_5, window_bounds = array<i64: 128, 64>}, {pipeline_mode = #tpu.pipeline_mode<synchronous>, transform_indices = @transform_6, window_bounds = array<i64: 64>}, {transform_indices = @transform_7, window_bounds = array<i64: 16384, 64>}]} {
    %get3A = arith.constant 0 : index
    %get3A_0 = vector.load %arg1[%get3A] : memref<655360xf32, #tpu.memory_space<vmem>>, vector<655360xf32>
    %reshape3A = vector.shape_cast %get3A_0 : vector<655360xf32> to vector<5120x128xf32>
    %slice3A = vector.extract_strided_slice %reshape3A {offsets = [0, 0], sizes = [40, 128], strides = [1, 1]} : vector<5120x128xf32> to vector<40x128xf32>
    %get3A_1 = arith.constant 0 : index
    %get3A_2 = arith.constant 0 : index
    %get3A_3 = vector.load %arg2[%get3A_1, %get3A_2] : memref<40x128xf32, #tpu.memory_space<vmem>>, vector<40x128xf32>
    %dot_general3A = arith.constant dense<0.000000e+00> : vector<128x128xf32>
    %dot_general3A_4 = tpu.matmul %slice3A, %get3A_3, %dot_general3A {dimension_numbers = #tpu.dot_dimension_numbers<[0], [0], [1], [1], [0, 1, 1, 1], [], []>, transpose_lhs_hint = false} : vector<40x128xf32>, vector<40x128xf32>, vector<128x128xf32> -> vector<128x128xf32>
    %slice3A_5 = vector.extract_strided_slice %reshape3A {offsets = [40, 0], sizes = [40, 128], strides = [1, 1]} : vector<5120x128xf32> to vector<40x128xf32>
    %get3A_6 = arith.constant 0 : index
    %get3A_7 = arith.constant 0 : index
    %get3A_8 = vector.load %arg2[%get3A_6, %get3A_7] : memref<40x128xf32, #tpu.memory_space<vmem>>, vector<40x128xf32>
    %dot_general3A_9 = arith.constant dense<0.000000e+00> : vector<128x128xf32>
    %dot_general3A_10 = tpu.matmul %slice3A_5, %get3A_8, %dot_general3A_9 {dimension_numbers = #tpu.dot_dimension_numbers<[0], [0], [1], [1], [0, 1, 1, 1], [], []>, transpose_lhs_hint = false} : vector<40x128xf32>, vector<40x128xf32>, vector<128x128xf32> -> vector<128x128xf32>
    %slice3A_11 = vector.extract_strided_slice %reshape3A {offsets = [80, 0], sizes = [40, 128], strides = [1, 1]} : vector<5120x128xf32> to vector<40x128xf32>
    %get3A_12 = arith.constant 0 : index
    %get3A_13 = arith.constant 0 : index
    %get3A_14 = vector.load %arg2[%get3A_12, %get3A_13] : memref<40x128xf32, #tpu.memory_space<vmem>>, vector<40x128xf32>
    %dot_general3A_15 = arith.constant dense<0.000000e+00> : vector<128x128xf32>
    %dot_general3A_16 = tpu.matmul %slice3A_11, %get3A_14, %dot_general3A_15 {dimension_numbers = #tpu.dot_dimension_numbers<[0], [0], [1], [1], [0, 1, 1, 1], [], []>, transpose_lhs_hint = false} : vector<40x128xf32>, vector<40x128xf32>, vector<128x128xf32> -> vector<128x128xf32>
    %slice3A_17 = vector.extract_strided_slice %reshape3A {offsets = [120, 0], sizes = [40, 128], strides = [1, 1]} : vector<5120x128xf32> to vector<40x128xf32>
    %get3A_18 = arith.constant 0 : index
    %get3A_19 = arith.constant 0 : index
    %get3A_20 = vector.load %arg2[%get3A_18, %get3A_19] : memref<40x128xf32, #tpu.memory_space<vmem>>, vector<40x128xf32>
    %dot_general3A_21 = arith.constant dense<0.000000e+00> : vector<128x128xf32>
    %dot_general3A_22 = tpu.matmul %slice3A_17, %get3A_20, %dot_general3A_21 {dimension_numbers = #tpu.dot_dimension_numbers<[0], [0], [1], [1], [0, 1, 1, 1], [], []>, transpose_lhs_hint = false} : vector<40x128xf32>, vector<40x128xf32>, vector<128x128xf32> -> vector<128x128xf32>
    %slice3A_23 = vector.extract_strided_slice %reshape3A {offsets = [160, 0], sizes = [40, 128], strides = [1, 1]} : vector<5120x128xf32> to vector<40x128xf32>
    %get3A_24 = arith.constant 0 : index
    %get3A_25 = arith.constant 0 : index
    %get3A_26 = vector.load %arg2[%get3A_24, %get3A_25] : memref<40x128xf32, #tpu.memory_space<vmem>>, vector<40x128xf32>
    %dot_general3A_27 = arith.constant dense<0.000000e+00> : vector<128x128xf32>
    %dot_general3A_28 = tpu.matmul %slice3A_23, %get3A_26, %dot_general3A_27 {dimension_numbers = #tpu.dot_dimension_numbers<[0], [0], [1], [1], [0, 1, 1, 1], [], []>, transpose_lhs_hint = false} : vector<40x128xf32>, vector<40x128xf32>, vector<128x128xf32> -> vector<128x128xf32>
    %slice3A_29 = vector.extract_strided_slice %reshape3A {offsets = [200, 0], sizes = [40, 128], strides = [1, 1]} : vector<5120x128xf32> to vector<40x128xf32>
    %get3A_30 = arith.constant 0 : index
    %get3A_31 = arith.constant 0 : index
    %get3A_32 = vector.load %arg2[%get3A_30, %get3A_31] : memref<40x128xf32, #tpu.memory_space<vmem>>, vector<40x128xf32>
    %dot_general3A_33 = arith.constant dense<0.000000e+00> : vector<128x128xf32>
    %dot_general3A_34 = tpu.matmul %slice3A_29, %get3A_32, %dot_general3A_33 {dimension_numbers = #tpu.dot_dimension_numbers<[0], [0], [1], [1], [0, 1, 1, 1], [], []>, transpose_lhs_hint = false} : vector<40x128xf32>, vector<40x128xf32>, vector<128x128xf32> -> vector<128x128xf32>
    %slice3A_35 = vector.extract_strided_slice %reshape3A {offsets = [240, 0], sizes = [40, 128], strides = [1, 1]} : vector<5120x128xf32> to vector<40x128xf32>
    %get3A_36 = arith.constant 0 : index
    %get3A_37 = arith.constant 0 : index
    %get3A_38 = vector.load %arg2[%get3A_36, %get3A_37] : memref<40x128xf32, #tpu.memory_space<vmem>>, vector<40x128xf32>
    %dot_general3A_39 = arith.constant dense<0.000000e+00> : vector<128x128xf32>
    %dot_general3A_40 = tpu.matmul %slice3A_35, %get3A_38, %dot_general3A_39 {dimension_numbers = #tpu.dot_dimension_numbers<[0], [0], [1], [1], [0, 1, 1, 1], [], []>, transpose_lhs_hint = false} : vector<40x128xf32>, vector<40x128xf32>, vector<128x128xf32> -> vector<128x128xf32>
    %slice3A_41 = vector.extract_strided_slice %reshape3A {offsets = [280, 0], sizes = [40, 128], strides = [1, 1]} : vector<5120x128xf32> to vector<40x128xf32>
    %get3A_42 = arith.constant 0 : index
    %get3A_43 = arith.constant 0 : index
    %get3A_44 = vector.load %arg2[%get3A_42, %get3A_43] : memref<40x128xf32, #tpu.memory_space<vmem>>, vector<40x128xf32>
    %dot_general3A_45 = arith.constant dense<0.000000e+00> : vector<128x128xf32>
    %dot_general3A_46 = tpu.matmul %slice3A_41, %get3A_44, %dot_general3A_45 {dimension_numbers = #tpu.dot_dimension_numbers<[0], [0], [1], [1], [0, 1, 1, 1], [], []>, transpose_lhs_hint = false} : vector<40x128xf32>, vector<40x128xf32>, vector<128x128xf32> -> vector<128x128xf32>
    %slice3A_47 = vector.extract_strided_slice %reshape3A {offsets = [320, 0], sizes = [40, 128], strides = [1, 1]} : vector<5120x128xf32> to vector<40x128xf32>
    %get3A_48 = arith.constant 0 : index
    %get3A_49 = arith.constant 0 : index
    %get3A_50 = vector.load %arg2[%get3A_48, %get3A_49] : memref<40x128xf32, #tpu.memory_space<vmem>>, vector<40x128xf32>
    %dot_general3A_51 = arith.constant dense<0.000000e+00> : vector<128x128xf32>
    %dot_general3A_52 = tpu.matmul %slice3A_47, %get3A_50, %dot_general3A_51 {dimension_numbers = #tpu.dot_dimension_numbers<[0], [0], [1], [1], [0, 1, 1, 1], [], []>, transpose_lhs_hint = false} : vector<40x128xf32>, vector<40x128xf32>, vector<128x128xf32> -> vector<128x128xf32>
    %slice3A_53 = vector.extract_strided_slice %reshape3A {offsets = [360, 0], sizes = [40, 128], strides = [1, 1]} : vector<5120x128xf32> to vector<40x128xf32>
    %get3A_54 = arith.constant 0 : index
    %get3A_55 = arith.constant 0 : index
    %get3A_56 = vector.load %arg2[%get3A_54, %get3A_55] : memref<40x128xf32, #tpu.memory_space<vmem>>, vector<40x128xf32>
    %dot_general3A_57 = arith.constant dense<0.000000e+00> : vector<128x128xf32>
    %dot_general3A_58 = tpu.matmul %slice3A_53, %get3A_56, %dot_general3A_57 {dimension_numbers = #tpu.dot_dimension_numbers<[0], [0], [1], [1], [0, 1, 1, 1], [], []>, transpose_lhs_hint = false} : vector<40x128xf32>, vector<40x128xf32>, vector<128x128xf32> -> vector<128x128xf32>
    %slice3A_59 = vector.extract_strided_slice %reshape3A {offsets = [400, 0], sizes = [40, 128], strides = [1, 1]} : vector<5120x128xf32> to vector<40x128xf32>
    %get3A_60 = arith.constant 0 : index
    %get3A_61 = arith.constant 0 : index
    %get3A_62 = vector.load %arg2[%get3A_60, %get3A_61] : memref<40x128xf32, #tpu.memory_space<vmem>>, vector<40x128xf32>
    %dot_general3A_63 = arith.constant dense<0.000000e+00> : vector<128x128xf32>
    %dot_general3A_64 = tpu.matmul %slice3A_59, %get3A_62, %dot_general3A_63 {dimension_numbers = #tpu.dot_dimension_numbers<[0], [0], [1], [1], [0, 1, 1, 1], [], []>, transpose_lhs_hint = false} : vector<40x128xf32>, vector<40x128xf32>, vector<128x128xf32> -> vector<128x128xf32>
    %slice3A_65 = vector.extract_strided_slice %reshape3A {offsets = [440, 0], sizes = [40, 128], strides = [1, 1]} : vector<5120x128xf32> to vector<40x128xf32>
    %get3A_66 = arith.constant 0 : index
    %get3A_67 = arith.constant 0 : index
    %get3A_68 = vector.load %arg2[%get3A_66, %get3A_67] : memref<40x128xf32, #tpu.memory_space<vmem>>, vector<40x128xf32>
    %dot_general3A_69 = arith.constant dense<0.000000e+00> : vector<128x128xf32>
    %dot_general3A_70 = tpu.matmul %slice3A_65, %get3A_68, %dot_general3A_69 {dimension_numbers = #tpu.dot_dimension_numbers<[0], [0], [1], [1], [0, 1, 1, 1], [], []>, transpose_lhs_hint = false} : vector<40x128xf32>, vector<40x128xf32>, vector<128x128xf32> -> vector<128x128xf32>
    %slice3A_71 = vector.extract_strided_slice %reshape3A {offsets = [480, 0], sizes = [40, 128], strides = [1, 1]} : vector<5120x128xf32> to vector<40x128xf32>
    %get3A_72 = arith.constant 0 : index
    %get3A_73 = arith.constant 0 : index
    %get3A_74 = vector.load %arg2[%get3A_72, %get3A_73] : memref<40x128xf32, #tpu.memory_space<vmem>>, vector<40x128xf32>
    %dot_general3A_75 = arith.constant dense<0.000000e+00> : vector<128x128xf32>
    %dot_general3A_76 = tpu.matmul %slice3A_71, %get3A_74, %dot_general3A_75 {dimension_numbers = #tpu.dot_dimension_numbers<[0], [0], [1], [1], [0, 1, 1, 1], [], []>, transpose_lhs_hint = false} : vector<40x128xf32>, vector<40x128xf32>, vector<128x128xf32> -> vector<128x128xf32>
    %slice3A_77 = vector.extract_strided_slice %reshape3A {offsets = [520, 0], sizes = [40, 128], strides = [1, 1]} : vector<5120x128xf32> to vector<40x128xf32>
    %get3A_78 = arith.constant 0 : index
    %get3A_79 = arith.constant 0 : index
    %get3A_80 = vector.load %arg2[%get3A_78, %get3A_79] : memref<40x128xf32, #tpu.memory_space<vmem>>, vector<40x128xf32>
    %dot_general3A_81 = arith.constant dense<0.000000e+00> : vector<128x128xf32>
    %dot_general3A_82 = tpu.matmul %slice3A_77, %get3A_80, %dot_general3A_81 {dimension_numbers = #tpu.dot_dimension_numbers<[0], [0], [1], [1], [0, 1, 1, 1], [], []>, transpose_lhs_hint = false} : vector<40x128xf32>, vector<40x128xf32>, vector<128x128xf32> -> vector<128x128xf32>
    %slice3A_83 = vector.extract_strided_slice %reshape3A {offsets = [560, 0], sizes = [40, 128], strides = [1, 1]} : vector<5120x128xf32> to vector<40x128xf32>
    %get3A_84 = arith.constant 0 : index
    %get3A_85 = arith.constant 0 : index
    %get3A_86 = vector.load %arg2[%get3A_84, %get3A_85] : memref<40x128xf32, #tpu.memory_space<vmem>>, vector<40x128xf32>
    %dot_general3A_87 = arith.constant dense<0.000000e+00> : vector<128x128xf32>
    %dot_general3A_88 = tpu.matmul %slice3A_83, %get3A_86, %dot_general3A_87 {dimension_numbers = #tpu.dot_dimension_numbers<[0], [0], [1], [1], [0, 1, 1, 1], [], []>, transpose_lhs_hint = false} : vector<40x128xf32>, vector<40x128xf32>, vector<128x128xf32> -> vector<128x128xf32>
    %slice3A_89 = vector.extract_strided_slice %reshape3A {offsets = [600, 0], sizes = [40, 128], strides = [1, 1]} : vector<5120x128xf32> to vector<40x128xf32>
    %get3A_90 = arith.constant 0 : index
    %get3A_91 = arith.constant 0 : index
    %get3A_92 = vector.load %arg2[%get3A_90, %get3A_91] : memref<40x128xf32, #tpu.memory_space<vmem>>, vector<40x128xf32>
    %dot_general3A_93 = arith.constant dense<0.000000e+00> : vector<128x128xf32>
    %dot_general3A_94 = tpu.matmul %slice3A_89, %get3A_92, %dot_general3A_93 {dimension_numbers = #tpu.dot_dimension_numbers<[0], [0], [1], [1], [0, 1, 1, 1], [], []>, transpose_lhs_hint = false} : vector<40x128xf32>, vector<40x128xf32>, vector<128x128xf32> -> vector<128x128xf32>
    %slice3A_95 = vector.extract_strided_slice %reshape3A {offsets = [640, 0], sizes = [40, 128], strides = [1, 1]} : vector<5120x128xf32> to vector<40x128xf32>
    %get3A_96 = arith.constant 0 : index
    %get3A_97 = arith.constant 0 : index
    %get3A_98 = vector.load %arg2[%get3A_96, %get3A_97] : memref<40x128xf32, #tpu.memory_space<vmem>>, vector<40x128xf32>
    %dot_general3A_99 = arith.constant dense<0.000000e+00> : vector<128x128xf32>
    %dot_general3A_100 = tpu.matmul %slice3A_95, %get3A_98, %dot_general3A_99 {dimension_numbers = #tpu.dot_dimension_numbers<[0], [0], [1], [1], [0, 1, 1, 1], [], []>, transpose_lhs_hint = false} : vector<40x128xf32>, vector<40x128xf32>, vector<128x128xf32> -> vector<128x128xf32>
    %slice3A_101 = vector.extract_strided_slice %reshape3A {offsets = [680, 0], sizes = [40, 128], strides = [1, 1]} : vector<5120x128xf32> to vector<40x128xf32>
    %get3A_102 = arith.constant 0 : index
    %get3A_103 = arith.constant 0 : index
    %get3A_104 = vector.load %arg2[%get3A_102, %get3A_103] : memref<40x128xf32, #tpu.memory_space<vmem>>, vector<40x128xf32>
    %dot_general3A_105 = arith.constant dense<0.000000e+00> : vector<128x128xf32>
    %dot_general3A_106 = tpu.matmul %slice3A_101, %get3A_104, %dot_general3A_105 {dimension_numbers = #tpu.dot_dimension_numbers<[0], [0], [1], [1], [0, 1, 1, 1], [], []>, transpose_lhs_hint = false} : vector<40x128xf32>, vector<40x128xf32>, vector<128x128xf32> -> vector<128x128xf32>
    %slice3A_107 = vector.extract_strided_slice %reshape3A {offsets = [720, 0], sizes = [40, 128], strides = [1, 1]} : vector<5120x128xf32> to vector<40x128xf32>
    %get3A_108 = arith.constant 0 : index
    %get3A_109 = arith.constant 0 : index
    %get3A_110 = vector.load %arg2[%get3A_108, %get3A_109] : memref<40x128xf32, #tpu.memory_space<vmem>>, vector<40x128xf32>
    %dot_general3A_111 = arith.constant dense<0.000000e+00> : vector<128x128xf32>
    %dot_general3A_112 = tpu.matmul %slice3A_107, %get3A_110, %dot_general3A_111 {dimension_numbers = #tpu.dot_dimension_numbers<[0], [0], [1], [1], [0, 1, 1, 1], [], []>, transpose_lhs_hint = false} : vector<40x128xf32>, vector<40x128xf32>, vector<128x128xf32> -> vector<128x128xf32>
    %slice3A_113 = vector.extract_strided_slice %reshape3A {offsets = [760, 0], sizes = [40, 128], strides = [1, 1]} : vector<5120x128xf32> to vector<40x128xf32>
    %get3A_114 = arith.constant 0 : index
    %get3A_115 = arith.constant 0 : index
    %get3A_116 = vector.load %arg2[%get3A_114, %get3A_115] : memref<40x128xf32, #tpu.memory_space<vmem>>, vector<40x128xf32>
    %dot_general3A_117 = arith.constant dense<0.000000e+00> : vector<128x128xf32>
    %dot_general3A_118 = tpu.matmul %slice3A_113, %get3A_116, %dot_general3A_117 {dimension_numbers = #tpu.dot_dimension_numbers<[0], [0], [1], [1], [0, 1, 1, 1], [], []>, transpose_lhs_hint = false} : vector<40x128xf32>, vector<40x128xf32>, vector<128x128xf32> -> vector<128x128xf32>
    %slice3A_119 = vector.extract_strided_slice %reshape3A {offsets = [800, 0], sizes = [40, 128], strides = [1, 1]} : vector<5120x128xf32> to vector<40x128xf32>
    %get3A_120 = arith.constant 0 : index
    %get3A_121 = arith.constant 0 : index
    %get3A_122 = vector.load %arg2[%get3A_120, %get3A_121] : memref<40x128xf32, #tpu.memory_space<vmem>>, vector<40x128xf32>
    %dot_general3A_123 = arith.constant dense<0.000000e+00> : vector<128x128xf32>
    %dot_general3A_124 = tpu.matmul %slice3A_119, %get3A_122, %dot_general3A_123 {dimension_numbers = #tpu.dot_dimension_numbers<[0], [0], [1], [1], [0, 1, 1, 1], [], []>, transpose_lhs_hint = false} : vector<40x128xf32>, vector<40x128xf32>, vector<128x128xf32> -> vector<128x128xf32>
    %slice3A_125 = vector.extract_strided_slice %reshape3A {offsets = [840, 0], sizes = [40, 128], strides = [1, 1]} : vector<5120x128xf32> to vector<40x128xf32>
    %get3A_126 = arith.constant 0 : index
    %get3A_127 = arith.constant 0 : index
    %get3A_128 = vector.load %arg2[%get3A_126, %get3A_127] : memref<40x128xf32, #tpu.memory_space<vmem>>, vector<40x128xf32>
    %dot_general3A_129 = arith.constant dense<0.000000e+00> : vector<128x128xf32>
    %dot_general3A_130 = tpu.matmul %slice3A_125, %get3A_128, %dot_general3A_129 {dimension_numbers = #tpu.dot_dimension_numbers<[0], [0], [1], [1], [0, 1, 1, 1], [], []>, transpose_lhs_hint = false} : vector<40x128xf32>, vector<40x128xf32>, vector<128x128xf32> -> vector<128x128xf32>
    %slice3A_131 = vector.extract_strided_slice %reshape3A {offsets = [880, 0], sizes = [40, 128], strides = [1, 1]} : vector<5120x128xf32> to vector<40x128xf32>
    %get3A_132 = arith.constant 0 : index
    %get3A_133 = arith.constant 0 : index
    %get3A_134 = vector.load %arg2[%get3A_132, %get3A_133] : memref<40x128xf32, #tpu.memory_space<vmem>>, vector<40x128xf32>
    %dot_general3A_135 = arith.constant dense<0.000000e+00> : vector<128x128xf32>
    %dot_general3A_136 = tpu.matmul %slice3A_131, %get3A_134, %dot_general3A_135 {dimension_numbers = #tpu.dot_dimension_numbers<[0], [0], [1], [1], [0, 1, 1, 1], [], []>, transpose_lhs_hint = false} : vector<40x128xf32>, vector<40x128xf32>, vector<128x128xf32> -> vector<128x128xf32>
    %slice3A_137 = vector.extract_strided_slice %reshape3A {offsets = [920, 0], sizes = [40, 128], strides = [1, 1]} : vector<5120x128xf32> to vector<40x128xf32>
    %get3A_138 = arith.constant 0 : index
    %get3A_139 = arith.constant 0 : index
    %get3A_140 = vector.load %arg2[%get3A_138, %get3A_139] : memref<40x128xf32, #tpu.memory_space<vmem>>, vector<40x128xf32>
    %dot_general3A_141 = arith.constant dense<0.000000e+00> : vector<128x128xf32>
    %dot_general3A_142 = tpu.matmul %slice3A_137, %get3A_140, %dot_general3A_141 {dimension_numbers = #tpu.dot_dimension_numbers<[0], [0], [1], [1], [0, 1, 1, 1], [], []>, transpose_lhs_hint = false} : vector<40x128xf32>, vector<40x128xf32>, vector<128x128xf32> -> vector<128x128xf32>
    %slice3A_143 = vector.extract_strided_slice %reshape3A {offsets = [960, 0], sizes = [40, 128], strides = [1, 1]} : vector<5120x128xf32> to vector<40x128xf32>
    %get3A_144 = arith.constant 0 : index
    %get3A_145 = arith.constant 0 : index
    %get3A_146 = vector.load %arg2[%get3A_144, %get3A_145] : memref<40x128xf32, #tpu.memory_space<vmem>>, vector<40x128xf32>
    %dot_general3A_147 = arith.constant dense<0.000000e+00> : vector<128x128xf32>
    %dot_general3A_148 = tpu.matmul %slice3A_143, %get3A_146, %dot_general3A_147 {dimension_numbers = #tpu.dot_dimension_numbers<[0], [0], [1], [1], [0, 1, 1, 1], [], []>, transpose_lhs_hint = false} : vector<40x128xf32>, vector<40x128xf32>, vector<128x128xf32> -> vector<128x128xf32>
    %slice3A_149 = vector.extract_strided_slice %reshape3A {offsets = [1000, 0], sizes = [40, 128], strides = [1, 1]} : vector<5120x128xf32> to vector<40x128xf32>
    %get3A_150 = arith.constant 0 : index
    %get3A_151 = arith.constant 0 : index
    %get3A_152 = vector.load %arg2[%get3A_150, %get3A_151] : memref<40x128xf32, #tpu.memory_space<vmem>>, vector<40x128xf32>
    %dot_general3A_153 = arith.constant dense<0.000000e+00> : vector<128x128xf32>
    %dot_general3A_154 = tpu.matmul %slice3A_149, %get3A_152, %dot_general3A_153 {dimension_numbers = #tpu.dot_dimension_numbers<[0], [0], [1], [1], [0, 1, 1, 1], [], []>, transpose_lhs_hint = false} : vector<40x128xf32>, vector<40x128xf32>, vector<128x128xf32> -> vector<128x128xf32>
    %slice3A_155 = vector.extract_strided_slice %reshape3A {offsets = [1040, 0], sizes = [40, 128], strides = [1, 1]} : vector<5120x128xf32> to vector<40x128xf32>
    %get3A_156 = arith.constant 0 : index
    %get3A_157 = arith.constant 0 : index
    %get3A_158 = vector.load %arg2[%get3A_156, %get3A_157] : memref<40x128xf32, #tpu.memory_space<vmem>>, vector<40x128xf32>
    %dot_general3A_159 = arith.constant dense<0.000000e+00> : vector<128x128xf32>
    %dot_general3A_160 = tpu.matmul %slice3A_155, %get3A_158, %dot_general3A_159 {dimension_numbers = #tpu.dot_dimension_numbers<[0], [0], [1], [1], [0, 1, 1, 1], [], []>, transpose_lhs_hint = false} : vector<40x128xf32>, vector<40x128xf32>, vector<128x128xf32> -> vector<128x128xf32>
    %slice3A_161 = vector.extract_strided_slice %reshape3A {offsets = [1080, 0], sizes = [40, 128], strides = [1, 1]} : vector<5120x128xf32> to vector<40x128xf32>
    %get3A_162 = arith.constant 0 : index
    %get3A_163 = arith.constant 0 : index
    %get3A_164 = vector.load %arg2[%get3A_162, %get3A_163] : memref<40x128xf32, #tpu.memory_space<vmem>>, vector<40x128xf32>
    %dot_general3A_165 = arith.constant dense<0.000000e+00> : vector<128x128xf32>
    %dot_general3A_166 = tpu.matmul %slice3A_161, %get3A_164, %dot_general3A_165 {dimension_numbers = #tpu.dot_dimension_numbers<[0], [0], [1], [1], [0, 1, 1, 1], [], []>, transpose_lhs_hint = false} : vector<40x128xf32>, vector<40x128xf32>, vector<128x128xf32> -> vector<128x128xf32>
    %slice3A_167 = vector.extract_strided_slice %reshape3A {offsets = [1120, 0], sizes = [40, 128], strides = [1, 1]} : vector<5120x128xf32> to vector<40x128xf32>
    %get3A_168 = arith.constant 0 : index
    %get3A_169 = arith.constant 0 : index
    %get3A_170 = vector.load %arg2[%get3A_168, %get3A_169] : memref<40x128xf32, #tpu.memory_space<vmem>>, vector<40x128xf32>
    %dot_general3A_171 = arith.constant dense<0.000000e+00> : vector<128x128xf32>
    %dot_general3A_172 = tpu.matmul %slice3A_167, %get3A_170, %dot_general3A_171 {dimension_numbers = #tpu.dot_dimension_numbers<[0], [0], [1], [1], [0, 1, 1, 1], [], []>, transpose_lhs_hint = false} : vector<40x128xf32>, vector<40x128xf32>, vector<128x128xf32> -> vector<128x128xf32>
    %slice3A_173 = vector.extract_strided_slice %reshape3A {offsets = [1160, 0], sizes = [40, 128], strides = [1, 1]} : vector<5120x128xf32> to vector<40x128xf32>
    %get3A_174 = arith.constant 0 : index
    %get3A_175 = arith.constant 0 : index
    %get3A_176 = vector.load %arg2[%get3A_174, %get3A_175] : memref<40x128xf32, #tpu.memory_space<vmem>>, vector<40x128xf32>
    %dot_general3A_177 = arith.constant dense<0.000000e+00> : vector<128x128xf32>
    %dot_general3A_178 = tpu.matmul %slice3A_173, %get3A_176, %dot_general3A_177 {dimension_numbers = #tpu.dot_dimension_numbers<[0], [0], [1], [1], [0, 1, 1, 1], [], []>, transpose_lhs_hint = false} : vector<40x128xf32>, vector<40x128xf32>, vector<128x128xf32> -> vector<128x128xf32>
    %slice3A_179 = vector.extract_strided_slice %reshape3A {offsets = [1200, 0], sizes = [40, 128], strides = [1, 1]} : vector<5120x128xf32> to vector<40x128xf32>
    %get3A_180 = arith.constant 0 : index
    %get3A_181 = arith.constant 0 : index
    %get3A_182 = vector.load %arg2[%get3A_180, %get3A_181] : memref<40x128xf32, #tpu.memory_space<vmem>>, vector<40x128xf32>
    %dot_general3A_183 = arith.constant dense<0.000000e+00> : vector<128x128xf32>
    %dot_general3A_184 = tpu.matmul %slice3A_179, %get3A_182, %dot_general3A_183 {dimension_numbers = #tpu.dot_dimension_numbers<[0], [0], [1], [1], [0, 1, 1, 1], [], []>, transpose_lhs_hint = false} : vector<40x128xf32>, vector<40x128xf32>, vector<128x128xf32> -> vector<128x128xf32>
    %slice3A_185 = vector.extract_strided_slice %reshape3A {offsets = [1240, 0], sizes = [40, 128], strides = [1, 1]} : vector<5120x128xf32> to vector<40x128xf32>
    %get3A_186 = arith.constant 0 : index
    %get3A_187 = arith.constant 0 : index
    %get3A_188 = vector.load %arg2[%get3A_186, %get3A_187] : memref<40x128xf32, #tpu.memory_space<vmem>>, vector<40x128xf32>
    %dot_general3A_189 = arith.constant dense<0.000000e+00> : vector<128x128xf32>
    %dot_general3A_190 = tpu.matmul %slice3A_185, %get3A_188, %dot_general3A_189 {dimension_numbers = #tpu.dot_dimension_numbers<[0], [0], [1], [1], [0, 1, 1, 1], [], []>, transpose_lhs_hint = false} : vector<40x128xf32>, vector<40x128xf32>, vector<128x128xf32> -> vector<128x128xf32>
    %slice3A_191 = vector.extract_strided_slice %reshape3A {offsets = [1280, 0], sizes = [40, 128], strides = [1, 1]} : vector<5120x128xf32> to vector<40x128xf32>
    %get3A_192 = arith.constant 0 : index
    %get3A_193 = arith.constant 0 : index
    %get3A_194 = vector.load %arg2[%get3A_192, %get3A_193] : memref<40x128xf32, #tpu.memory_space<vmem>>, vector<40x128xf32>
    %dot_general3A_195 = arith.constant dense<0.000000e+00> : vector<128x128xf32>
    %dot_general3A_196 = tpu.matmul %slice3A_191, %get3A_194, %dot_general3A_195 {dimension_numbers = #tpu.dot_dimension_numbers<[0], [0], [1], [1], [0, 1, 1, 1], [], []>, transpose_lhs_hint = false} : vector<40x128xf32>, vector<40x128xf32>, vector<128x128xf32> -> vector<128x128xf32>
    %slice3A_197 = vector.extract_strided_slice %reshape3A {offsets = [1320, 0], sizes = [40, 128], strides = [1, 1]} : vector<5120x128xf32> to vector<40x128xf32>
    %get3A_198 = arith.constant 0 : index
    %get3A_199 = arith.constant 0 : index
    %get3A_200 = vector.load %arg2[%get3A_198, %get3A_199] : memref<40x128xf32, #tpu.memory_space<vmem>>, vector<40x128xf32>
    %dot_general3A_201 = arith.constant dense<0.000000e+00> : vector<128x128xf32>
    %dot_general3A_202 = tpu.matmul %slice3A_197, %get3A_200, %dot_general3A_201 {dimension_numbers = #tpu.dot_dimension_numbers<[0], [0], [1], [1], [0, 1, 1, 1], [], []>, transpose_lhs_hint = false} : vector<40x128xf32>, vector<40x128xf32>, vector<128x128xf32> -> vector<128x128xf32>
    %slice3A_203 = vector.extract_strided_slice %reshape3A {offsets = [1360, 0], sizes = [40, 128], strides = [1, 1]} : vector<5120x128xf32> to vector<40x128xf32>
    %get3A_204 = arith.constant 0 : index
    %get3A_205 = arith.constant 0 : index
    %get3A_206 = vector.load %arg2[%get3A_204, %get3A_205] : memref<40x128xf32, #tpu.memory_space<vmem>>, vector<40x128xf32>
    %dot_general3A_207 = arith.constant dense<0.000000e+00> : vector<128x128xf32>
    %dot_general3A_208 = tpu.matmul %slice3A_203, %get3A_206, %dot_general3A_207 {dimension_numbers = #tpu.dot_dimension_numbers<[0], [0], [1], [1], [0, 1, 1, 1], [], []>, transpose_lhs_hint = false} : vector<40x128xf32>, vector<40x128xf32>, vector<128x128xf32> -> vector<128x128xf32>
    %slice3A_209 = vector.extract_strided_slice %reshape3A {offsets = [1400, 0], sizes = [40, 128], strides = [1, 1]} : vector<5120x128xf32> to vector<40x128xf32>
    %get3A_210 = arith.constant 0 : index
    %get3A_211 = arith.constant 0 : index
    %get3A_212 = vector.load %arg2[%get3A_210, %get3A_211] : memref<40x128xf32, #tpu.memory_space<vmem>>, vector<40x128xf32>
    %dot_general3A_213 = arith.constant dense<0.000000e+00> : vector<128x128xf32>
    %dot_general3A_214 = tpu.matmul %slice3A_209, %get3A_212, %dot_general3A_213 {dimension_numbers = #tpu.dot_dimension_numbers<[0], [0], [1], [1], [0, 1, 1, 1], [], []>, transpose_lhs_hint = false} : vector<40x128xf32>, vector<40x128xf32>, vector<128x128xf32> -> vector<128x128xf32>
    %slice3A_215 = vector.extract_strided_slice %reshape3A {offsets = [1440, 0], sizes = [40, 128], strides = [1, 1]} : vector<5120x128xf32> to vector<40x128xf32>
    %get3A_216 = arith.constant 0 : index
    %get3A_217 = arith.constant 0 : index
    %get3A_218 = vector.load %arg2[%get3A_216, %get3A_217] : memref<40x128xf32, #tpu.memory_space<vmem>>, vector<40x128xf32>
    %dot_general3A_219 = arith.constant dense<0.000000e+00> : vector<128x128xf32>
    %dot_general3A_220 = tpu.matmul %slice3A_215, %get3A_218, %dot_general3A_219 {dimension_numbers = #tpu.dot_dimension_numbers<[0], [0], [1], [1], [0, 1, 1, 1], [], []>, transpose_lhs_hint = false} : vector<40x128xf32>, vector<40x128xf32>, vector<128x128xf32> -> vector<128x128xf32>
    %slice3A_221 = vector.extract_strided_slice %reshape3A {offsets = [1480, 0], sizes = [40, 128], strides = [1, 1]} : vector<5120x128xf32> to vector<40x128xf32>
    %get3A_222 = arith.constant 0 : index
    %get3A_223 = arith.constant 0 : index
    %get3A_224 = vector.load %arg2[%get3A_222, %get3A_223] : memref<40x128xf32, #tpu.memory_space<vmem>>, vector<40x128xf32>
    %dot_general3A_225 = arith.constant dense<0.000000e+00> : vector<128x128xf32>
    %dot_general3A_226 = tpu.matmul %slice3A_221, %get3A_224, %dot_general3A_225 {dimension_numbers = #tpu.dot_dimension_numbers<[0], [0], [1], [1], [0, 1, 1, 1], [], []>, transpose_lhs_hint = false} : vector<40x128xf32>, vector<40x128xf32>, vector<128x128xf32> -> vector<128x128xf32>
    %slice3A_227 = vector.extract_strided_slice %reshape3A {offsets = [1520, 0], sizes = [40, 128], strides = [1, 1]} : vector<5120x128xf32> to vector<40x128xf32>
    %get3A_228 = arith.constant 0 : index
    %get3A_229 = arith.constant 0 : index
    %get3A_230 = vector.load %arg2[%get3A_228, %get3A_229] : memref<40x128xf32, #tpu.memory_space<vmem>>, vector<40x128xf32>
    %dot_general3A_231 = arith.constant dense<0.000000e+00> : vector<128x128xf32>
    %dot_general3A_232 = tpu.matmul %slice3A_227, %get3A_230, %dot_general3A_231 {dimension_numbers = #tpu.dot_dimension_numbers<[0], [0], [1], [1], [0, 1, 1, 1], [], []>, transpose_lhs_hint = false} : vector<40x128xf32>, vector<40x128xf32>, vector<128x128xf32> -> vector<128x128xf32>
    %slice3A_233 = vector.extract_strided_slice %reshape3A {offsets = [1560, 0], sizes = [40, 128], strides = [1, 1]} : vector<5120x128xf32> to vector<40x128xf32>
    %get3A_234 = arith.constant 0 : index
    %get3A_235 = arith.constant 0 : index
    %get3A_236 = vector.load %arg2[%get3A_234, %get3A_235] : memref<40x128xf32, #tpu.memory_space<vmem>>, vector<40x128xf32>
    %dot_general3A_237 = arith.constant dense<0.000000e+00> : vector<128x128xf32>
    %dot_general3A_238 = tpu.matmul %slice3A_233, %get3A_236, %dot_general3A_237 {dimension_numbers = #tpu.dot_dimension_numbers<[0], [0], [1], [1], [0, 1, 1, 1], [], []>, transpose_lhs_hint = false} : vector<40x128xf32>, vector<40x128xf32>, vector<128x128xf32> -> vector<128x128xf32>
    %slice3A_239 = vector.extract_strided_slice %reshape3A {offsets = [1600, 0], sizes = [40, 128], strides = [1, 1]} : vector<5120x128xf32> to vector<40x128xf32>
    %get3A_240 = arith.constant 0 : index
    %get3A_241 = arith.constant 0 : index
    %get3A_242 = vector.load %arg2[%get3A_240, %get3A_241] : memref<40x128xf32, #tpu.memory_space<vmem>>, vector<40x128xf32>
    %dot_general3A_243 = arith.constant dense<0.000000e+00> : vector<128x128xf32>
    %dot_general3A_244 = tpu.matmul %slice3A_239, %get3A_242, %dot_general3A_243 {dimension_numbers = #tpu.dot_dimension_numbers<[0], [0], [1], [1], [0, 1, 1, 1], [], []>, transpose_lhs_hint = false} : vector<40x128xf32>, vector<40x128xf32>, vector<128x128xf32> -> vector<128x128xf32>
    %slice3A_245 = vector.extract_strided_slice %reshape3A {offsets = [1640, 0], sizes = [40, 128], strides = [1, 1]} : vector<5120x128xf32> to vector<40x128xf32>
    %get3A_246 = arith.constant 0 : index
    %get3A_247 = arith.constant 0 : index
    %get3A_248 = vector.load %arg2[%get3A_246, %get3A_247] : memref<40x128xf32, #tpu.memory_space<vmem>>, vector<40x128xf32>
    %dot_general3A_249 = arith.constant dense<0.000000e+00> : vector<128x128xf32>
    %dot_general3A_250 = tpu.matmul %slice3A_245, %get3A_248, %dot_general3A_249 {dimension_numbers = #tpu.dot_dimension_numbers<[0], [0], [1], [1], [0, 1, 1, 1], [], []>, transpose_lhs_hint = false} : vector<40x128xf32>, vector<40x128xf32>, vector<128x128xf32> -> vector<128x128xf32>
    %slice3A_251 = vector.extract_strided_slice %reshape3A {offsets = [1680, 0], sizes = [40, 128], strides = [1, 1]} : vector<5120x128xf32> to vector<40x128xf32>
    %get3A_252 = arith.constant 0 : index
    %get3A_253 = arith.constant 0 : index
    %get3A_254 = vector.load %arg2[%get3A_252, %get3A_253] : memref<40x128xf32, #tpu.memory_space<vmem>>, vector<40x128xf32>
    %dot_general3A_255 = arith.constant dense<0.000000e+00> : vector<128x128xf32>
    %dot_general3A_256 = tpu.matmul %slice3A_251, %get3A_254, %dot_general3A_255 {dimension_numbers = #tpu.dot_dimension_numbers<[0], [0], [1], [1], [0, 1, 1, 1], [], []>, transpose_lhs_hint = false} : vector<40x128xf32>, vector<40x128xf32>, vector<128x128xf32> -> vector<128x128xf32>
    %slice3A_257 = vector.extract_strided_slice %reshape3A {offsets = [1720, 0], sizes = [40, 128], strides = [1, 1]} : vector<5120x128xf32> to vector<40x128xf32>
    %get3A_258 = arith.constant 0 : index
    %get3A_259 = arith.constant 0 : index
    %get3A_260 = vector.load %arg2[%get3A_258, %get3A_259] : memref<40x128xf32, #tpu.memory_space<vmem>>, vector<40x128xf32>
    %dot_general3A_261 = arith.constant dense<0.000000e+00> : vector<128x128xf32>
    %dot_general3A_262 = tpu.matmul %slice3A_257, %get3A_260, %dot_general3A_261 {dimension_numbers = #tpu.dot_dimension_numbers<[0], [0], [1], [1], [0, 1, 1, 1], [], []>, transpose_lhs_hint = false} : vector<40x128xf32>, vector<40x128xf32>, vector<128x128xf32> -> vector<128x128xf32>
    %slice3A_263 = vector.extract_strided_slice %reshape3A {offsets = [1760, 0], sizes = [40, 128], strides = [1, 1]} : vector<5120x128xf32> to vector<40x128xf32>
    %get3A_264 = arith.constant 0 : index
    %get3A_265 = arith.constant 0 : index
    %get3A_266 = vector.load %arg2[%get3A_264, %get3A_265] : memref<40x128xf32, #tpu.memory_space<vmem>>, vector<40x128xf32>
    %dot_general3A_267 = arith.constant dense<0.000000e+00> : vector<128x128xf32>
    %dot_general3A_268 = tpu.matmul %slice3A_263, %get3A_266, %dot_general3A_267 {dimension_numbers = #tpu.dot_dimension_numbers<[0], [0], [1], [1], [0, 1, 1, 1], [], []>, transpose_lhs_hint = false} : vector<40x128xf32>, vector<40x128xf32>, vector<128x128xf32> -> vector<128x128xf32>
    %slice3A_269 = vector.extract_strided_slice %reshape3A {offsets = [1800, 0], sizes = [40, 128], strides = [1, 1]} : vector<5120x128xf32> to vector<40x128xf32>
    %get3A_270 = arith.constant 0 : index
    %get3A_271 = arith.constant 0 : index
    %get3A_272 = vector.load %arg2[%get3A_270, %get3A_271] : memref<40x128xf32, #tpu.memory_space<vmem>>, vector<40x128xf32>
    %dot_general3A_273 = arith.constant dense<0.000000e+00> : vector<128x128xf32>
    %dot_general3A_274 = tpu.matmul %slice3A_269, %get3A_272, %dot_general3A_273 {dimension_numbers = #tpu.dot_dimension_numbers<[0], [0], [1], [1], [0, 1, 1, 1], [], []>, transpose_lhs_hint = false} : vector<40x128xf32>, vector<40x128xf32>, vector<128x128xf32> -> vector<128x128xf32>
    %slice3A_275 = vector.extract_strided_slice %reshape3A {offsets = [1840, 0], sizes = [40, 128], strides = [1, 1]} : vector<5120x128xf32> to vector<40x128xf32>
    %get3A_276 = arith.constant 0 : index
    %get3A_277 = arith.constant 0 : index
    %get3A_278 = vector.load %arg2[%get3A_276, %get3A_277] : memref<40x128xf32, #tpu.memory_space<vmem>>, vector<40x128xf32>
    %dot_general3A_279 = arith.constant dense<0.000000e+00> : vector<128x128xf32>
    %dot_general3A_280 = tpu.matmul %slice3A_275, %get3A_278, %dot_general3A_279 {dimension_numbers = #tpu.dot_dimension_numbers<[0], [0], [1], [1], [0, 1, 1, 1], [], []>, transpose_lhs_hint = false} : vector<40x128xf32>, vector<40x128xf32>, vector<128x128xf32> -> vector<128x128xf32>
    %slice3A_281 = vector.extract_strided_slice %reshape3A {offsets = [1880, 0], sizes = [40, 128], strides = [1, 1]} : vector<5120x128xf32> to vector<40x128xf32>
    %get3A_282 = arith.constant 0 : index
    %get3A_283 = arith.constant 0 : index
    %get3A_284 = vector.load %arg2[%get3A_282, %get3A_283] : memref<40x128xf32, #tpu.memory_space<vmem>>, vector<40x128xf32>
    %dot_general3A_285 = arith.constant dense<0.000000e+00> : vector<128x128xf32>
    %dot_general3A_286 = tpu.matmul %slice3A_281, %get3A_284, %dot_general3A_285 {dimension_numbers = #tpu.dot_dimension_numbers<[0], [0], [1], [1], [0, 1, 1, 1], [], []>, transpose_lhs_hint = false} : vector<40x128xf32>, vector<40x128xf32>, vector<128x128xf32> -> vector<128x128xf32>
    %slice3A_287 = vector.extract_strided_slice %reshape3A {offsets = [1920, 0], sizes = [40, 128], strides = [1, 1]} : vector<5120x128xf32> to vector<40x128xf32>
    %get3A_288 = arith.constant 0 : index
    %get3A_289 = arith.constant 0 : index
    %get3A_290 = vector.load %arg2[%get3A_288, %get3A_289] : memref<40x128xf32, #tpu.memory_space<vmem>>, vector<40x128xf32>
    %dot_general3A_291 = arith.constant dense<0.000000e+00> : vector<128x128xf32>
    %dot_general3A_292 = tpu.matmul %slice3A_287, %get3A_290, %dot_general3A_291 {dimension_numbers = #tpu.dot_dimension_numbers<[0], [0], [1], [1], [0, 1, 1, 1], [], []>, transpose_lhs_hint = false} : vector<40x128xf32>, vector<40x128xf32>, vector<128x128xf32> -> vector<128x128xf32>
    %slice3A_293 = vector.extract_strided_slice %reshape3A {offsets = [1960, 0], sizes = [40, 128], strides = [1, 1]} : vector<5120x128xf32> to vector<40x128xf32>
    %get3A_294 = arith.constant 0 : index
    %get3A_295 = arith.constant 0 : index
    %get3A_296 = vector.load %arg2[%get3A_294, %get3A_295] : memref<40x128xf32, #tpu.memory_space<vmem>>, vector<40x128xf32>
    %dot_general3A_297 = arith.constant dense<0.000000e+00> : vector<128x128xf32>
    %dot_general3A_298 = tpu.matmul %slice3A_293, %get3A_296, %dot_general3A_297 {dimension_numbers = #tpu.dot_dimension_numbers<[0], [0], [1], [1], [0, 1, 1, 1], [], []>, transpose_lhs_hint = false} : vector<40x128xf32>, vector<40x128xf32>, vector<128x128xf32> -> vector<128x128xf32>
    %slice3A_299 = vector.extract_strided_slice %reshape3A {offsets = [2000, 0], sizes = [40, 128], strides = [1, 1]} : vector<5120x128xf32> to vector<40x128xf32>
    %get3A_300 = arith.constant 0 : index
    %get3A_301 = arith.constant 0 : index
    %get3A_302 = vector.load %arg2[%get3A_300, %get3A_301] : memref<40x128xf32, #tpu.memory_space<vmem>>, vector<40x128xf32>
    %dot_general3A_303 = arith.constant dense<0.000000e+00> : vector<128x128xf32>
    %dot_general3A_304 = tpu.matmul %slice3A_299, %get3A_302, %dot_general3A_303 {dimension_numbers = #tpu.dot_dimension_numbers<[0], [0], [1], [1], [0, 1, 1, 1], [], []>, transpose_lhs_hint = false} : vector<40x128xf32>, vector<40x128xf32>, vector<128x128xf32> -> vector<128x128xf32>
    %slice3A_305 = vector.extract_strided_slice %reshape3A {offsets = [2040, 0], sizes = [40, 128], strides = [1, 1]} : vector<5120x128xf32> to vector<40x128xf32>
    %get3A_306 = arith.constant 0 : index
    %get3A_307 = arith.constant 0 : index
    %get3A_308 = vector.load %arg2[%get3A_306, %get3A_307] : memref<40x128xf32, #tpu.memory_space<vmem>>, vector<40x128xf32>
    %dot_general3A_309 = arith.constant dense<0.000000e+00> : vector<128x128xf32>
    %dot_general3A_310 = tpu.matmul %slice3A_305, %get3A_308, %dot_general3A_309 {dimension_numbers = #tpu.dot_dimension_numbers<[0], [0], [1], [1], [0, 1, 1, 1], [], []>, transpose_lhs_hint = false} : vector<40x128xf32>, vector<40x128xf32>, vector<128x128xf32> -> vector<128x128xf32>
    %slice3A_311 = vector.extract_strided_slice %reshape3A {offsets = [2080, 0], sizes = [40, 128], strides = [1, 1]} : vector<5120x128xf32> to vector<40x128xf32>
    %get3A_312 = arith.constant 0 : index
    %get3A_313 = arith.constant 0 : index
    %get3A_314 = vector.load %arg2[%get3A_312, %get3A_313] : memref<40x128xf32, #tpu.memory_space<vmem>>, vector<40x128xf32>
    %dot_general3A_315 = arith.constant dense<0.000000e+00> : vector<128x128xf32>
    %dot_general3A_316 = tpu.matmul %slice3A_311, %get3A_314, %dot_general3A_315 {dimension_numbers = #tpu.dot_dimension_numbers<[0], [0], [1], [1], [0, 1, 1, 1], [], []>, transpose_lhs_hint = false} : vector<40x128xf32>, vector<40x128xf32>, vector<128x128xf32> -> vector<128x128xf32>
    %slice3A_317 = vector.extract_strided_slice %reshape3A {offsets = [2120, 0], sizes = [40, 128], strides = [1, 1]} : vector<5120x128xf32> to vector<40x128xf32>
    %get3A_318 = arith.constant 0 : index
    %get3A_319 = arith.constant 0 : index
    %get3A_320 = vector.load %arg2[%get3A_318, %get3A_319] : memref<40x128xf32, #tpu.memory_space<vmem>>, vector<40x128xf32>
    %dot_general3A_321 = arith.constant dense<0.000000e+00> : vector<128x128xf32>
    %dot_general3A_322 = tpu.matmul %slice3A_317, %get3A_320, %dot_general3A_321 {dimension_numbers = #tpu.dot_dimension_numbers<[0], [0], [1], [1], [0, 1, 1, 1], [], []>, transpose_lhs_hint = false} : vector<40x128xf32>, vector<40x128xf32>, vector<128x128xf32> -> vector<128x128xf32>
    %slice3A_323 = vector.extract_strided_slice %reshape3A {offsets = [2160, 0], sizes = [40, 128], strides = [1, 1]} : vector<5120x128xf32> to vector<40x128xf32>
    %get3A_324 = arith.constant 0 : index
    %get3A_325 = arith.constant 0 : index
    %get3A_326 = vector.load %arg2[%get3A_324, %get3A_325] : memref<40x128xf32, #tpu.memory_space<vmem>>, vector<40x128xf32>
    %dot_general3A_327 = arith.constant dense<0.000000e+00> : vector<128x128xf32>
    %dot_general3A_328 = tpu.matmul %slice3A_323, %get3A_326, %dot_general3A_327 {dimension_numbers = #tpu.dot_dimension_numbers<[0], [0], [1], [1], [0, 1, 1, 1], [], []>, transpose_lhs_hint = false} : vector<40x128xf32>, vector<40x128xf32>, vector<128x128xf32> -> vector<128x128xf32>
    %slice3A_329 = vector.extract_strided_slice %reshape3A {offsets = [2200, 0], sizes = [40, 128], strides = [1, 1]} : vector<5120x128xf32> to vector<40x128xf32>
    %get3A_330 = arith.constant 0 : index
    %get3A_331 = arith.constant 0 : index
    %get3A_332 = vector.load %arg2[%get3A_330, %get3A_331] : memref<40x128xf32, #tpu.memory_space<vmem>>, vector<40x128xf32>
    %dot_general3A_333 = arith.constant dense<0.000000e+00> : vector<128x128xf32>
    %dot_general3A_334 = tpu.matmul %slice3A_329, %get3A_332, %dot_general3A_333 {dimension_numbers = #tpu.dot_dimension_numbers<[0], [0], [1], [1], [0, 1, 1, 1], [], []>, transpose_lhs_hint = false} : vector<40x128xf32>, vector<40x128xf32>, vector<128x128xf32> -> vector<128x128xf32>
    %slice3A_335 = vector.extract_strided_slice %reshape3A {offsets = [2240, 0], sizes = [40, 128], strides = [1, 1]} : vector<5120x128xf32> to vector<40x128xf32>
    %get3A_336 = arith.constant 0 : index
    %get3A_337 = arith.constant 0 : index
    %get3A_338 = vector.load %arg2[%get3A_336, %get3A_337] : memref<40x128xf32, #tpu.memory_space<vmem>>, vector<40x128xf32>
    %dot_general3A_339 = arith.constant dense<0.000000e+00> : vector<128x128xf32>
    %dot_general3A_340 = tpu.matmul %slice3A_335, %get3A_338, %dot_general3A_339 {dimension_numbers = #tpu.dot_dimension_numbers<[0], [0], [1], [1], [0, 1, 1, 1], [], []>, transpose_lhs_hint = false} : vector<40x128xf32>, vector<40x128xf32>, vector<128x128xf32> -> vector<128x128xf32>
    %slice3A_341 = vector.extract_strided_slice %reshape3A {offsets = [2280, 0], sizes = [40, 128], strides = [1, 1]} : vector<5120x128xf32> to vector<40x128xf32>
    %get3A_342 = arith.constant 0 : index
    %get3A_343 = arith.constant 0 : index
    %get3A_344 = vector.load %arg2[%get3A_342, %get3A_343] : memref<40x128xf32, #tpu.memory_space<vmem>>, vector<40x128xf32>
    %dot_general3A_345 = arith.constant dense<0.000000e+00> : vector<128x128xf32>
    %dot_general3A_346 = tpu.matmul %slice3A_341, %get3A_344, %dot_general3A_345 {dimension_numbers = #tpu.dot_dimension_numbers<[0], [0], [1], [1], [0, 1, 1, 1], [], []>, transpose_lhs_hint = false} : vector<40x128xf32>, vector<40x128xf32>, vector<128x128xf32> -> vector<128x128xf32>
    %slice3A_347 = vector.extract_strided_slice %reshape3A {offsets = [2320, 0], sizes = [40, 128], strides = [1, 1]} : vector<5120x128xf32> to vector<40x128xf32>
    %get3A_348 = arith.constant 0 : index
    %get3A_349 = arith.constant 0 : index
    %get3A_350 = vector.load %arg2[%get3A_348, %get3A_349] : memref<40x128xf32, #tpu.memory_space<vmem>>, vector<40x128xf32>
    %dot_general3A_351 = arith.constant dense<0.000000e+00> : vector<128x128xf32>
    %dot_general3A_352 = tpu.matmul %slice3A_347, %get3A_350, %dot_general3A_351 {dimension_numbers = #tpu.dot_dimension_numbers<[0], [0], [1], [1], [0, 1, 1, 1], [], []>, transpose_lhs_hint = false} : vector<40x128xf32>, vector<40x128xf32>, vector<128x128xf32> -> vector<128x128xf32>
    %slice3A_353 = vector.extract_strided_slice %reshape3A {offsets = [2360, 0], sizes = [40, 128], strides = [1, 1]} : vector<5120x128xf32> to vector<40x128xf32>
    %get3A_354 = arith.constant 0 : index
    %get3A_355 = arith.constant 0 : index
    %get3A_356 = vector.load %arg2[%get3A_354, %get3A_355] : memref<40x128xf32, #tpu.memory_space<vmem>>, vector<40x128xf32>
    %dot_general3A_357 = arith.constant dense<0.000000e+00> : vector<128x128xf32>
    %dot_general3A_358 = tpu.matmul %slice3A_353, %get3A_356, %dot_general3A_357 {dimension_numbers = #tpu.dot_dimension_numbers<[0], [0], [1], [1], [0, 1, 1, 1], [], []>, transpose_lhs_hint = false} : vector<40x128xf32>, vector<40x128xf32>, vector<128x128xf32> -> vector<128x128xf32>
    %slice3A_359 = vector.extract_strided_slice %reshape3A {offsets = [2400, 0], sizes = [40, 128], strides = [1, 1]} : vector<5120x128xf32> to vector<40x128xf32>
    %get3A_360 = arith.constant 0 : index
    %get3A_361 = arith.constant 0 : index
    %get3A_362 = vector.load %arg2[%get3A_360, %get3A_361] : memref<40x128xf32, #tpu.memory_space<vmem>>, vector<40x128xf32>
    %dot_general3A_363 = arith.constant dense<0.000000e+00> : vector<128x128xf32>
    %dot_general3A_364 = tpu.matmul %slice3A_359, %get3A_362, %dot_general3A_363 {dimension_numbers = #tpu.dot_dimension_numbers<[0], [0], [1], [1], [0, 1, 1, 1], [], []>, transpose_lhs_hint = false} : vector<40x128xf32>, vector<40x128xf32>, vector<128x128xf32> -> vector<128x128xf32>
    %slice3A_365 = vector.extract_strided_slice %reshape3A {offsets = [2440, 0], sizes = [40, 128], strides = [1, 1]} : vector<5120x128xf32> to vector<40x128xf32>
    %get3A_366 = arith.constant 0 : index
    %get3A_367 = arith.constant 0 : index
    %get3A_368 = vector.load %arg2[%get3A_366, %get3A_367] : memref<40x128xf32, #tpu.memory_space<vmem>>, vector<40x128xf32>
    %dot_general3A_369 = arith.constant dense<0.000000e+00> : vector<128x128xf32>
    %dot_general3A_370 = tpu.matmul %slice3A_365, %get3A_368, %dot_general3A_369 {dimension_numbers = #tpu.dot_dimension_numbers<[0], [0], [1], [1], [0, 1, 1, 1], [], []>, transpose_lhs_hint = false} : vector<40x128xf32>, vector<40x128xf32>, vector<128x128xf32> -> vector<128x128xf32>
    %slice3A_371 = vector.extract_strided_slice %reshape3A {offsets = [2480, 0], sizes = [40, 128], strides = [1, 1]} : vector<5120x128xf32> to vector<40x128xf32>
    %get3A_372 = arith.constant 0 : index
    %get3A_373 = arith.constant 0 : index
    %get3A_374 = vector.load %arg2[%get3A_372, %get3A_373] : memref<40x128xf32, #tpu.memory_space<vmem>>, vector<40x128xf32>
    %dot_general3A_375 = arith.constant dense<0.000000e+00> : vector<128x128xf32>
    %dot_general3A_376 = tpu.matmul %slice3A_371, %get3A_374, %dot_general3A_375 {dimension_numbers = #tpu.dot_dimension_numbers<[0], [0], [1], [1], [0, 1, 1, 1], [], []>, transpose_lhs_hint = false} : vector<40x128xf32>, vector<40x128xf32>, vector<128x128xf32> -> vector<128x128xf32>
    %slice3A_377 = vector.extract_strided_slice %reshape3A {offsets = [2520, 0], sizes = [40, 128], strides = [1, 1]} : vector<5120x128xf32> to vector<40x128xf32>
    %get3A_378 = arith.constant 0 : index
    %get3A_379 = arith.constant 0 : index
    %get3A_380 = vector.load %arg2[%get3A_378, %get3A_379] : memref<40x128xf32, #tpu.memory_space<vmem>>, vector<40x128xf32>
    %dot_general3A_381 = arith.constant dense<0.000000e+00> : vector<128x128xf32>
    %dot_general3A_382 = tpu.matmul %slice3A_377, %get3A_380, %dot_general3A_381 {dimension_numbers = #tpu.dot_dimension_numbers<[0], [0], [1], [1], [0, 1, 1, 1], [], []>, transpose_lhs_hint = false} : vector<40x128xf32>, vector<40x128xf32>, vector<128x128xf32> -> vector<128x128xf32>
    %slice3A_383 = vector.extract_strided_slice %reshape3A {offsets = [2560, 0], sizes = [40, 128], strides = [1, 1]} : vector<5120x128xf32> to vector<40x128xf32>
    %get3A_384 = arith.constant 0 : index
    %get3A_385 = arith.constant 0 : index
    %get3A_386 = vector.load %arg2[%get3A_384, %get3A_385] : memref<40x128xf32, #tpu.memory_space<vmem>>, vector<40x128xf32>
    %dot_general3A_387 = arith.constant dense<0.000000e+00> : vector<128x128xf32>
    %dot_general3A_388 = tpu.matmul %slice3A_383, %get3A_386, %dot_general3A_387 {dimension_numbers = #tpu.dot_dimension_numbers<[0], [0], [1], [1], [0, 1, 1, 1], [], []>, transpose_lhs_hint = false} : vector<40x128xf32>, vector<40x128xf32>, vector<128x128xf32> -> vector<128x128xf32>
    %slice3A_389 = vector.extract_strided_slice %reshape3A {offsets = [2600, 0], sizes = [40, 128], strides = [1, 1]} : vector<5120x128xf32> to vector<40x128xf32>
    %get3A_390 = arith.constant 0 : index
    %get3A_391 = arith.constant 0 : index
    %get3A_392 = vector.load %arg2[%get3A_390, %get3A_391] : memref<40x128xf32, #tpu.memory_space<vmem>>, vector<40x128xf32>
    %dot_general3A_393 = arith.constant dense<0.000000e+00> : vector<128x128xf32>
    %dot_general3A_394 = tpu.matmul %slice3A_389, %get3A_392, %dot_general3A_393 {dimension_numbers = #tpu.dot_dimension_numbers<[0], [0], [1], [1], [0, 1, 1, 1], [], []>, transpose_lhs_hint = false} : vector<40x128xf32>, vector<40x128xf32>, vector<128x128xf32> -> vector<128x128xf32>
    %slice3A_395 = vector.extract_strided_slice %reshape3A {offsets = [2640, 0], sizes = [40, 128], strides = [1, 1]} : vector<5120x128xf32> to vector<40x128xf32>
    %get3A_396 = arith.constant 0 : index
    %get3A_397 = arith.constant 0 : index
    %get3A_398 = vector.load %arg2[%get3A_396, %get3A_397] : memref<40x128xf32, #tpu.memory_space<vmem>>, vector<40x128xf32>
    %dot_general3A_399 = arith.constant dense<0.000000e+00> : vector<128x128xf32>
    %dot_general3A_400 = tpu.matmul %slice3A_395, %get3A_398, %dot_general3A_399 {dimension_numbers = #tpu.dot_dimension_numbers<[0], [0], [1], [1], [0, 1, 1, 1], [], []>, transpose_lhs_hint = false} : vector<40x128xf32>, vector<40x128xf32>, vector<128x128xf32> -> vector<128x128xf32>
    %slice3A_401 = vector.extract_strided_slice %reshape3A {offsets = [2680, 0], sizes = [40, 128], strides = [1, 1]} : vector<5120x128xf32> to vector<40x128xf32>
    %get3A_402 = arith.constant 0 : index
    %get3A_403 = arith.constant 0 : index
    %get3A_404 = vector.load %arg2[%get3A_402, %get3A_403] : memref<40x128xf32, #tpu.memory_space<vmem>>, vector<40x128xf32>
    %dot_general3A_405 = arith.constant dense<0.000000e+00> : vector<128x128xf32>
    %dot_general3A_406 = tpu.matmul %slice3A_401, %get3A_404, %dot_general3A_405 {dimension_numbers = #tpu.dot_dimension_numbers<[0], [0], [1], [1], [0, 1, 1, 1], [], []>, transpose_lhs_hint = false} : vector<40x128xf32>, vector<40x128xf32>, vector<128x128xf32> -> vector<128x128xf32>
    %slice3A_407 = vector.extract_strided_slice %reshape3A {offsets = [2720, 0], sizes = [40, 128], strides = [1, 1]} : vector<5120x128xf32> to vector<40x128xf32>
    %get3A_408 = arith.constant 0 : index
    %get3A_409 = arith.constant 0 : index
    %get3A_410 = vector.load %arg2[%get3A_408, %get3A_409] : memref<40x128xf32, #tpu.memory_space<vmem>>, vector<40x128xf32>
    %dot_general3A_411 = arith.constant dense<0.000000e+00> : vector<128x128xf32>
    %dot_general3A_412 = tpu.matmul %slice3A_407, %get3A_410, %dot_general3A_411 {dimension_numbers = #tpu.dot_dimension_numbers<[0], [0], [1], [1], [0, 1, 1, 1], [], []>, transpose_lhs_hint = false} : vector<40x128xf32>, vector<40x128xf32>, vector<128x128xf32> -> vector<128x128xf32>
    %slice3A_413 = vector.extract_strided_slice %reshape3A {offsets = [2760, 0], sizes = [40, 128], strides = [1, 1]} : vector<5120x128xf32> to vector<40x128xf32>
    %get3A_414 = arith.constant 0 : index
    %get3A_415 = arith.constant 0 : index
    %get3A_416 = vector.load %arg2[%get3A_414, %get3A_415] : memref<40x128xf32, #tpu.memory_space<vmem>>, vector<40x128xf32>
    %dot_general3A_417 = arith.constant dense<0.000000e+00> : vector<128x128xf32>
    %dot_general3A_418 = tpu.matmul %slice3A_413, %get3A_416, %dot_general3A_417 {dimension_numbers = #tpu.dot_dimension_numbers<[0], [0], [1], [1], [0, 1, 1, 1], [], []>, transpose_lhs_hint = false} : vector<40x128xf32>, vector<40x128xf32>, vector<128x128xf32> -> vector<128x128xf32>
    %slice3A_419 = vector.extract_strided_slice %reshape3A {offsets = [2800, 0], sizes = [40, 128], strides = [1, 1]} : vector<5120x128xf32> to vector<40x128xf32>
    %get3A_420 = arith.constant 0 : index
    %get3A_421 = arith.constant 0 : index
    %get3A_422 = vector.load %arg2[%get3A_420, %get3A_421] : memref<40x128xf32, #tpu.memory_space<vmem>>, vector<40x128xf32>
    %dot_general3A_423 = arith.constant dense<0.000000e+00> : vector<128x128xf32>
    %dot_general3A_424 = tpu.matmul %slice3A_419, %get3A_422, %dot_general3A_423 {dimension_numbers = #tpu.dot_dimension_numbers<[0], [0], [1], [1], [0, 1, 1, 1], [], []>, transpose_lhs_hint = false} : vector<40x128xf32>, vector<40x128xf32>, vector<128x128xf32> -> vector<128x128xf32>
    %slice3A_425 = vector.extract_strided_slice %reshape3A {offsets = [2840, 0], sizes = [40, 128], strides = [1, 1]} : vector<5120x128xf32> to vector<40x128xf32>
    %get3A_426 = arith.constant 0 : index
    %get3A_427 = arith.constant 0 : index
    %get3A_428 = vector.load %arg2[%get3A_426, %get3A_427] : memref<40x128xf32, #tpu.memory_space<vmem>>, vector<40x128xf32>
    %dot_general3A_429 = arith.constant dense<0.000000e+00> : vector<128x128xf32>
    %dot_general3A_430 = tpu.matmul %slice3A_425, %get3A_428, %dot_general3A_429 {dimension_numbers = #tpu.dot_dimension_numbers<[0], [0], [1], [1], [0, 1, 1, 1], [], []>, transpose_lhs_hint = false} : vector<40x128xf32>, vector<40x128xf32>, vector<128x128xf32> -> vector<128x128xf32>
    %slice3A_431 = vector.extract_strided_slice %reshape3A {offsets = [2880, 0], sizes = [40, 128], strides = [1, 1]} : vector<5120x128xf32> to vector<40x128xf32>
    %get3A_432 = arith.constant 0 : index
    %get3A_433 = arith.constant 0 : index
    %get3A_434 = vector.load %arg2[%get3A_432, %get3A_433] : memref<40x128xf32, #tpu.memory_space<vmem>>, vector<40x128xf32>
    %dot_general3A_435 = arith.constant dense<0.000000e+00> : vector<128x128xf32>
    %dot_general3A_436 = tpu.matmul %slice3A_431, %get3A_434, %dot_general3A_435 {dimension_numbers = #tpu.dot_dimension_numbers<[0], [0], [1], [1], [0, 1, 1, 1], [], []>, transpose_lhs_hint = false} : vector<40x128xf32>, vector<40x128xf32>, vector<128x128xf32> -> vector<128x128xf32>
    %slice3A_437 = vector.extract_strided_slice %reshape3A {offsets = [2920, 0], sizes = [40, 128], strides = [1, 1]} : vector<5120x128xf32> to vector<40x128xf32>
    %get3A_438 = arith.constant 0 : index
    %get3A_439 = arith.constant 0 : index
    %get3A_440 = vector.load %arg2[%get3A_438, %get3A_439] : memref<40x128xf32, #tpu.memory_space<vmem>>, vector<40x128xf32>
    %dot_general3A_441 = arith.constant dense<0.000000e+00> : vector<128x128xf32>
    %dot_general3A_442 = tpu.matmul %slice3A_437, %get3A_440, %dot_general3A_441 {dimension_numbers = #tpu.dot_dimension_numbers<[0], [0], [1], [1], [0, 1, 1, 1], [], []>, transpose_lhs_hint = false} : vector<40x128xf32>, vector<40x128xf32>, vector<128x128xf32> -> vector<128x128xf32>
    %slice3A_443 = vector.extract_strided_slice %reshape3A {offsets = [2960, 0], sizes = [40, 128], strides = [1, 1]} : vector<5120x128xf32> to vector<40x128xf32>
    %get3A_444 = arith.constant 0 : index
    %get3A_445 = arith.constant 0 : index
    %get3A_446 = vector.load %arg2[%get3A_444, %get3A_445] : memref<40x128xf32, #tpu.memory_space<vmem>>, vector<40x128xf32>
    %dot_general3A_447 = arith.constant dense<0.000000e+00> : vector<128x128xf32>
    %dot_general3A_448 = tpu.matmul %slice3A_443, %get3A_446, %dot_general3A_447 {dimension_numbers = #tpu.dot_dimension_numbers<[0], [0], [1], [1], [0, 1, 1, 1], [], []>, transpose_lhs_hint = false} : vector<40x128xf32>, vector<40x128xf32>, vector<128x128xf32> -> vector<128x128xf32>
    %slice3A_449 = vector.extract_strided_slice %reshape3A {offsets = [3000, 0], sizes = [40, 128], strides = [1, 1]} : vector<5120x128xf32> to vector<40x128xf32>
    %get3A_450 = arith.constant 0 : index
    %get3A_451 = arith.constant 0 : index
    %get3A_452 = vector.load %arg2[%get3A_450, %get3A_451] : memref<40x128xf32, #tpu.memory_space<vmem>>, vector<40x128xf32>
    %dot_general3A_453 = arith.constant dense<0.000000e+00> : vector<128x128xf32>
    %dot_general3A_454 = tpu.matmul %slice3A_449, %get3A_452, %dot_general3A_453 {dimension_numbers = #tpu.dot_dimension_numbers<[0], [0], [1], [1], [0, 1, 1, 1], [], []>, transpose_lhs_hint = false} : vector<40x128xf32>, vector<40x128xf32>, vector<128x128xf32> -> vector<128x128xf32>
    %slice3A_455 = vector.extract_strided_slice %reshape3A {offsets = [3040, 0], sizes = [40, 128], strides = [1, 1]} : vector<5120x128xf32> to vector<40x128xf32>
    %get3A_456 = arith.constant 0 : index
    %get3A_457 = arith.constant 0 : index
    %get3A_458 = vector.load %arg2[%get3A_456, %get3A_457] : memref<40x128xf32, #tpu.memory_space<vmem>>, vector<40x128xf32>
    %dot_general3A_459 = arith.constant dense<0.000000e+00> : vector<128x128xf32>
    %dot_general3A_460 = tpu.matmul %slice3A_455, %get3A_458, %dot_general3A_459 {dimension_numbers = #tpu.dot_dimension_numbers<[0], [0], [1], [1], [0, 1, 1, 1], [], []>, transpose_lhs_hint = false} : vector<40x128xf32>, vector<40x128xf32>, vector<128x128xf32> -> vector<128x128xf32>
    %slice3A_461 = vector.extract_strided_slice %reshape3A {offsets = [3080, 0], sizes = [40, 128], strides = [1, 1]} : vector<5120x128xf32> to vector<40x128xf32>
    %get3A_462 = arith.constant 0 : index
    %get3A_463 = arith.constant 0 : index
    %get3A_464 = vector.load %arg2[%get3A_462, %get3A_463] : memref<40x128xf32, #tpu.memory_space<vmem>>, vector<40x128xf32>
    %dot_general3A_465 = arith.constant dense<0.000000e+00> : vector<128x128xf32>
    %dot_general3A_466 = tpu.matmul %slice3A_461, %get3A_464, %dot_general3A_465 {dimension_numbers = #tpu.dot_dimension_numbers<[0], [0], [1], [1], [0, 1, 1, 1], [], []>, transpose_lhs_hint = false} : vector<40x128xf32>, vector<40x128xf32>, vector<128x128xf32> -> vector<128x128xf32>
    %slice3A_467 = vector.extract_strided_slice %reshape3A {offsets = [3120, 0], sizes = [40, 128], strides = [1, 1]} : vector<5120x128xf32> to vector<40x128xf32>
    %get3A_468 = arith.constant 0 : index
    %get3A_469 = arith.constant 0 : index
    %get3A_470 = vector.load %arg2[%get3A_468, %get3A_469] : memref<40x128xf32, #tpu.memory_space<vmem>>, vector<40x128xf32>
    %dot_general3A_471 = arith.constant dense<0.000000e+00> : vector<128x128xf32>
    %dot_general3A_472 = tpu.matmul %slice3A_467, %get3A_470, %dot_general3A_471 {dimension_numbers = #tpu.dot_dimension_numbers<[0], [0], [1], [1], [0, 1, 1, 1], [], []>, transpose_lhs_hint = false} : vector<40x128xf32>, vector<40x128xf32>, vector<128x128xf32> -> vector<128x128xf32>
    %slice3A_473 = vector.extract_strided_slice %reshape3A {offsets = [3160, 0], sizes = [40, 128], strides = [1, 1]} : vector<5120x128xf32> to vector<40x128xf32>
    %get3A_474 = arith.constant 0 : index
    %get3A_475 = arith.constant 0 : index
    %get3A_476 = vector.load %arg2[%get3A_474, %get3A_475] : memref<40x128xf32, #tpu.memory_space<vmem>>, vector<40x128xf32>
    %dot_general3A_477 = arith.constant dense<0.000000e+00> : vector<128x128xf32>
    %dot_general3A_478 = tpu.matmul %slice3A_473, %get3A_476, %dot_general3A_477 {dimension_numbers = #tpu.dot_dimension_numbers<[0], [0], [1], [1], [0, 1, 1, 1], [], []>, transpose_lhs_hint = false} : vector<40x128xf32>, vector<40x128xf32>, vector<128x128xf32> -> vector<128x128xf32>
    %slice3A_479 = vector.extract_strided_slice %reshape3A {offsets = [3200, 0], sizes = [40, 128], strides = [1, 1]} : vector<5120x128xf32> to vector<40x128xf32>
    %get3A_480 = arith.constant 0 : index
    %get3A_481 = arith.constant 0 : index
    %get3A_482 = vector.load %arg2[%get3A_480, %get3A_481] : memref<40x128xf32, #tpu.memory_space<vmem>>, vector<40x128xf32>
    %dot_general3A_483 = arith.constant dense<0.000000e+00> : vector<128x128xf32>
    %dot_general3A_484 = tpu.matmul %slice3A_479, %get3A_482, %dot_general3A_483 {dimension_numbers = #tpu.dot_dimension_numbers<[0], [0], [1], [1], [0, 1, 1, 1], [], []>, transpose_lhs_hint = false} : vector<40x128xf32>, vector<40x128xf32>, vector<128x128xf32> -> vector<128x128xf32>
    %slice3A_485 = vector.extract_strided_slice %reshape3A {offsets = [3240, 0], sizes = [40, 128], strides = [1, 1]} : vector<5120x128xf32> to vector<40x128xf32>
    %get3A_486 = arith.constant 0 : index
    %get3A_487 = arith.constant 0 : index
    %get3A_488 = vector.load %arg2[%get3A_486, %get3A_487] : memref<40x128xf32, #tpu.memory_space<vmem>>, vector<40x128xf32>
    %dot_general3A_489 = arith.constant dense<0.000000e+00> : vector<128x128xf32>
    %dot_general3A_490 = tpu.matmul %slice3A_485, %get3A_488, %dot_general3A_489 {dimension_numbers = #tpu.dot_dimension_numbers<[0], [0], [1], [1], [0, 1, 1, 1], [], []>, transpose_lhs_hint = false} : vector<40x128xf32>, vector<40x128xf32>, vector<128x128xf32> -> vector<128x128xf32>
    %slice3A_491 = vector.extract_strided_slice %reshape3A {offsets = [3280, 0], sizes = [40, 128], strides = [1, 1]} : vector<5120x128xf32> to vector<40x128xf32>
    %get3A_492 = arith.constant 0 : index
    %get3A_493 = arith.constant 0 : index
    %get3A_494 = vector.load %arg2[%get3A_492, %get3A_493] : memref<40x128xf32, #tpu.memory_space<vmem>>, vector<40x128xf32>
    %dot_general3A_495 = arith.constant dense<0.000000e+00> : vector<128x128xf32>
    %dot_general3A_496 = tpu.matmul %slice3A_491, %get3A_494, %dot_general3A_495 {dimension_numbers = #tpu.dot_dimension_numbers<[0], [0], [1], [1], [0, 1, 1, 1], [], []>, transpose_lhs_hint = false} : vector<40x128xf32>, vector<40x128xf32>, vector<128x128xf32> -> vector<128x128xf32>
    %slice3A_497 = vector.extract_strided_slice %reshape3A {offsets = [3320, 0], sizes = [40, 128], strides = [1, 1]} : vector<5120x128xf32> to vector<40x128xf32>
    %get3A_498 = arith.constant 0 : index
    %get3A_499 = arith.constant 0 : index
    %get3A_500 = vector.load %arg2[%get3A_498, %get3A_499] : memref<40x128xf32, #tpu.memory_space<vmem>>, vector<40x128xf32>
    %dot_general3A_501 = arith.constant dense<0.000000e+00> : vector<128x128xf32>
    %dot_general3A_502 = tpu.matmul %slice3A_497, %get3A_500, %dot_general3A_501 {dimension_numbers = #tpu.dot_dimension_numbers<[0], [0], [1], [1], [0, 1, 1, 1], [], []>, transpose_lhs_hint = false} : vector<40x128xf32>, vector<40x128xf32>, vector<128x128xf32> -> vector<128x128xf32>
    %slice3A_503 = vector.extract_strided_slice %reshape3A {offsets = [3360, 0], sizes = [40, 128], strides = [1, 1]} : vector<5120x128xf32> to vector<40x128xf32>
    %get3A_504 = arith.constant 0 : index
    %get3A_505 = arith.constant 0 : index
    %get3A_506 = vector.load %arg2[%get3A_504, %get3A_505] : memref<40x128xf32, #tpu.memory_space<vmem>>, vector<40x128xf32>
    %dot_general3A_507 = arith.constant dense<0.000000e+00> : vector<128x128xf32>
    %dot_general3A_508 = tpu.matmul %slice3A_503, %get3A_506, %dot_general3A_507 {dimension_numbers = #tpu.dot_dimension_numbers<[0], [0], [1], [1], [0, 1, 1, 1], [], []>, transpose_lhs_hint = false} : vector<40x128xf32>, vector<40x128xf32>, vector<128x128xf32> -> vector<128x128xf32>
    %slice3A_509 = vector.extract_strided_slice %reshape3A {offsets = [3400, 0], sizes = [40, 128], strides = [1, 1]} : vector<5120x128xf32> to vector<40x128xf32>
    %get3A_510 = arith.constant 0 : index
    %get3A_511 = arith.constant 0 : index
    %get3A_512 = vector.load %arg2[%get3A_510, %get3A_511] : memref<40x128xf32, #tpu.memory_space<vmem>>, vector<40x128xf32>
    %dot_general3A_513 = arith.constant dense<0.000000e+00> : vector<128x128xf32>
    %dot_general3A_514 = tpu.matmul %slice3A_509, %get3A_512, %dot_general3A_513 {dimension_numbers = #tpu.dot_dimension_numbers<[0], [0], [1], [1], [0, 1, 1, 1], [], []>, transpose_lhs_hint = false} : vector<40x128xf32>, vector<40x128xf32>, vector<128x128xf32> -> vector<128x128xf32>
    %slice3A_515 = vector.extract_strided_slice %reshape3A {offsets = [3440, 0], sizes = [40, 128], strides = [1, 1]} : vector<5120x128xf32> to vector<40x128xf32>
    %get3A_516 = arith.constant 0 : index
    %get3A_517 = arith.constant 0 : index
    %get3A_518 = vector.load %arg2[%get3A_516, %get3A_517] : memref<40x128xf32, #tpu.memory_space<vmem>>, vector<40x128xf32>
    %dot_general3A_519 = arith.constant dense<0.000000e+00> : vector<128x128xf32>
    %dot_general3A_520 = tpu.matmul %slice3A_515, %get3A_518, %dot_general3A_519 {dimension_numbers = #tpu.dot_dimension_numbers<[0], [0], [1], [1], [0, 1, 1, 1], [], []>, transpose_lhs_hint = false} : vector<40x128xf32>, vector<40x128xf32>, vector<128x128xf32> -> vector<128x128xf32>
    %slice3A_521 = vector.extract_strided_slice %reshape3A {offsets = [3480, 0], sizes = [40, 128], strides = [1, 1]} : vector<5120x128xf32> to vector<40x128xf32>
    %get3A_522 = arith.constant 0 : index
    %get3A_523 = arith.constant 0 : index
    %get3A_524 = vector.load %arg2[%get3A_522, %get3A_523] : memref<40x128xf32, #tpu.memory_space<vmem>>, vector<40x128xf32>
    %dot_general3A_525 = arith.constant dense<0.000000e+00> : vector<128x128xf32>
    %dot_general3A_526 = tpu.matmul %slice3A_521, %get3A_524, %dot_general3A_525 {dimension_numbers = #tpu.dot_dimension_numbers<[0], [0], [1], [1], [0, 1, 1, 1], [], []>, transpose_lhs_hint = false} : vector<40x128xf32>, vector<40x128xf32>, vector<128x128xf32> -> vector<128x128xf32>
    %slice3A_527 = vector.extract_strided_slice %reshape3A {offsets = [3520, 0], sizes = [40, 128], strides = [1, 1]} : vector<5120x128xf32> to vector<40x128xf32>
    %get3A_528 = arith.constant 0 : index
    %get3A_529 = arith.constant 0 : index
    %get3A_530 = vector.load %arg2[%get3A_528, %get3A_529] : memref<40x128xf32, #tpu.memory_space<vmem>>, vector<40x128xf32>
    %dot_general3A_531 = arith.constant dense<0.000000e+00> : vector<128x128xf32>
    %dot_general3A_532 = tpu.matmul %slice3A_527, %get3A_530, %dot_general3A_531 {dimension_numbers = #tpu.dot_dimension_numbers<[0], [0], [1], [1], [0, 1, 1, 1], [], []>, transpose_lhs_hint = false} : vector<40x128xf32>, vector<40x128xf32>, vector<128x128xf32> -> vector<128x128xf32>
    %slice3A_533 = vector.extract_strided_slice %reshape3A {offsets = [3560, 0], sizes = [40, 128], strides = [1, 1]} : vector<5120x128xf32> to vector<40x128xf32>
    %get3A_534 = arith.constant 0 : index
    %get3A_535 = arith.constant 0 : index
    %get3A_536 = vector.load %arg2[%get3A_534, %get3A_535] : memref<40x128xf32, #tpu.memory_space<vmem>>, vector<40x128xf32>
    %dot_general3A_537 = arith.constant dense<0.000000e+00> : vector<128x128xf32>
    %dot_general3A_538 = tpu.matmul %slice3A_533, %get3A_536, %dot_general3A_537 {dimension_numbers = #tpu.dot_dimension_numbers<[0], [0], [1], [1], [0, 1, 1, 1], [], []>, transpose_lhs_hint = false} : vector<40x128xf32>, vector<40x128xf32>, vector<128x128xf32> -> vector<128x128xf32>
    %slice3A_539 = vector.extract_strided_slice %reshape3A {offsets = [3600, 0], sizes = [40, 128], strides = [1, 1]} : vector<5120x128xf32> to vector<40x128xf32>
    %get3A_540 = arith.constant 0 : index
    %get3A_541 = arith.constant 0 : index
    %get3A_542 = vector.load %arg2[%get3A_540, %get3A_541] : memref<40x128xf32, #tpu.memory_space<vmem>>, vector<40x128xf32>
    %dot_general3A_543 = arith.constant dense<0.000000e+00> : vector<128x128xf32>
    %dot_general3A_544 = tpu.matmul %slice3A_539, %get3A_542, %dot_general3A_543 {dimension_numbers = #tpu.dot_dimension_numbers<[0], [0], [1], [1], [0, 1, 1, 1], [], []>, transpose_lhs_hint = false} : vector<40x128xf32>, vector<40x128xf32>, vector<128x128xf32> -> vector<128x128xf32>
    %slice3A_545 = vector.extract_strided_slice %reshape3A {offsets = [3640, 0], sizes = [40, 128], strides = [1, 1]} : vector<5120x128xf32> to vector<40x128xf32>
    %get3A_546 = arith.constant 0 : index
    %get3A_547 = arith.constant 0 : index
    %get3A_548 = vector.load %arg2[%get3A_546, %get3A_547] : memref<40x128xf32, #tpu.memory_space<vmem>>, vector<40x128xf32>
    %dot_general3A_549 = arith.constant dense<0.000000e+00> : vector<128x128xf32>
    %dot_general3A_550 = tpu.matmul %slice3A_545, %get3A_548, %dot_general3A_549 {dimension_numbers = #tpu.dot_dimension_numbers<[0], [0], [1], [1], [0, 1, 1, 1], [], []>, transpose_lhs_hint = false} : vector<40x128xf32>, vector<40x128xf32>, vector<128x128xf32> -> vector<128x128xf32>
    %slice3A_551 = vector.extract_strided_slice %reshape3A {offsets = [3680, 0], sizes = [40, 128], strides = [1, 1]} : vector<5120x128xf32> to vector<40x128xf32>
    %get3A_552 = arith.constant 0 : index
    %get3A_553 = arith.constant 0 : index
    %get3A_554 = vector.load %arg2[%get3A_552, %get3A_553] : memref<40x128xf32, #tpu.memory_space<vmem>>, vector<40x128xf32>
    %dot_general3A_555 = arith.constant dense<0.000000e+00> : vector<128x128xf32>
    %dot_general3A_556 = tpu.matmul %slice3A_551, %get3A_554, %dot_general3A_555 {dimension_numbers = #tpu.dot_dimension_numbers<[0], [0], [1], [1], [0, 1, 1, 1], [], []>, transpose_lhs_hint = false} : vector<40x128xf32>, vector<40x128xf32>, vector<128x128xf32> -> vector<128x128xf32>
    %slice3A_557 = vector.extract_strided_slice %reshape3A {offsets = [3720, 0], sizes = [40, 128], strides = [1, 1]} : vector<5120x128xf32> to vector<40x128xf32>
    %get3A_558 = arith.constant 0 : index
    %get3A_559 = arith.constant 0 : index
    %get3A_560 = vector.load %arg2[%get3A_558, %get3A_559] : memref<40x128xf32, #tpu.memory_space<vmem>>, vector<40x128xf32>
    %dot_general3A_561 = arith.constant dense<0.000000e+00> : vector<128x128xf32>
    %dot_general3A_562 = tpu.matmul %slice3A_557, %get3A_560, %dot_general3A_561 {dimension_numbers = #tpu.dot_dimension_numbers<[0], [0], [1], [1], [0, 1, 1, 1], [], []>, transpose_lhs_hint = false} : vector<40x128xf32>, vector<40x128xf32>, vector<128x128xf32> -> vector<128x128xf32>
    %slice3A_563 = vector.extract_strided_slice %reshape3A {offsets = [3760, 0], sizes = [40, 128], strides = [1, 1]} : vector<5120x128xf32> to vector<40x128xf32>
    %get3A_564 = arith.constant 0 : index
    %get3A_565 = arith.constant 0 : index
    %get3A_566 = vector.load %arg2[%get3A_564, %get3A_565] : memref<40x128xf32, #tpu.memory_space<vmem>>, vector<40x128xf32>
    %dot_general3A_567 = arith.constant dense<0.000000e+00> : vector<128x128xf32>
    %dot_general3A_568 = tpu.matmul %slice3A_563, %get3A_566, %dot_general3A_567 {dimension_numbers = #tpu.dot_dimension_numbers<[0], [0], [1], [1], [0, 1, 1, 1], [], []>, transpose_lhs_hint = false} : vector<40x128xf32>, vector<40x128xf32>, vector<128x128xf32> -> vector<128x128xf32>
    %slice3A_569 = vector.extract_strided_slice %reshape3A {offsets = [3800, 0], sizes = [40, 128], strides = [1, 1]} : vector<5120x128xf32> to vector<40x128xf32>
    %get3A_570 = arith.constant 0 : index
    %get3A_571 = arith.constant 0 : index
    %get3A_572 = vector.load %arg2[%get3A_570, %get3A_571] : memref<40x128xf32, #tpu.memory_space<vmem>>, vector<40x128xf32>
    %dot_general3A_573 = arith.constant dense<0.000000e+00> : vector<128x128xf32>
    %dot_general3A_574 = tpu.matmul %slice3A_569, %get3A_572, %dot_general3A_573 {dimension_numbers = #tpu.dot_dimension_numbers<[0], [0], [1], [1], [0, 1, 1, 1], [], []>, transpose_lhs_hint = false} : vector<40x128xf32>, vector<40x128xf32>, vector<128x128xf32> -> vector<128x128xf32>
    %slice3A_575 = vector.extract_strided_slice %reshape3A {offsets = [3840, 0], sizes = [40, 128], strides = [1, 1]} : vector<5120x128xf32> to vector<40x128xf32>
    %get3A_576 = arith.constant 0 : index
    %get3A_577 = arith.constant 0 : index
    %get3A_578 = vector.load %arg2[%get3A_576, %get3A_577] : memref<40x128xf32, #tpu.memory_space<vmem>>, vector<40x128xf32>
    %dot_general3A_579 = arith.constant dense<0.000000e+00> : vector<128x128xf32>
    %dot_general3A_580 = tpu.matmul %slice3A_575, %get3A_578, %dot_general3A_579 {dimension_numbers = #tpu.dot_dimension_numbers<[0], [0], [1], [1], [0, 1, 1, 1], [], []>, transpose_lhs_hint = false} : vector<40x128xf32>, vector<40x128xf32>, vector<128x128xf32> -> vector<128x128xf32>
    %slice3A_581 = vector.extract_strided_slice %reshape3A {offsets = [3880, 0], sizes = [40, 128], strides = [1, 1]} : vector<5120x128xf32> to vector<40x128xf32>
    %get3A_582 = arith.constant 0 : index
    %get3A_583 = arith.constant 0 : index
    %get3A_584 = vector.load %arg2[%get3A_582, %get3A_583] : memref<40x128xf32, #tpu.memory_space<vmem>>, vector<40x128xf32>
    %dot_general3A_585 = arith.constant dense<0.000000e+00> : vector<128x128xf32>
    %dot_general3A_586 = tpu.matmul %slice3A_581, %get3A_584, %dot_general3A_585 {dimension_numbers = #tpu.dot_dimension_numbers<[0], [0], [1], [1], [0, 1, 1, 1], [], []>, transpose_lhs_hint = false} : vector<40x128xf32>, vector<40x128xf32>, vector<128x128xf32> -> vector<128x128xf32>
    %slice3A_587 = vector.extract_strided_slice %reshape3A {offsets = [3920, 0], sizes = [40, 128], strides = [1, 1]} : vector<5120x128xf32> to vector<40x128xf32>
    %get3A_588 = arith.constant 0 : index
    %get3A_589 = arith.constant 0 : index
    %get3A_590 = vector.load %arg2[%get3A_588, %get3A_589] : memref<40x128xf32, #tpu.memory_space<vmem>>, vector<40x128xf32>
    %dot_general3A_591 = arith.constant dense<0.000000e+00> : vector<128x128xf32>
    %dot_general3A_592 = tpu.matmul %slice3A_587, %get3A_590, %dot_general3A_591 {dimension_numbers = #tpu.dot_dimension_numbers<[0], [0], [1], [1], [0, 1, 1, 1], [], []>, transpose_lhs_hint = false} : vector<40x128xf32>, vector<40x128xf32>, vector<128x128xf32> -> vector<128x128xf32>
    %slice3A_593 = vector.extract_strided_slice %reshape3A {offsets = [3960, 0], sizes = [40, 128], strides = [1, 1]} : vector<5120x128xf32> to vector<40x128xf32>
    %get3A_594 = arith.constant 0 : index
    %get3A_595 = arith.constant 0 : index
    %get3A_596 = vector.load %arg2[%get3A_594, %get3A_595] : memref<40x128xf32, #tpu.memory_space<vmem>>, vector<40x128xf32>
    %dot_general3A_597 = arith.constant dense<0.000000e+00> : vector<128x128xf32>
    %dot_general3A_598 = tpu.matmul %slice3A_593, %get3A_596, %dot_general3A_597 {dimension_numbers = #tpu.dot_dimension_numbers<[0], [0], [1], [1], [0, 1, 1, 1], [], []>, transpose_lhs_hint = false} : vector<40x128xf32>, vector<40x128xf32>, vector<128x128xf32> -> vector<128x128xf32>
    %slice3A_599 = vector.extract_strided_slice %reshape3A {offsets = [4000, 0], sizes = [40, 128], strides = [1, 1]} : vector<5120x128xf32> to vector<40x128xf32>
    %get3A_600 = arith.constant 0 : index
    %get3A_601 = arith.constant 0 : index
    %get3A_602 = vector.load %arg2[%get3A_600, %get3A_601] : memref<40x128xf32, #tpu.memory_space<vmem>>, vector<40x128xf32>
    %dot_general3A_603 = arith.constant dense<0.000000e+00> : vector<128x128xf32>
    %dot_general3A_604 = tpu.matmul %slice3A_599, %get3A_602, %dot_general3A_603 {dimension_numbers = #tpu.dot_dimension_numbers<[0], [0], [1], [1], [0, 1, 1, 1], [], []>, transpose_lhs_hint = false} : vector<40x128xf32>, vector<40x128xf32>, vector<128x128xf32> -> vector<128x128xf32>
    %slice3A_605 = vector.extract_strided_slice %reshape3A {offsets = [4040, 0], sizes = [40, 128], strides = [1, 1]} : vector<5120x128xf32> to vector<40x128xf32>
    %get3A_606 = arith.constant 0 : index
    %get3A_607 = arith.constant 0 : index
    %get3A_608 = vector.load %arg2[%get3A_606, %get3A_607] : memref<40x128xf32, #tpu.memory_space<vmem>>, vector<40x128xf32>
    %dot_general3A_609 = arith.constant dense<0.000000e+00> : vector<128x128xf32>
    %dot_general3A_610 = tpu.matmul %slice3A_605, %get3A_608, %dot_general3A_609 {dimension_numbers = #tpu.dot_dimension_numbers<[0], [0], [1], [1], [0, 1, 1, 1], [], []>, transpose_lhs_hint = false} : vector<40x128xf32>, vector<40x128xf32>, vector<128x128xf32> -> vector<128x128xf32>
    %slice3A_611 = vector.extract_strided_slice %reshape3A {offsets = [4080, 0], sizes = [40, 128], strides = [1, 1]} : vector<5120x128xf32> to vector<40x128xf32>
    %get3A_612 = arith.constant 0 : index
    %get3A_613 = arith.constant 0 : index
    %get3A_614 = vector.load %arg2[%get3A_612, %get3A_613] : memref<40x128xf32, #tpu.memory_space<vmem>>, vector<40x128xf32>
    %dot_general3A_615 = arith.constant dense<0.000000e+00> : vector<128x128xf32>
    %dot_general3A_616 = tpu.matmul %slice3A_611, %get3A_614, %dot_general3A_615 {dimension_numbers = #tpu.dot_dimension_numbers<[0], [0], [1], [1], [0, 1, 1, 1], [], []>, transpose_lhs_hint = false} : vector<40x128xf32>, vector<40x128xf32>, vector<128x128xf32> -> vector<128x128xf32>
    %slice3A_617 = vector.extract_strided_slice %reshape3A {offsets = [4120, 0], sizes = [40, 128], strides = [1, 1]} : vector<5120x128xf32> to vector<40x128xf32>
    %get3A_618 = arith.constant 0 : index
    %get3A_619 = arith.constant 0 : index
    %get3A_620 = vector.load %arg2[%get3A_618, %get3A_619] : memref<40x128xf32, #tpu.memory_space<vmem>>, vector<40x128xf32>
    %dot_general3A_621 = arith.constant dense<0.000000e+00> : vector<128x128xf32>
    %dot_general3A_622 = tpu.matmul %slice3A_617, %get3A_620, %dot_general3A_621 {dimension_numbers = #tpu.dot_dimension_numbers<[0], [0], [1], [1], [0, 1, 1, 1], [], []>, transpose_lhs_hint = false} : vector<40x128xf32>, vector<40x128xf32>, vector<128x128xf32> -> vector<128x128xf32>
    %slice3A_623 = vector.extract_strided_slice %reshape3A {offsets = [4160, 0], sizes = [40, 128], strides = [1, 1]} : vector<5120x128xf32> to vector<40x128xf32>
    %get3A_624 = arith.constant 0 : index
    %get3A_625 = arith.constant 0 : index
    %get3A_626 = vector.load %arg2[%get3A_624, %get3A_625] : memref<40x128xf32, #tpu.memory_space<vmem>>, vector<40x128xf32>
    %dot_general3A_627 = arith.constant dense<0.000000e+00> : vector<128x128xf32>
    %dot_general3A_628 = tpu.matmul %slice3A_623, %get3A_626, %dot_general3A_627 {dimension_numbers = #tpu.dot_dimension_numbers<[0], [0], [1], [1], [0, 1, 1, 1], [], []>, transpose_lhs_hint = false} : vector<40x128xf32>, vector<40x128xf32>, vector<128x128xf32> -> vector<128x128xf32>
    %slice3A_629 = vector.extract_strided_slice %reshape3A {offsets = [4200, 0], sizes = [40, 128], strides = [1, 1]} : vector<5120x128xf32> to vector<40x128xf32>
    %get3A_630 = arith.constant 0 : index
    %get3A_631 = arith.constant 0 : index
    %get3A_632 = vector.load %arg2[%get3A_630, %get3A_631] : memref<40x128xf32, #tpu.memory_space<vmem>>, vector<40x128xf32>
    %dot_general3A_633 = arith.constant dense<0.000000e+00> : vector<128x128xf32>
    %dot_general3A_634 = tpu.matmul %slice3A_629, %get3A_632, %dot_general3A_633 {dimension_numbers = #tpu.dot_dimension_numbers<[0], [0], [1], [1], [0, 1, 1, 1], [], []>, transpose_lhs_hint = false} : vector<40x128xf32>, vector<40x128xf32>, vector<128x128xf32> -> vector<128x128xf32>
    %slice3A_635 = vector.extract_strided_slice %reshape3A {offsets = [4240, 0], sizes = [40, 128], strides = [1, 1]} : vector<5120x128xf32> to vector<40x128xf32>
    %get3A_636 = arith.constant 0 : index
    %get3A_637 = arith.constant 0 : index
    %get3A_638 = vector.load %arg2[%get3A_636, %get3A_637] : memref<40x128xf32, #tpu.memory_space<vmem>>, vector<40x128xf32>
    %dot_general3A_639 = arith.constant dense<0.000000e+00> : vector<128x128xf32>
    %dot_general3A_640 = tpu.matmul %slice3A_635, %get3A_638, %dot_general3A_639 {dimension_numbers = #tpu.dot_dimension_numbers<[0], [0], [1], [1], [0, 1, 1, 1], [], []>, transpose_lhs_hint = false} : vector<40x128xf32>, vector<40x128xf32>, vector<128x128xf32> -> vector<128x128xf32>
    %slice3A_641 = vector.extract_strided_slice %reshape3A {offsets = [4280, 0], sizes = [40, 128], strides = [1, 1]} : vector<5120x128xf32> to vector<40x128xf32>
    %get3A_642 = arith.constant 0 : index
    %get3A_643 = arith.constant 0 : index
    %get3A_644 = vector.load %arg2[%get3A_642, %get3A_643] : memref<40x128xf32, #tpu.memory_space<vmem>>, vector<40x128xf32>
    %dot_general3A_645 = arith.constant dense<0.000000e+00> : vector<128x128xf32>
    %dot_general3A_646 = tpu.matmul %slice3A_641, %get3A_644, %dot_general3A_645 {dimension_numbers = #tpu.dot_dimension_numbers<[0], [0], [1], [1], [0, 1, 1, 1], [], []>, transpose_lhs_hint = false} : vector<40x128xf32>, vector<40x128xf32>, vector<128x128xf32> -> vector<128x128xf32>
    %slice3A_647 = vector.extract_strided_slice %reshape3A {offsets = [4320, 0], sizes = [40, 128], strides = [1, 1]} : vector<5120x128xf32> to vector<40x128xf32>
    %get3A_648 = arith.constant 0 : index
    %get3A_649 = arith.constant 0 : index
    %get3A_650 = vector.load %arg2[%get3A_648, %get3A_649] : memref<40x128xf32, #tpu.memory_space<vmem>>, vector<40x128xf32>
    %dot_general3A_651 = arith.constant dense<0.000000e+00> : vector<128x128xf32>
    %dot_general3A_652 = tpu.matmul %slice3A_647, %get3A_650, %dot_general3A_651 {dimension_numbers = #tpu.dot_dimension_numbers<[0], [0], [1], [1], [0, 1, 1, 1], [], []>, transpose_lhs_hint = false} : vector<40x128xf32>, vector<40x128xf32>, vector<128x128xf32> -> vector<128x128xf32>
    %slice3A_653 = vector.extract_strided_slice %reshape3A {offsets = [4360, 0], sizes = [40, 128], strides = [1, 1]} : vector<5120x128xf32> to vector<40x128xf32>
    %get3A_654 = arith.constant 0 : index
    %get3A_655 = arith.constant 0 : index
    %get3A_656 = vector.load %arg2[%get3A_654, %get3A_655] : memref<40x128xf32, #tpu.memory_space<vmem>>, vector<40x128xf32>
    %dot_general3A_657 = arith.constant dense<0.000000e+00> : vector<128x128xf32>
    %dot_general3A_658 = tpu.matmul %slice3A_653, %get3A_656, %dot_general3A_657 {dimension_numbers = #tpu.dot_dimension_numbers<[0], [0], [1], [1], [0, 1, 1, 1], [], []>, transpose_lhs_hint = false} : vector<40x128xf32>, vector<40x128xf32>, vector<128x128xf32> -> vector<128x128xf32>
    %slice3A_659 = vector.extract_strided_slice %reshape3A {offsets = [4400, 0], sizes = [40, 128], strides = [1, 1]} : vector<5120x128xf32> to vector<40x128xf32>
    %get3A_660 = arith.constant 0 : index
    %get3A_661 = arith.constant 0 : index
    %get3A_662 = vector.load %arg2[%get3A_660, %get3A_661] : memref<40x128xf32, #tpu.memory_space<vmem>>, vector<40x128xf32>
    %dot_general3A_663 = arith.constant dense<0.000000e+00> : vector<128x128xf32>
    %dot_general3A_664 = tpu.matmul %slice3A_659, %get3A_662, %dot_general3A_663 {dimension_numbers = #tpu.dot_dimension_numbers<[0], [0], [1], [1], [0, 1, 1, 1], [], []>, transpose_lhs_hint = false} : vector<40x128xf32>, vector<40x128xf32>, vector<128x128xf32> -> vector<128x128xf32>
    %slice3A_665 = vector.extract_strided_slice %reshape3A {offsets = [4440, 0], sizes = [40, 128], strides = [1, 1]} : vector<5120x128xf32> to vector<40x128xf32>
    %get3A_666 = arith.constant 0 : index
    %get3A_667 = arith.constant 0 : index
    %get3A_668 = vector.load %arg2[%get3A_666, %get3A_667] : memref<40x128xf32, #tpu.memory_space<vmem>>, vector<40x128xf32>
    %dot_general3A_669 = arith.constant dense<0.000000e+00> : vector<128x128xf32>
    %dot_general3A_670 = tpu.matmul %slice3A_665, %get3A_668, %dot_general3A_669 {dimension_numbers = #tpu.dot_dimension_numbers<[0], [0], [1], [1], [0, 1, 1, 1], [], []>, transpose_lhs_hint = false} : vector<40x128xf32>, vector<40x128xf32>, vector<128x128xf32> -> vector<128x128xf32>
    %slice3A_671 = vector.extract_strided_slice %reshape3A {offsets = [4480, 0], sizes = [40, 128], strides = [1, 1]} : vector<5120x128xf32> to vector<40x128xf32>
    %get3A_672 = arith.constant 0 : index
    %get3A_673 = arith.constant 0 : index
    %get3A_674 = vector.load %arg2[%get3A_672, %get3A_673] : memref<40x128xf32, #tpu.memory_space<vmem>>, vector<40x128xf32>
    %dot_general3A_675 = arith.constant dense<0.000000e+00> : vector<128x128xf32>
    %dot_general3A_676 = tpu.matmul %slice3A_671, %get3A_674, %dot_general3A_675 {dimension_numbers = #tpu.dot_dimension_numbers<[0], [0], [1], [1], [0, 1, 1, 1], [], []>, transpose_lhs_hint = false} : vector<40x128xf32>, vector<40x128xf32>, vector<128x128xf32> -> vector<128x128xf32>
    %slice3A_677 = vector.extract_strided_slice %reshape3A {offsets = [4520, 0], sizes = [40, 128], strides = [1, 1]} : vector<5120x128xf32> to vector<40x128xf32>
    %get3A_678 = arith.constant 0 : index
    %get3A_679 = arith.constant 0 : index
    %get3A_680 = vector.load %arg2[%get3A_678, %get3A_679] : memref<40x128xf32, #tpu.memory_space<vmem>>, vector<40x128xf32>
    %dot_general3A_681 = arith.constant dense<0.000000e+00> : vector<128x128xf32>
    %dot_general3A_682 = tpu.matmul %slice3A_677, %get3A_680, %dot_general3A_681 {dimension_numbers = #tpu.dot_dimension_numbers<[0], [0], [1], [1], [0, 1, 1, 1], [], []>, transpose_lhs_hint = false} : vector<40x128xf32>, vector<40x128xf32>, vector<128x128xf32> -> vector<128x128xf32>
    %slice3A_683 = vector.extract_strided_slice %reshape3A {offsets = [4560, 0], sizes = [40, 128], strides = [1, 1]} : vector<5120x128xf32> to vector<40x128xf32>
    %get3A_684 = arith.constant 0 : index
    %get3A_685 = arith.constant 0 : index
    %get3A_686 = vector.load %arg2[%get3A_684, %get3A_685] : memref<40x128xf32, #tpu.memory_space<vmem>>, vector<40x128xf32>
    %dot_general3A_687 = arith.constant dense<0.000000e+00> : vector<128x128xf32>
    %dot_general3A_688 = tpu.matmul %slice3A_683, %get3A_686, %dot_general3A_687 {dimension_numbers = #tpu.dot_dimension_numbers<[0], [0], [1], [1], [0, 1, 1, 1], [], []>, transpose_lhs_hint = false} : vector<40x128xf32>, vector<40x128xf32>, vector<128x128xf32> -> vector<128x128xf32>
    %slice3A_689 = vector.extract_strided_slice %reshape3A {offsets = [4600, 0], sizes = [40, 128], strides = [1, 1]} : vector<5120x128xf32> to vector<40x128xf32>
    %get3A_690 = arith.constant 0 : index
    %get3A_691 = arith.constant 0 : index
    %get3A_692 = vector.load %arg2[%get3A_690, %get3A_691] : memref<40x128xf32, #tpu.memory_space<vmem>>, vector<40x128xf32>
    %dot_general3A_693 = arith.constant dense<0.000000e+00> : vector<128x128xf32>
    %dot_general3A_694 = tpu.matmul %slice3A_689, %get3A_692, %dot_general3A_693 {dimension_numbers = #tpu.dot_dimension_numbers<[0], [0], [1], [1], [0, 1, 1, 1], [], []>, transpose_lhs_hint = false} : vector<40x128xf32>, vector<40x128xf32>, vector<128x128xf32> -> vector<128x128xf32>
    %slice3A_695 = vector.extract_strided_slice %reshape3A {offsets = [4640, 0], sizes = [40, 128], strides = [1, 1]} : vector<5120x128xf32> to vector<40x128xf32>
    %get3A_696 = arith.constant 0 : index
    %get3A_697 = arith.constant 0 : index
    %get3A_698 = vector.load %arg2[%get3A_696, %get3A_697] : memref<40x128xf32, #tpu.memory_space<vmem>>, vector<40x128xf32>
    %dot_general3A_699 = arith.constant dense<0.000000e+00> : vector<128x128xf32>
    %dot_general3A_700 = tpu.matmul %slice3A_695, %get3A_698, %dot_general3A_699 {dimension_numbers = #tpu.dot_dimension_numbers<[0], [0], [1], [1], [0, 1, 1, 1], [], []>, transpose_lhs_hint = false} : vector<40x128xf32>, vector<40x128xf32>, vector<128x128xf32> -> vector<128x128xf32>
    %slice3A_701 = vector.extract_strided_slice %reshape3A {offsets = [4680, 0], sizes = [40, 128], strides = [1, 1]} : vector<5120x128xf32> to vector<40x128xf32>
    %get3A_702 = arith.constant 0 : index
    %get3A_703 = arith.constant 0 : index
    %get3A_704 = vector.load %arg2[%get3A_702, %get3A_703] : memref<40x128xf32, #tpu.memory_space<vmem>>, vector<40x128xf32>
    %dot_general3A_705 = arith.constant dense<0.000000e+00> : vector<128x128xf32>
    %dot_general3A_706 = tpu.matmul %slice3A_701, %get3A_704, %dot_general3A_705 {dimension_numbers = #tpu.dot_dimension_numbers<[0], [0], [1], [1], [0, 1, 1, 1], [], []>, transpose_lhs_hint = false} : vector<40x128xf32>, vector<40x128xf32>, vector<128x128xf32> -> vector<128x128xf32>
    %slice3A_707 = vector.extract_strided_slice %reshape3A {offsets = [4720, 0], sizes = [40, 128], strides = [1, 1]} : vector<5120x128xf32> to vector<40x128xf32>
    %get3A_708 = arith.constant 0 : index
    %get3A_709 = arith.constant 0 : index
    %get3A_710 = vector.load %arg2[%get3A_708, %get3A_709] : memref<40x128xf32, #tpu.memory_space<vmem>>, vector<40x128xf32>
    %dot_general3A_711 = arith.constant dense<0.000000e+00> : vector<128x128xf32>
    %dot_general3A_712 = tpu.matmul %slice3A_707, %get3A_710, %dot_general3A_711 {dimension_numbers = #tpu.dot_dimension_numbers<[0], [0], [1], [1], [0, 1, 1, 1], [], []>, transpose_lhs_hint = false} : vector<40x128xf32>, vector<40x128xf32>, vector<128x128xf32> -> vector<128x128xf32>
    %slice3A_713 = vector.extract_strided_slice %reshape3A {offsets = [4760, 0], sizes = [40, 128], strides = [1, 1]} : vector<5120x128xf32> to vector<40x128xf32>
    %get3A_714 = arith.constant 0 : index
    %get3A_715 = arith.constant 0 : index
    %get3A_716 = vector.load %arg2[%get3A_714, %get3A_715] : memref<40x128xf32, #tpu.memory_space<vmem>>, vector<40x128xf32>
    %dot_general3A_717 = arith.constant dense<0.000000e+00> : vector<128x128xf32>
    %dot_general3A_718 = tpu.matmul %slice3A_713, %get3A_716, %dot_general3A_717 {dimension_numbers = #tpu.dot_dimension_numbers<[0], [0], [1], [1], [0, 1, 1, 1], [], []>, transpose_lhs_hint = false} : vector<40x128xf32>, vector<40x128xf32>, vector<128x128xf32> -> vector<128x128xf32>
    %slice3A_719 = vector.extract_strided_slice %reshape3A {offsets = [4800, 0], sizes = [40, 128], strides = [1, 1]} : vector<5120x128xf32> to vector<40x128xf32>
    %get3A_720 = arith.constant 0 : index
    %get3A_721 = arith.constant 0 : index
    %get3A_722 = vector.load %arg2[%get3A_720, %get3A_721] : memref<40x128xf32, #tpu.memory_space<vmem>>, vector<40x128xf32>
    %dot_general3A_723 = arith.constant dense<0.000000e+00> : vector<128x128xf32>
    %dot_general3A_724 = tpu.matmul %slice3A_719, %get3A_722, %dot_general3A_723 {dimension_numbers = #tpu.dot_dimension_numbers<[0], [0], [1], [1], [0, 1, 1, 1], [], []>, transpose_lhs_hint = false} : vector<40x128xf32>, vector<40x128xf32>, vector<128x128xf32> -> vector<128x128xf32>
    %slice3A_725 = vector.extract_strided_slice %reshape3A {offsets = [4840, 0], sizes = [40, 128], strides = [1, 1]} : vector<5120x128xf32> to vector<40x128xf32>
    %get3A_726 = arith.constant 0 : index
    %get3A_727 = arith.constant 0 : index
    %get3A_728 = vector.load %arg2[%get3A_726, %get3A_727] : memref<40x128xf32, #tpu.memory_space<vmem>>, vector<40x128xf32>
    %dot_general3A_729 = arith.constant dense<0.000000e+00> : vector<128x128xf32>
    %dot_general3A_730 = tpu.matmul %slice3A_725, %get3A_728, %dot_general3A_729 {dimension_numbers = #tpu.dot_dimension_numbers<[0], [0], [1], [1], [0, 1, 1, 1], [], []>, transpose_lhs_hint = false} : vector<40x128xf32>, vector<40x128xf32>, vector<128x128xf32> -> vector<128x128xf32>
    %slice3A_731 = vector.extract_strided_slice %reshape3A {offsets = [4880, 0], sizes = [40, 128], strides = [1, 1]} : vector<5120x128xf32> to vector<40x128xf32>
    %get3A_732 = arith.constant 0 : index
    %get3A_733 = arith.constant 0 : index
    %get3A_734 = vector.load %arg2[%get3A_732, %get3A_733] : memref<40x128xf32, #tpu.memory_space<vmem>>, vector<40x128xf32>
    %dot_general3A_735 = arith.constant dense<0.000000e+00> : vector<128x128xf32>
    %dot_general3A_736 = tpu.matmul %slice3A_731, %get3A_734, %dot_general3A_735 {dimension_numbers = #tpu.dot_dimension_numbers<[0], [0], [1], [1], [0, 1, 1, 1], [], []>, transpose_lhs_hint = false} : vector<40x128xf32>, vector<40x128xf32>, vector<128x128xf32> -> vector<128x128xf32>
    %slice3A_737 = vector.extract_strided_slice %reshape3A {offsets = [4920, 0], sizes = [40, 128], strides = [1, 1]} : vector<5120x128xf32> to vector<40x128xf32>
    %get3A_738 = arith.constant 0 : index
    %get3A_739 = arith.constant 0 : index
    %get3A_740 = vector.load %arg2[%get3A_738, %get3A_739] : memref<40x128xf32, #tpu.memory_space<vmem>>, vector<40x128xf32>
    %dot_general3A_741 = arith.constant dense<0.000000e+00> : vector<128x128xf32>
    %dot_general3A_742 = tpu.matmul %slice3A_737, %get3A_740, %dot_general3A_741 {dimension_numbers = #tpu.dot_dimension_numbers<[0], [0], [1], [1], [0, 1, 1, 1], [], []>, transpose_lhs_hint = false} : vector<40x128xf32>, vector<40x128xf32>, vector<128x128xf32> -> vector<128x128xf32>
    %slice3A_743 = vector.extract_strided_slice %reshape3A {offsets = [4960, 0], sizes = [40, 128], strides = [1, 1]} : vector<5120x128xf32> to vector<40x128xf32>
    %get3A_744 = arith.constant 0 : index
    %get3A_745 = arith.constant 0 : index
    %get3A_746 = vector.load %arg2[%get3A_744, %get3A_745] : memref<40x128xf32, #tpu.memory_space<vmem>>, vector<40x128xf32>
    %dot_general3A_747 = arith.constant dense<0.000000e+00> : vector<128x128xf32>
    %dot_general3A_748 = tpu.matmul %slice3A_743, %get3A_746, %dot_general3A_747 {dimension_numbers = #tpu.dot_dimension_numbers<[0], [0], [1], [1], [0, 1, 1, 1], [], []>, transpose_lhs_hint = false} : vector<40x128xf32>, vector<40x128xf32>, vector<128x128xf32> -> vector<128x128xf32>
    %slice3A_749 = vector.extract_strided_slice %reshape3A {offsets = [5000, 0], sizes = [40, 128], strides = [1, 1]} : vector<5120x128xf32> to vector<40x128xf32>
    %get3A_750 = arith.constant 0 : index
    %get3A_751 = arith.constant 0 : index
    %get3A_752 = vector.load %arg2[%get3A_750, %get3A_751] : memref<40x128xf32, #tpu.memory_space<vmem>>, vector<40x128xf32>
    %dot_general3A_753 = arith.constant dense<0.000000e+00> : vector<128x128xf32>
    %dot_general3A_754 = tpu.matmul %slice3A_749, %get3A_752, %dot_general3A_753 {dimension_numbers = #tpu.dot_dimension_numbers<[0], [0], [1], [1], [0, 1, 1, 1], [], []>, transpose_lhs_hint = false} : vector<40x128xf32>, vector<40x128xf32>, vector<128x128xf32> -> vector<128x128xf32>
    %slice3A_755 = vector.extract_strided_slice %reshape3A {offsets = [5040, 0], sizes = [40, 128], strides = [1, 1]} : vector<5120x128xf32> to vector<40x128xf32>
    %get3A_756 = arith.constant 0 : index
    %get3A_757 = arith.constant 0 : index
    %get3A_758 = vector.load %arg2[%get3A_756, %get3A_757] : memref<40x128xf32, #tpu.memory_space<vmem>>, vector<40x128xf32>
    %dot_general3A_759 = arith.constant dense<0.000000e+00> : vector<128x128xf32>
    %dot_general3A_760 = tpu.matmul %slice3A_755, %get3A_758, %dot_general3A_759 {dimension_numbers = #tpu.dot_dimension_numbers<[0], [0], [1], [1], [0, 1, 1, 1], [], []>, transpose_lhs_hint = false} : vector<40x128xf32>, vector<40x128xf32>, vector<128x128xf32> -> vector<128x128xf32>
    %slice3A_761 = vector.extract_strided_slice %reshape3A {offsets = [5080, 0], sizes = [40, 128], strides = [1, 1]} : vector<5120x128xf32> to vector<40x128xf32>
    %get3A_762 = arith.constant 0 : index
    %get3A_763 = arith.constant 0 : index
    %get3A_764 = vector.load %arg2[%get3A_762, %get3A_763] : memref<40x128xf32, #tpu.memory_space<vmem>>, vector<40x128xf32>
    %dot_general3A_765 = arith.constant dense<0.000000e+00> : vector<128x128xf32>
    %dot_general3A_766 = tpu.matmul %slice3A_761, %get3A_764, %dot_general3A_765 {dimension_numbers = #tpu.dot_dimension_numbers<[0], [0], [1], [1], [0, 1, 1, 1], [], []>, transpose_lhs_hint = false} : vector<40x128xf32>, vector<40x128xf32>, vector<128x128xf32> -> vector<128x128xf32>
    %concatenate3A = tpu.concatenate %dot_general3A_4, %dot_general3A_10, %dot_general3A_16, %dot_general3A_22, %dot_general3A_28, %dot_general3A_34, %dot_general3A_40, %dot_general3A_46, %dot_general3A_52, %dot_general3A_58, %dot_general3A_64, %dot_general3A_70, %dot_general3A_76, %dot_general3A_82, %dot_general3A_88, %dot_general3A_94, %dot_general3A_100, %dot_general3A_106, %dot_general3A_112, %dot_general3A_118, %dot_general3A_124, %dot_general3A_130, %dot_general3A_136, %dot_general3A_142, %dot_general3A_148, %dot_general3A_154, %dot_general3A_160, %dot_general3A_166, %dot_general3A_172, %dot_general3A_178, %dot_general3A_184, %dot_general3A_190, %dot_general3A_196, %dot_general3A_202, %dot_general3A_208, %dot_general3A_214, %dot_general3A_220, %dot_general3A_226, %dot_general3A_232, %dot_general3A_238, %dot_general3A_244, %dot_general3A_250, %dot_general3A_256, %dot_general3A_262, %dot_general3A_268, %dot_general3A_274, %dot_general3A_280, %dot_general3A_286, %dot_general3A_292, %dot_general3A_298, %dot_general3A_304, %dot_general3A_310, %dot_general3A_316, %dot_general3A_322, %dot_general3A_328, %dot_general3A_334, %dot_general3A_340, %dot_general3A_346, %dot_general3A_352, %dot_general3A_358, %dot_general3A_364, %dot_general3A_370, %dot_general3A_376, %dot_general3A_382, %dot_general3A_388, %dot_general3A_394, %dot_general3A_400, %dot_general3A_406, %dot_general3A_412, %dot_general3A_418, %dot_general3A_424, %dot_general3A_430, %dot_general3A_436, %dot_general3A_442, %dot_general3A_448, %dot_general3A_454, %dot_general3A_460, %dot_general3A_466, %dot_general3A_472, %dot_general3A_478, %dot_general3A_484, %dot_general3A_490, %dot_general3A_496, %dot_general3A_502, %dot_general3A_508, %dot_general3A_514, %dot_general3A_520, %dot_general3A_526, %dot_general3A_532, %dot_general3A_538, %dot_general3A_544, %dot_general3A_550, %dot_general3A_556, %dot_general3A_562, %dot_general3A_568, %dot_general3A_574, %dot_general3A_580, %dot_general3A_586, %dot_general3A_592, %dot_general3A_598, %dot_general3A_604, %dot_general3A_610, %dot_general3A_616, %dot_general3A_622, %dot_general3A_628, %dot_general3A_634, %dot_general3A_640, %dot_general3A_646, %dot_general3A_652, %dot_general3A_658, %dot_general3A_664, %dot_general3A_670, %dot_general3A_676, %dot_general3A_682, %dot_general3A_688, %dot_general3A_694, %dot_general3A_700, %dot_general3A_706, %dot_general3A_712, %dot_general3A_718, %dot_general3A_724, %dot_general3A_730, %dot_general3A_736, %dot_general3A_742, %dot_general3A_748, %dot_general3A_754, %dot_general3A_760, %dot_general3A_766 in 0 : vector<128x128xf32>, vector<128x128xf32>, vector<128x128xf32>, vector<128x128xf32>, vector<128x128xf32>, vector<128x128xf32>, vector<128x128xf32>, vector<128x128xf32>, vector<128x128xf32>, vector<128x128xf32>, vector<128x128xf32>, vector<128x128xf32>, vector<128x128xf32>, vector<128x128xf32>, vector<128x128xf32>, vector<128x128xf32>, vector<128x128xf32>, vector<128x128xf32>, vector<128x128xf32>, vector<128x128xf32>, vector<128x128xf32>, vector<128x128xf32>, vector<128x128xf32>, vector<128x128xf32>, vector<128x128xf32>, vector<128x128xf32>, vector<128x128xf32>, vector<128x128xf32>, vector<128x128xf32>, vector<128x128xf32>, vector<128x128xf32>, vector<128x128xf32>, vector<128x128xf32>, vector<128x128xf32>, vector<128x128xf32>, vector<128x128xf32>, vector<128x128xf32>, vector<128x128xf32>, vector<128x128xf32>, vector<128x128xf32>, vector<128x128xf32>, vector<128x128xf32>, vector<128x128xf32>, vector<128x128xf32>, vector<128x128xf32>, vector<128x128xf32>, vector<128x128xf32>, vector<128x128xf32>, vector<128x128xf32>, vector<128x128xf32>, vector<128x128xf32>, vector<128x128xf32>, vector<128x128xf32>, vector<128x128xf32>, vector<128x128xf32>, vector<128x128xf32>, vector<128x128xf32>, vector<128x128xf32>, vector<128x128xf32>, vector<128x128xf32>, vector<128x128xf32>, vector<128x128xf32>, vector<128x128xf32>, vector<128x128xf32>, vector<128x128xf32>, vector<128x128xf32>, vector<128x128xf32>, vector<128x128xf32>, vector<128x128xf32>, vector<128x128xf32>, vector<128x128xf32>, vector<128x128xf32>, vector<128x128xf32>, vector<128x128xf32>, vector<128x128xf32>, vector<128x128xf32>, vector<128x128xf32>, vector<128x128xf32>, vector<128x128xf32>, vector<128x128xf32>, vector<128x128xf32>, vector<128x128xf32>, vector<128x128xf32>, vector<128x128xf32>, vector<128x128xf32>, vector<128x128xf32>, vector<128x128xf32>, vector<128x128xf32>, vector<128x128xf32>, vector<128x128xf32>, vector<128x128xf32>, vector<128x128xf32>, vector<128x128xf32>, vector<128x128xf32>, vector<128x128xf32>, vector<128x128xf32>, vector<128x128xf32>, vector<128x128xf32>, vector<128x128xf32>, vector<128x128xf32>, vector<128x128xf32>, vector<128x128xf32>, vector<128x128xf32>, vector<128x128xf32>, vector<128x128xf32>, vector<128x128xf32>, vector<128x128xf32>, vector<128x128xf32>, vector<128x128xf32>, vector<128x128xf32>, vector<128x128xf32>, vector<128x128xf32>, vector<128x128xf32>, vector<128x128xf32>, vector<128x128xf32>, vector<128x128xf32>, vector<128x128xf32>, vector<128x128xf32>, vector<128x128xf32>, vector<128x128xf32>, vector<128x128xf32>, vector<128x128xf32>, vector<128x128xf32>, vector<128x128xf32>, vector<128x128xf32>, vector<128x128xf32>, vector<128x128xf32>, vector<128x128xf32> -> vector<16384x128xf32>
    %get3A_767 = arith.constant 0 : index
    %get3A_768 = vector.load %arg3[%get3A_767] : memref<128xf32, #tpu.memory_space<vmem>>, vector<128xf32>
    %broadcast_in_dim3A = vector.shape_cast %get3A_768 : vector<128xf32> to vector<1x128xf32>
    %add3A = vector.broadcast %broadcast_in_dim3A : vector<1x128xf32> to vector<16384x128xf32>
    %add3A_769 = arith.addf %concatenate3A, %add3A : vector<16384x128xf32>
    %reduce_sum3A = arith.constant dense<0.000000e+00> : vector<16384xf32>
    %reduce_sum3A_770 = vector.multi_reduction <add>, %add3A_769, %reduce_sum3A [1] : vector<16384x128xf32> to vector<16384xf32>
    %broadcast_in_dim3A_771 = vector.shape_cast %reduce_sum3A_770 : vector<16384xf32> to vector<16384x1xf32>
    %div3A = arith.constant 1.280000e+02 : f32
    %div3A_772 = vector.broadcast %div3A : f32 to vector<16384x1xf32>
    %div3A_773 = arith.divf %broadcast_in_dim3A_771, %div3A_772 : vector<16384x1xf32>
    %sub3A = vector.broadcast %div3A_773 : vector<16384x1xf32> to vector<16384x128xf32>
    %sub3A_774 = arith.subf %add3A_769, %sub3A : vector<16384x128xf32>
    %integer_pow3A = arith.mulf %sub3A_774, %sub3A_774 : vector<16384x128xf32>
    %reduce_sum3A_775 = arith.constant dense<0.000000e+00> : vector<16384xf32>
    %reduce_sum3A_776 = vector.multi_reduction <add>, %integer_pow3A, %reduce_sum3A_775 [1] : vector<16384x128xf32> to vector<16384xf32>
    %broadcast_in_dim3A_777 = vector.shape_cast %reduce_sum3A_776 : vector<16384xf32> to vector<16384x1xf32>
    %div3A_778 = arith.constant 1.280000e+02 : f32
    %div3A_779 = vector.broadcast %div3A_778 : f32 to vector<16384x1xf32>
    %div3A_780 = arith.divf %broadcast_in_dim3A_777, %div3A_779 : vector<16384x1xf32>
    %sub3A_781 = vector.broadcast %div3A_773 : vector<16384x1xf32> to vector<16384x128xf32>
    %sub3A_782 = arith.subf %add3A_769, %sub3A_781 : vector<16384x128xf32>
    %add3A_783 = arith.constant 9.99999974E-6 : f32
    %add3A_784 = vector.broadcast %add3A_783 : f32 to vector<16384x1xf32>
    %add3A_785 = arith.addf %div3A_780, %add3A_784 : vector<16384x1xf32>
    %rsqrt3A = math.rsqrt %add3A_785 : vector<16384x1xf32>
    %mul3A = vector.broadcast %rsqrt3A : vector<16384x1xf32> to vector<16384x128xf32>
    %mul3A_786 = arith.mulf %sub3A_782, %mul3A : vector<16384x128xf32>
    %get3A_787 = arith.constant 0 : index
    %get3A_788 = vector.load %arg4[%get3A_787] : memref<128xf32, #tpu.memory_space<vmem>>, vector<128xf32>
    %broadcast_in_dim3A_789 = vector.shape_cast %get3A_788 : vector<128xf32> to vector<1x128xf32>
    %mul3A_790 = vector.broadcast %broadcast_in_dim3A_789 : vector<1x128xf32> to vector<16384x128xf32>
    %mul3A_791 = arith.mulf %mul3A_786, %mul3A_790 : vector<16384x128xf32>
    %get3A_792 = arith.constant 0 : index
    %get3A_793 = vector.load %arg5[%get3A_792] : memref<128xf32, #tpu.memory_space<vmem>>, vector<128xf32>
    %broadcast_in_dim3A_794 = vector.shape_cast %get3A_793 : vector<128xf32> to vector<1x128xf32>
    %add3A_795 = vector.broadcast %broadcast_in_dim3A_794 : vector<1x128xf32> to vector<16384x128xf32>
    %add3A_796 = arith.addf %mul3A_791, %add3A_795 : vector<16384x128xf32>
    %max3A = arith.constant 0.000000e+00 : f32
    %max3A_797 = vector.broadcast %max3A : f32 to vector<16384x128xf32>
    %max3A_798 = arith.maximumf %add3A_796, %max3A_797 : vector<16384x128xf32>
    %get3A_799 = arith.constant 0 : index
    %get3A_800 = arith.constant 0 : index
    %get3A_801 = vector.load %arg6[%get3A_799, %get3A_800] : memref<128x64xf32, #tpu.memory_space<vmem>>, vector<128x64xf32>
    %dot_general3A_802 = arith.constant dense<0.000000e+00> : vector<16384x64xf32>
    %dot_general3A_803 = tpu.matmul %max3A_798, %get3A_801, %dot_general3A_802 {dimension_numbers = #tpu.dot_dimension_numbers<[1], [0], [0], [1], [0, 0, 1, 1], [], []>, transpose_lhs_hint = false} : vector<16384x128xf32>, vector<128x64xf32>, vector<16384x64xf32> -> vector<16384x64xf32>
    %get3A_804 = arith.constant 0 : index
    %get3A_805 = vector.load %arg7[%get3A_804] : memref<64xf32, #tpu.memory_space<vmem>>, vector<64xf32>
    %broadcast_in_dim3A_806 = vector.shape_cast %get3A_805 : vector<64xf32> to vector<1x64xf32>
    %add3A_807 = vector.broadcast %broadcast_in_dim3A_806 : vector<1x64xf32> to vector<16384x64xf32>
    %add3A_808 = arith.addf %dot_general3A_803, %add3A_807 : vector<16384x64xf32>
    %swap3A = arith.constant 0 : index
    %swap3A_809 = arith.constant 0 : index
    %swap3A_810 = vector.load %arg8[%swap3A, %swap3A_809] : memref<16384x64xf32, #tpu.memory_space<vmem>>, vector<16384x64xf32>
    tpu.vector_store %arg8[%swap3A, %swap3A_809], %add3A_808 {strides = array<i32>} : memref<16384x64xf32, #tpu.memory_space<vmem>>, vector<16384x64xf32>,
    return
  }
  func.func @transform_0(%arg0: i32) -> i32 {
    %c0_i32 = arith.constant 0 : i32
    return %arg0 : i32
  }
  func.func @transform_1(%arg0: i32) -> (i32, i32) {
    %c0_i32 = arith.constant 0 : i32
    %c0_i32_0 = arith.constant 0 : i32
    %c0_i32_1 = arith.constant 0 : i32
    return %c0_i32, %c0_i32_0 : i32, i32
  }
  func.func @transform_2(%arg0: i32) -> i32 {
    %c0_i32 = arith.constant 0 : i32
    %c0_i32_0 = arith.constant 0 : i32
    return %c0_i32 : i32
  }
  func.func @transform_3(%arg0: i32) -> i32 {
    %c0_i32 = arith.constant 0 : i32
    %c0_i32_0 = arith.constant 0 : i32
    return %c0_i32 : i32
  }
  func.func @transform_4(%arg0: i32) -> i32 {
    %c0_i32 = arith.constant 0 : i32
    %c0_i32_0 = arith.constant 0 : i32
    return %c0_i32 : i32
  }
  func.func @transform_5(%arg0: i32) -> (i32, i32) {
    %c0_i32 = arith.constant 0 : i32
    %c0_i32_0 = arith.constant 0 : i32
    %c0_i32_1 = arith.constant 0 : i32
    return %c0_i32, %c0_i32_0 : i32, i32
  }
  func.func @transform_6(%arg0: i32) -> i32 {
    %c0_i32 = arith.constant 0 : i32
    %c0_i32_0 = arith.constant 0 : i32
    return %c0_i32 : i32
  }
  func.func @transform_7(%arg0: i32) -> (i32, i32) {
    %c0_i32 = arith.constant 0 : i32
    %c0_i32_0 = arith.constant 0 : i32
    return %arg0, %c0_i32 : i32, i32
  }
}

</mosaic_0001>

<sc_bundles>
// kernel: kernel.4.cloned.1.call-start
scs
__scs_entry_jumppad:
0x0: {  	(pc) =	sbr.rel $0x88, $3  }
0x1: {  	(tag) =	ssettag $0x0;
	lr =	simm.s32 $0x1  }
0x2: {  	[smem:$0x3F91] =	sst lr;
	_ =	strace $0xD0000000  }
0x3: {  	_ = 	snop  }
0x4: {  	_ = 	snop  }
0x5: {  	_ = 	snop  }
0x6: {  	_ = 	snop  }
0x7: {  	_ = 	snop  }
__scs_overlays_trampoline_lowered:
0x8: {  	[smem:$0x3FA0] =	sst s0  }
0x9: {  	[smem:$0x3FA1] =	sst s1  }
0xa: {  	[smem:$0x3FA2] =	sst s2  }
0xb: {  	[smem:$0x3FA3] =	sst s3  }
0xc: {  	[smem:$0x3FA4] =	sst s4  }
0xd: {  	[smem:$0x3FA5] =	sst s5  }
0xe: {  	[smem:$0x3FA6] =	sst s6  }
0xf: {  	[smem:$0x3FA7] =	sst s7  }
0x10: {  	[smem:$0x3FA8] =	sst s8  }
0x11: {  	[smem:$0x3FA9] =	sst s9;
	s0 =	simm.s32 @!p0 $0x0  }
0x12: {  	s1 =	sld [smem:$0x3F8F];
	s0 =	simm.s32 @p0 $0x1  }
0x13: {  	[smem:$0x3FAA] =	sst s0;
	s0 =	simm.s32 @!p1 $0x0  }
0x14: {  	s2 =	sld [smem:$0x3F8E];
	s0 =	simm.s32 @p1 $0x1  }
0x15: {  	[smem:$0x3FAB] =	sst s0;
	s0 =	simm.s32 @!p2 $0x0  }
0x16: {  	s3 =	sld [smem:$0x3FDB];
	s0 =	simm.s32 @p2 $0x1  }
0x17: {  	s4 =	simm.s32 $0x1BF5;
	[smem:$0x3FAD] =	sst s0  }
0x18: {  	s0 =	sld [smem:$0x3F90];
	_ =	swait.ge [sflag:s4], $0x0  }
0x19: {  	s7 =	sld [smem:$0x3F91]  }
0x1a: {  	s8 =	sadd.s32 $0xFFFFE003, lr  }
0x1b: {  	s9 =	sadd.s32 $0xFFFFFEF7, lr;
	s5 =	simm.s32 $0xFFFFFFFF;
	p2 =	slt.u32 s8, $0xFFFFF086  }
0x1c: {  	p1 =	slt.u32 s9, $0xF7A;
	s5 =	simm.s32 @!p2 $0x0  }
0x1d: {  	s5 =	simm.s32 @p1 $0x1;
	p0 =	seq.s32 s7, s2  }
0x1e: {  	s7 =	smul.u32 @!p0 $0xF7A, s2;
	p2 =	seq.s32 @!p0 s5, $0x0  }
0x1f: {  	s9 =	smul.u32 $0xF7A, s1;
	s8 =	simm.s32 @!p0 $0x1BF5;
	p2 =	por !p2, p0  }
0x20: {  	[sflag:s8] =	ssyncset.s32 @!p0 $0xFFFFF086;
	s6 =	sadd.s32 @!p0 s3, s7;
	s7 =	simm.s32 @!p0 $0x108  }
0x21: {  	s3 =	sadd.s32 s3, s9;
	s6 =	sadd.s32 @!p0 $0x88, s6;
	s7 =	simm.s32 @p2 $0x1082  }
0x22: {  	[simem:s7], [sflag:s8] =	dma.local @!p0 [hbm:s6], $0xF7A  }
0x23: {  	s9 =	sor.u32 $0xD0000000, s2;
	s6 =	simm.s32 $0x108;
	_ =	swait.ge @!p0 [sflag:s8], $0x0  }
0x24: {  	s3 =	sadd.s32 $0x88, s3;
	s6 =	simm.s32 @!p1 $0x1082;
	[sflag:s4] =	ssyncset.s32 $0xFFFFF086  }
0x25: {  	[simem:s6], [sflag:s4] =	dma.local [hbm:s3], $0xF7A  }
0x26: {  	[smem:$0x3F91] =	sst s1;
	(tag) =	ssettag s2;
	_ =	strace s9  }
0x27: {  	s1 =	sld [smem:$0x3FA1]  }
0x28: {  	s2 =	sld [smem:$0x3FA2]  }
0x29: {  	s4 =	sld [smem:$0x3FA4]  }
0x2a: {  	p0 =	seq.s32 s5, $0x0;
	s5 =	sld [smem:$0x3FA5]  }
0x2b: {  	s6 =	sld [smem:$0x3FA6]  }
0x2c: {  	s7 =	sld [smem:$0x3FA7]  }
0x2d: {  	s3 =	simm.s32 $0x108;
	s8 =	sld [smem:$0x3FA8]  }
0x2e: {  	s3 =	simm.s32 @!p0 $0x1082;
	s9 =	sld [smem:$0x3FA9]  }
0x2f: {  	lr =	sadd.s32 s0, s3;
	s0 =	sld [smem:$0x3FA0]  }
0x30: {  	s3 =	sld [smem:$0x3FA3]  }
0x31: {  	[smem:$0x3FAC] =	sst s10  }
0x32: {  	s10 =	sld [smem:$0x3FAA];
	_ =	sdelay $0x3  }
0x33: {  	p0 =	seq.s32 s10, $0x1;
	s10 =	sld [smem:$0x3FAC];
	_ =	sdelay $0x3  }
0x34: {  	[smem:$0x3FAC] =	sst s10  }
0x35: {  	s10 =	sld [smem:$0x3FAB];
	_ =	sdelay $0x3  }
0x36: {  	p1 =	seq.s32 s10, $0x1;
	s10 =	sld [smem:$0x3FAC];
	_ =	sdelay $0x3  }
0x37: {  	[smem:$0x3FAC] =	sst s10  }
0x38: {  	s10 =	sld [smem:$0x3FAD]  }
0x39: {  	_ = 	snop;
	(pc) =	sbr.ind lr, $3  }
0x3a: {  	_ = 	snop  }
0x3b: {  	_ = 	snop  }
0x3c: {  	p2 =	seq.s32 s10, $0x1;
	s10 =	sld [smem:$0x3FAC]  }
0x3d: {  	_ =	shalt  }
0x3e: {  	_ =	shalt  }
0x3f: {  	_ =	shalt  }
0x40: {  	_ =	shalt  }
0x41: {  	_ =	shalt  }
0x42: {  	_ =	shalt  }
0x43: {  	_ =	shalt  }
0x44: {  	_ =	shalt  }
0x45: {  	_ =	shalt  }
0x46: {  	_ =	shalt  }
0x47: {  	_ =	shalt  }
0x48: {  	_ =	shalt  }
0x49: {  	_ =	shalt  }
0x4a: {  	_ =	shalt  }
0x4b: {  	_ =	shalt  }
0x4c: {  	_ =	shalt  }
0x4d: {  	_ =	shalt  }
0x4e: {  	_ =	shalt  }
0x4f: {  	_ =	shalt  }
0x50: {  	_ =	shalt  }
0x51: {  	_ =	shalt  }
0x52: {  	_ =	shalt  }
0x53: {  	_ =	shalt  }
0x54: {  	_ =	shalt  }
0x55: {  	_ =	shalt  }
0x56: {  	_ =	shalt  }
0x57: {  	_ =	shalt  }
0x58: {  	_ =	shalt  }
0x59: {  	_ =	shalt  }
0x5a: {  	_ =	shalt  }
0x5b: {  	_ =	shalt  }
0x5c: {  	_ =	shalt  }
0x5d: {  	_ =	shalt  }
0x5e: {  	_ =	shalt  }
0x5f: {  	_ =	shalt  }
0x60: {  	_ =	shalt  }
0x61: {  	_ =	shalt  }
0x62: {  	_ =	shalt  }
0x63: {  	_ =	shalt  }
0x64: {  	_ =	shalt  }
0x65: {  	_ =	shalt  }
0x66: {  	_ =	shalt  }
0x67: {  	_ =	shalt  }
0x68: {  	_ =	shalt  }
0x69: {  	_ =	shalt  }
0x6a: {  	_ =	shalt  }
0x6b: {  	_ =	shalt  }
0x6c: {  	_ =	shalt  }
0x6d: {  	_ =	shalt  }
0x6e: {  	_ =	shalt  }
0x6f: {  	_ =	shalt  }
0x70: {  	_ =	shalt  }
0x71: {  	_ =	shalt  }
0x72: {  	_ =	shalt  }
0x73: {  	_ =	shalt  }
0x74: {  	_ =	shalt  }
0x75: {  	_ =	shalt  }
0x76: {  	_ =	shalt  }
0x77: {  	_ =	shalt  }
0x78: {  	_ =	shalt  }
0x79: {  	_ =	shalt  }
0x7a: {  	_ =	shalt  }
0x7b: {  	_ =	shalt  }
0x7c: {  	_ =	shalt  }
0x7d: {  	_ =	shalt  }
0x7e: {  	_ =	shalt  }
0x7f: {  	_ =	shalt  }
0x80: {  	_ =	shalt  }
0x81: {  	_ =	shalt  }
0x82: {  	_ =	shalt  }
0x83: {  	_ =	shalt  }
0x84: {  	_ =	shalt  }
0x85: {  	_ =	shalt  }
0x86: {  	_ =	shalt  }
0x87: {  	_ =	shalt  }
.Lfunc_end0:
.L_simem_size_0:
called_computation_lowered:
.L_overlay_start_0:
0x88: {  	s2 =	sld [smem:$0x3FD9]  }
0x89: {  	s3 =	sld [smem:$0x3FFE];
	_ =	sdelay $0x1  }
0x8a: {  	s1 =	srdreg.scid  }
0x8b: {  	s0 =	sand.u32 $0x1, s1  }
0x8c: {  	s17 =	sshll.u32 s0, $0xA;
	s2 =	sadd.s32 s3, s2  }
0x8d: {  	s2 =	sadd.s32 s2, s17  }
0x8e: {  	[smem:$0x3FB8] =	sst s2  }
0x8f: {  	_ = 	snop  }
0x90: {  	s2 =	sld [smem:$0x3FC9]  }
0x91: {  	s18 =	sld [smem:$0x3FC8]  }
0x92: {  	s4 =	sld [smem:$0x3FC7]  }
0x93: {  	s5 =	sld [smem:$0x3FC6]  }
0x94: {  	s6 =	sld [smem:$0x3FC5]  }
0x95: {  	s7 =	sld [smem:$0x3FD0];
	(tm) =	ssettm $0x1  }
0x96: {  	s8 =	sld [smem:$0x3FFB];
	_ =	sdelay $0x3  }
0x97: {  	_ =	strace s8  }
0x98: {  	s8 =	sld [smem:$0x3FFC];
	_ =	sdelay $0x3  }
0x99: {  	_ =	strace s8  }
0x9a: {  	s8 =	sld [smem:$0x3FFD];
	_ =	sdelay $0x3  }
0x9b: {  	_ =	strace s8  }
0x9c: {  	_ =	strace $0x8FFFFFFF  }
0x9d: {  	s19 =	sld [smem:$0x3FDB];
	_ =	sdelay $0x1  }
0x9e: {  	s9 =	simm.s32 $_scs_section_size  }
0x9f: {  	s10 =	simm.s32 $_size__tile_overlayer_lowered;
	s11 =	simm.s32 $_tile_overlayer_lowered  }
0xa0: {  	s22 =	simm.s32 $0x1BFF;
	s21 =	sshll.u32 s11, $0x1;
	s8 =	sadd.s32 s9, s19  }
0xa1: {  	s12 =	simm.s32 $0x0;
	s20 =	sshll.u32 s10, $0x1;
	s10 =	sadd.s32 s21, s8  }
0xa2: {  	[timem:s12], [sflag:s22] =	dma.local [hbm:s10], s20  }
0xa3: {  	_ =	swait.ge [sflag:s22], s20  }
0xa4: {  	s9 =	ssub.s32 $0x0, s20;
	[sflag:s22] =	ssyncset.done $0x0  }
0xa5: {  	[sflag:s22] =	ssyncadd.s32 s9;
	_ =	sdelay $0x1  }
0xa6: {  	s23 =	simm.s32 $0x1B8B  }
0xa7: {  	_ =	swait.ge [sflag:s23], $0x1  }
0xa8: {  	[sflag:s23] =	ssyncset.done $0x0  }
0xa9: {  	s25 =	simm.s32 $0x1B8E;
	s24 =	sld [smem:$0x3FFE];
	[sflag:s23] =	ssyncadd.s32 $0xFFFFFFFF  }
0xaa: {  	s26 =	simm.s32 $execute0_lowered;
	[smem:$0x3FD2] =	sst s25  }
0xab: {  	s10 =	sshll.u32 s26, $0x1;
	_ =	strace $0x80000046;
	[dreg:$0x1] =	wrdreg $0xFFFFFFFF  }
0xac: {  	s28 =	simm.s32 $_size_execute0_lowered;
	s8 =	sadd.s32 s8, s10;
	[dreg:$0x0] =	wrdreg $0x0  }
0xad: {  	s10 =	sshll.u32 s28, $0x1;
	[dreg:$0x2] =	wrdreg s8  }
0xae: {  	[dreg:$0x3] =	wrdreg s10  }
0xaf: {  	[dreg:$0x4] =	wrdreg $0xC0  }
0xb0: {  	_ =	task [dreg:s12], $0x5FFFF  }
0xb1: {  	[dreg:$0x1] =	wrdreg $0xFFFFFFFF  }
0xb2: {  	[dreg:$0x0] =	wrdreg $0x60  }
0xb3: {  	[dreg:$0x2] =	wrdreg s2  }
0xb4: {  	[dreg:$0x3] =	wrdreg s18  }
0xb5: {  	[dreg:$0x4] =	wrdreg s4  }
0xb6: {  	[dreg:$0x5] =	wrdreg s5  }
0xb7: {  	[dreg:$0x6] =	wrdreg s6  }
0xb8: {  	[dreg:$0x7] =	wrdreg s24  }
0xb9: {  	[dreg:$0x8] =	wrdreg s7  }
0xba: {  	[dreg:$0x9] =	wrdreg $0x9  }
0xbb: {  	_ =	task.clear_ibuf [dreg:s12], $0xAFFFF;
	_ =	strace $0x90000046  }
0xbc: {  	s29 =	simm.s32 $0x9;
	_ =	strace $0x80000048  }
0xbd: {  	_ =	swait.ge [sflag:s29], $0x1  }
0xbe: {  	[sflag:s29] =	ssyncadd.s32 $0xFFFFFFFF  }
0xbf: {  	_ =	strace $0x90000048  }
0xc0: {  	_ =	sfence  }
0xc1: {  	s30 =	sld [smem:$0x0];
	_ =	sdelay $0x2  }
0xc2: {  	s31 =	sshll.u32 s1, $0xD;
	s1 =	sshrl.u32 s1, $0x2  }
0xc3: {  	s3 =	sand.u32 $0x4000, s31;
	s1 =	sadd.s32 s1, s30  }
0xc4: {  	s0 =	sor.u32 s3, s0;
	s1 =	sshll.u32 s1, $0x11  }
0xc5: {  	s0 =	sor.u32 s1, s0  }
0xc6: {  	s0 =	sadd.s32 $0x8F2B, s0  }
0xc7: {  	[sflag:s0] =	ssyncadd.remote.s32 $0x1  }
0xc8: {  	_ =	sfence.sel $0xFFFF  }
0xc9: {  	[dreg:$0x0] =	wrdreg $0xFFFFFFFF;
	(pc) =	sbr.abs _section_cstart, $3  }
0xca: {  	[dreg:$0x1] =	wrdreg $0xFFFFFFFF  }
0xcb: {  	_ =	task.clear_ibuf [dreg:s12], $0x2FFFF;
	_ =	strace $0x9FFFFFFF  }
0xcc: {  	(tm) =	ssettm $0x7FFFFFFF  }
0xcd: {  	_ =	shalt  }
tec
execute0_lowered:
.L_overlay_start_1:
0x0: {  	(tag) =	ssettag $0x1  }
0x1: {  	s4 =	rddreg [dreg:$0x0]  }
0x2: {  	s5 =	rddreg [dreg:$0x1]  }
0x3: {  	s6 =	rddreg [dreg:$0x2]  }
0x4: {  	s7 =	rddreg [dreg:$0x3]  }
0x5: {  	s8 =	rddreg [dreg:$0x4]  }
0x6: {  	s3 =	rddreg [dreg:$0x5]  }
0x7: {  	s9 =	rddreg [dreg:$0x6]  }
0x8: {  	s0 =	rddreg [dreg:$0x7];
	s2 =	simm.s32 $0x0;
	s10 =	srdreg.scid  }
0x9: {  	s1 =	stileid.u32;
	s14 =	simm.s32 $0x800;
	s15 =	simm.s32 $0xA00  }
0xa: {  	s16 =	simm.s32 $0x1;
	s17 =	simm.s32 $0xB40;
	s18 =	simm.s32 $0x0  }
0xb: {  	[smem:$0x7FF] =	sst s2;
	s10 =	sand.u32 $0x1, s10;
	s12 =	sshll.u32 s1, $0x1  }
0xc: {  	s3 =	sadd.s32 $0x1200, s3;
	s11 =	ssub.s32 $0x2, s10;
	s10 =	sor.u32 s10, s12  }
0xd: {  	_ =	strace $0x80000047;
	s13 =	sshrl.u32 s11, $0x1;
	s12 =	sshll.u32 s10, $0x6  }
0xe: {  	s10 =	smul.u32 $0xA00, s10;
	s11 =	ssub.s32 s11, s13;
	s4 =	sadd.s32 s4, s12  }
0xf: {  	s5 =	sadd.s32 s5, s12;
	s6 =	sadd.s32 s6, s12;
	s7 =	sadd.s32 s7, s12  }
0x10: {  	s8 =	sadd.s32 s8, s12;
	s12 =	simm.s32 $0x400;
	s13 =	simm.s32 $0x600  }
0x11: {  	s9 =	sadd.s32 s9, s10;
	s10 =	smax.u32 s11, $0x1;
	s11 =	simm.s32 $0x200  }
.LBB2_1:
0x12: {  	[tilespmem:s2], [sflag:$0x1] =	stream.linear.gather [hbm4b:s4+s2], $0x200, $0x38;
	[tilespmem:$0x5B40] =	vst v63  }
0x13: {  	_ = 	snop  }
0x14: {  	[tilespmem:s11], [sflag:$0x1] =	stream.linear.gather [hbm4b:s5+s2], $0x200, $0x38;
	[tilespmem:$0x5B40] =	vst v63  }
0x15: {  	_ = 	snop  }
0x16: {  	[tilespmem:s12], [sflag:$0x1] =	stream.linear.gather [hbm4b:s6+s2], $0x200, $0x38;
	[tilespmem:$0x5B40] =	vst v63  }
0x17: {  	_ = 	snop  }
0x18: {  	[tilespmem:s13], [sflag:$0x1] =	stream.linear.gather [hbm4b:s7+s2], $0x200, $0x38;
	[tilespmem:$0x5B40] =	vst v63  }
0x19: {  	_ = 	snop  }
0x1a: {  	[tilespmem:s14], [sflag:$0x1] =	stream.linear.gather [hbm4b:s8+s2], $0x200, $0x38;
	[tilespmem:$0x5B40] =	vst v63  }
0x1b: {  	_ = 	snop  }
0x1c: {  	[tilespmem:s15], [sflag:$0x1] =	stream.linear.gather [hbm4b:s3+s2], $0x140, $0x38;
	[tilespmem:$0x5B40] =	vst v63  }
0x1d: {  	_ =	swait.ge [sflag:s16], $0x200  }
0x1e: {  	[sflag:s16] =	ssyncset.done $0x0  }
0x1f: {  	[sflag:s16] =	ssyncadd.s32 $0xFFFFFE00  }
0x20: {  	_ =	swait.ge [sflag:s16], $0x200  }
0x21: {  	[sflag:s16] =	ssyncset.done $0x0  }
0x22: {  	[sflag:s16] =	ssyncadd.s32 $0xFFFFFE00  }
0x23: {  	_ =	swait.ge [sflag:s16], $0x200  }
0x24: {  	[sflag:s16] =	ssyncset.done $0x0  }
0x25: {  	[sflag:s16] =	ssyncadd.s32 $0xFFFFFE00  }
0x26: {  	_ =	swait.ge [sflag:s16], $0x200  }
0x27: {  	[sflag:s16] =	ssyncset.done $0x0  }
0x28: {  	[sflag:s16] =	ssyncadd.s32 $0xFFFFFE00  }
0x29: {  	_ =	swait.ge [sflag:s16], $0x200  }
0x2a: {  	[sflag:s16] =	ssyncset.done $0x0  }
0x2b: {  	[sflag:s16] =	ssyncadd.s32 $0xFFFFFE00  }
0x2c: {  	_ =	swait.ge [sflag:s16], $0x140  }
0x2d: {  	[sflag:s16] =	ssyncset.done $0x0  }
0x2e: {  	s19 =	simm.s32 $0x0;
	[sflag:s16] =	ssyncadd.s32 $0xFFFFFEC0  }
0x2f: {  	v1 =	vld [tilespmem:s19+$0x0];
	_ =	sdelay $0x7  }
0x30: {  	v0 =	vld.idx.msk [tilespmem:v1+s15+$0x0], $0xffff  }
0x31: {  	v2 =	vadd.s32 $0x28, v1;
	_ =	sdelay $0x3  }
0x32: {  	[tilespmem:s19+$0xB40] =	vst v0  }
0x33: {  	v0 =	vld.idx.msk [tilespmem:v2+s15+$0x0], $0xffff  }
0x34: {  	v2 =	vadd.s32 $0x50, v1;
	_ =	sdelay $0x3  }
0x35: {  	[tilespmem:s19+$0xBC0] =	vst v0  }
0x36: {  	v0 =	vld.idx.msk [tilespmem:v2+s15+$0x0], $0xffff  }
0x37: {  	v2 =	vadd.s32 $0x78, v1;
	_ =	sdelay $0x3  }
0x38: {  	[tilespmem:s19+$0xC40] =	vst v0  }
0x39: {  	v0 =	vld.idx.msk [tilespmem:v2+s15+$0x0], $0xffff  }
0x3a: {  	v2 =	vadd.s32 $0xA0, v1;
	_ =	sdelay $0x3  }
0x3b: {  	[tilespmem:s19+$0xCC0] =	vst v0  }
0x3c: {  	v0 =	vld.idx.msk [tilespmem:v2+s15+$0x0], $0xffff  }
0x3d: {  	v2 =	vadd.s32 $0xC8, v1;
	_ =	sdelay $0x3  }
0x3e: {  	[tilespmem:s19+$0xD40] =	vst v0  }
0x3f: {  	v0 =	vld.idx.msk [tilespmem:v2+s15+$0x0], $0xffff  }
0x40: {  	v2 =	vadd.s32 $0xF0, v1;
	_ =	sdelay $0x3  }
0x41: {  	[tilespmem:s19+$0xDC0] =	vst v0  }
0x42: {  	v0 =	vld.idx.msk [tilespmem:v2+s15+$0x0], $0xffff  }
0x43: {  	v1 =	vadd.s32 $0x118, v1;
	_ =	sdelay $0x2  }
0x44: {  	s21 =	simm.s32 $0x10;
	s20 =	simm.s32 $0x80  }
.LBB2_2:
0x45: {  	p0 =	sne.s32 s20, $0x1C0;
	v2 =	vld [tilespmem:s21+$0x0];
	[tilespmem:s19+$0xE40] =	vst v0  }
0x46: {  	v0 =	vld.idx.msk [tilespmem:v1+s15+$0x0], $0xffff;
	_ =	sdelay $0x5  }
0x47: {  	[tilespmem:s19+$0xEC0] =	vst v0;
	s19 =	smov.u32 s21  }
0x48: {  	v0 =	vld.idx.msk [tilespmem:v2+s15+$0x0], $0xffff;
	_ =	sdelay $0x1  }
0x49: {  	v1 =	vadd.s32 $0x28, v2;
	_ =	sdelay $0x3  }
0x4a: {  	[tilespmem:s19+$0xB40] =	vst v0  }
0x4b: {  	v0 =	vld.idx.msk [tilespmem:v1+s15+$0x0], $0xffff;
	_ =	sdelay $0x1  }
0x4c: {  	v1 =	vadd.s32 $0x50, v2;
	_ =	sdelay $0x3  }
0x4d: {  	[tilespmem:s19+$0xBC0] =	vst v0  }
0x4e: {  	v0 =	vld.idx.msk [tilespmem:v1+s15+$0x0], $0xffff;
	_ =	sdelay $0x1  }
0x4f: {  	v1 =	vadd.s32 $0x78, v2;
	_ =	sdelay $0x3  }
0x50: {  	[tilespmem:s19+$0xC40] =	vst v0  }
0x51: {  	v0 =	vld.idx.msk [tilespmem:v1+s15+$0x0], $0xffff;
	_ =	sdelay $0x1  }
0x52: {  	v1 =	vadd.s32 $0xA0, v2;
	_ =	sdelay $0x3  }
0x53: {  	[tilespmem:s19+$0xCC0] =	vst v0  }
0x54: {  	v0 =	vld.idx.msk [tilespmem:v1+s15+$0x0], $0xffff;
	_ =	sdelay $0x1  }
0x55: {  	v1 =	vadd.s32 $0xC8, v2;
	_ =	sdelay $0x3  }
0x56: {  	[tilespmem:s19+$0xD40] =	vst v0  }
0x57: {  	v0 =	vld.idx.msk [tilespmem:v1+s15+$0x0], $0xffff;
	_ =	sdelay $0x1  }
0x58: {  	v1 =	vadd.s32 $0xF0, v2;
	_ =	sdelay $0x3  }
0x59: {  	[tilespmem:s19+$0xDC0] =	vst v0  }
0x5a: {  	v0 =	vld.idx.msk [tilespmem:v1+s15+$0x0], $0xffff  }
.Ltmp0:
0x5b: {  	(pc) =	sbr.rel @p0 .LBB2_2-.Ltmp0, $2  }
0x5c: {  	v1 =	vadd.s32 $0x118, v2;
	_ =	sdelay $0x2  }
0x5d: {  	s21 =	sshra.s32 s20, $0x2;
	s20 =	sadd.s32 $0x40, s20  }
0x5e: {  	_ =	sdelay $0x1  }
0x5f: {  	v2 =	vld [tilespmem:s21+$0x0]  }
0x60: {  	[tilespmem:s19+$0xE40] =	vst v0  }
0x61: {  	v0 =	vld.idx.msk [tilespmem:v1+s15+$0x0], $0xffff;
	_ =	sdelay $0x4  }
0x62: {  	[tilespmem:s19+$0xEC0] =	vst v0  }
0x63: {  	v0 =	vld.idx.msk [tilespmem:v2+s15+$0x0], $0xffff  }
0x64: {  	v1 =	vadd.s32 $0x28, v2;
	_ =	sdelay $0x3  }
0x65: {  	[tilespmem:s21+$0xB40] =	vst v0  }
0x66: {  	v0 =	vld.idx.msk [tilespmem:v1+s15+$0x0], $0xffff  }
0x67: {  	v1 =	vadd.s32 $0x50, v2;
	_ =	sdelay $0x3  }
0x68: {  	[tilespmem:s21+$0xBC0] =	vst v0  }
0x69: {  	v0 =	vld.idx.msk [tilespmem:v1+s15+$0x0], $0xffff  }
0x6a: {  	v1 =	vadd.s32 $0x78, v2;
	_ =	sdelay $0x3  }
0x6b: {  	[tilespmem:s21+$0xC40] =	vst v0  }
0x6c: {  	v0 =	vld.idx.msk [tilespmem:v1+s15+$0x0], $0xffff  }
0x6d: {  	v1 =	vadd.s32 $0xA0, v2;
	_ =	sdelay $0x3  }
0x6e: {  	[tilespmem:s21+$0xCC0] =	vst v0  }
0x6f: {  	v0 =	vld.idx.msk [tilespmem:v1+s15+$0x0], $0xffff  }
0x70: {  	v1 =	vadd.s32 $0xC8, v2;
	_ =	sdelay $0x3  }
0x71: {  	[tilespmem:s21+$0xD40] =	vst v0  }
0x72: {  	v0 =	vld.idx.msk [tilespmem:v1+s15+$0x0], $0xffff  }
0x73: {  	v1 =	vadd.s32 $0xF0, v2;
	_ =	sdelay $0x3  }
0x74: {  	[tilespmem:s21+$0xDC0] =	vst v0  }
0x75: {  	v0 =	vld.idx.msk [tilespmem:v1+s15+$0x0], $0xffff  }
0x76: {  	v1 =	vadd.s32 $0x118, v2;
	_ =	sdelay $0x3  }
0x77: {  	[tilespmem:s21+$0xE40] =	vst v0  }
0x78: {  	v0 =	vld.idx.msk [tilespmem:v1+s15+$0x0], $0xffff;
	_ =	sdelay $0x4  }
0x79: {  	s19 =	simm.s32 $0x0;
	[tilespmem:s21+$0xEC0] =	vst v0  }
0x7a: {  	v1 =	vld [tilespmem:s19+$0x80];
	_ =	sdelay $0x7  }
0x7b: {  	v0 =	vld.idx.msk [tilespmem:v1+s15+$0x0], $0xffff  }
0x7c: {  	v2 =	vadd.s32 $0x28, v1;
	_ =	sdelay $0x3  }
0x7d: {  	[tilespmem:s19+$0x1F40] =	vst v0  }
0x7e: {  	v0 =	vld.idx.msk [tilespmem:v2+s15+$0x0], $0xffff  }
0x7f: {  	v2 =	vadd.s32 $0x50, v1;
	_ =	sdelay $0x3  }
0x80: {  	[tilespmem:s19+$0x1FC0] =	vst v0  }
0x81: {  	v0 =	vld.idx.msk [tilespmem:v2+s15+$0x0], $0xffff  }
0x82: {  	v2 =	vadd.s32 $0x78, v1;
	_ =	sdelay $0x3  }
0x83: {  	[tilespmem:s19+$0x2040] =	vst v0  }
0x84: {  	v0 =	vld.idx.msk [tilespmem:v2+s15+$0x0], $0xffff  }
0x85: {  	v2 =	vadd.s32 $0xA0, v1;
	_ =	sdelay $0x3  }
0x86: {  	[tilespmem:s19+$0x20C0] =	vst v0  }
0x87: {  	v0 =	vld.idx.msk [tilespmem:v2+s15+$0x0], $0xffff  }
0x88: {  	v2 =	vadd.s32 $0xC8, v1;
	_ =	sdelay $0x3  }
0x89: {  	[tilespmem:s19+$0x2140] =	vst v0  }
0x8a: {  	v0 =	vld.idx.msk [tilespmem:v2+s15+$0x0], $0xffff  }
0x8b: {  	v2 =	vadd.s32 $0xF0, v1;
	_ =	sdelay $0x3  }
0x8c: {  	[tilespmem:s19+$0x21C0] =	vst v0  }
0x8d: {  	v0 =	vld.idx.msk [tilespmem:v2+s15+$0x0], $0xffff  }
0x8e: {  	v1 =	vadd.s32 $0x118, v1;
	_ =	sdelay $0x2  }
0x8f: {  	s22 =	simm.s32 $0x10;
	s20 =	simm.s32 $0x0;
	s21 =	simm.s32 $0x80  }
.LBB2_4:
0x90: {  	p0 =	sne.s32 s21, $0x1C0;
	v2 =	vld [tilespmem:s22+$0x80];
	[tilespmem:s20+$0x2240] =	vst v0  }
0x91: {  	v0 =	vld.idx.msk [tilespmem:v1+s15+$0x0], $0xffff;
	_ =	sdelay $0x5  }
0x92: {  	[tilespmem:s20+$0x22C0] =	vst v0;
	s20 =	smov.u32 s22  }
0x93: {  	v0 =	vld.idx.msk [tilespmem:v2+s15+$0x0], $0xffff;
	_ =	sdelay $0x1  }
0x94: {  	v1 =	vadd.s32 $0x28, v2;
	_ =	sdelay $0x3  }
0x95: {  	[tilespmem:s20+$0x1F40] =	vst v0  }
0x96: {  	v0 =	vld.idx.msk [tilespmem:v1+s15+$0x0], $0xffff;
	_ =	sdelay $0x1  }
0x97: {  	v1 =	vadd.s32 $0x50, v2;
	_ =	sdelay $0x3  }
0x98: {  	[tilespmem:s20+$0x1FC0] =	vst v0  }
0x99: {  	v0 =	vld.idx.msk [tilespmem:v1+s15+$0x0], $0xffff;
	_ =	sdelay $0x1  }
0x9a: {  	v1 =	vadd.s32 $0x78, v2;
	_ =	sdelay $0x3  }
0x9b: {  	[tilespmem:s20+$0x2040] =	vst v0  }
0x9c: {  	v0 =	vld.idx.msk [tilespmem:v1+s15+$0x0], $0xffff;
	_ =	sdelay $0x1  }
0x9d: {  	v1 =	vadd.s32 $0xA0, v2;
	_ =	sdelay $0x3  }
0x9e: {  	[tilespmem:s20+$0x20C0] =	vst v0  }
0x9f: {  	v0 =	vld.idx.msk [tilespmem:v1+s15+$0x0], $0xffff;
	_ =	sdelay $0x1  }
0xa0: {  	v1 =	vadd.s32 $0xC8, v2;
	_ =	sdelay $0x3  }
0xa1: {  	[tilespmem:s20+$0x2140] =	vst v0  }
0xa2: {  	v0 =	vld.idx.msk [tilespmem:v1+s15+$0x0], $0xffff;
	_ =	sdelay $0x1  }
0xa3: {  	v1 =	vadd.s32 $0xF0, v2;
	_ =	sdelay $0x3  }
0xa4: {  	[tilespmem:s20+$0x21C0] =	vst v0  }
0xa5: {  	v0 =	vld.idx.msk [tilespmem:v1+s15+$0x0], $0xffff  }
.Ltmp1:
0xa6: {  	(pc) =	sbr.rel @p0 .LBB2_4-.Ltmp1, $2  }
0xa7: {  	v1 =	vadd.s32 $0x118, v2;
	_ =	sdelay $0x2  }
0xa8: {  	s22 =	sshra.s32 s21, $0x2;
	s21 =	sadd.s32 $0x40, s21  }
0xa9: {  	_ =	sdelay $0x1  }
0xaa: {  	v2 =	vld [tilespmem:s22+$0x80]  }
0xab: {  	[tilespmem:s20+$0x2240] =	vst v0  }
0xac: {  	v0 =	vld.idx.msk [tilespmem:v1+s15+$0x0], $0xffff;
	_ =	sdelay $0x4  }
0xad: {  	[tilespmem:s20+$0x22C0] =	vst v0  }
0xae: {  	v0 =	vld.idx.msk [tilespmem:v2+s15+$0x0], $0xffff  }
0xaf: {  	v1 =	vadd.s32 $0x28, v2;
	_ =	sdelay $0x3  }
0xb0: {  	[tilespmem:s22+$0x1F40] =	vst v0  }
0xb1: {  	v0 =	vld.idx.msk [tilespmem:v1+s15+$0x0], $0xffff  }
0xb2: {  	v1 =	vadd.s32 $0x50, v2;
	_ =	sdelay $0x3  }
0xb3: {  	[tilespmem:s22+$0x1FC0] =	vst v0  }
0xb4: {  	v0 =	vld.idx.msk [tilespmem:v1+s15+$0x0], $0xffff  }
0xb5: {  	v1 =	vadd.s32 $0x78, v2;
	_ =	sdelay $0x3  }
0xb6: {  	[tilespmem:s22+$0x2040] =	vst v0  }
0xb7: {  	v0 =	vld.idx.msk [tilespmem:v1+s15+$0x0], $0xffff  }
0xb8: {  	v1 =	vadd.s32 $0xA0, v2;
	_ =	sdelay $0x3  }
0xb9: {  	[tilespmem:s22+$0x20C0] =	vst v0  }
0xba: {  	v0 =	vld.idx.msk [tilespmem:v1+s15+$0x0], $0xffff  }
0xbb: {  	v1 =	vadd.s32 $0xC8, v2;
	_ =	sdelay $0x3  }
0xbc: {  	[tilespmem:s22+$0x2140] =	vst v0  }
0xbd: {  	v0 =	vld.idx.msk [tilespmem:v1+s15+$0x0], $0xffff  }
0xbe: {  	v1 =	vadd.s32 $0xF0, v2;
	_ =	sdelay $0x3  }
0xbf: {  	[tilespmem:s22+$0x21C0] =	vst v0  }
0xc0: {  	v0 =	vld.idx.msk [tilespmem:v1+s15+$0x0], $0xffff  }
0xc1: {  	v1 =	vadd.s32 $0x118, v2;
	_ =	sdelay $0x3  }
0xc2: {  	[tilespmem:s22+$0x2240] =	vst v0  }
0xc3: {  	v0 =	vld.idx.msk [tilespmem:v1+s15+$0x0], $0xffff;
	_ =	sdelay $0x4  }
0xc4: {  	[tilespmem:s22+$0x22C0] =	vst v0  }
0xc5: {  	v1 =	vld [tilespmem:s19+$0x100];
	_ =	sdelay $0x7  }
0xc6: {  	v0 =	vld.idx.msk [tilespmem:v1+s15+$0x0], $0xffff  }
0xc7: {  	v2 =	vadd.s32 $0x28, v1;
	_ =	sdelay $0x3  }
0xc8: {  	[tilespmem:s19+$0x3340] =	vst v0  }
0xc9: {  	v0 =	vld.idx.msk [tilespmem:v2+s15+$0x0], $0xffff  }
0xca: {  	v2 =	vadd.s32 $0x50, v1;
	_ =	sdelay $0x3  }
0xcb: {  	[tilespmem:s19+$0x33C0] =	vst v0  }
0xcc: {  	v0 =	vld.idx.msk [tilespmem:v2+s15+$0x0], $0xffff  }
0xcd: {  	v2 =	vadd.s32 $0x78, v1;
	_ =	sdelay $0x3  }
0xce: {  	[tilespmem:s19+$0x3440] =	vst v0  }
0xcf: {  	v0 =	vld.idx.msk [tilespmem:v2+s15+$0x0], $0xffff  }
0xd0: {  	v2 =	vadd.s32 $0xA0, v1;
	_ =	sdelay $0x3  }
0xd1: {  	[tilespmem:s19+$0x34C0] =	vst v0  }
0xd2: {  	v0 =	vld.idx.msk [tilespmem:v2+s15+$0x0], $0xffff  }
0xd3: {  	v2 =	vadd.s32 $0xC8, v1;
	_ =	sdelay $0x3  }
0xd4: {  	[tilespmem:s19+$0x3540] =	vst v0  }
0xd5: {  	v0 =	vld.idx.msk [tilespmem:v2+s15+$0x0], $0xffff  }
0xd6: {  	v2 =	vadd.s32 $0xF0, v1;
	_ =	sdelay $0x3  }
0xd7: {  	[tilespmem:s19+$0x35C0] =	vst v0  }
0xd8: {  	v0 =	vld.idx.msk [tilespmem:v2+s15+$0x0], $0xffff  }
0xd9: {  	v1 =	vadd.s32 $0x118, v1;
	_ =	sdelay $0x2  }
0xda: {  	s21 =	simm.s32 $0x10;
	s20 =	simm.s32 $0x80  }
.LBB2_6:
0xdb: {  	p0 =	sne.s32 s20, $0x1C0;
	v2 =	vld [tilespmem:s21+$0x100];
	[tilespmem:s19+$0x3640] =	vst v0  }
0xdc: {  	v0 =	vld.idx.msk [tilespmem:v1+s15+$0x0], $0xffff;
	_ =	sdelay $0x5  }
0xdd: {  	[tilespmem:s19+$0x36C0] =	vst v0;
	s19 =	smov.u32 s21  }
0xde: {  	v0 =	vld.idx.msk [tilespmem:v2+s15+$0x0], $0xffff;
	_ =	sdelay $0x1  }
0xdf: {  	v1 =	vadd.s32 $0x28, v2;
	_ =	sdelay $0x3  }
0xe0: {  	[tilespmem:s19+$0x3340] =	vst v0  }
0xe1: {  	v0 =	vld.idx.msk [tilespmem:v1+s15+$0x0], $0xffff;
	_ =	sdelay $0x1  }
0xe2: {  	v1 =	vadd.s32 $0x50, v2;
	_ =	sdelay $0x3  }
0xe3: {  	[tilespmem:s19+$0x33C0] =	vst v0  }
0xe4: {  	v0 =	vld.idx.msk [tilespmem:v1+s15+$0x0], $0xffff;
	_ =	sdelay $0x1  }
0xe5: {  	v1 =	vadd.s32 $0x78, v2;
	_ =	sdelay $0x3  }
0xe6: {  	[tilespmem:s19+$0x3440] =	vst v0  }
0xe7: {  	v0 =	vld.idx.msk [tilespmem:v1+s15+$0x0], $0xffff;
	_ =	sdelay $0x1  }
0xe8: {  	v1 =	vadd.s32 $0xA0, v2;
	_ =	sdelay $0x3  }
0xe9: {  	[tilespmem:s19+$0x34C0] =	vst v0  }
0xea: {  	v0 =	vld.idx.msk [tilespmem:v1+s15+$0x0], $0xffff;
	_ =	sdelay $0x1  }
0xeb: {  	v1 =	vadd.s32 $0xC8, v2;
	_ =	sdelay $0x3  }
0xec: {  	[tilespmem:s19+$0x3540] =	vst v0  }
0xed: {  	v0 =	vld.idx.msk [tilespmem:v1+s15+$0x0], $0xffff;
	_ =	sdelay $0x1  }
0xee: {  	v1 =	vadd.s32 $0xF0, v2;
	_ =	sdelay $0x3  }
0xef: {  	[tilespmem:s19+$0x35C0] =	vst v0  }
0xf0: {  	v0 =	vld.idx.msk [tilespmem:v1+s15+$0x0], $0xffff  }
.Ltmp2:
0xf1: {  	(pc) =	sbr.rel @p0 .LBB2_6-.Ltmp2, $2  }
0xf2: {  	v1 =	vadd.s32 $0x118, v2;
	_ =	sdelay $0x2  }
0xf3: {  	s21 =	sshra.s32 s20, $0x2;
	s20 =	sadd.s32 $0x40, s20  }
0xf4: {  	_ =	sdelay $0x1  }
0xf5: {  	v2 =	vld [tilespmem:s21+$0x100]  }
0xf6: {  	[tilespmem:s19+$0x3640] =	vst v0  }
0xf7: {  	v0 =	vld.idx.msk [tilespmem:v1+s15+$0x0], $0xffff;
	_ =	sdelay $0x4  }
0xf8: {  	[tilespmem:s19+$0x36C0] =	vst v0  }
0xf9: {  	v0 =	vld.idx.msk [tilespmem:v2+s15+$0x0], $0xffff  }
0xfa: {  	v1 =	vadd.s32 $0x28, v2;
	_ =	sdelay $0x3  }
0xfb: {  	[tilespmem:s21+$0x3340] =	vst v0  }
0xfc: {  	v0 =	vld.idx.msk [tilespmem:v1+s15+$0x0], $0xffff  }
0xfd: {  	v1 =	vadd.s32 $0x50, v2;
	_ =	sdelay $0x3  }
0xfe: {  	[tilespmem:s21+$0x33C0] =	vst v0  }
0xff: {  	v0 =	vld.idx.msk [tilespmem:v1+s15+$0x0], $0xffff  }
0x100: {  	v1 =	vadd.s32 $0x78, v2;
	_ =	sdelay $0x3  }
0x101: {  	[tilespmem:s21+$0x3440] =	vst v0  }
0x102: {  	v0 =	vld.idx.msk [tilespmem:v1+s15+$0x0], $0xffff  }
0x103: {  	v1 =	vadd.s32 $0xA0, v2;
	_ =	sdelay $0x3  }
0x104: {  	[tilespmem:s21+$0x34C0] =	vst v0  }
0x105: {  	v0 =	vld.idx.msk [tilespmem:v1+s15+$0x0], $0xffff  }
0x106: {  	v1 =	vadd.s32 $0xC8, v2;
	_ =	sdelay $0x3  }
0x107: {  	[tilespmem:s21+$0x3540] =	vst v0  }
0x108: {  	v0 =	vld.idx.msk [tilespmem:v1+s15+$0x0], $0xffff  }
0x109: {  	v1 =	vadd.s32 $0xF0, v2;
	_ =	sdelay $0x3  }
0x10a: {  	[tilespmem:s21+$0x35C0] =	vst v0  }
0x10b: {  	v0 =	vld.idx.msk [tilespmem:v1+s15+$0x0], $0xffff  }
0x10c: {  	v1 =	vadd.s32 $0x118, v2;
	_ =	sdelay $0x3  }
0x10d: {  	[tilespmem:s21+$0x3640] =	vst v0  }
0x10e: {  	v0 =	vld.idx.msk [tilespmem:v1+s15+$0x0], $0xffff;
	_ =	sdelay $0x4  }
0x10f: {  	s19 =	simm.s32 $0x0;
	[tilespmem:s21+$0x36C0] =	vst v0  }
0x110: {  	v1 =	vld [tilespmem:s19+$0x180];
	_ =	sdelay $0x7  }
0x111: {  	v0 =	vld.idx.msk [tilespmem:v1+s15+$0x0], $0xffff  }
0x112: {  	v2 =	vadd.s32 $0x28, v1;
	_ =	sdelay $0x3  }
0x113: {  	[tilespmem:s19+$0x4740] =	vst v0  }
0x114: {  	v0 =	vld.idx.msk [tilespmem:v2+s15+$0x0], $0xffff  }
0x115: {  	v2 =	vadd.s32 $0x50, v1;
	_ =	sdelay $0x3  }
0x116: {  	[tilespmem:s19+$0x47C0] =	vst v0  }
0x117: {  	v0 =	vld.idx.msk [tilespmem:v2+s15+$0x0], $0xffff  }
0x118: {  	v2 =	vadd.s32 $0x78, v1;
	_ =	sdelay $0x3  }
0x119: {  	[tilespmem:s19+$0x4840] =	vst v0  }
0x11a: {  	v0 =	vld.idx.msk [tilespmem:v2+s15+$0x0], $0xffff  }
0x11b: {  	v2 =	vadd.s32 $0xA0, v1;
	_ =	sdelay $0x3  }
0x11c: {  	[tilespmem:s19+$0x48C0] =	vst v0  }
0x11d: {  	v0 =	vld.idx.msk [tilespmem:v2+s15+$0x0], $0xffff  }
0x11e: {  	v2 =	vadd.s32 $0xC8, v1;
	_ =	sdelay $0x3  }
0x11f: {  	[tilespmem:s19+$0x4940] =	vst v0  }
0x120: {  	v0 =	vld.idx.msk [tilespmem:v2+s15+$0x0], $0xffff  }
0x121: {  	v2 =	vadd.s32 $0xF0, v1;
	_ =	sdelay $0x3  }
0x122: {  	[tilespmem:s19+$0x49C0] =	vst v0  }
0x123: {  	v0 =	vld.idx.msk [tilespmem:v2+s15+$0x0], $0xffff  }
0x124: {  	v1 =	vadd.s32 $0x118, v1;
	_ =	sdelay $0x2  }
0x125: {  	s22 =	simm.s32 $0x10;
	s20 =	simm.s32 $0x0;
	s21 =	simm.s32 $0x80  }
.LBB2_8:
0x126: {  	p0 =	sne.s32 s21, $0x1C0;
	v2 =	vld [tilespmem:s22+$0x180];
	[tilespmem:s20+$0x4A40] =	vst v0  }
0x127: {  	v0 =	vld.idx.msk [tilespmem:v1+s15+$0x0], $0xffff;
	_ =	sdelay $0x5  }
0x128: {  	[tilespmem:s20+$0x4AC0] =	vst v0;
	s20 =	smov.u32 s22  }
0x129: {  	v0 =	vld.idx.msk [tilespmem:v2+s15+$0x0], $0xffff;
	_ =	sdelay $0x1  }
0x12a: {  	v1 =	vadd.s32 $0x28, v2;
	_ =	sdelay $0x3  }
0x12b: {  	[tilespmem:s20+$0x4740] =	vst v0  }
0x12c: {  	v0 =	vld.idx.msk [tilespmem:v1+s15+$0x0], $0xffff;
	_ =	sdelay $0x1  }
0x12d: {  	v1 =	vadd.s32 $0x50, v2;
	_ =	sdelay $0x3  }
0x12e: {  	[tilespmem:s20+$0x47C0] =	vst v0  }
0x12f: {  	v0 =	vld.idx.msk [tilespmem:v1+s15+$0x0], $0xffff;
	_ =	sdelay $0x1  }
0x130: {  	v1 =	vadd.s32 $0x78, v2;
	_ =	sdelay $0x3  }
0x131: {  	[tilespmem:s20+$0x4840] =	vst v0  }
0x132: {  	v0 =	vld.idx.msk [tilespmem:v1+s15+$0x0], $0xffff;
	_ =	sdelay $0x1  }
0x133: {  	v1 =	vadd.s32 $0xA0, v2;
	_ =	sdelay $0x3  }
0x134: {  	[tilespmem:s20+$0x48C0] =	vst v0  }
0x135: {  	v0 =	vld.idx.msk [tilespmem:v1+s15+$0x0], $0xffff;
	_ =	sdelay $0x1  }
0x136: {  	v1 =	vadd.s32 $0xC8, v2;
	_ =	sdelay $0x3  }
0x137: {  	[tilespmem:s20+$0x4940] =	vst v0  }
0x138: {  	v0 =	vld.idx.msk [tilespmem:v1+s15+$0x0], $0xffff;
	_ =	sdelay $0x1  }
0x139: {  	v1 =	vadd.s32 $0xF0, v2;
	_ =	sdelay $0x3  }
0x13a: {  	[tilespmem:s20+$0x49C0] =	vst v0  }
0x13b: {  	v0 =	vld.idx.msk [tilespmem:v1+s15+$0x0], $0xffff  }
.Ltmp3:
0x13c: {  	(pc) =	sbr.rel @p0 .LBB2_8-.Ltmp3, $2  }
0x13d: {  	v1 =	vadd.s32 $0x118, v2;
	_ =	sdelay $0x2  }
0x13e: {  	s22 =	sshra.s32 s21, $0x2;
	s21 =	sadd.s32 $0x40, s21  }
0x13f: {  	_ =	sdelay $0x1  }
0x140: {  	v2 =	vld [tilespmem:s22+$0x180]  }
0x141: {  	[tilespmem:s20+$0x4A40] =	vst v0  }
0x142: {  	v0 =	vld.idx.msk [tilespmem:v1+s15+$0x0], $0xffff;
	_ =	sdelay $0x4  }
0x143: {  	[tilespmem:s20+$0x4AC0] =	vst v0  }
0x144: {  	v0 =	vld.idx.msk [tilespmem:v2+s15+$0x0], $0xffff  }
0x145: {  	v1 =	vadd.s32 $0x28, v2;
	_ =	sdelay $0x3  }
0x146: {  	[tilespmem:s22+$0x4740] =	vst v0  }
0x147: {  	v0 =	vld.idx.msk [tilespmem:v1+s15+$0x0], $0xffff  }
0x148: {  	v1 =	vadd.s32 $0x50, v2;
	_ =	sdelay $0x3  }
0x149: {  	[tilespmem:s22+$0x47C0] =	vst v0  }
0x14a: {  	v0 =	vld.idx.msk [tilespmem:v1+s15+$0x0], $0xffff  }
0x14b: {  	v1 =	vadd.s32 $0x78, v2;
	_ =	sdelay $0x3  }
0x14c: {  	[tilespmem:s22+$0x4840] =	vst v0  }
0x14d: {  	v0 =	vld.idx.msk [tilespmem:v1+s15+$0x0], $0xffff  }
0x14e: {  	v1 =	vadd.s32 $0xA0, v2;
	_ =	sdelay $0x3  }
0x14f: {  	[tilespmem:s22+$0x48C0] =	vst v0  }
0x150: {  	v0 =	vld.idx.msk [tilespmem:v1+s15+$0x0], $0xffff  }
0x151: {  	v1 =	vadd.s32 $0xC8, v2;
	_ =	sdelay $0x3  }
0x152: {  	[tilespmem:s22+$0x4940] =	vst v0  }
0x153: {  	v0 =	vld.idx.msk [tilespmem:v1+s15+$0x0], $0xffff  }
0x154: {  	v1 =	vadd.s32 $0xF0, v2;
	_ =	sdelay $0x3  }
0x155: {  	[tilespmem:s22+$0x49C0] =	vst v0  }
0x156: {  	v0 =	vld.idx.msk [tilespmem:v1+s15+$0x0], $0xffff  }
0x157: {  	v1 =	vadd.s32 $0x118, v2;
	_ =	sdelay $0x3  }
0x158: {  	[tilespmem:s22+$0x4A40] =	vst v0  }
0x159: {  	v0 =	vld.idx.msk [tilespmem:v1+s15+$0x0], $0xffff;
	_ =	sdelay $0x4  }
0x15a: {  	[tilespmem:s22+$0x4AC0] =	vst v0  }
0x15b: {  	v0 =	vld [tilespmem:s19+$0x200];
	_ =	sdelay $0x4  }
0x15c: {  	v1 =	vadd.s32 $0xA, v0;
	_ =	sdelay $0x4  }
0x15d: {  	v2 =	vld.idx.msk [tilespmem:v1+s15+$0x0], $0xffff  }
0x15e: {  	v0 =	vadd.s32 $0x32, v0;
	_ =	sdelay $0x3  }
0x15f: {  	[tilespmem:s19+$0xF40] =	vst v2  }
0x160: {  	v0 =	vld.idx.msk [tilespmem:v0+s15+$0x0], $0xffff  }
0x161: {  	v2 =	vadd.s32 $0x50, v1;
	_ =	sdelay $0x3  }
0x162: {  	[tilespmem:s19+$0xFC0] =	vst v0  }
0x163: {  	v0 =	vld.idx.msk [tilespmem:v2+s15+$0x0], $0xffff  }
0x164: {  	v2 =	vadd.s32 $0x78, v1;
	_ =	sdelay $0x3  }
0x165: {  	[tilespmem:s19+$0x1040] =	vst v0  }
0x166: {  	v0 =	vld.idx.msk [tilespmem:v2+s15+$0x0], $0xffff  }
0x167: {  	v2 =	vadd.s32 $0xA0, v1;
	_ =	sdelay $0x3  }
0x168: {  	[tilespmem:s19+$0x10C0] =	vst v0  }
0x169: {  	v0 =	vld.idx.msk [tilespmem:v2+s15+$0x0], $0xffff  }
0x16a: {  	v2 =	vadd.s32 $0xC8, v1;
	_ =	sdelay $0x3  }
0x16b: {  	[tilespmem:s19+$0x1140] =	vst v0  }
0x16c: {  	v0 =	vld.idx.msk [tilespmem:v2+s15+$0x0], $0xffff  }
0x16d: {  	v2 =	vadd.s32 $0xF0, v1;
	_ =	sdelay $0x3  }
0x16e: {  	[tilespmem:s19+$0x11C0] =	vst v0  }
0x16f: {  	v0 =	vld.idx.msk [tilespmem:v2+s15+$0x0], $0xffff  }
0x170: {  	v1 =	vadd.s32 $0x118, v1  }
0x171: {  	s21 =	simm.s32 $0x10;
	s20 =	simm.s32 $0x80  }
.LBB2_10:
0x172: {  	p0 =	sne.s32 s20, $0x1C0;
	v2 =	vld [tilespmem:s21+$0x200];
	_ =	sdelay $0x1  }
0x173: {  	[tilespmem:s19+$0x1240] =	vst v0  }
0x174: {  	v0 =	vld.idx.msk [tilespmem:v1+s15+$0x0], $0xffff;
	_ =	sdelay $0x1  }
0x175: {  	v1 =	vadd.s32 $0xA, v2;
	_ =	sdelay $0x3  }
0x176: {  	[tilespmem:s19+$0x12C0] =	vst v0;
	s19 =	smov.u32 s21  }
0x177: {  	v0 =	vld.idx.msk [tilespmem:v1+s15+$0x0], $0xffff;
	_ =	sdelay $0x1  }
0x178: {  	v2 =	vadd.s32 $0x32, v2;
	_ =	sdelay $0x3  }
0x179: {  	[tilespmem:s19+$0xF40] =	vst v0  }
0x17a: {  	v0 =	vld.idx.msk [tilespmem:v2+s15+$0x0], $0xffff;
	_ =	sdelay $0x1  }
0x17b: {  	v2 =	vadd.s32 $0x50, v1;
	_ =	sdelay $0x3  }
0x17c: {  	[tilespmem:s19+$0xFC0] =	vst v0  }
0x17d: {  	v0 =	vld.idx.msk [tilespmem:v2+s15+$0x0], $0xffff;
	_ =	sdelay $0x1  }
0x17e: {  	v2 =	vadd.s32 $0x78, v1;
	_ =	sdelay $0x3  }
0x17f: {  	[tilespmem:s19+$0x1040] =	vst v0  }
0x180: {  	v0 =	vld.idx.msk [tilespmem:v2+s15+$0x0], $0xffff;
	_ =	sdelay $0x1  }
0x181: {  	v2 =	vadd.s32 $0xA0, v1;
	_ =	sdelay $0x3  }
0x182: {  	[tilespmem:s19+$0x10C0] =	vst v0  }
0x183: {  	v0 =	vld.idx.msk [tilespmem:v2+s15+$0x0], $0xffff;
	_ =	sdelay $0x1  }
0x184: {  	v2 =	vadd.s32 $0xC8, v1;
	_ =	sdelay $0x3  }
0x185: {  	[tilespmem:s19+$0x1140] =	vst v0  }
0x186: {  	v0 =	vld.idx.msk [tilespmem:v2+s15+$0x0], $0xffff;
	_ =	sdelay $0x1  }
0x187: {  	v2 =	vadd.s32 $0xF0, v1;
	_ =	sdelay $0x3  }
.Ltmp4:
0x188: {  	[tilespmem:s19+$0x11C0] =	vst v0;
	(pc) =	sbr.rel @p0 .LBB2_10-.Ltmp4, $3  }
0x189: {  	v0 =	vld.idx.msk [tilespmem:v2+s15+$0x0], $0xffff;
	_ =	sdelay $0x1  }
0x18a: {  	v1 =	vadd.s32 $0x118, v1  }
0x18b: {  	s21 =	sshra.s32 s20, $0x2;
	s20 =	sadd.s32 $0x40, s20  }
0x18c: {  	v2 =	vld [tilespmem:s21+$0x200];
	_ =	sdelay $0x2  }
0x18d: {  	[tilespmem:s19+$0x1240] =	vst v0  }
0x18e: {  	v0 =	vld.idx.msk [tilespmem:v1+s15+$0x0], $0xffff  }
0x18f: {  	v1 =	vadd.s32 $0xA, v2;
	_ =	sdelay $0x3  }
0x190: {  	[tilespmem:s19+$0x12C0] =	vst v0  }
0x191: {  	v0 =	vld.idx.msk [tilespmem:v1+s15+$0x0], $0xffff  }
0x192: {  	v2 =	vadd.s32 $0x32, v2;
	_ =	sdelay $0x3  }
0x193: {  	[tilespmem:s21+$0xF40] =	vst v0  }
0x194: {  	v0 =	vld.idx.msk [tilespmem:v2+s15+$0x0], $0xffff  }
0x195: {  	v2 =	vadd.s32 $0x50, v1;
	_ =	sdelay $0x3  }
0x196: {  	[tilespmem:s21+$0xFC0] =	vst v0  }
0x197: {  	v0 =	vld.idx.msk [tilespmem:v2+s15+$0x0], $0xffff  }
0x198: {  	v2 =	vadd.s32 $0x78, v1;
	_ =	sdelay $0x3  }
0x199: {  	[tilespmem:s21+$0x1040] =	vst v0  }
0x19a: {  	v0 =	vld.idx.msk [tilespmem:v2+s15+$0x0], $0xffff  }
0x19b: {  	v2 =	vadd.s32 $0xA0, v1;
	_ =	sdelay $0x3  }
0x19c: {  	[tilespmem:s21+$0x10C0] =	vst v0  }
0x19d: {  	v0 =	vld.idx.msk [tilespmem:v2+s15+$0x0], $0xffff  }
0x19e: {  	v2 =	vadd.s32 $0xC8, v1;
	_ =	sdelay $0x3  }
0x19f: {  	[tilespmem:s21+$0x1140] =	vst v0  }
0x1a0: {  	v0 =	vld.idx.msk [tilespmem:v2+s15+$0x0], $0xffff  }
0x1a1: {  	v2 =	vadd.s32 $0xF0, v1;
	_ =	sdelay $0x3  }
0x1a2: {  	[tilespmem:s21+$0x11C0] =	vst v0  }
0x1a3: {  	v0 =	vld.idx.msk [tilespmem:v2+s15+$0x0], $0xffff  }
0x1a4: {  	v1 =	vadd.s32 $0x118, v1;
	_ =	sdelay $0x3  }
0x1a5: {  	[tilespmem:s21+$0x1240] =	vst v0  }
0x1a6: {  	v0 =	vld.idx.msk [tilespmem:v1+s15+$0x0], $0xffff;
	_ =	sdelay $0x4  }
0x1a7: {  	s19 =	simm.s32 $0x0;
	[tilespmem:s21+$0x12C0] =	vst v0  }
0x1a8: {  	v0 =	vld [tilespmem:s19+$0x280];
	_ =	sdelay $0x4  }
0x1a9: {  	v1 =	vadd.s32 $0xA, v0;
	_ =	sdelay $0x4  }
0x1aa: {  	v2 =	vld.idx.msk [tilespmem:v1+s15+$0x0], $0xffff  }
0x1ab: {  	v0 =	vadd.s32 $0x32, v0;
	_ =	sdelay $0x3  }
0x1ac: {  	[tilespmem:s19+$0x2340] =	vst v2  }
0x1ad: {  	v0 =	vld.idx.msk [tilespmem:v0+s15+$0x0], $0xffff  }
0x1ae: {  	v2 =	vadd.s32 $0x50, v1;
	_ =	sdelay $0x3  }
0x1af: {  	[tilespmem:s19+$0x23C0] =	vst v0  }
0x1b0: {  	v0 =	vld.idx.msk [tilespmem:v2+s15+$0x0], $0xffff  }
0x1b1: {  	v2 =	vadd.s32 $0x78, v1;
	_ =	sdelay $0x3  }
0x1b2: {  	[tilespmem:s19+$0x2440] =	vst v0  }
0x1b3: {  	v0 =	vld.idx.msk [tilespmem:v2+s15+$0x0], $0xffff  }
0x1b4: {  	v2 =	vadd.s32 $0xA0, v1;
	_ =	sdelay $0x3  }
0x1b5: {  	[tilespmem:s19+$0x24C0] =	vst v0  }
0x1b6: {  	v0 =	vld.idx.msk [tilespmem:v2+s15+$0x0], $0xffff  }
0x1b7: {  	v2 =	vadd.s32 $0xC8, v1;
	_ =	sdelay $0x3  }
0x1b8: {  	[tilespmem:s19+$0x2540] =	vst v0  }
0x1b9: {  	v0 =	vld.idx.msk [tilespmem:v2+s15+$0x0], $0xffff  }
0x1ba: {  	v2 =	vadd.s32 $0xF0, v1;
	_ =	sdelay $0x3  }
0x1bb: {  	[tilespmem:s19+$0x25C0] =	vst v0  }
0x1bc: {  	v0 =	vld.idx.msk [tilespmem:v2+s15+$0x0], $0xffff  }
0x1bd: {  	v1 =	vadd.s32 $0x118, v1  }
0x1be: {  	s22 =	simm.s32 $0x10;
	s20 =	simm.s32 $0x0;
	s21 =	simm.s32 $0x80  }
.LBB2_12:
0x1bf: {  	p0 =	sne.s32 s21, $0x1C0;
	v2 =	vld [tilespmem:s22+$0x280];
	_ =	sdelay $0x1  }
0x1c0: {  	[tilespmem:s20+$0x2640] =	vst v0  }
0x1c1: {  	v0 =	vld.idx.msk [tilespmem:v1+s15+$0x0], $0xffff;
	_ =	sdelay $0x1  }
0x1c2: {  	v1 =	vadd.s32 $0xA, v2;
	_ =	sdelay $0x3  }
0x1c3: {  	[tilespmem:s20+$0x26C0] =	vst v0;
	s20 =	smov.u32 s22  }
0x1c4: {  	v0 =	vld.idx.msk [tilespmem:v1+s15+$0x0], $0xffff;
	_ =	sdelay $0x1  }
0x1c5: {  	v2 =	vadd.s32 $0x32, v2;
	_ =	sdelay $0x3  }
0x1c6: {  	[tilespmem:s20+$0x2340] =	vst v0  }
0x1c7: {  	v0 =	vld.idx.msk [tilespmem:v2+s15+$0x0], $0xffff;
	_ =	sdelay $0x1  }
0x1c8: {  	v2 =	vadd.s32 $0x50, v1;
	_ =	sdelay $0x3  }
0x1c9: {  	[tilespmem:s20+$0x23C0] =	vst v0  }
0x1ca: {  	v0 =	vld.idx.msk [tilespmem:v2+s15+$0x0], $0xffff;
	_ =	sdelay $0x1  }
0x1cb: {  	v2 =	vadd.s32 $0x78, v1;
	_ =	sdelay $0x3  }
0x1cc: {  	[tilespmem:s20+$0x2440] =	vst v0  }
0x1cd: {  	v0 =	vld.idx.msk [tilespmem:v2+s15+$0x0], $0xffff;
	_ =	sdelay $0x1  }
0x1ce: {  	v2 =	vadd.s32 $0xA0, v1;
	_ =	sdelay $0x3  }
0x1cf: {  	[tilespmem:s20+$0x24C0] =	vst v0  }
0x1d0: {  	v0 =	vld.idx.msk [tilespmem:v2+s15+$0x0], $0xffff;
	_ =	sdelay $0x1  }
0x1d1: {  	v2 =	vadd.s32 $0xC8, v1;
	_ =	sdelay $0x3  }
0x1d2: {  	[tilespmem:s20+$0x2540] =	vst v0  }
0x1d3: {  	v0 =	vld.idx.msk [tilespmem:v2+s15+$0x0], $0xffff;
	_ =	sdelay $0x1  }
0x1d4: {  	v2 =	vadd.s32 $0xF0, v1;
	_ =	sdelay $0x3  }
.Ltmp5:
0x1d5: {  	[tilespmem:s20+$0x25C0] =	vst v0;
	(pc) =	sbr.rel @p0 .LBB2_12-.Ltmp5, $3  }
0x1d6: {  	v0 =	vld.idx.msk [tilespmem:v2+s15+$0x0], $0xffff;
	_ =	sdelay $0x1  }
0x1d7: {  	v1 =	vadd.s32 $0x118, v1  }
0x1d8: {  	s22 =	sshra.s32 s21, $0x2;
	s21 =	sadd.s32 $0x40, s21  }
0x1d9: {  	v2 =	vld [tilespmem:s22+$0x280];
	_ =	sdelay $0x2  }
0x1da: {  	[tilespmem:s20+$0x2640] =	vst v0  }
0x1db: {  	v0 =	vld.idx.msk [tilespmem:v1+s15+$0x0], $0xffff  }
0x1dc: {  	v1 =	vadd.s32 $0xA, v2;
	_ =	sdelay $0x3  }
0x1dd: {  	[tilespmem:s20+$0x26C0] =	vst v0  }
0x1de: {  	v0 =	vld.idx.msk [tilespmem:v1+s15+$0x0], $0xffff  }
0x1df: {  	v2 =	vadd.s32 $0x32, v2;
	_ =	sdelay $0x3  }
0x1e0: {  	[tilespmem:s22+$0x2340] =	vst v0  }
0x1e1: {  	v0 =	vld.idx.msk [tilespmem:v2+s15+$0x0], $0xffff  }
0x1e2: {  	v2 =	vadd.s32 $0x50, v1;
	_ =	sdelay $0x3  }
0x1e3: {  	[tilespmem:s22+$0x23C0] =	vst v0  }
0x1e4: {  	v0 =	vld.idx.msk [tilespmem:v2+s15+$0x0], $0xffff  }
0x1e5: {  	v2 =	vadd.s32 $0x78, v1;
	_ =	sdelay $0x3  }
0x1e6: {  	[tilespmem:s22+$0x2440] =	vst v0  }
0x1e7: {  	v0 =	vld.idx.msk [tilespmem:v2+s15+$0x0], $0xffff  }
0x1e8: {  	v2 =	vadd.s32 $0xA0, v1;
	_ =	sdelay $0x3  }
0x1e9: {  	[tilespmem:s22+$0x24C0] =	vst v0  }
0x1ea: {  	v0 =	vld.idx.msk [tilespmem:v2+s15+$0x0], $0xffff  }
0x1eb: {  	v2 =	vadd.s32 $0xC8, v1;
	_ =	sdelay $0x3  }
0x1ec: {  	[tilespmem:s22+$0x2540] =	vst v0  }
0x1ed: {  	v0 =	vld.idx.msk [tilespmem:v2+s15+$0x0], $0xffff  }
0x1ee: {  	v2 =	vadd.s32 $0xF0, v1;
	_ =	sdelay $0x3  }
0x1ef: {  	[tilespmem:s22+$0x25C0] =	vst v0  }
0x1f0: {  	v0 =	vld.idx.msk [tilespmem:v2+s15+$0x0], $0xffff  }
0x1f1: {  	v1 =	vadd.s32 $0x118, v1;
	_ =	sdelay $0x3  }
0x1f2: {  	[tilespmem:s22+$0x2640] =	vst v0  }
0x1f3: {  	v0 =	vld.idx.msk [tilespmem:v1+s15+$0x0], $0xffff;
	_ =	sdelay $0x4  }
0x1f4: {  	[tilespmem:s22+$0x26C0] =	vst v0  }
0x1f5: {  	v0 =	vld [tilespmem:s19+$0x300];
	_ =	sdelay $0x4  }
0x1f6: {  	v1 =	vadd.s32 $0xA, v0;
	_ =	sdelay $0x4  }
0x1f7: {  	v2 =	vld.idx.msk [tilespmem:v1+s15+$0x0], $0xffff  }
0x1f8: {  	v0 =	vadd.s32 $0x32, v0;
	_ =	sdelay $0x3  }
0x1f9: {  	[tilespmem:s19+$0x3740] =	vst v2  }
0x1fa: {  	v0 =	vld.idx.msk [tilespmem:v0+s15+$0x0], $0xffff  }
0x1fb: {  	v2 =	vadd.s32 $0x50, v1;
	_ =	sdelay $0x3  }
0x1fc: {  	[tilespmem:s19+$0x37C0] =	vst v0  }
0x1fd: {  	v0 =	vld.idx.msk [tilespmem:v2+s15+$0x0], $0xffff  }
0x1fe: {  	v2 =	vadd.s32 $0x78, v1;
	_ =	sdelay $0x3  }
0x1ff: {  	[tilespmem:s19+$0x3840] =	vst v0  }
0x200: {  	v0 =	vld.idx.msk [tilespmem:v2+s15+$0x0], $0xffff  }
0x201: {  	v2 =	vadd.s32 $0xA0, v1;
	_ =	sdelay $0x3  }
0x202: {  	[tilespmem:s19+$0x38C0] =	vst v0  }
0x203: {  	v0 =	vld.idx.msk [tilespmem:v2+s15+$0x0], $0xffff  }
0x204: {  	v2 =	vadd.s32 $0xC8, v1;
	_ =	sdelay $0x3  }
0x205: {  	[tilespmem:s19+$0x3940] =	vst v0  }
0x206: {  	v0 =	vld.idx.msk [tilespmem:v2+s15+$0x0], $0xffff  }
0x207: {  	v2 =	vadd.s32 $0xF0, v1;
	_ =	sdelay $0x3  }
0x208: {  	[tilespmem:s19+$0x39C0] =	vst v0  }
0x209: {  	v0 =	vld.idx.msk [tilespmem:v2+s15+$0x0], $0xffff  }
0x20a: {  	v1 =	vadd.s32 $0x118, v1  }
0x20b: {  	s21 =	simm.s32 $0x10;
	s20 =	simm.s32 $0x80  }
.LBB2_14:
0x20c: {  	p0 =	sne.s32 s20, $0x1C0;
	v2 =	vld [tilespmem:s21+$0x300];
	_ =	sdelay $0x1  }
0x20d: {  	[tilespmem:s19+$0x3A40] =	vst v0  }
0x20e: {  	v0 =	vld.idx.msk [tilespmem:v1+s15+$0x0], $0xffff;
	_ =	sdelay $0x1  }
0x20f: {  	v1 =	vadd.s32 $0xA, v2;
	_ =	sdelay $0x3  }
0x210: {  	[tilespmem:s19+$0x3AC0] =	vst v0;
	s19 =	smov.u32 s21  }
0x211: {  	v0 =	vld.idx.msk [tilespmem:v1+s15+$0x0], $0xffff;
	_ =	sdelay $0x1  }
0x212: {  	v2 =	vadd.s32 $0x32, v2;
	_ =	sdelay $0x3  }
0x213: {  	[tilespmem:s19+$0x3740] =	vst v0  }
0x214: {  	v0 =	vld.idx.msk [tilespmem:v2+s15+$0x0], $0xffff;
	_ =	sdelay $0x1  }
0x215: {  	v2 =	vadd.s32 $0x50, v1;
	_ =	sdelay $0x3  }
0x216: {  	[tilespmem:s19+$0x37C0] =	vst v0  }
0x217: {  	v0 =	vld.idx.msk [tilespmem:v2+s15+$0x0], $0xffff;
	_ =	sdelay $0x1  }
0x218: {  	v2 =	vadd.s32 $0x78, v1;
	_ =	sdelay $0x3  }
0x219: {  	[tilespmem:s19+$0x3840] =	vst v0  }
0x21a: {  	v0 =	vld.idx.msk [tilespmem:v2+s15+$0x0], $0xffff;
	_ =	sdelay $0x1  }
0x21b: {  	v2 =	vadd.s32 $0xA0, v1;
	_ =	sdelay $0x3  }
0x21c: {  	[tilespmem:s19+$0x38C0] =	vst v0  }
0x21d: {  	v0 =	vld.idx.msk [tilespmem:v2+s15+$0x0], $0xffff;
	_ =	sdelay $0x1  }
0x21e: {  	v2 =	vadd.s32 $0xC8, v1;
	_ =	sdelay $0x3  }
0x21f: {  	[tilespmem:s19+$0x3940] =	vst v0  }
0x220: {  	v0 =	vld.idx.msk [tilespmem:v2+s15+$0x0], $0xffff;
	_ =	sdelay $0x1  }
0x221: {  	v2 =	vadd.s32 $0xF0, v1;
	_ =	sdelay $0x3  }
.Ltmp6:
0x222: {  	[tilespmem:s19+$0x39C0] =	vst v0;
	(pc) =	sbr.rel @p0 .LBB2_14-.Ltmp6, $3  }
0x223: {  	v0 =	vld.idx.msk [tilespmem:v2+s15+$0x0], $0xffff;
	_ =	sdelay $0x1  }
0x224: {  	v1 =	vadd.s32 $0x118, v1  }
0x225: {  	s21 =	sshra.s32 s20, $0x2;
	s20 =	sadd.s32 $0x40, s20  }
0x226: {  	v2 =	vld [tilespmem:s21+$0x300];
	_ =	sdelay $0x2  }
0x227: {  	[tilespmem:s19+$0x3A40] =	vst v0  }
0x228: {  	v0 =	vld.idx.msk [tilespmem:v1+s15+$0x0], $0xffff  }
0x229: {  	v1 =	vadd.s32 $0xA, v2;
	_ =	sdelay $0x3  }
0x22a: {  	[tilespmem:s19+$0x3AC0] =	vst v0  }
0x22b: {  	v0 =	vld.idx.msk [tilespmem:v1+s15+$0x0], $0xffff  }
0x22c: {  	v2 =	vadd.s32 $0x32, v2;
	_ =	sdelay $0x3  }
0x22d: {  	[tilespmem:s21+$0x3740] =	vst v0  }
0x22e: {  	v0 =	vld.idx.msk [tilespmem:v2+s15+$0x0], $0xffff  }
0x22f: {  	v2 =	vadd.s32 $0x50, v1;
	_ =	sdelay $0x3  }
0x230: {  	[tilespmem:s21+$0x37C0] =	vst v0  }
0x231: {  	v0 =	vld.idx.msk [tilespmem:v2+s15+$0x0], $0xffff  }
0x232: {  	v2 =	vadd.s32 $0x78, v1;
	_ =	sdelay $0x3  }
0x233: {  	[tilespmem:s21+$0x3840] =	vst v0  }
0x234: {  	v0 =	vld.idx.msk [tilespmem:v2+s15+$0x0], $0xffff  }
0x235: {  	v2 =	vadd.s32 $0xA0, v1;
	_ =	sdelay $0x3  }
0x236: {  	[tilespmem:s21+$0x38C0] =	vst v0  }
0x237: {  	v0 =	vld.idx.msk [tilespmem:v2+s15+$0x0], $0xffff  }
0x238: {  	v2 =	vadd.s32 $0xC8, v1;
	_ =	sdelay $0x3  }
0x239: {  	[tilespmem:s21+$0x3940] =	vst v0  }
0x23a: {  	v0 =	vld.idx.msk [tilespmem:v2+s15+$0x0], $0xffff  }
0x23b: {  	v2 =	vadd.s32 $0xF0, v1;
	_ =	sdelay $0x3  }
0x23c: {  	[tilespmem:s21+$0x39C0] =	vst v0  }
0x23d: {  	v0 =	vld.idx.msk [tilespmem:v2+s15+$0x0], $0xffff  }
0x23e: {  	v1 =	vadd.s32 $0x118, v1;
	_ =	sdelay $0x3  }
0x23f: {  	[tilespmem:s21+$0x3A40] =	vst v0  }
0x240: {  	v0 =	vld.idx.msk [tilespmem:v1+s15+$0x0], $0xffff;
	_ =	sdelay $0x4  }
0x241: {  	s19 =	simm.s32 $0x0;
	[tilespmem:s21+$0x3AC0] =	vst v0  }
0x242: {  	v0 =	vld [tilespmem:s19+$0x380];
	_ =	sdelay $0x4  }
0x243: {  	v1 =	vadd.s32 $0xA, v0;
	_ =	sdelay $0x4  }
0x244: {  	v2 =	vld.idx.msk [tilespmem:v1+s15+$0x0], $0xffff  }
0x245: {  	v0 =	vadd.s32 $0x32, v0;
	_ =	sdelay $0x3  }
0x246: {  	[tilespmem:s19+$0x4B40] =	vst v2  }
0x247: {  	v0 =	vld.idx.msk [tilespmem:v0+s15+$0x0], $0xffff  }
0x248: {  	v2 =	vadd.s32 $0x50, v1;
	_ =	sdelay $0x3  }
0x249: {  	[tilespmem:s19+$0x4BC0] =	vst v0  }
0x24a: {  	v0 =	vld.idx.msk [tilespmem:v2+s15+$0x0], $0xffff  }
0x24b: {  	v2 =	vadd.s32 $0x78, v1;
	_ =	sdelay $0x3  }
0x24c: {  	[tilespmem:s19+$0x4C40] =	vst v0  }
0x24d: {  	v0 =	vld.idx.msk [tilespmem:v2+s15+$0x0], $0xffff  }
0x24e: {  	v2 =	vadd.s32 $0xA0, v1;
	_ =	sdelay $0x3  }
0x24f: {  	[tilespmem:s19+$0x4CC0] =	vst v0  }
0x250: {  	v0 =	vld.idx.msk [tilespmem:v2+s15+$0x0], $0xffff  }
0x251: {  	v2 =	vadd.s32 $0xC8, v1;
	_ =	sdelay $0x3  }
0x252: {  	[tilespmem:s19+$0x4D40] =	vst v0  }
0x253: {  	v0 =	vld.idx.msk [tilespmem:v2+s15+$0x0], $0xffff  }
0x254: {  	v2 =	vadd.s32 $0xF0, v1;
	_ =	sdelay $0x3  }
0x255: {  	[tilespmem:s19+$0x4DC0] =	vst v0  }
0x256: {  	v0 =	vld.idx.msk [tilespmem:v2+s15+$0x0], $0xffff  }
0x257: {  	v1 =	vadd.s32 $0x118, v1  }
0x258: {  	s22 =	simm.s32 $0x10;
	s20 =	simm.s32 $0x0;
	s21 =	simm.s32 $0x80  }
.LBB2_16:
0x259: {  	p0 =	sne.s32 s21, $0x1C0;
	v2 =	vld [tilespmem:s22+$0x380];
	_ =	sdelay $0x1  }
0x25a: {  	[tilespmem:s20+$0x4E40] =	vst v0  }
0x25b: {  	v0 =	vld.idx.msk [tilespmem:v1+s15+$0x0], $0xffff;
	_ =	sdelay $0x1  }
0x25c: {  	v1 =	vadd.s32 $0xA, v2;
	_ =	sdelay $0x3  }
0x25d: {  	[tilespmem:s20+$0x4EC0] =	vst v0;
	s20 =	smov.u32 s22  }
0x25e: {  	v0 =	vld.idx.msk [tilespmem:v1+s15+$0x0], $0xffff;
	_ =	sdelay $0x1  }
0x25f: {  	v2 =	vadd.s32 $0x32, v2;
	_ =	sdelay $0x3  }
0x260: {  	[tilespmem:s20+$0x4B40] =	vst v0  }
0x261: {  	v0 =	vld.idx.msk [tilespmem:v2+s15+$0x0], $0xffff;
	_ =	sdelay $0x1  }
0x262: {  	v2 =	vadd.s32 $0x50, v1;
	_ =	sdelay $0x3  }
0x263: {  	[tilespmem:s20+$0x4BC0] =	vst v0  }
0x264: {  	v0 =	vld.idx.msk [tilespmem:v2+s15+$0x0], $0xffff;
	_ =	sdelay $0x1  }
0x265: {  	v2 =	vadd.s32 $0x78, v1;
	_ =	sdelay $0x3  }
0x266: {  	[tilespmem:s20+$0x4C40] =	vst v0  }
0x267: {  	v0 =	vld.idx.msk [tilespmem:v2+s15+$0x0], $0xffff;
	_ =	sdelay $0x1  }
0x268: {  	v2 =	vadd.s32 $0xA0, v1;
	_ =	sdelay $0x3  }
0x269: {  	[tilespmem:s20+$0x4CC0] =	vst v0  }
0x26a: {  	v0 =	vld.idx.msk [tilespmem:v2+s15+$0x0], $0xffff;
	_ =	sdelay $0x1  }
0x26b: {  	v2 =	vadd.s32 $0xC8, v1;
	_ =	sdelay $0x3  }
0x26c: {  	[tilespmem:s20+$0x4D40] =	vst v0  }
0x26d: {  	v0 =	vld.idx.msk [tilespmem:v2+s15+$0x0], $0xffff;
	_ =	sdelay $0x1  }
0x26e: {  	v2 =	vadd.s32 $0xF0, v1;
	_ =	sdelay $0x3  }
.Ltmp7:
0x26f: {  	[tilespmem:s20+$0x4DC0] =	vst v0;
	(pc) =	sbr.rel @p0 .LBB2_16-.Ltmp7, $3  }
0x270: {  	v0 =	vld.idx.msk [tilespmem:v2+s15+$0x0], $0xffff;
	_ =	sdelay $0x1  }
0x271: {  	v1 =	vadd.s32 $0x118, v1  }
0x272: {  	s22 =	sshra.s32 s21, $0x2;
	s21 =	sadd.s32 $0x40, s21  }
0x273: {  	v2 =	vld [tilespmem:s22+$0x380];
	_ =	sdelay $0x2  }
0x274: {  	[tilespmem:s20+$0x4E40] =	vst v0  }
0x275: {  	v0 =	vld.idx.msk [tilespmem:v1+s15+$0x0], $0xffff  }
0x276: {  	v1 =	vadd.s32 $0xA, v2;
	_ =	sdelay $0x3  }
0x277: {  	[tilespmem:s20+$0x4EC0] =	vst v0  }
0x278: {  	v0 =	vld.idx.msk [tilespmem:v1+s15+$0x0], $0xffff  }
0x279: {  	v2 =	vadd.s32 $0x32, v2;
	_ =	sdelay $0x3  }
0x27a: {  	[tilespmem:s22+$0x4B40] =	vst v0  }
0x27b: {  	v0 =	vld.idx.msk [tilespmem:v2+s15+$0x0], $0xffff  }
0x27c: {  	v2 =	vadd.s32 $0x50, v1;
	_ =	sdelay $0x3  }
0x27d: {  	[tilespmem:s22+$0x4BC0] =	vst v0  }
0x27e: {  	v0 =	vld.idx.msk [tilespmem:v2+s15+$0x0], $0xffff  }
0x27f: {  	v2 =	vadd.s32 $0x78, v1;
	_ =	sdelay $0x3  }
0x280: {  	[tilespmem:s22+$0x4C40] =	vst v0  }
0x281: {  	v0 =	vld.idx.msk [tilespmem:v2+s15+$0x0], $0xffff  }
0x282: {  	v2 =	vadd.s32 $0xA0, v1;
	_ =	sdelay $0x3  }
0x283: {  	[tilespmem:s22+$0x4CC0] =	vst v0  }
0x284: {  	v0 =	vld.idx.msk [tilespmem:v2+s15+$0x0], $0xffff  }
0x285: {  	v2 =	vadd.s32 $0xC8, v1;
	_ =	sdelay $0x3  }
0x286: {  	[tilespmem:s22+$0x4D40] =	vst v0  }
0x287: {  	v0 =	vld.idx.msk [tilespmem:v2+s15+$0x0], $0xffff  }
0x288: {  	v2 =	vadd.s32 $0xF0, v1;
	_ =	sdelay $0x3  }
0x289: {  	[tilespmem:s22+$0x4DC0] =	vst v0  }
0x28a: {  	v0 =	vld.idx.msk [tilespmem:v2+s15+$0x0], $0xffff  }
0x28b: {  	v1 =	vadd.s32 $0x118, v1;
	_ =	sdelay $0x3  }
0x28c: {  	[tilespmem:s22+$0x4E40] =	vst v0  }
0x28d: {  	v0 =	vld.idx.msk [tilespmem:v1+s15+$0x0], $0xffff;
	_ =	sdelay $0x4  }
0x28e: {  	[tilespmem:s22+$0x4EC0] =	vst v0  }
0x28f: {  	v0 =	vld [tilespmem:s19+$0x400];
	_ =	sdelay $0x4  }
0x290: {  	v1 =	vadd.s32 $0x16, v0;
	_ =	sdelay $0x4  }
0x291: {  	v2 =	vld.idx.msk [tilespmem:v1+s15+$0x0], $0xffff  }
0x292: {  	v0 =	vadd.s32 $0x3E, v0;
	_ =	sdelay $0x3  }
0x293: {  	[tilespmem:s19+$0x1340] =	vst v2  }
0x294: {  	v0 =	vld.idx.msk [tilespmem:v0+s15+$0x0], $0xffff  }
0x295: {  	v2 =	vadd.s32 $0x50, v1;
	_ =	sdelay $0x3  }
0x296: {  	[tilespmem:s19+$0x13C0] =	vst v0  }
0x297: {  	v0 =	vld.idx.msk [tilespmem:v2+s15+$0x0], $0xffff  }
0x298: {  	v2 =	vadd.s32 $0x78, v1;
	_ =	sdelay $0x3  }
0x299: {  	[tilespmem:s19+$0x1440] =	vst v0  }
0x29a: {  	v0 =	vld.idx.msk [tilespmem:v2+s15+$0x0], $0xffff  }
0x29b: {  	v2 =	vadd.s32 $0xA0, v1;
	_ =	sdelay $0x3  }
0x29c: {  	[tilespmem:s19+$0x14C0] =	vst v0  }
0x29d: {  	v0 =	vld.idx.msk [tilespmem:v2+s15+$0x0], $0xffff  }
0x29e: {  	v2 =	vadd.s32 $0xC8, v1;
	_ =	sdelay $0x3  }
0x29f: {  	[tilespmem:s19+$0x1540] =	vst v0  }
0x2a0: {  	v0 =	vld.idx.msk [tilespmem:v2+s15+$0x0], $0xffff  }
0x2a1: {  	v2 =	vadd.s32 $0xF0, v1;
	_ =	sdelay $0x3  }
0x2a2: {  	[tilespmem:s19+$0x15C0] =	vst v0  }
0x2a3: {  	v0 =	vld.idx.msk [tilespmem:v2+s15+$0x0], $0xffff  }
0x2a4: {  	v1 =	vadd.s32 $0x118, v1  }
0x2a5: {  	s21 =	simm.s32 $0x10;
	s20 =	simm.s32 $0x80  }
.LBB2_18:
0x2a6: {  	p0 =	sne.s32 s20, $0x1C0;
	v2 =	vld [tilespmem:s21+$0x400];
	_ =	sdelay $0x1  }
0x2a7: {  	[tilespmem:s19+$0x1640] =	vst v0  }
0x2a8: {  	v0 =	vld.idx.msk [tilespmem:v1+s15+$0x0], $0xffff;
	_ =	sdelay $0x1  }
0x2a9: {  	v1 =	vadd.s32 $0x16, v2;
	_ =	sdelay $0x3  }
0x2aa: {  	[tilespmem:s19+$0x16C0] =	vst v0;
	s19 =	smov.u32 s21  }
0x2ab: {  	v0 =	vld.idx.msk [tilespmem:v1+s15+$0x0], $0xffff;
	_ =	sdelay $0x1  }
0x2ac: {  	v2 =	vadd.s32 $0x3E, v2;
	_ =	sdelay $0x3  }
0x2ad: {  	[tilespmem:s19+$0x1340] =	vst v0  }
0x2ae: {  	v0 =	vld.idx.msk [tilespmem:v2+s15+$0x0], $0xffff;
	_ =	sdelay $0x1  }
0x2af: {  	v2 =	vadd.s32 $0x50, v1;
	_ =	sdelay $0x3  }
0x2b0: {  	[tilespmem:s19+$0x13C0] =	vst v0  }
0x2b1: {  	v0 =	vld.idx.msk [tilespmem:v2+s15+$0x0], $0xffff;
	_ =	sdelay $0x1  }
0x2b2: {  	v2 =	vadd.s32 $0x78, v1;
	_ =	sdelay $0x3  }
0x2b3: {  	[tilespmem:s19+$0x1440] =	vst v0  }
0x2b4: {  	v0 =	vld.idx.msk [tilespmem:v2+s15+$0x0], $0xffff;
	_ =	sdelay $0x1  }
0x2b5: {  	v2 =	vadd.s32 $0xA0, v1;
	_ =	sdelay $0x3  }
0x2b6: {  	[tilespmem:s19+$0x14C0] =	vst v0  }
0x2b7: {  	v0 =	vld.idx.msk [tilespmem:v2+s15+$0x0], $0xffff;
	_ =	sdelay $0x1  }
0x2b8: {  	v2 =	vadd.s32 $0xC8, v1;
	_ =	sdelay $0x3  }
0x2b9: {  	[tilespmem:s19+$0x1540] =	vst v0  }
0x2ba: {  	v0 =	vld.idx.msk [tilespmem:v2+s15+$0x0], $0xffff;
	_ =	sdelay $0x1  }
0x2bb: {  	v2 =	vadd.s32 $0xF0, v1;
	_ =	sdelay $0x3  }
.Ltmp8:
0x2bc: {  	[tilespmem:s19+$0x15C0] =	vst v0;
	(pc) =	sbr.rel @p0 .LBB2_18-.Ltmp8, $3  }
0x2bd: {  	v0 =	vld.idx.msk [tilespmem:v2+s15+$0x0], $0xffff;
	_ =	sdelay $0x1  }
0x2be: {  	v1 =	vadd.s32 $0x118, v1  }
0x2bf: {  	s21 =	sshra.s32 s20, $0x2;
	s20 =	sadd.s32 $0x40, s20  }
0x2c0: {  	v2 =	vld [tilespmem:s21+$0x400];
	_ =	sdelay $0x2  }
0x2c1: {  	[tilespmem:s19+$0x1640] =	vst v0  }
0x2c2: {  	v0 =	vld.idx.msk [tilespmem:v1+s15+$0x0], $0xffff  }
0x2c3: {  	v1 =	vadd.s32 $0x16, v2;
	_ =	sdelay $0x3  }
0x2c4: {  	[tilespmem:s19+$0x16C0] =	vst v0  }
0x2c5: {  	v0 =	vld.idx.msk [tilespmem:v1+s15+$0x0], $0xffff  }
0x2c6: {  	v2 =	vadd.s32 $0x3E, v2;
	_ =	sdelay $0x3  }
0x2c7: {  	[tilespmem:s21+$0x1340] =	vst v0  }
0x2c8: {  	v0 =	vld.idx.msk [tilespmem:v2+s15+$0x0], $0xffff  }
0x2c9: {  	v2 =	vadd.s32 $0x50, v1;
	_ =	sdelay $0x3  }
0x2ca: {  	[tilespmem:s21+$0x13C0] =	vst v0  }
0x2cb: {  	v0 =	vld.idx.msk [tilespmem:v2+s15+$0x0], $0xffff  }
0x2cc: {  	v2 =	vadd.s32 $0x78, v1;
	_ =	sdelay $0x3  }
0x2cd: {  	[tilespmem:s21+$0x1440] =	vst v0  }
0x2ce: {  	v0 =	vld.idx.msk [tilespmem:v2+s15+$0x0], $0xffff  }
0x2cf: {  	v2 =	vadd.s32 $0xA0, v1;
	_ =	sdelay $0x3  }
0x2d0: {  	[tilespmem:s21+$0x14C0] =	vst v0  }
0x2d1: {  	v0 =	vld.idx.msk [tilespmem:v2+s15+$0x0], $0xffff  }
0x2d2: {  	v2 =	vadd.s32 $0xC8, v1;
	_ =	sdelay $0x3  }
0x2d3: {  	[tilespmem:s21+$0x1540] =	vst v0  }
0x2d4: {  	v0 =	vld.idx.msk [tilespmem:v2+s15+$0x0], $0xffff  }
0x2d5: {  	v2 =	vadd.s32 $0xF0, v1;
	_ =	sdelay $0x3  }
0x2d6: {  	[tilespmem:s21+$0x15C0] =	vst v0  }
0x2d7: {  	v0 =	vld.idx.msk [tilespmem:v2+s15+$0x0], $0xffff  }
0x2d8: {  	v1 =	vadd.s32 $0x118, v1;
	_ =	sdelay $0x3  }
0x2d9: {  	[tilespmem:s21+$0x1640] =	vst v0  }
0x2da: {  	v0 =	vld.idx.msk [tilespmem:v1+s15+$0x0], $0xffff;
	_ =	sdelay $0x4  }
0x2db: {  	s19 =	simm.s32 $0x0;
	[tilespmem:s21+$0x16C0] =	vst v0  }
0x2dc: {  	v0 =	vld [tilespmem:s19+$0x480];
	_ =	sdelay $0x4  }
0x2dd: {  	v1 =	vadd.s32 $0x16, v0;
	_ =	sdelay $0x4  }
0x2de: {  	v2 =	vld.idx.msk [tilespmem:v1+s15+$0x0], $0xffff  }
0x2df: {  	v0 =	vadd.s32 $0x3E, v0;
	_ =	sdelay $0x3  }
0x2e0: {  	[tilespmem:s19+$0x2740] =	vst v2  }
0x2e1: {  	v0 =	vld.idx.msk [tilespmem:v0+s15+$0x0], $0xffff  }
0x2e2: {  	v2 =	vadd.s32 $0x50, v1;
	_ =	sdelay $0x3  }
0x2e3: {  	[tilespmem:s19+$0x27C0] =	vst v0  }
0x2e4: {  	v0 =	vld.idx.msk [tilespmem:v2+s15+$0x0], $0xffff  }
0x2e5: {  	v2 =	vadd.s32 $0x78, v1;
	_ =	sdelay $0x3  }
0x2e6: {  	[tilespmem:s19+$0x2840] =	vst v0  }
0x2e7: {  	v0 =	vld.idx.msk [tilespmem:v2+s15+$0x0], $0xffff  }
0x2e8: {  	v2 =	vadd.s32 $0xA0, v1;
	_ =	sdelay $0x3  }
0x2e9: {  	[tilespmem:s19+$0x28C0] =	vst v0  }
0x2ea: {  	v0 =	vld.idx.msk [tilespmem:v2+s15+$0x0], $0xffff  }
0x2eb: {  	v2 =	vadd.s32 $0xC8, v1;
	_ =	sdelay $0x3  }
0x2ec: {  	[tilespmem:s19+$0x2940] =	vst v0  }
0x2ed: {  	v0 =	vld.idx.msk [tilespmem:v2+s15+$0x0], $0xffff  }
0x2ee: {  	v2 =	vadd.s32 $0xF0, v1;
	_ =	sdelay $0x3  }
0x2ef: {  	[tilespmem:s19+$0x29C0] =	vst v0  }
0x2f0: {  	v0 =	vld.idx.msk [tilespmem:v2+s15+$0x0], $0xffff  }
0x2f1: {  	v1 =	vadd.s32 $0x118, v1  }
0x2f2: {  	s22 =	simm.s32 $0x10;
	s20 =	simm.s32 $0x0;
	s21 =	simm.s32 $0x80  }
.LBB2_20:
0x2f3: {  	p0 =	sne.s32 s21, $0x1C0;
	v2 =	vld [tilespmem:s22+$0x480];
	_ =	sdelay $0x1  }
0x2f4: {  	[tilespmem:s20+$0x2A40] =	vst v0  }
0x2f5: {  	v0 =	vld.idx.msk [tilespmem:v1+s15+$0x0], $0xffff;
	_ =	sdelay $0x1  }
0x2f6: {  	v1 =	vadd.s32 $0x16, v2;
	_ =	sdelay $0x3  }
0x2f7: {  	[tilespmem:s20+$0x2AC0] =	vst v0;
	s20 =	smov.u32 s22  }
0x2f8: {  	v0 =	vld.idx.msk [tilespmem:v1+s15+$0x0], $0xffff;
	_ =	sdelay $0x1  }
0x2f9: {  	v2 =	vadd.s32 $0x3E, v2;
	_ =	sdelay $0x3  }
0x2fa: {  	[tilespmem:s20+$0x2740] =	vst v0  }
0x2fb: {  	v0 =	vld.idx.msk [tilespmem:v2+s15+$0x0], $0xffff;
	_ =	sdelay $0x1  }
0x2fc: {  	v2 =	vadd.s32 $0x50, v1;
	_ =	sdelay $0x3  }
0x2fd: {  	[tilespmem:s20+$0x27C0] =	vst v0  }
0x2fe: {  	v0 =	vld.idx.msk [tilespmem:v2+s15+$0x0], $0xffff;
	_ =	sdelay $0x1  }
0x2ff: {  	v2 =	vadd.s32 $0x78, v1;
	_ =	sdelay $0x3  }
0x300: {  	[tilespmem:s20+$0x2840] =	vst v0  }
0x301: {  	v0 =	vld.idx.msk [tilespmem:v2+s15+$0x0], $0xffff;
	_ =	sdelay $0x1  }
0x302: {  	v2 =	vadd.s32 $0xA0, v1;
	_ =	sdelay $0x3  }
0x303: {  	[tilespmem:s20+$0x28C0] =	vst v0  }
0x304: {  	v0 =	vld.idx.msk [tilespmem:v2+s15+$0x0], $0xffff;
	_ =	sdelay $0x1  }
0x305: {  	v2 =	vadd.s32 $0xC8, v1;
	_ =	sdelay $0x3  }
0x306: {  	[tilespmem:s20+$0x2940] =	vst v0  }
0x307: {  	v0 =	vld.idx.msk [tilespmem:v2+s15+$0x0], $0xffff;
	_ =	sdelay $0x1  }
0x308: {  	v2 =	vadd.s32 $0xF0, v1;
	_ =	sdelay $0x3  }
.Ltmp9:
0x309: {  	[tilespmem:s20+$0x29C0] =	vst v0;
	(pc) =	sbr.rel @p0 .LBB2_20-.Ltmp9, $3  }
0x30a: {  	v0 =	vld.idx.msk [tilespmem:v2+s15+$0x0], $0xffff;
	_ =	sdelay $0x1  }
0x30b: {  	v1 =	vadd.s32 $0x118, v1  }
0x30c: {  	s22 =	sshra.s32 s21, $0x2;
	s21 =	sadd.s32 $0x40, s21  }
0x30d: {  	v2 =	vld [tilespmem:s22+$0x480];
	_ =	sdelay $0x2  }
0x30e: {  	[tilespmem:s20+$0x2A40] =	vst v0  }
0x30f: {  	v0 =	vld.idx.msk [tilespmem:v1+s15+$0x0], $0xffff  }
0x310: {  	v1 =	vadd.s32 $0x16, v2;
	_ =	sdelay $0x3  }
0x311: {  	[tilespmem:s20+$0x2AC0] =	vst v0  }
0x312: {  	v0 =	vld.idx.msk [tilespmem:v1+s15+$0x0], $0xffff  }
0x313: {  	v2 =	vadd.s32 $0x3E, v2;
	_ =	sdelay $0x3  }
0x314: {  	[tilespmem:s22+$0x2740] =	vst v0  }
0x315: {  	v0 =	vld.idx.msk [tilespmem:v2+s15+$0x0], $0xffff  }
0x316: {  	v2 =	vadd.s32 $0x50, v1;
	_ =	sdelay $0x3  }
0x317: {  	[tilespmem:s22+$0x27C0] =	vst v0  }
0x318: {  	v0 =	vld.idx.msk [tilespmem:v2+s15+$0x0], $0xffff  }
0x319: {  	v2 =	vadd.s32 $0x78, v1;
	_ =	sdelay $0x3  }
0x31a: {  	[tilespmem:s22+$0x2840] =	vst v0  }
0x31b: {  	v0 =	vld.idx.msk [tilespmem:v2+s15+$0x0], $0xffff  }
0x31c: {  	v2 =	vadd.s32 $0xA0, v1;
	_ =	sdelay $0x3  }
0x31d: {  	[tilespmem:s22+$0x28C0] =	vst v0  }
0x31e: {  	v0 =	vld.idx.msk [tilespmem:v2+s15+$0x0], $0xffff  }
0x31f: {  	v2 =	vadd.s32 $0xC8, v1;
	_ =	sdelay $0x3  }
0x320: {  	[tilespmem:s22+$0x2940] =	vst v0  }
0x321: {  	v0 =	vld.idx.msk [tilespmem:v2+s15+$0x0], $0xffff  }
0x322: {  	v2 =	vadd.s32 $0xF0, v1;
	_ =	sdelay $0x3  }
0x323: {  	[tilespmem:s22+$0x29C0] =	vst v0  }
0x324: {  	v0 =	vld.idx.msk [tilespmem:v2+s15+$0x0], $0xffff  }
0x325: {  	v1 =	vadd.s32 $0x118, v1;
	_ =	sdelay $0x3  }
0x326: {  	[tilespmem:s22+$0x2A40] =	vst v0  }
0x327: {  	v0 =	vld.idx.msk [tilespmem:v1+s15+$0x0], $0xffff;
	_ =	sdelay $0x4  }
0x328: {  	[tilespmem:s22+$0x2AC0] =	vst v0  }
0x329: {  	v0 =	vld [tilespmem:s19+$0x500];
	_ =	sdelay $0x4  }
0x32a: {  	v1 =	vadd.s32 $0x16, v0;
	_ =	sdelay $0x4  }
0x32b: {  	v2 =	vld.idx.msk [tilespmem:v1+s15+$0x0], $0xffff  }
0x32c: {  	v0 =	vadd.s32 $0x3E, v0;
	_ =	sdelay $0x3  }
0x32d: {  	[tilespmem:s19+$0x3B40] =	vst v2  }
0x32e: {  	v0 =	vld.idx.msk [tilespmem:v0+s15+$0x0], $0xffff  }
0x32f: {  	v2 =	vadd.s32 $0x50, v1;
	_ =	sdelay $0x3  }
0x330: {  	[tilespmem:s19+$0x3BC0] =	vst v0  }
0x331: {  	v0 =	vld.idx.msk [tilespmem:v2+s15+$0x0], $0xffff  }
0x332: {  	v2 =	vadd.s32 $0x78, v1;
	_ =	sdelay $0x3  }
0x333: {  	[tilespmem:s19+$0x3C40] =	vst v0  }
0x334: {  	v0 =	vld.idx.msk [tilespmem:v2+s15+$0x0], $0xffff  }
0x335: {  	v2 =	vadd.s32 $0xA0, v1;
	_ =	sdelay $0x3  }
0x336: {  	[tilespmem:s19+$0x3CC0] =	vst v0  }
0x337: {  	v0 =	vld.idx.msk [tilespmem:v2+s15+$0x0], $0xffff  }
0x338: {  	v2 =	vadd.s32 $0xC8, v1;
	_ =	sdelay $0x3  }
0x339: {  	[tilespmem:s19+$0x3D40] =	vst v0  }
0x33a: {  	v0 =	vld.idx.msk [tilespmem:v2+s15+$0x0], $0xffff  }
0x33b: {  	v2 =	vadd.s32 $0xF0, v1;
	_ =	sdelay $0x3  }
0x33c: {  	[tilespmem:s19+$0x3DC0] =	vst v0  }
0x33d: {  	v0 =	vld.idx.msk [tilespmem:v2+s15+$0x0], $0xffff  }
0x33e: {  	v1 =	vadd.s32 $0x118, v1  }
0x33f: {  	s21 =	simm.s32 $0x10;
	s20 =	simm.s32 $0x80  }
.LBB2_22:
0x340: {  	p0 =	sne.s32 s20, $0x1C0;
	v2 =	vld [tilespmem:s21+$0x500];
	_ =	sdelay $0x1  }
0x341: {  	[tilespmem:s19+$0x3E40] =	vst v0  }
0x342: {  	v0 =	vld.idx.msk [tilespmem:v1+s15+$0x0], $0xffff;
	_ =	sdelay $0x1  }
0x343: {  	v1 =	vadd.s32 $0x16, v2;
	_ =	sdelay $0x3  }
0x344: {  	[tilespmem:s19+$0x3EC0] =	vst v0;
	s19 =	smov.u32 s21  }
0x345: {  	v0 =	vld.idx.msk [tilespmem:v1+s15+$0x0], $0xffff;
	_ =	sdelay $0x1  }
0x346: {  	v2 =	vadd.s32 $0x3E, v2;
	_ =	sdelay $0x3  }
0x347: {  	[tilespmem:s19+$0x3B40] =	vst v0  }
0x348: {  	v0 =	vld.idx.msk [tilespmem:v2+s15+$0x0], $0xffff;
	_ =	sdelay $0x1  }
0x349: {  	v2 =	vadd.s32 $0x50, v1;
	_ =	sdelay $0x3  }
0x34a: {  	[tilespmem:s19+$0x3BC0] =	vst v0  }
0x34b: {  	v0 =	vld.idx.msk [tilespmem:v2+s15+$0x0], $0xffff;
	_ =	sdelay $0x1  }
0x34c: {  	v2 =	vadd.s32 $0x78, v1;
	_ =	sdelay $0x3  }
0x34d: {  	[tilespmem:s19+$0x3C40] =	vst v0  }
0x34e: {  	v0 =	vld.idx.msk [tilespmem:v2+s15+$0x0], $0xffff;
	_ =	sdelay $0x1  }
0x34f: {  	v2 =	vadd.s32 $0xA0, v1;
	_ =	sdelay $0x3  }
0x350: {  	[tilespmem:s19+$0x3CC0] =	vst v0  }
0x351: {  	v0 =	vld.idx.msk [tilespmem:v2+s15+$0x0], $0xffff;
	_ =	sdelay $0x1  }
0x352: {  	v2 =	vadd.s32 $0xC8, v1;
	_ =	sdelay $0x3  }
0x353: {  	[tilespmem:s19+$0x3D40] =	vst v0  }
0x354: {  	v0 =	vld.idx.msk [tilespmem:v2+s15+$0x0], $0xffff;
	_ =	sdelay $0x1  }
0x355: {  	v2 =	vadd.s32 $0xF0, v1;
	_ =	sdelay $0x3  }
.Ltmp10:
0x356: {  	[tilespmem:s19+$0x3DC0] =	vst v0;
	(pc) =	sbr.rel @p0 .LBB2_22-.Ltmp10, $3  }
0x357: {  	v0 =	vld.idx.msk [tilespmem:v2+s15+$0x0], $0xffff;
	_ =	sdelay $0x1  }
0x358: {  	v1 =	vadd.s32 $0x118, v1  }
0x359: {  	s21 =	sshra.s32 s20, $0x2;
	s20 =	sadd.s32 $0x40, s20  }
0x35a: {  	v2 =	vld [tilespmem:s21+$0x500];
	_ =	sdelay $0x2  }
0x35b: {  	[tilespmem:s19+$0x3E40] =	vst v0  }
0x35c: {  	v0 =	vld.idx.msk [tilespmem:v1+s15+$0x0], $0xffff  }
0x35d: {  	v1 =	vadd.s32 $0x16, v2;
	_ =	sdelay $0x3  }
0x35e: {  	[tilespmem:s19+$0x3EC0] =	vst v0  }
0x35f: {  	v0 =	vld.idx.msk [tilespmem:v1+s15+$0x0], $0xffff  }
0x360: {  	v2 =	vadd.s32 $0x3E, v2;
	_ =	sdelay $0x3  }
0x361: {  	[tilespmem:s21+$0x3B40] =	vst v0  }
0x362: {  	v0 =	vld.idx.msk [tilespmem:v2+s15+$0x0], $0xffff  }
0x363: {  	v2 =	vadd.s32 $0x50, v1;
	_ =	sdelay $0x3  }
0x364: {  	[tilespmem:s21+$0x3BC0] =	vst v0  }
0x365: {  	v0 =	vld.idx.msk [tilespmem:v2+s15+$0x0], $0xffff  }
0x366: {  	v2 =	vadd.s32 $0x78, v1;
	_ =	sdelay $0x3  }
0x367: {  	[tilespmem:s21+$0x3C40] =	vst v0  }
0x368: {  	v0 =	vld.idx.msk [tilespmem:v2+s15+$0x0], $0xffff  }
0x369: {  	v2 =	vadd.s32 $0xA0, v1;
	_ =	sdelay $0x3  }
0x36a: {  	[tilespmem:s21+$0x3CC0] =	vst v0  }
0x36b: {  	v0 =	vld.idx.msk [tilespmem:v2+s15+$0x0], $0xffff  }
0x36c: {  	v2 =	vadd.s32 $0xC8, v1;
	_ =	sdelay $0x3  }
0x36d: {  	[tilespmem:s21+$0x3D40] =	vst v0  }
0x36e: {  	v0 =	vld.idx.msk [tilespmem:v2+s15+$0x0], $0xffff  }
0x36f: {  	v2 =	vadd.s32 $0xF0, v1;
	_ =	sdelay $0x3  }
0x370: {  	[tilespmem:s21+$0x3DC0] =	vst v0  }
0x371: {  	v0 =	vld.idx.msk [tilespmem:v2+s15+$0x0], $0xffff  }
0x372: {  	v1 =	vadd.s32 $0x118, v1;
	_ =	sdelay $0x3  }
0x373: {  	[tilespmem:s21+$0x3E40] =	vst v0  }
0x374: {  	v0 =	vld.idx.msk [tilespmem:v1+s15+$0x0], $0xffff;
	_ =	sdelay $0x4  }
0x375: {  	s19 =	simm.s32 $0x0;
	[tilespmem:s21+$0x3EC0] =	vst v0  }
0x376: {  	v0 =	vld [tilespmem:s19+$0x580];
	_ =	sdelay $0x4  }
0x377: {  	v1 =	vadd.s32 $0x16, v0;
	_ =	sdelay $0x4  }
0x378: {  	v2 =	vld.idx.msk [tilespmem:v1+s15+$0x0], $0xffff  }
0x379: {  	v0 =	vadd.s32 $0x3E, v0;
	_ =	sdelay $0x3  }
0x37a: {  	[tilespmem:s19+$0x4F40] =	vst v2  }
0x37b: {  	v0 =	vld.idx.msk [tilespmem:v0+s15+$0x0], $0xffff  }
0x37c: {  	v2 =	vadd.s32 $0x50, v1;
	_ =	sdelay $0x3  }
0x37d: {  	[tilespmem:s19+$0x4FC0] =	vst v0  }
0x37e: {  	v0 =	vld.idx.msk [tilespmem:v2+s15+$0x0], $0xffff  }
0x37f: {  	v2 =	vadd.s32 $0x78, v1;
	_ =	sdelay $0x3  }
0x380: {  	[tilespmem:s19+$0x5040] =	vst v0  }
0x381: {  	v0 =	vld.idx.msk [tilespmem:v2+s15+$0x0], $0xffff  }
0x382: {  	v2 =	vadd.s32 $0xA0, v1;
	_ =	sdelay $0x3  }
0x383: {  	[tilespmem:s19+$0x50C0] =	vst v0  }
0x384: {  	v0 =	vld.idx.msk [tilespmem:v2+s15+$0x0], $0xffff  }
0x385: {  	v2 =	vadd.s32 $0xC8, v1;
	_ =	sdelay $0x3  }
0x386: {  	[tilespmem:s19+$0x5140] =	vst v0  }
0x387: {  	v0 =	vld.idx.msk [tilespmem:v2+s15+$0x0], $0xffff  }
0x388: {  	v2 =	vadd.s32 $0xF0, v1;
	_ =	sdelay $0x3  }
0x389: {  	[tilespmem:s19+$0x51C0] =	vst v0  }
0x38a: {  	v0 =	vld.idx.msk [tilespmem:v2+s15+$0x0], $0xffff  }
0x38b: {  	v1 =	vadd.s32 $0x118, v1  }
0x38c: {  	s22 =	simm.s32 $0x10;
	s20 =	simm.s32 $0x0;
	s21 =	simm.s32 $0x80  }
.LBB2_24:
0x38d: {  	p0 =	sne.s32 s21, $0x1C0;
	v2 =	vld [tilespmem:s22+$0x580];
	_ =	sdelay $0x1  }
0x38e: {  	[tilespmem:s20+$0x5240] =	vst v0  }
0x38f: {  	v0 =	vld.idx.msk [tilespmem:v1+s15+$0x0], $0xffff;
	_ =	sdelay $0x1  }
0x390: {  	v1 =	vadd.s32 $0x16, v2;
	_ =	sdelay $0x3  }
0x391: {  	[tilespmem:s20+$0x52C0] =	vst v0;
	s20 =	smov.u32 s22  }
0x392: {  	v0 =	vld.idx.msk [tilespmem:v1+s15+$0x0], $0xffff;
	_ =	sdelay $0x1  }
0x393: {  	v2 =	vadd.s32 $0x3E, v2;
	_ =	sdelay $0x3  }
0x394: {  	[tilespmem:s20+$0x4F40] =	vst v0  }
0x395: {  	v0 =	vld.idx.msk [tilespmem:v2+s15+$0x0], $0xffff;
	_ =	sdelay $0x1  }
0x396: {  	v2 =	vadd.s32 $0x50, v1;
	_ =	sdelay $0x3  }
0x397: {  	[tilespmem:s20+$0x4FC0] =	vst v0  }
0x398: {  	v0 =	vld.idx.msk [tilespmem:v2+s15+$0x0], $0xffff;
	_ =	sdelay $0x1  }
0x399: {  	v2 =	vadd.s32 $0x78, v1;
	_ =	sdelay $0x3  }
0x39a: {  	[tilespmem:s20+$0x5040] =	vst v0  }
0x39b: {  	v0 =	vld.idx.msk [tilespmem:v2+s15+$0x0], $0xffff;
	_ =	sdelay $0x1  }
0x39c: {  	v2 =	vadd.s32 $0xA0, v1;
	_ =	sdelay $0x3  }
0x39d: {  	[tilespmem:s20+$0x50C0] =	vst v0  }
0x39e: {  	v0 =	vld.idx.msk [tilespmem:v2+s15+$0x0], $0xffff;
	_ =	sdelay $0x1  }
0x39f: {  	v2 =	vadd.s32 $0xC8, v1;
	_ =	sdelay $0x3  }
0x3a0: {  	[tilespmem:s20+$0x5140] =	vst v0  }
0x3a1: {  	v0 =	vld.idx.msk [tilespmem:v2+s15+$0x0], $0xffff;
	_ =	sdelay $0x1  }
0x3a2: {  	v2 =	vadd.s32 $0xF0, v1;
	_ =	sdelay $0x3  }
.Ltmp11:
0x3a3: {  	[tilespmem:s20+$0x51C0] =	vst v0;
	(pc) =	sbr.rel @p0 .LBB2_24-.Ltmp11, $3  }
0x3a4: {  	v0 =	vld.idx.msk [tilespmem:v2+s15+$0x0], $0xffff;
	_ =	sdelay $0x1  }
0x3a5: {  	v1 =	vadd.s32 $0x118, v1  }
0x3a6: {  	s22 =	sshra.s32 s21, $0x2;
	s21 =	sadd.s32 $0x40, s21  }
0x3a7: {  	v2 =	vld [tilespmem:s22+$0x580];
	_ =	sdelay $0x2  }
0x3a8: {  	[tilespmem:s20+$0x5240] =	vst v0  }
0x3a9: {  	v0 =	vld.idx.msk [tilespmem:v1+s15+$0x0], $0xffff  }
0x3aa: {  	v1 =	vadd.s32 $0x16, v2;
	_ =	sdelay $0x3  }
0x3ab: {  	[tilespmem:s20+$0x52C0] =	vst v0  }
0x3ac: {  	v0 =	vld.idx.msk [tilespmem:v1+s15+$0x0], $0xffff  }
0x3ad: {  	v2 =	vadd.s32 $0x3E, v2;
	_ =	sdelay $0x3  }
0x3ae: {  	[tilespmem:s22+$0x4F40] =	vst v0  }
0x3af: {  	v0 =	vld.idx.msk [tilespmem:v2+s15+$0x0], $0xffff  }
0x3b0: {  	v2 =	vadd.s32 $0x50, v1;
	_ =	sdelay $0x3  }
0x3b1: {  	[tilespmem:s22+$0x4FC0] =	vst v0  }
0x3b2: {  	v0 =	vld.idx.msk [tilespmem:v2+s15+$0x0], $0xffff  }
0x3b3: {  	v2 =	vadd.s32 $0x78, v1;
	_ =	sdelay $0x3  }
0x3b4: {  	[tilespmem:s22+$0x5040] =	vst v0  }
0x3b5: {  	v0 =	vld.idx.msk [tilespmem:v2+s15+$0x0], $0xffff  }
0x3b6: {  	v2 =	vadd.s32 $0xA0, v1;
	_ =	sdelay $0x3  }
0x3b7: {  	[tilespmem:s22+$0x50C0] =	vst v0  }
0x3b8: {  	v0 =	vld.idx.msk [tilespmem:v2+s15+$0x0], $0xffff  }
0x3b9: {  	v2 =	vadd.s32 $0xC8, v1;
	_ =	sdelay $0x3  }
0x3ba: {  	[tilespmem:s22+$0x5140] =	vst v0  }
0x3bb: {  	v0 =	vld.idx.msk [tilespmem:v2+s15+$0x0], $0xffff  }
0x3bc: {  	v2 =	vadd.s32 $0xF0, v1;
	_ =	sdelay $0x3  }
0x3bd: {  	[tilespmem:s22+$0x51C0] =	vst v0  }
0x3be: {  	v0 =	vld.idx.msk [tilespmem:v2+s15+$0x0], $0xffff  }
0x3bf: {  	v1 =	vadd.s32 $0x118, v1;
	_ =	sdelay $0x3  }
0x3c0: {  	[tilespmem:s22+$0x5240] =	vst v0  }
0x3c1: {  	v0 =	vld.idx.msk [tilespmem:v1+s15+$0x0], $0xffff;
	_ =	sdelay $0x4  }
0x3c2: {  	[tilespmem:s22+$0x52C0] =	vst v0  }
0x3c3: {  	v0 =	vld [tilespmem:s19+$0x600];
	_ =	sdelay $0x4  }
0x3c4: {  	v1 =	vadd.s32 $0x19, v0;
	_ =	sdelay $0x4  }
0x3c5: {  	v2 =	vld.idx.msk [tilespmem:v1+s15+$0x0], $0xffff  }
0x3c6: {  	v0 =	vadd.s32 $0x41, v0;
	_ =	sdelay $0x3  }
0x3c7: {  	[tilespmem:s19+$0x1740] =	vst v2  }
0x3c8: {  	v0 =	vld.idx.msk [tilespmem:v0+s15+$0x0], $0xffff  }
0x3c9: {  	v2 =	vadd.s32 $0x50, v1;
	_ =	sdelay $0x3  }
0x3ca: {  	[tilespmem:s19+$0x17C0] =	vst v0  }
0x3cb: {  	v0 =	vld.idx.msk [tilespmem:v2+s15+$0x0], $0xffff  }
0x3cc: {  	v2 =	vadd.s32 $0x78, v1;
	_ =	sdelay $0x3  }
0x3cd: {  	[tilespmem:s19+$0x1840] =	vst v0  }
0x3ce: {  	v0 =	vld.idx.msk [tilespmem:v2+s15+$0x0], $0xffff  }
0x3cf: {  	v2 =	vadd.s32 $0xA0, v1;
	_ =	sdelay $0x3  }
0x3d0: {  	[tilespmem:s19+$0x18C0] =	vst v0  }
0x3d1: {  	v0 =	vld.idx.msk [tilespmem:v2+s15+$0x0], $0xffff  }
0x3d2: {  	v2 =	vadd.s32 $0xC8, v1;
	_ =	sdelay $0x3  }
0x3d3: {  	[tilespmem:s19+$0x1940] =	vst v0  }
0x3d4: {  	v0 =	vld.idx.msk [tilespmem:v2+s15+$0x0], $0xffff  }
0x3d5: {  	v2 =	vadd.s32 $0xF0, v1;
	_ =	sdelay $0x3  }
0x3d6: {  	[tilespmem:s19+$0x19C0] =	vst v0  }
0x3d7: {  	v0 =	vld.idx.msk [tilespmem:v2+s15+$0x0], $0xffff  }
0x3d8: {  	v1 =	vadd.s32 $0x118, v1  }
0x3d9: {  	s21 =	simm.s32 $0x10;
	s20 =	simm.s32 $0x80  }
.LBB2_26:
0x3da: {  	p0 =	sne.s32 s20, $0x1C0;
	v2 =	vld [tilespmem:s21+$0x600];
	_ =	sdelay $0x1  }
0x3db: {  	[tilespmem:s19+$0x1A40] =	vst v0  }
0x3dc: {  	v0 =	vld.idx.msk [tilespmem:v1+s15+$0x0], $0xffff;
	_ =	sdelay $0x1  }
0x3dd: {  	v1 =	vadd.s32 $0x19, v2;
	_ =	sdelay $0x3  }
0x3de: {  	[tilespmem:s19+$0x1AC0] =	vst v0;
	s19 =	smov.u32 s21  }
0x3df: {  	v0 =	vld.idx.msk [tilespmem:v1+s15+$0x0], $0xffff;
	_ =	sdelay $0x1  }
0x3e0: {  	v2 =	vadd.s32 $0x41, v2;
	_ =	sdelay $0x3  }
0x3e1: {  	[tilespmem:s19+$0x1740] =	vst v0  }
0x3e2: {  	v0 =	vld.idx.msk [tilespmem:v2+s15+$0x0], $0xffff;
	_ =	sdelay $0x1  }
0x3e3: {  	v2 =	vadd.s32 $0x50, v1;
	_ =	sdelay $0x3  }
0x3e4: {  	[tilespmem:s19+$0x17C0] =	vst v0  }
0x3e5: {  	v0 =	vld.idx.msk [tilespmem:v2+s15+$0x0], $0xffff;
	_ =	sdelay $0x1  }
0x3e6: {  	v2 =	vadd.s32 $0x78, v1;
	_ =	sdelay $0x3  }
0x3e7: {  	[tilespmem:s19+$0x1840] =	vst v0  }
0x3e8: {  	v0 =	vld.idx.msk [tilespmem:v2+s15+$0x0], $0xffff;
	_ =	sdelay $0x1  }
0x3e9: {  	v2 =	vadd.s32 $0xA0, v1;
	_ =	sdelay $0x3  }
0x3ea: {  	[tilespmem:s19+$0x18C0] =	vst v0  }
0x3eb: {  	v0 =	vld.idx.msk [tilespmem:v2+s15+$0x0], $0xffff;
	_ =	sdelay $0x1  }
0x3ec: {  	v2 =	vadd.s32 $0xC8, v1;
	_ =	sdelay $0x3  }
0x3ed: {  	[tilespmem:s19+$0x1940] =	vst v0  }
0x3ee: {  	v0 =	vld.idx.msk [tilespmem:v2+s15+$0x0], $0xffff;
	_ =	sdelay $0x1  }
0x3ef: {  	v2 =	vadd.s32 $0xF0, v1;
	_ =	sdelay $0x3  }
.Ltmp12:
0x3f0: {  	[tilespmem:s19+$0x19C0] =	vst v0;
	(pc) =	sbr.rel @p0 .LBB2_26-.Ltmp12, $3  }
0x3f1: {  	v0 =	vld.idx.msk [tilespmem:v2+s15+$0x0], $0xffff;
	_ =	sdelay $0x1  }
0x3f2: {  	v1 =	vadd.s32 $0x118, v1  }
0x3f3: {  	s21 =	sshra.s32 s20, $0x2;
	s20 =	sadd.s32 $0x40, s20  }
0x3f4: {  	v2 =	vld [tilespmem:s21+$0x600];
	_ =	sdelay $0x2  }
0x3f5: {  	[tilespmem:s19+$0x1A40] =	vst v0  }
0x3f6: {  	v0 =	vld.idx.msk [tilespmem:v1+s15+$0x0], $0xffff  }
0x3f7: {  	v1 =	vadd.s32 $0x19, v2;
	_ =	sdelay $0x3  }
0x3f8: {  	[tilespmem:s19+$0x1AC0] =	vst v0  }
0x3f9: {  	v0 =	vld.idx.msk [tilespmem:v1+s15+$0x0], $0xffff  }
0x3fa: {  	v2 =	vadd.s32 $0x41, v2;
	_ =	sdelay $0x3  }
0x3fb: {  	[tilespmem:s21+$0x1740] =	vst v0  }
0x3fc: {  	v0 =	vld.idx.msk [tilespmem:v2+s15+$0x0], $0xffff  }
0x3fd: {  	v2 =	vadd.s32 $0x50, v1;
	_ =	sdelay $0x3  }
0x3fe: {  	[tilespmem:s21+$0x17C0] =	vst v0  }
0x3ff: {  	v0 =	vld.idx.msk [tilespmem:v2+s15+$0x0], $0xffff  }
0x400: {  	v2 =	vadd.s32 $0x78, v1;
	_ =	sdelay $0x3  }
0x401: {  	[tilespmem:s21+$0x1840] =	vst v0  }
0x402: {  	v0 =	vld.idx.msk [tilespmem:v2+s15+$0x0], $0xffff  }
0x403: {  	v2 =	vadd.s32 $0xA0, v1;
	_ =	sdelay $0x3  }
0x404: {  	[tilespmem:s21+$0x18C0] =	vst v0  }
0x405: {  	v0 =	vld.idx.msk [tilespmem:v2+s15+$0x0], $0xffff  }
0x406: {  	v2 =	vadd.s32 $0xC8, v1;
	_ =	sdelay $0x3  }
0x407: {  	[tilespmem:s21+$0x1940] =	vst v0  }
0x408: {  	v0 =	vld.idx.msk [tilespmem:v2+s15+$0x0], $0xffff  }
0x409: {  	v2 =	vadd.s32 $0xF0, v1;
	_ =	sdelay $0x3  }
0x40a: {  	[tilespmem:s21+$0x19C0] =	vst v0  }
0x40b: {  	v0 =	vld.idx.msk [tilespmem:v2+s15+$0x0], $0xffff  }
0x40c: {  	v1 =	vadd.s32 $0x118, v1;
	_ =	sdelay $0x3  }
0x40d: {  	[tilespmem:s21+$0x1A40] =	vst v0  }
0x40e: {  	v0 =	vld.idx.msk [tilespmem:v1+s15+$0x0], $0xffff;
	_ =	sdelay $0x4  }
0x40f: {  	s19 =	simm.s32 $0x0;
	[tilespmem:s21+$0x1AC0] =	vst v0  }
0x410: {  	v0 =	vld [tilespmem:s19+$0x680];
	_ =	sdelay $0x4  }
0x411: {  	v1 =	vadd.s32 $0x19, v0;
	_ =	sdelay $0x4  }
0x412: {  	v2 =	vld.idx.msk [tilespmem:v1+s15+$0x0], $0xffff  }
0x413: {  	v0 =	vadd.s32 $0x41, v0;
	_ =	sdelay $0x3  }
0x414: {  	[tilespmem:s19+$0x2B40] =	vst v2  }
0x415: {  	v0 =	vld.idx.msk [tilespmem:v0+s15+$0x0], $0xffff  }
0x416: {  	v2 =	vadd.s32 $0x50, v1;
	_ =	sdelay $0x3  }
0x417: {  	[tilespmem:s19+$0x2BC0] =	vst v0  }
0x418: {  	v0 =	vld.idx.msk [tilespmem:v2+s15+$0x0], $0xffff  }
0x419: {  	v2 =	vadd.s32 $0x78, v1;
	_ =	sdelay $0x3  }
0x41a: {  	[tilespmem:s19+$0x2C40] =	vst v0  }
0x41b: {  	v0 =	vld.idx.msk [tilespmem:v2+s15+$0x0], $0xffff  }
0x41c: {  	v2 =	vadd.s32 $0xA0, v1;
	_ =	sdelay $0x3  }
0x41d: {  	[tilespmem:s19+$0x2CC0] =	vst v0  }
0x41e: {  	v0 =	vld.idx.msk [tilespmem:v2+s15+$0x0], $0xffff  }
0x41f: {  	v2 =	vadd.s32 $0xC8, v1;
	_ =	sdelay $0x3  }
0x420: {  	[tilespmem:s19+$0x2D40] =	vst v0  }
0x421: {  	v0 =	vld.idx.msk [tilespmem:v2+s15+$0x0], $0xffff  }
0x422: {  	v2 =	vadd.s32 $0xF0, v1;
	_ =	sdelay $0x3  }
0x423: {  	[tilespmem:s19+$0x2DC0] =	vst v0  }
0x424: {  	v0 =	vld.idx.msk [tilespmem:v2+s15+$0x0], $0xffff  }
0x425: {  	v1 =	vadd.s32 $0x118, v1  }
0x426: {  	s22 =	simm.s32 $0x10;
	s20 =	simm.s32 $0x0;
	s21 =	simm.s32 $0x80  }
.LBB2_28:
0x427: {  	p0 =	sne.s32 s21, $0x1C0;
	v2 =	vld [tilespmem:s22+$0x680];
	_ =	sdelay $0x1  }
0x428: {  	[tilespmem:s20+$0x2E40] =	vst v0  }
0x429: {  	v0 =	vld.idx.msk [tilespmem:v1+s15+$0x0], $0xffff;
	_ =	sdelay $0x1  }
0x42a: {  	v1 =	vadd.s32 $0x19, v2;
	_ =	sdelay $0x3  }
0x42b: {  	[tilespmem:s20+$0x2EC0] =	vst v0;
	s20 =	smov.u32 s22  }
0x42c: {  	v0 =	vld.idx.msk [tilespmem:v1+s15+$0x0], $0xffff;
	_ =	sdelay $0x1  }
0x42d: {  	v2 =	vadd.s32 $0x41, v2;
	_ =	sdelay $0x3  }
0x42e: {  	[tilespmem:s20+$0x2B40] =	vst v0  }
0x42f: {  	v0 =	vld.idx.msk [tilespmem:v2+s15+$0x0], $0xffff;
	_ =	sdelay $0x1  }
0x430: {  	v2 =	vadd.s32 $0x50, v1;
	_ =	sdelay $0x3  }
0x431: {  	[tilespmem:s20+$0x2BC0] =	vst v0  }
0x432: {  	v0 =	vld.idx.msk [tilespmem:v2+s15+$0x0], $0xffff;
	_ =	sdelay $0x1  }
0x433: {  	v2 =	vadd.s32 $0x78, v1;
	_ =	sdelay $0x3  }
0x434: {  	[tilespmem:s20+$0x2C40] =	vst v0  }
0x435: {  	v0 =	vld.idx.msk [tilespmem:v2+s15+$0x0], $0xffff;
	_ =	sdelay $0x1  }
0x436: {  	v2 =	vadd.s32 $0xA0, v1;
	_ =	sdelay $0x3  }
0x437: {  	[tilespmem:s20+$0x2CC0] =	vst v0  }
0x438: {  	v0 =	vld.idx.msk [tilespmem:v2+s15+$0x0], $0xffff;
	_ =	sdelay $0x1  }
0x439: {  	v2 =	vadd.s32 $0xC8, v1;
	_ =	sdelay $0x3  }
0x43a: {  	[tilespmem:s20+$0x2D40] =	vst v0  }
0x43b: {  	v0 =	vld.idx.msk [tilespmem:v2+s15+$0x0], $0xffff;
	_ =	sdelay $0x1  }
0x43c: {  	v2 =	vadd.s32 $0xF0, v1;
	_ =	sdelay $0x3  }
.Ltmp13:
0x43d: {  	[tilespmem:s20+$0x2DC0] =	vst v0;
	(pc) =	sbr.rel @p0 .LBB2_28-.Ltmp13, $3  }
0x43e: {  	v0 =	vld.idx.msk [tilespmem:v2+s15+$0x0], $0xffff;
	_ =	sdelay $0x1  }
0x43f: {  	v1 =	vadd.s32 $0x118, v1  }
0x440: {  	s22 =	sshra.s32 s21, $0x2;
	s21 =	sadd.s32 $0x40, s21  }
0x441: {  	v2 =	vld [tilespmem:s22+$0x680];
	_ =	sdelay $0x2  }
0x442: {  	[tilespmem:s20+$0x2E40] =	vst v0  }
0x443: {  	v0 =	vld.idx.msk [tilespmem:v1+s15+$0x0], $0xffff  }
0x444: {  	v1 =	vadd.s32 $0x19, v2;
	_ =	sdelay $0x3  }
0x445: {  	[tilespmem:s20+$0x2EC0] =	vst v0  }
0x446: {  	v0 =	vld.idx.msk [tilespmem:v1+s15+$0x0], $0xffff  }
0x447: {  	v2 =	vadd.s32 $0x41, v2;
	_ =	sdelay $0x3  }
0x448: {  	[tilespmem:s22+$0x2B40] =	vst v0  }
0x449: {  	v0 =	vld.idx.msk [tilespmem:v2+s15+$0x0], $0xffff  }
0x44a: {  	v2 =	vadd.s32 $0x50, v1;
	_ =	sdelay $0x3  }
0x44b: {  	[tilespmem:s22+$0x2BC0] =	vst v0  }
0x44c: {  	v0 =	vld.idx.msk [tilespmem:v2+s15+$0x0], $0xffff  }
0x44d: {  	v2 =	vadd.s32 $0x78, v1;
	_ =	sdelay $0x3  }
0x44e: {  	[tilespmem:s22+$0x2C40] =	vst v0  }
0x44f: {  	v0 =	vld.idx.msk [tilespmem:v2+s15+$0x0], $0xffff  }
0x450: {  	v2 =	vadd.s32 $0xA0, v1;
	_ =	sdelay $0x3  }
0x451: {  	[tilespmem:s22+$0x2CC0] =	vst v0  }
0x452: {  	v0 =	vld.idx.msk [tilespmem:v2+s15+$0x0], $0xffff  }
0x453: {  	v2 =	vadd.s32 $0xC8, v1;
	_ =	sdelay $0x3  }
0x454: {  	[tilespmem:s22+$0x2D40] =	vst v0  }
0x455: {  	v0 =	vld.idx.msk [tilespmem:v2+s15+$0x0], $0xffff  }
0x456: {  	v2 =	vadd.s32 $0xF0, v1;
	_ =	sdelay $0x3  }
0x457: {  	[tilespmem:s22+$0x2DC0] =	vst v0  }
0x458: {  	v0 =	vld.idx.msk [tilespmem:v2+s15+$0x0], $0xffff  }
0x459: {  	v1 =	vadd.s32 $0x118, v1;
	_ =	sdelay $0x3  }
0x45a: {  	[tilespmem:s22+$0x2E40] =	vst v0  }
0x45b: {  	v0 =	vld.idx.msk [tilespmem:v1+s15+$0x0], $0xffff;
	_ =	sdelay $0x4  }
0x45c: {  	[tilespmem:s22+$0x2EC0] =	vst v0  }
0x45d: {  	v0 =	vld [tilespmem:s19+$0x700];
	_ =	sdelay $0x4  }
0x45e: {  	v1 =	vadd.s32 $0x19, v0;
	_ =	sdelay $0x4  }
0x45f: {  	v2 =	vld.idx.msk [tilespmem:v1+s15+$0x0], $0xffff  }
0x460: {  	v0 =	vadd.s32 $0x41, v0;
	_ =	sdelay $0x3  }
0x461: {  	[tilespmem:s19+$0x3F40] =	vst v2  }
0x462: {  	v0 =	vld.idx.msk [tilespmem:v0+s15+$0x0], $0xffff  }
0x463: {  	v2 =	vadd.s32 $0x50, v1;
	_ =	sdelay $0x3  }
0x464: {  	[tilespmem:s19+$0x3FC0] =	vst v0  }
0x465: {  	v0 =	vld.idx.msk [tilespmem:v2+s15+$0x0], $0xffff  }
0x466: {  	v2 =	vadd.s32 $0x78, v1;
	_ =	sdelay $0x3  }
0x467: {  	[tilespmem:s19+$0x4040] =	vst v0  }
0x468: {  	v0 =	vld.idx.msk [tilespmem:v2+s15+$0x0], $0xffff  }
0x469: {  	v2 =	vadd.s32 $0xA0, v1;
	_ =	sdelay $0x3  }
0x46a: {  	[tilespmem:s19+$0x40C0] =	vst v0  }
0x46b: {  	v0 =	vld.idx.msk [tilespmem:v2+s15+$0x0], $0xffff  }
0x46c: {  	v2 =	vadd.s32 $0xC8, v1;
	_ =	sdelay $0x3  }
0x46d: {  	[tilespmem:s19+$0x4140] =	vst v0  }
0x46e: {  	v0 =	vld.idx.msk [tilespmem:v2+s15+$0x0], $0xffff  }
0x46f: {  	v2 =	vadd.s32 $0xF0, v1;
	_ =	sdelay $0x3  }
0x470: {  	[tilespmem:s19+$0x41C0] =	vst v0  }
0x471: {  	v0 =	vld.idx.msk [tilespmem:v2+s15+$0x0], $0xffff  }
0x472: {  	v1 =	vadd.s32 $0x118, v1  }
0x473: {  	s21 =	simm.s32 $0x10;
	s20 =	simm.s32 $0x80  }
.LBB2_30:
0x474: {  	p0 =	sne.s32 s20, $0x1C0;
	v2 =	vld [tilespmem:s21+$0x700];
	_ =	sdelay $0x1  }
0x475: {  	[tilespmem:s19+$0x4240] =	vst v0  }
0x476: {  	v0 =	vld.idx.msk [tilespmem:v1+s15+$0x0], $0xffff;
	_ =	sdelay $0x1  }
0x477: {  	v1 =	vadd.s32 $0x19, v2;
	_ =	sdelay $0x3  }
0x478: {  	[tilespmem:s19+$0x42C0] =	vst v0;
	s19 =	smov.u32 s21  }
0x479: {  	v0 =	vld.idx.msk [tilespmem:v1+s15+$0x0], $0xffff;
	_ =	sdelay $0x1  }
0x47a: {  	v2 =	vadd.s32 $0x41, v2;
	_ =	sdelay $0x3  }
0x47b: {  	[tilespmem:s19+$0x3F40] =	vst v0  }
0x47c: {  	v0 =	vld.idx.msk [tilespmem:v2+s15+$0x0], $0xffff;
	_ =	sdelay $0x1  }
0x47d: {  	v2 =	vadd.s32 $0x50, v1;
	_ =	sdelay $0x3  }
0x47e: {  	[tilespmem:s19+$0x3FC0] =	vst v0  }
0x47f: {  	v0 =	vld.idx.msk [tilespmem:v2+s15+$0x0], $0xffff;
	_ =	sdelay $0x1  }
0x480: {  	v2 =	vadd.s32 $0x78, v1;
	_ =	sdelay $0x3  }
0x481: {  	[tilespmem:s19+$0x4040] =	vst v0  }
0x482: {  	v0 =	vld.idx.msk [tilespmem:v2+s15+$0x0], $0xffff;
	_ =	sdelay $0x1  }
0x483: {  	v2 =	vadd.s32 $0xA0, v1;
	_ =	sdelay $0x3  }
0x484: {  	[tilespmem:s19+$0x40C0] =	vst v0  }
0x485: {  	v0 =	vld.idx.msk [tilespmem:v2+s15+$0x0], $0xffff;
	_ =	sdelay $0x1  }
0x486: {  	v2 =	vadd.s32 $0xC8, v1;
	_ =	sdelay $0x3  }
0x487: {  	[tilespmem:s19+$0x4140] =	vst v0  }
0x488: {  	v0 =	vld.idx.msk [tilespmem:v2+s15+$0x0], $0xffff;
	_ =	sdelay $0x1  }
0x489: {  	v2 =	vadd.s32 $0xF0, v1;
	_ =	sdelay $0x3  }
.Ltmp14:
0x48a: {  	[tilespmem:s19+$0x41C0] =	vst v0;
	(pc) =	sbr.rel @p0 .LBB2_30-.Ltmp14, $3  }
0x48b: {  	v0 =	vld.idx.msk [tilespmem:v2+s15+$0x0], $0xffff;
	_ =	sdelay $0x1  }
0x48c: {  	v1 =	vadd.s32 $0x118, v1  }
0x48d: {  	s21 =	sshra.s32 s20, $0x2;
	s20 =	sadd.s32 $0x40, s20  }
0x48e: {  	v2 =	vld [tilespmem:s21+$0x700];
	_ =	sdelay $0x2  }
0x48f: {  	[tilespmem:s19+$0x4240] =	vst v0  }
0x490: {  	v0 =	vld.idx.msk [tilespmem:v1+s15+$0x0], $0xffff  }
0x491: {  	v1 =	vadd.s32 $0x19, v2;
	_ =	sdelay $0x3  }
0x492: {  	[tilespmem:s19+$0x42C0] =	vst v0  }
0x493: {  	v0 =	vld.idx.msk [tilespmem:v1+s15+$0x0], $0xffff  }
0x494: {  	v2 =	vadd.s32 $0x41, v2;
	_ =	sdelay $0x3  }
0x495: {  	[tilespmem:s21+$0x3F40] =	vst v0  }
0x496: {  	v0 =	vld.idx.msk [tilespmem:v2+s15+$0x0], $0xffff  }
0x497: {  	v2 =	vadd.s32 $0x50, v1;
	_ =	sdelay $0x3  }
0x498: {  	[tilespmem:s21+$0x3FC0] =	vst v0  }
0x499: {  	v0 =	vld.idx.msk [tilespmem:v2+s15+$0x0], $0xffff  }
0x49a: {  	v2 =	vadd.s32 $0x78, v1;
	_ =	sdelay $0x3  }
0x49b: {  	[tilespmem:s21+$0x4040] =	vst v0  }
0x49c: {  	v0 =	vld.idx.msk [tilespmem:v2+s15+$0x0], $0xffff  }
0x49d: {  	v2 =	vadd.s32 $0xA0, v1;
	_ =	sdelay $0x3  }
0x49e: {  	[tilespmem:s21+$0x40C0] =	vst v0  }
0x49f: {  	v0 =	vld.idx.msk [tilespmem:v2+s15+$0x0], $0xffff  }
0x4a0: {  	v2 =	vadd.s32 $0xC8, v1;
	_ =	sdelay $0x3  }
0x4a1: {  	[tilespmem:s21+$0x4140] =	vst v0  }
0x4a2: {  	v0 =	vld.idx.msk [tilespmem:v2+s15+$0x0], $0xffff  }
0x4a3: {  	v2 =	vadd.s32 $0xF0, v1;
	_ =	sdelay $0x3  }
0x4a4: {  	[tilespmem:s21+$0x41C0] =	vst v0  }
0x4a5: {  	v0 =	vld.idx.msk [tilespmem:v2+s15+$0x0], $0xffff  }
0x4a6: {  	v1 =	vadd.s32 $0x118, v1;
	_ =	sdelay $0x3  }
0x4a7: {  	[tilespmem:s21+$0x4240] =	vst v0  }
0x4a8: {  	v0 =	vld.idx.msk [tilespmem:v1+s15+$0x0], $0xffff;
	_ =	sdelay $0x4  }
0x4a9: {  	s19 =	simm.s32 $0x0;
	[tilespmem:s21+$0x42C0] =	vst v0  }
0x4aa: {  	v0 =	vld [tilespmem:s19+$0x780];
	_ =	sdelay $0x4  }
0x4ab: {  	v1 =	vadd.s32 $0x19, v0;
	_ =	sdelay $0x4  }
0x4ac: {  	v2 =	vld.idx.msk [tilespmem:v1+s15+$0x0], $0xffff  }
0x4ad: {  	v0 =	vadd.s32 $0x41, v0;
	_ =	sdelay $0x3  }
0x4ae: {  	[tilespmem:s19+$0x5340] =	vst v2  }
0x4af: {  	v0 =	vld.idx.msk [tilespmem:v0+s15+$0x0], $0xffff  }
0x4b0: {  	v2 =	vadd.s32 $0x50, v1;
	_ =	sdelay $0x3  }
0x4b1: {  	[tilespmem:s19+$0x53C0] =	vst v0  }
0x4b2: {  	v0 =	vld.idx.msk [tilespmem:v2+s15+$0x0], $0xffff  }
0x4b3: {  	v2 =	vadd.s32 $0x78, v1;
	_ =	sdelay $0x3  }
0x4b4: {  	[tilespmem:s19+$0x5440] =	vst v0  }
0x4b5: {  	v0 =	vld.idx.msk [tilespmem:v2+s15+$0x0], $0xffff  }
0x4b6: {  	v2 =	vadd.s32 $0xA0, v1;
	_ =	sdelay $0x3  }
0x4b7: {  	[tilespmem:s19+$0x54C0] =	vst v0  }
0x4b8: {  	v0 =	vld.idx.msk [tilespmem:v2+s15+$0x0], $0xffff  }
0x4b9: {  	v2 =	vadd.s32 $0xC8, v1;
	_ =	sdelay $0x3  }
0x4ba: {  	[tilespmem:s19+$0x5540] =	vst v0  }
0x4bb: {  	v0 =	vld.idx.msk [tilespmem:v2+s15+$0x0], $0xffff  }
0x4bc: {  	v2 =	vadd.s32 $0xF0, v1;
	_ =	sdelay $0x3  }
0x4bd: {  	[tilespmem:s19+$0x55C0] =	vst v0  }
0x4be: {  	v0 =	vld.idx.msk [tilespmem:v2+s15+$0x0], $0xffff  }
0x4bf: {  	v1 =	vadd.s32 $0x118, v1  }
0x4c0: {  	s22 =	simm.s32 $0x10;
	s20 =	simm.s32 $0x0;
	s21 =	simm.s32 $0x80  }
.LBB2_32:
0x4c1: {  	p0 =	sne.s32 s21, $0x1C0;
	v2 =	vld [tilespmem:s22+$0x780];
	_ =	sdelay $0x1  }
0x4c2: {  	[tilespmem:s20+$0x5640] =	vst v0  }
0x4c3: {  	v0 =	vld.idx.msk [tilespmem:v1+s15+$0x0], $0xffff;
	_ =	sdelay $0x1  }
0x4c4: {  	v1 =	vadd.s32 $0x19, v2;
	_ =	sdelay $0x3  }
0x4c5: {  	[tilespmem:s20+$0x56C0] =	vst v0;
	s20 =	smov.u32 s22  }
0x4c6: {  	v0 =	vld.idx.msk [tilespmem:v1+s15+$0x0], $0xffff;
	_ =	sdelay $0x1  }
0x4c7: {  	v2 =	vadd.s32 $0x41, v2;
	_ =	sdelay $0x3  }
0x4c8: {  	[tilespmem:s20+$0x5340] =	vst v0  }
0x4c9: {  	v0 =	vld.idx.msk [tilespmem:v2+s15+$0x0], $0xffff;
	_ =	sdelay $0x1  }
0x4ca: {  	v2 =	vadd.s32 $0x50, v1;
	_ =	sdelay $0x3  }
0x4cb: {  	[tilespmem:s20+$0x53C0] =	vst v0  }
0x4cc: {  	v0 =	vld.idx.msk [tilespmem:v2+s15+$0x0], $0xffff;
	_ =	sdelay $0x1  }
0x4cd: {  	v2 =	vadd.s32 $0x78, v1;
	_ =	sdelay $0x3  }
0x4ce: {  	[tilespmem:s20+$0x5440] =	vst v0  }
0x4cf: {  	v0 =	vld.idx.msk [tilespmem:v2+s15+$0x0], $0xffff;
	_ =	sdelay $0x1  }
0x4d0: {  	v2 =	vadd.s32 $0xA0, v1;
	_ =	sdelay $0x3  }
0x4d1: {  	[tilespmem:s20+$0x54C0] =	vst v0  }
0x4d2: {  	v0 =	vld.idx.msk [tilespmem:v2+s15+$0x0], $0xffff;
	_ =	sdelay $0x1  }
0x4d3: {  	v2 =	vadd.s32 $0xC8, v1;
	_ =	sdelay $0x3  }
0x4d4: {  	[tilespmem:s20+$0x5540] =	vst v0  }
0x4d5: {  	v0 =	vld.idx.msk [tilespmem:v2+s15+$0x0], $0xffff;
	_ =	sdelay $0x1  }
0x4d6: {  	v2 =	vadd.s32 $0xF0, v1;
	_ =	sdelay $0x3  }
.Ltmp15:
0x4d7: {  	[tilespmem:s20+$0x55C0] =	vst v0;
	(pc) =	sbr.rel @p0 .LBB2_32-.Ltmp15, $3  }
0x4d8: {  	v0 =	vld.idx.msk [tilespmem:v2+s15+$0x0], $0xffff;
	_ =	sdelay $0x1  }
0x4d9: {  	v1 =	vadd.s32 $0x118, v1  }
0x4da: {  	s22 =	sshra.s32 s21, $0x2;
	s21 =	sadd.s32 $0x40, s21  }
0x4db: {  	v2 =	vld [tilespmem:s22+$0x780];
	_ =	sdelay $0x2  }
0x4dc: {  	[tilespmem:s20+$0x5640] =	vst v0  }
0x4dd: {  	v0 =	vld.idx.msk [tilespmem:v1+s15+$0x0], $0xffff  }
0x4de: {  	v1 =	vadd.s32 $0x19, v2;
	_ =	sdelay $0x3  }
0x4df: {  	[tilespmem:s20+$0x56C0] =	vst v0  }
0x4e0: {  	v0 =	vld.idx.msk [tilespmem:v1+s15+$0x0], $0xffff  }
0x4e1: {  	v2 =	vadd.s32 $0x41, v2;
	_ =	sdelay $0x3  }
0x4e2: {  	[tilespmem:s22+$0x5340] =	vst v0  }
0x4e3: {  	v0 =	vld.idx.msk [tilespmem:v2+s15+$0x0], $0xffff  }
0x4e4: {  	v2 =	vadd.s32 $0x50, v1;
	_ =	sdelay $0x3  }
0x4e5: {  	[tilespmem:s22+$0x53C0] =	vst v0  }
0x4e6: {  	v0 =	vld.idx.msk [tilespmem:v2+s15+$0x0], $0xffff  }
0x4e7: {  	v2 =	vadd.s32 $0x78, v1;
	_ =	sdelay $0x3  }
0x4e8: {  	[tilespmem:s22+$0x5440] =	vst v0  }
0x4e9: {  	v0 =	vld.idx.msk [tilespmem:v2+s15+$0x0], $0xffff  }
0x4ea: {  	v2 =	vadd.s32 $0xA0, v1;
	_ =	sdelay $0x3  }
0x4eb: {  	[tilespmem:s22+$0x54C0] =	vst v0  }
0x4ec: {  	v0 =	vld.idx.msk [tilespmem:v2+s15+$0x0], $0xffff  }
0x4ed: {  	v2 =	vadd.s32 $0xC8, v1;
	_ =	sdelay $0x3  }
0x4ee: {  	[tilespmem:s22+$0x5540] =	vst v0  }
0x4ef: {  	v0 =	vld.idx.msk [tilespmem:v2+s15+$0x0], $0xffff  }
0x4f0: {  	v2 =	vadd.s32 $0xF0, v1;
	_ =	sdelay $0x3  }
0x4f1: {  	[tilespmem:s22+$0x55C0] =	vst v0  }
0x4f2: {  	v0 =	vld.idx.msk [tilespmem:v2+s15+$0x0], $0xffff  }
0x4f3: {  	v1 =	vadd.s32 $0x118, v1;
	_ =	sdelay $0x3  }
0x4f4: {  	[tilespmem:s22+$0x5640] =	vst v0  }
0x4f5: {  	v0 =	vld.idx.msk [tilespmem:v1+s15+$0x0], $0xffff;
	_ =	sdelay $0x4  }
0x4f6: {  	[tilespmem:s22+$0x56C0] =	vst v0  }
0x4f7: {  	v0 =	vld [tilespmem:s19+$0x800];
	_ =	sdelay $0x4  }
0x4f8: {  	v1 =	vadd.s32 $0x1E, v0;
	_ =	sdelay $0x4  }
0x4f9: {  	v2 =	vld.idx.msk [tilespmem:v1+s15+$0x0], $0xffff  }
0x4fa: {  	v0 =	vadd.s32 $0x46, v0;
	_ =	sdelay $0x3  }
0x4fb: {  	[tilespmem:s19+$0x1B40] =	vst v2  }
0x4fc: {  	v0 =	vld.idx.msk [tilespmem:v0+s15+$0x0], $0xffff  }
0x4fd: {  	v2 =	vadd.s32 $0x50, v1;
	_ =	sdelay $0x3  }
0x4fe: {  	[tilespmem:s19+$0x1BC0] =	vst v0  }
0x4ff: {  	v0 =	vld.idx.msk [tilespmem:v2+s15+$0x0], $0xffff  }
0x500: {  	v2 =	vadd.s32 $0x78, v1;
	_ =	sdelay $0x3  }
0x501: {  	[tilespmem:s19+$0x1C40] =	vst v0  }
0x502: {  	v0 =	vld.idx.msk [tilespmem:v2+s15+$0x0], $0xffff  }
0x503: {  	v2 =	vadd.s32 $0xA0, v1;
	_ =	sdelay $0x3  }
0x504: {  	[tilespmem:s19+$0x1CC0] =	vst v0  }
0x505: {  	v0 =	vld.idx.msk [tilespmem:v2+s15+$0x0], $0xffff  }
0x506: {  	v2 =	vadd.s32 $0xC8, v1;
	_ =	sdelay $0x3  }
0x507: {  	[tilespmem:s19+$0x1D40] =	vst v0  }
0x508: {  	v0 =	vld.idx.msk [tilespmem:v2+s15+$0x0], $0xffff  }
0x509: {  	v2 =	vadd.s32 $0xF0, v1;
	_ =	sdelay $0x3  }
0x50a: {  	[tilespmem:s19+$0x1DC0] =	vst v0  }
0x50b: {  	v0 =	vld.idx.msk [tilespmem:v2+s15+$0x0], $0xffff  }
0x50c: {  	v1 =	vadd.s32 $0x118, v1  }
0x50d: {  	s21 =	simm.s32 $0x10;
	s20 =	simm.s32 $0x80  }
.LBB2_34:
0x50e: {  	p0 =	sne.s32 s20, $0x1C0;
	v2 =	vld [tilespmem:s21+$0x800];
	_ =	sdelay $0x1  }
0x50f: {  	[tilespmem:s19+$0x1E40] =	vst v0  }
0x510: {  	v0 =	vld.idx.msk [tilespmem:v1+s15+$0x0], $0xffff;
	_ =	sdelay $0x1  }
0x511: {  	v1 =	vadd.s32 $0x1E, v2;
	_ =	sdelay $0x3  }
0x512: {  	[tilespmem:s19+$0x1EC0] =	vst v0;
	s19 =	smov.u32 s21  }
0x513: {  	v0 =	vld.idx.msk [tilespmem:v1+s15+$0x0], $0xffff;
	_ =	sdelay $0x1  }
0x514: {  	v2 =	vadd.s32 $0x46, v2;
	_ =	sdelay $0x3  }
0x515: {  	[tilespmem:s19+$0x1B40] =	vst v0  }
0x516: {  	v0 =	vld.idx.msk [tilespmem:v2+s15+$0x0], $0xffff;
	_ =	sdelay $0x1  }
0x517: {  	v2 =	vadd.s32 $0x50, v1;
	_ =	sdelay $0x3  }
0x518: {  	[tilespmem:s19+$0x1BC0] =	vst v0  }
0x519: {  	v0 =	vld.idx.msk [tilespmem:v2+s15+$0x0], $0xffff;
	_ =	sdelay $0x1  }
0x51a: {  	v2 =	vadd.s32 $0x78, v1;
	_ =	sdelay $0x3  }
0x51b: {  	[tilespmem:s19+$0x1C40] =	vst v0  }
0x51c: {  	v0 =	vld.idx.msk [tilespmem:v2+s15+$0x0], $0xffff;
	_ =	sdelay $0x1  }
0x51d: {  	v2 =	vadd.s32 $0xA0, v1;
	_ =	sdelay $0x3  }
0x51e: {  	[tilespmem:s19+$0x1CC0] =	vst v0  }
0x51f: {  	v0 =	vld.idx.msk [tilespmem:v2+s15+$0x0], $0xffff;
	_ =	sdelay $0x1  }
0x520: {  	v2 =	vadd.s32 $0xC8, v1;
	_ =	sdelay $0x3  }
0x521: {  	[tilespmem:s19+$0x1D40] =	vst v0  }
0x522: {  	v0 =	vld.idx.msk [tilespmem:v2+s15+$0x0], $0xffff;
	_ =	sdelay $0x1  }
0x523: {  	v2 =	vadd.s32 $0xF0, v1;
	_ =	sdelay $0x3  }
.Ltmp16:
0x524: {  	[tilespmem:s19+$0x1DC0] =	vst v0;
	(pc) =	sbr.rel @p0 .LBB2_34-.Ltmp16, $3  }
0x525: {  	v0 =	vld.idx.msk [tilespmem:v2+s15+$0x0], $0xffff;
	_ =	sdelay $0x1  }
0x526: {  	v1 =	vadd.s32 $0x118, v1  }
0x527: {  	s21 =	sshra.s32 s20, $0x2;
	s20 =	sadd.s32 $0x40, s20  }
0x528: {  	v2 =	vld [tilespmem:s21+$0x800];
	_ =	sdelay $0x2  }
0x529: {  	[tilespmem:s19+$0x1E40] =	vst v0  }
0x52a: {  	v0 =	vld.idx.msk [tilespmem:v1+s15+$0x0], $0xffff  }
0x52b: {  	v1 =	vadd.s32 $0x1E, v2;
	_ =	sdelay $0x3  }
0x52c: {  	[tilespmem:s19+$0x1EC0] =	vst v0  }
0x52d: {  	v0 =	vld.idx.msk [tilespmem:v1+s15+$0x0], $0xffff  }
0x52e: {  	v2 =	vadd.s32 $0x46, v2;
	_ =	sdelay $0x3  }
0x52f: {  	[tilespmem:s21+$0x1B40] =	vst v0  }
0x530: {  	v0 =	vld.idx.msk [tilespmem:v2+s15+$0x0], $0xffff  }
0x531: {  	v2 =	vadd.s32 $0x50, v1;
	_ =	sdelay $0x3  }
0x532: {  	[tilespmem:s21+$0x1BC0] =	vst v0  }
0x533: {  	v0 =	vld.idx.msk [tilespmem:v2+s15+$0x0], $0xffff  }
0x534: {  	v2 =	vadd.s32 $0x78, v1;
	_ =	sdelay $0x3  }
0x535: {  	[tilespmem:s21+$0x1C40] =	vst v0  }
0x536: {  	v0 =	vld.idx.msk [tilespmem:v2+s15+$0x0], $0xffff  }
0x537: {  	v2 =	vadd.s32 $0xA0, v1;
	_ =	sdelay $0x3  }
0x538: {  	[tilespmem:s21+$0x1CC0] =	vst v0  }
0x539: {  	v0 =	vld.idx.msk [tilespmem:v2+s15+$0x0], $0xffff  }
0x53a: {  	v2 =	vadd.s32 $0xC8, v1;
	_ =	sdelay $0x3  }
0x53b: {  	[tilespmem:s21+$0x1D40] =	vst v0  }
0x53c: {  	v0 =	vld.idx.msk [tilespmem:v2+s15+$0x0], $0xffff  }
0x53d: {  	v2 =	vadd.s32 $0xF0, v1;
	_ =	sdelay $0x3  }
0x53e: {  	[tilespmem:s21+$0x1DC0] =	vst v0  }
0x53f: {  	v0 =	vld.idx.msk [tilespmem:v2+s15+$0x0], $0xffff  }
0x540: {  	v1 =	vadd.s32 $0x118, v1;
	_ =	sdelay $0x3  }
0x541: {  	[tilespmem:s21+$0x1E40] =	vst v0  }
0x542: {  	v0 =	vld.idx.msk [tilespmem:v1+s15+$0x0], $0xffff;
	_ =	sdelay $0x4  }
0x543: {  	s19 =	simm.s32 $0x0;
	[tilespmem:s21+$0x1EC0] =	vst v0  }
0x544: {  	v0 =	vld [tilespmem:s19+$0x880];
	_ =	sdelay $0x4  }
0x545: {  	v1 =	vadd.s32 $0x1E, v0;
	_ =	sdelay $0x4  }
0x546: {  	v2 =	vld.idx.msk [tilespmem:v1+s15+$0x0], $0xffff  }
0x547: {  	v0 =	vadd.s32 $0x46, v0;
	_ =	sdelay $0x3  }
0x548: {  	[tilespmem:s19+$0x2F40] =	vst v2  }
0x549: {  	v0 =	vld.idx.msk [tilespmem:v0+s15+$0x0], $0xffff  }
0x54a: {  	v2 =	vadd.s32 $0x50, v1;
	_ =	sdelay $0x3  }
0x54b: {  	[tilespmem:s19+$0x2FC0] =	vst v0  }
0x54c: {  	v0 =	vld.idx.msk [tilespmem:v2+s15+$0x0], $0xffff  }
0x54d: {  	v2 =	vadd.s32 $0x78, v1;
	_ =	sdelay $0x3  }
0x54e: {  	[tilespmem:s19+$0x3040] =	vst v0  }
0x54f: {  	v0 =	vld.idx.msk [tilespmem:v2+s15+$0x0], $0xffff  }
0x550: {  	v2 =	vadd.s32 $0xA0, v1;
	_ =	sdelay $0x3  }
0x551: {  	[tilespmem:s19+$0x30C0] =	vst v0  }
0x552: {  	v0 =	vld.idx.msk [tilespmem:v2+s15+$0x0], $0xffff  }
0x553: {  	v2 =	vadd.s32 $0xC8, v1;
	_ =	sdelay $0x3  }
0x554: {  	[tilespmem:s19+$0x3140] =	vst v0  }
0x555: {  	v0 =	vld.idx.msk [tilespmem:v2+s15+$0x0], $0xffff  }
0x556: {  	v2 =	vadd.s32 $0xF0, v1;
	_ =	sdelay $0x3  }
0x557: {  	[tilespmem:s19+$0x31C0] =	vst v0  }
0x558: {  	v0 =	vld.idx.msk [tilespmem:v2+s15+$0x0], $0xffff  }
0x559: {  	v1 =	vadd.s32 $0x118, v1  }
0x55a: {  	s22 =	simm.s32 $0x10;
	s20 =	simm.s32 $0x0;
	s21 =	simm.s32 $0x80  }
.LBB2_36:
0x55b: {  	p0 =	sne.s32 s21, $0x1C0;
	v2 =	vld [tilespmem:s22+$0x880];
	_ =	sdelay $0x1  }
0x55c: {  	[tilespmem:s20+$0x3240] =	vst v0  }
0x55d: {  	v0 =	vld.idx.msk [tilespmem:v1+s15+$0x0], $0xffff;
	_ =	sdelay $0x1  }
0x55e: {  	v1 =	vadd.s32 $0x1E, v2;
	_ =	sdelay $0x3  }
0x55f: {  	[tilespmem:s20+$0x32C0] =	vst v0;
	s20 =	smov.u32 s22  }
0x560: {  	v0 =	vld.idx.msk [tilespmem:v1+s15+$0x0], $0xffff;
	_ =	sdelay $0x1  }
0x561: {  	v2 =	vadd.s32 $0x46, v2;
	_ =	sdelay $0x3  }
0x562: {  	[tilespmem:s20+$0x2F40] =	vst v0  }
0x563: {  	v0 =	vld.idx.msk [tilespmem:v2+s15+$0x0], $0xffff;
	_ =	sdelay $0x1  }
0x564: {  	v2 =	vadd.s32 $0x50, v1;
	_ =	sdelay $0x3  }
0x565: {  	[tilespmem:s20+$0x2FC0] =	vst v0  }
0x566: {  	v0 =	vld.idx.msk [tilespmem:v2+s15+$0x0], $0xffff;
	_ =	sdelay $0x1  }
0x567: {  	v2 =	vadd.s32 $0x78, v1;
	_ =	sdelay $0x3  }
0x568: {  	[tilespmem:s20+$0x3040] =	vst v0  }
0x569: {  	v0 =	vld.idx.msk [tilespmem:v2+s15+$0x0], $0xffff;
	_ =	sdelay $0x1  }
0x56a: {  	v2 =	vadd.s32 $0xA0, v1;
	_ =	sdelay $0x3  }
0x56b: {  	[tilespmem:s20+$0x30C0] =	vst v0  }
0x56c: {  	v0 =	vld.idx.msk [tilespmem:v2+s15+$0x0], $0xffff;
	_ =	sdelay $0x1  }
0x56d: {  	v2 =	vadd.s32 $0xC8, v1;
	_ =	sdelay $0x3  }
0x56e: {  	[tilespmem:s20+$0x3140] =	vst v0  }
0x56f: {  	v0 =	vld.idx.msk [tilespmem:v2+s15+$0x0], $0xffff;
	_ =	sdelay $0x1  }
0x570: {  	v2 =	vadd.s32 $0xF0, v1;
	_ =	sdelay $0x3  }
.Ltmp17:
0x571: {  	[tilespmem:s20+$0x31C0] =	vst v0;
	(pc) =	sbr.rel @p0 .LBB2_36-.Ltmp17, $3  }
0x572: {  	v0 =	vld.idx.msk [tilespmem:v2+s15+$0x0], $0xffff;
	_ =	sdelay $0x1  }
0x573: {  	v1 =	vadd.s32 $0x118, v1  }
0x574: {  	s22 =	sshra.s32 s21, $0x2;
	s21 =	sadd.s32 $0x40, s21  }
0x575: {  	v2 =	vld [tilespmem:s22+$0x880];
	_ =	sdelay $0x2  }
0x576: {  	[tilespmem:s20+$0x3240] =	vst v0  }
0x577: {  	v0 =	vld.idx.msk [tilespmem:v1+s15+$0x0], $0xffff  }
0x578: {  	v1 =	vadd.s32 $0x1E, v2;
	_ =	sdelay $0x3  }
0x579: {  	[tilespmem:s20+$0x32C0] =	vst v0  }
0x57a: {  	v0 =	vld.idx.msk [tilespmem:v1+s15+$0x0], $0xffff  }
0x57b: {  	v2 =	vadd.s32 $0x46, v2;
	_ =	sdelay $0x3  }
0x57c: {  	[tilespmem:s22+$0x2F40] =	vst v0  }
0x57d: {  	v0 =	vld.idx.msk [tilespmem:v2+s15+$0x0], $0xffff  }
0x57e: {  	v2 =	vadd.s32 $0x50, v1;
	_ =	sdelay $0x3  }
0x57f: {  	[tilespmem:s22+$0x2FC0] =	vst v0  }
0x580: {  	v0 =	vld.idx.msk [tilespmem:v2+s15+$0x0], $0xffff  }
0x581: {  	v2 =	vadd.s32 $0x78, v1;
	_ =	sdelay $0x3  }
0x582: {  	[tilespmem:s22+$0x3040] =	vst v0  }
0x583: {  	v0 =	vld.idx.msk [tilespmem:v2+s15+$0x0], $0xffff  }
0x584: {  	v2 =	vadd.s32 $0xA0, v1;
	_ =	sdelay $0x3  }
0x585: {  	[tilespmem:s22+$0x30C0] =	vst v0  }
0x586: {  	v0 =	vld.idx.msk [tilespmem:v2+s15+$0x0], $0xffff  }
0x587: {  	v2 =	vadd.s32 $0xC8, v1;
	_ =	sdelay $0x3  }
0x588: {  	[tilespmem:s22+$0x3140] =	vst v0  }
0x589: {  	v0 =	vld.idx.msk [tilespmem:v2+s15+$0x0], $0xffff  }
0x58a: {  	v2 =	vadd.s32 $0xF0, v1;
	_ =	sdelay $0x3  }
0x58b: {  	[tilespmem:s22+$0x31C0] =	vst v0  }
0x58c: {  	v0 =	vld.idx.msk [tilespmem:v2+s15+$0x0], $0xffff  }
0x58d: {  	v1 =	vadd.s32 $0x118, v1;
	_ =	sdelay $0x3  }
0x58e: {  	[tilespmem:s22+$0x3240] =	vst v0  }
0x58f: {  	v0 =	vld.idx.msk [tilespmem:v1+s15+$0x0], $0xffff;
	_ =	sdelay $0x4  }
0x590: {  	[tilespmem:s22+$0x32C0] =	vst v0  }
0x591: {  	v0 =	vld [tilespmem:s19+$0x900];
	_ =	sdelay $0x4  }
0x592: {  	v1 =	vadd.s32 $0x1E, v0;
	_ =	sdelay $0x4  }
0x593: {  	v2 =	vld.idx.msk [tilespmem:v1+s15+$0x0], $0xffff  }
0x594: {  	v0 =	vadd.s32 $0x46, v0;
	_ =	sdelay $0x3  }
0x595: {  	[tilespmem:s19+$0x4340] =	vst v2  }
0x596: {  	v0 =	vld.idx.msk [tilespmem:v0+s15+$0x0], $0xffff  }
0x597: {  	v2 =	vadd.s32 $0x50, v1;
	_ =	sdelay $0x3  }
0x598: {  	[tilespmem:s19+$0x43C0] =	vst v0  }
0x599: {  	v0 =	vld.idx.msk [tilespmem:v2+s15+$0x0], $0xffff  }
0x59a: {  	v2 =	vadd.s32 $0x78, v1;
	_ =	sdelay $0x3  }
0x59b: {  	[tilespmem:s19+$0x4440] =	vst v0  }
0x59c: {  	v0 =	vld.idx.msk [tilespmem:v2+s15+$0x0], $0xffff  }
0x59d: {  	v2 =	vadd.s32 $0xA0, v1;
	_ =	sdelay $0x3  }
0x59e: {  	[tilespmem:s19+$0x44C0] =	vst v0  }
0x59f: {  	v0 =	vld.idx.msk [tilespmem:v2+s15+$0x0], $0xffff  }
0x5a0: {  	v2 =	vadd.s32 $0xC8, v1;
	_ =	sdelay $0x3  }
0x5a1: {  	[tilespmem:s19+$0x4540] =	vst v0  }
0x5a2: {  	v0 =	vld.idx.msk [tilespmem:v2+s15+$0x0], $0xffff  }
0x5a3: {  	v2 =	vadd.s32 $0xF0, v1;
	_ =	sdelay $0x3  }
0x5a4: {  	[tilespmem:s19+$0x45C0] =	vst v0  }
0x5a5: {  	v0 =	vld.idx.msk [tilespmem:v2+s15+$0x0], $0xffff  }
0x5a6: {  	v1 =	vadd.s32 $0x118, v1  }
0x5a7: {  	s21 =	simm.s32 $0x10;
	s20 =	simm.s32 $0x80  }
.LBB2_38:
0x5a8: {  	p0 =	sne.s32 s20, $0x1C0;
	v2 =	vld [tilespmem:s21+$0x900];
	_ =	sdelay $0x1  }
0x5a9: {  	[tilespmem:s19+$0x4640] =	vst v0  }
0x5aa: {  	v0 =	vld.idx.msk [tilespmem:v1+s15+$0x0], $0xffff;
	_ =	sdelay $0x1  }
0x5ab: {  	v1 =	vadd.s32 $0x1E, v2;
	_ =	sdelay $0x3  }
0x5ac: {  	[tilespmem:s19+$0x46C0] =	vst v0;
	s19 =	smov.u32 s21  }
0x5ad: {  	v0 =	vld.idx.msk [tilespmem:v1+s15+$0x0], $0xffff;
	_ =	sdelay $0x1  }
0x5ae: {  	v2 =	vadd.s32 $0x46, v2;
	_ =	sdelay $0x3  }
0x5af: {  	[tilespmem:s19+$0x4340] =	vst v0  }
0x5b0: {  	v0 =	vld.idx.msk [tilespmem:v2+s15+$0x0], $0xffff;
	_ =	sdelay $0x1  }
0x5b1: {  	v2 =	vadd.s32 $0x50, v1;
	_ =	sdelay $0x3  }
0x5b2: {  	[tilespmem:s19+$0x43C0] =	vst v0  }
0x5b3: {  	v0 =	vld.idx.msk [tilespmem:v2+s15+$0x0], $0xffff;
	_ =	sdelay $0x1  }
0x5b4: {  	v2 =	vadd.s32 $0x78, v1;
	_ =	sdelay $0x3  }
0x5b5: {  	[tilespmem:s19+$0x4440] =	vst v0  }
0x5b6: {  	v0 =	vld.idx.msk [tilespmem:v2+s15+$0x0], $0xffff;
	_ =	sdelay $0x1  }
0x5b7: {  	v2 =	vadd.s32 $0xA0, v1;
	_ =	sdelay $0x3  }
0x5b8: {  	[tilespmem:s19+$0x44C0] =	vst v0  }
0x5b9: {  	v0 =	vld.idx.msk [tilespmem:v2+s15+$0x0], $0xffff;
	_ =	sdelay $0x1  }
0x5ba: {  	v2 =	vadd.s32 $0xC8, v1;
	_ =	sdelay $0x3  }
0x5bb: {  	[tilespmem:s19+$0x4540] =	vst v0  }
0x5bc: {  	v0 =	vld.idx.msk [tilespmem:v2+s15+$0x0], $0xffff;
	_ =	sdelay $0x1  }
0x5bd: {  	v2 =	vadd.s32 $0xF0, v1;
	_ =	sdelay $0x3  }
.Ltmp18:
0x5be: {  	[tilespmem:s19+$0x45C0] =	vst v0;
	(pc) =	sbr.rel @p0 .LBB2_38-.Ltmp18, $3  }
0x5bf: {  	v0 =	vld.idx.msk [tilespmem:v2+s15+$0x0], $0xffff;
	_ =	sdelay $0x1  }
0x5c0: {  	v1 =	vadd.s32 $0x118, v1  }
0x5c1: {  	s21 =	sshra.s32 s20, $0x2;
	s20 =	sadd.s32 $0x40, s20  }
0x5c2: {  	v2 =	vld [tilespmem:s21+$0x900];
	_ =	sdelay $0x2  }
0x5c3: {  	[tilespmem:s19+$0x4640] =	vst v0  }
0x5c4: {  	v0 =	vld.idx.msk [tilespmem:v1+s15+$0x0], $0xffff  }
0x5c5: {  	v1 =	vadd.s32 $0x1E, v2;
	_ =	sdelay $0x3  }
0x5c6: {  	[tilespmem:s19+$0x46C0] =	vst v0  }
0x5c7: {  	v0 =	vld.idx.msk [tilespmem:v1+s15+$0x0], $0xffff  }
0x5c8: {  	v2 =	vadd.s32 $0x46, v2;
	_ =	sdelay $0x3  }
0x5c9: {  	[tilespmem:s21+$0x4340] =	vst v0  }
0x5ca: {  	v0 =	vld.idx.msk [tilespmem:v2+s15+$0x0], $0xffff  }
0x5cb: {  	v2 =	vadd.s32 $0x50, v1;
	_ =	sdelay $0x3  }
0x5cc: {  	[tilespmem:s21+$0x43C0] =	vst v0  }
0x5cd: {  	v0 =	vld.idx.msk [tilespmem:v2+s15+$0x0], $0xffff  }
0x5ce: {  	v2 =	vadd.s32 $0x78, v1;
	_ =	sdelay $0x3  }
0x5cf: {  	[tilespmem:s21+$0x4440] =	vst v0  }
0x5d0: {  	v0 =	vld.idx.msk [tilespmem:v2+s15+$0x0], $0xffff  }
0x5d1: {  	v2 =	vadd.s32 $0xA0, v1;
	_ =	sdelay $0x3  }
0x5d2: {  	[tilespmem:s21+$0x44C0] =	vst v0  }
0x5d3: {  	v0 =	vld.idx.msk [tilespmem:v2+s15+$0x0], $0xffff  }
0x5d4: {  	v2 =	vadd.s32 $0xC8, v1;
	_ =	sdelay $0x3  }
0x5d5: {  	[tilespmem:s21+$0x4540] =	vst v0  }
0x5d6: {  	v0 =	vld.idx.msk [tilespmem:v2+s15+$0x0], $0xffff  }
0x5d7: {  	v2 =	vadd.s32 $0xF0, v1;
	_ =	sdelay $0x3  }
0x5d8: {  	[tilespmem:s21+$0x45C0] =	vst v0  }
0x5d9: {  	v0 =	vld.idx.msk [tilespmem:v2+s15+$0x0], $0xffff  }
0x5da: {  	v1 =	vadd.s32 $0x118, v1;
	_ =	sdelay $0x3  }
0x5db: {  	[tilespmem:s21+$0x4640] =	vst v0  }
0x5dc: {  	v0 =	vld.idx.msk [tilespmem:v1+s15+$0x0], $0xffff;
	_ =	sdelay $0x4  }
0x5dd: {  	s19 =	simm.s32 $0x0;
	[tilespmem:s21+$0x46C0] =	vst v0  }
0x5de: {  	v0 =	vld [tilespmem:s19+$0x980];
	_ =	sdelay $0x4  }
0x5df: {  	v1 =	vadd.s32 $0x1E, v0;
	_ =	sdelay $0x4  }
0x5e0: {  	v2 =	vld.idx.msk [tilespmem:v1+s15+$0x0], $0xffff  }
0x5e1: {  	v0 =	vadd.s32 $0x46, v0;
	_ =	sdelay $0x3  }
0x5e2: {  	[tilespmem:s19+$0x5740] =	vst v2  }
0x5e3: {  	v0 =	vld.idx.msk [tilespmem:v0+s15+$0x0], $0xffff  }
0x5e4: {  	v2 =	vadd.s32 $0x50, v1;
	_ =	sdelay $0x3  }
0x5e5: {  	[tilespmem:s19+$0x57C0] =	vst v0  }
0x5e6: {  	v0 =	vld.idx.msk [tilespmem:v2+s15+$0x0], $0xffff  }
0x5e7: {  	v2 =	vadd.s32 $0x78, v1;
	_ =	sdelay $0x3  }
0x5e8: {  	[tilespmem:s19+$0x5840] =	vst v0  }
0x5e9: {  	v0 =	vld.idx.msk [tilespmem:v2+s15+$0x0], $0xffff  }
0x5ea: {  	v2 =	vadd.s32 $0xA0, v1;
	_ =	sdelay $0x3  }
0x5eb: {  	[tilespmem:s19+$0x58C0] =	vst v0  }
0x5ec: {  	v0 =	vld.idx.msk [tilespmem:v2+s15+$0x0], $0xffff  }
0x5ed: {  	v2 =	vadd.s32 $0xC8, v1;
	_ =	sdelay $0x3  }
0x5ee: {  	[tilespmem:s19+$0x5940] =	vst v0  }
0x5ef: {  	v0 =	vld.idx.msk [tilespmem:v2+s15+$0x0], $0xffff  }
0x5f0: {  	v2 =	vadd.s32 $0xF0, v1;
	_ =	sdelay $0x3  }
0x5f1: {  	[tilespmem:s19+$0x59C0] =	vst v0  }
0x5f2: {  	v0 =	vld.idx.msk [tilespmem:v2+s15+$0x0], $0xffff  }
0x5f3: {  	v1 =	vadd.s32 $0x118, v1  }
0x5f4: {  	s20 =	simm.s32 $0x80;
	s21 =	simm.s32 $0x10  }
.LBB2_40:
0x5f5: {  	p0 =	sne.s32 s20, $0x1C0;
	v2 =	vld [tilespmem:s21+$0x980];
	_ =	sdelay $0x1  }
0x5f6: {  	[tilespmem:s19+$0x5A40] =	vst v0  }
0x5f7: {  	v0 =	vld.idx.msk [tilespmem:v1+s15+$0x0], $0xffff;
	_ =	sdelay $0x1  }
0x5f8: {  	v1 =	vadd.s32 $0x1E, v2;
	_ =	sdelay $0x3  }
0x5f9: {  	[tilespmem:s19+$0x5AC0] =	vst v0;
	s19 =	smov.u32 s21  }
0x5fa: {  	v0 =	vld.idx.msk [tilespmem:v1+s15+$0x0], $0xffff;
	_ =	sdelay $0x1  }
0x5fb: {  	v2 =	vadd.s32 $0x46, v2;
	_ =	sdelay $0x3  }
0x5fc: {  	[tilespmem:s19+$0x5740] =	vst v0  }
0x5fd: {  	v0 =	vld.idx.msk [tilespmem:v2+s15+$0x0], $0xffff;
	_ =	sdelay $0x1  }
0x5fe: {  	v2 =	vadd.s32 $0x50, v1;
	_ =	sdelay $0x3  }
0x5ff: {  	[tilespmem:s19+$0x57C0] =	vst v0  }
0x600: {  	v0 =	vld.idx.msk [tilespmem:v2+s15+$0x0], $0xffff;
	_ =	sdelay $0x1  }
0x601: {  	v2 =	vadd.s32 $0x78, v1;
	_ =	sdelay $0x3  }
0x602: {  	[tilespmem:s19+$0x5840] =	vst v0  }
0x603: {  	v0 =	vld.idx.msk [tilespmem:v2+s15+$0x0], $0xffff;
	_ =	sdelay $0x1  }
0x604: {  	v2 =	vadd.s32 $0xA0, v1;
	_ =	sdelay $0x3  }
0x605: {  	[tilespmem:s19+$0x58C0] =	vst v0  }
0x606: {  	v0 =	vld.idx.msk [tilespmem:v2+s15+$0x0], $0xffff;
	_ =	sdelay $0x1  }
0x607: {  	v2 =	vadd.s32 $0xC8, v1;
	_ =	sdelay $0x3  }
0x608: {  	[tilespmem:s19+$0x5940] =	vst v0  }
0x609: {  	v0 =	vld.idx.msk [tilespmem:v2+s15+$0x0], $0xffff;
	_ =	sdelay $0x1  }
0x60a: {  	v2 =	vadd.s32 $0xF0, v1;
	_ =	sdelay $0x3  }
.Ltmp19:
0x60b: {  	[tilespmem:s19+$0x59C0] =	vst v0;
	(pc) =	sbr.rel @p0 .LBB2_40-.Ltmp19, $3  }
0x60c: {  	v0 =	vld.idx.msk [tilespmem:v2+s15+$0x0], $0xffff;
	_ =	sdelay $0x1  }
0x60d: {  	v1 =	vadd.s32 $0x118, v1  }
0x60e: {  	s21 =	sshra.s32 s20, $0x2;
	s20 =	sadd.s32 $0x40, s20  }
0x60f: {  	v2 =	vld [tilespmem:s21+$0x980];
	_ =	sdelay $0x2  }
0x610: {  	[tilespmem:s19+$0x5A40] =	vst v0  }
0x611: {  	v0 =	vld.idx.msk [tilespmem:v1+s15+$0x0], $0xffff  }
0x612: {  	v58 =	vadd.s32 $0x1E, v2;
	_ =	sdelay $0x3  }
0x613: {  	[tilespmem:s19+$0x5AC0] =	vst v0  }
0x614: {  	v0 =	vld.idx.msk [tilespmem:v58+s15+$0x0], $0xffff  }
0x615: {  	v2 =	vadd.s32 $0x46, v2;
	_ =	sdelay $0x3  }
0x616: {  	[tilespmem:s21+$0x5740] =	vst v0  }
0x617: {  	v0 =	vld.idx.msk [tilespmem:v2+s15+$0x0], $0xffff  }
0x618: {  	v59 =	vadd.s32 $0x50, v58;
	_ =	sdelay $0x3  }
0x619: {  	[tilespmem:s21+$0x57C0] =	vst v0  }
0x61a: {  	v0 =	vld.idx.msk [tilespmem:v59+s15+$0x0], $0xffff  }
0x61b: {  	v60 =	vadd.s32 $0x78, v58;
	_ =	sdelay $0x3  }
0x61c: {  	[tilespmem:s21+$0x5840] =	vst v0  }
0x61d: {  	v0 =	vld.idx.msk [tilespmem:v60+s15+$0x0], $0xffff  }
0x61e: {  	v61 =	vadd.s32 $0xA0, v58;
	_ =	sdelay $0x3  }
0x61f: {  	[tilespmem:s21+$0x58C0] =	vst v0  }
0x620: {  	v0 =	vld.idx.msk [tilespmem:v61+s15+$0x0], $0xffff  }
0x621: {  	v62 =	vadd.s32 $0xC8, v58;
	_ =	sdelay $0x3  }
0x622: {  	[tilespmem:s21+$0x5940] =	vst v0  }
0x623: {  	v0 =	vld.idx.msk [tilespmem:v62+s15+$0x0], $0xffff  }
0x624: {  	v63 =	vadd.s32 $0xF0, v58;
	_ =	sdelay $0x3  }
0x625: {  	[tilespmem:s21+$0x59C0] =	vst v0  }
0x626: {  	v0 =	vld.idx.msk [tilespmem:v63+s15+$0x0], $0xffff  }
0x627: {  	v1 =	vadd.s32 $0x118, v58;
	_ =	sdelay $0x3  }
0x628: {  	[tilespmem:s21+$0x5A40] =	vst v0  }
0x629: {  	v0 =	vld.idx.msk [tilespmem:v1+s15+$0x0], $0xffff;
	_ =	sdelay $0x2  }
0x62a: {  	s18 =	sadd.s32 $0x1, s18  }
0x62b: {  	p0 =	sne.s32 s18, s10  }
.Ltmp20:
0x62c: {  	[tilespmem:s21+$0x5AC0] =	vst v0;
	(pc) =	sbr.rel @p0 .LBB2_1-.Ltmp20, $4  }
0x62d: {  	[hbm4b:s9+s2] =	stream.linear.scatter [tilespmem:s17], [sflag:$0x1], $0x5000, $0x38;
	[tilespmem:$0x5B40] =	vst v63  }
0x62e: {  	_ =	swait.ge [sflag:s16], $0x5000  }
0x62f: {  	[sflag:s16] =	ssyncset.done $0x0  }
0x630: {  	[sflag:s16] =	ssyncadd.s32 $0xFFFFB000  }
0x631: {  	_ =	sfence.sel $0x180000  }
0x632: {  	[bflag:$0x0] =	sbarrier.arrive $0xFFFF  }
0x633: {  	p0 =	sne.s32 s1, $0x0;
	_ =	strace $0x90000047  }
0x634: {  	s0 =	sadd.s32 @!p0 $0x100000, s0;
	[bflag:$0x2] =	sbarrier.arrive $0xFFFF  }
0x635: {  	[sflag:s0] =	ssyncadd.tile.s32 @!p0 $0x1;
	_ =	shalt  }
.Lfunc_end2:
_tile_overlayer_lowered:
.L_overlay_start_2:
0x636: {  	(tag) =	ssettag $0x2  }
0x637: {  	s0 =	rddreg [dreg:$0x0];
	s2 =	stileid.u32  }
0x638: {  	s1 =	rddreg [dreg:$0x1];
	p0 =	sne.s32 s2, $0x0  }
0x639: {  	s3 =	rddreg [dreg:$0x2];
	[bflag:$0x3] =	sbarrier.arrive $0xFFFF;
	s2 =	simm.s32 @!p0 $0x1C02  }
0x63a: {  	[timem:s3], [sflag:s2] =	dma.local @!p0 [hbm:s0], s1  }
0x63b: {  	s0 =	simm.s32 @!p0 $0x2  }
0x63c: {  	_ =	swait.ge @!p0 [sflag:s0], s1  }
0x63d: {  	s1 =	ssub.s32 @!p0 $0x0, s1;
	[sflag:s0] =	ssyncset.done @!p0 $0x0  }
0x63e: {  	[sflag:s0] =	ssyncadd.s32 @!p0 s1  }
0x63f: {  	[bflag:$0x3] =	sbarrier.arrive $0xFFFF  }
0x640: {  	_ =	shalt  }

</sc_bundles>
